<compile_context>
chip_gen: v7x
topology: tpu7x:2x2x1
jax: 0.10.2.dev20260603
libtpu: 0.0.44.dev20260713+nightly
codegen_flags: <defaults>
</compile_context>

<pallas_src>
import functools

import jax
import jax.numpy as jnp
from jax import lax
from jax.experimental import pallas as pl
from jax.experimental.pallas import tpu as pltpu
from jax.experimental.pallas import tpu_sc as plsc

N = 10000
D = 128
NC = 2
NS = 16
NW = NC * NS
B = 128
N_PAD = 10240
ROWS = N_PAD // NS
SPLIT = 0.76


def _unpack_chunk(packv, jj, srcb, dstb):
    for k in range(B // 16):
        v = packv[jj, pl.ds(16 * k, 16)]
        srcb[pl.ds(16 * k, 16)] = lax.bitwise_and(v, 0xFFFF)
        dstb[pl.ds(16 * k, 16)] = lax.shift_right_logical(v, 16)


def _make_aggregate(ch0, ch1):
    mesh = plsc.VectorSubcoreMesh(core_axis_name="c", subcore_axis_name="s")
    chm = max(ch0, ch1)
    T0 = ch0 // 2

    def body(feats, packi, zf, psum, acc, packv, rows0, rows1,
             srcb0, dstb0, srcb1, dstb1, g0, g1, s0, s1):
        c = lax.axis_index("c")
        s = lax.axis_index("s")
        wid = c * NS + s
        pltpu.sync_copy(zf, acc.at[pl.ds(s * ROWS, ROWS)])
        pltpu.sync_copy(packi.at[wid], packv)
        plsc.subcore_barrier()

        @pl.when(c == 0)
        def _pipelined():
            _unpack_chunk(packv, 0, srcb0, dstb0)
            pltpu.async_copy(feats.at[srcb0], rows0, g0)
            _unpack_chunk(packv, 1, srcb1, dstb1)
            pltpu.async_copy(feats.at[srcb1], rows1, g1)
            pltpu.make_async_copy(feats.at[srcb0], rows0, g0).wait()
            pltpu.async_copy(rows0, acc.at[dstb0], s0, add=True)
            pltpu.make_async_copy(rows0, acc.at[dstb0], s0).wait()
            _unpack_chunk(packv, 2, srcb0, dstb0)
            pltpu.async_copy(feats.at[srcb0], rows0, g0)
            pltpu.make_async_copy(feats.at[srcb1], rows1, g1).wait()
            pltpu.async_copy(rows1, acc.at[dstb1], s1, add=True)

            def step(t, carry):
                a = 2 * t
                pltpu.make_async_copy(rows1, acc.at[dstb1], s1).wait()
                _unpack_chunk(packv, a + 1, srcb1, dstb1)
                pltpu.async_copy(feats.at[srcb1], rows1, g1)
                pltpu.make_async_copy(feats.at[srcb0], rows0, g0).wait()
                pltpu.async_copy(rows0, acc.at[dstb0], s0, add=True)
                pltpu.make_async_copy(rows0, acc.at[dstb0], s0).wait()
                _unpack_chunk(packv, jnp.minimum(a + 2, ch0 - 1),
                              srcb0, dstb0)

                @pl.when(t < T0 - 1)
                def _():
                    pltpu.async_copy(feats.at[srcb0], rows0, g0)

                pltpu.make_async_copy(feats.at[srcb1], rows1, g1).wait()
                pltpu.async_copy(rows1, acc.at[dstb1], s1, add=True)
                return carry

            lax.fori_loop(1, T0, step, 0)
            pltpu.make_async_copy(rows1, acc.at[dstb1], s1).wait()

        @pl.when(c == 1)
        def _simple():
            def step(j, carry):
                _unpack_chunk(packv, j, srcb0, dstb0)
                pltpu.async_copy(feats.at[srcb0], rows0, g0).wait()
                pltpu.sync_copy(rows0, acc.at[dstb0], add=True)
                return carry

            lax.fori_loop(0, ch1, step, 0)

        plsc.subcore_barrier()
        pltpu.sync_copy(acc.at[pl.ds(s * ROWS, ROWS)],
                        psum.at[c].at[pl.ds(s * ROWS, ROWS)])

    return pl.kernel(
        body,
        out_type=jax.ShapeDtypeStruct((NC, N_PAD, D), jnp.float32),
        mesh=mesh,
        scratch_types=[
            pltpu.VMEM_SHARED((N_PAD, D), jnp.float32),
            pltpu.VMEM((chm, B), jnp.int32),
            pltpu.VMEM((B, D), jnp.float32),
            pltpu.VMEM((B, D), jnp.float32),
            pltpu.VMEM((B,), jnp.int32),
            pltpu.VMEM((B,), jnp.int32),
            pltpu.VMEM((B,), jnp.int32),
            pltpu.VMEM((B,), jnp.int32),
            pltpu.SemaphoreType.DMA,
            pltpu.SemaphoreType.DMA,
            pltpu.SemaphoreType.DMA,
            pltpu.SemaphoreType.DMA,
        ],
    )


def _make_counts(chunks):
    mesh = plsc.VectorSubcoreMesh(core_axis_name="c", subcore_axis_name="s")

    def body(dsti, zc, ones_in, pcnt, cacc, dstv, onesv):
        c = lax.axis_index("c")
        s = lax.axis_index("s")
        wid = c * NS + s
        pltpu.sync_copy(zc, cacc.at[pl.ds(s * ROWS, ROWS)])
        pltpu.sync_copy(ones_in, onesv)
        pltpu.sync_copy(dsti.at[wid], dstv)
        plsc.subcore_barrier()

        def step(j, carry):
            pltpu.sync_copy(onesv, cacc.at[dstv.at[j]], add=True)
            return carry

        lax.fori_loop(0, chunks, step, 0)
        plsc.subcore_barrier()
        pltpu.sync_copy(cacc.at[pl.ds(s * ROWS, ROWS)],
                        pcnt.at[c].at[pl.ds(s * ROWS, ROWS)])

    return pl.kernel(
        body,
        out_type=jax.ShapeDtypeStruct((NC, N_PAD, D), jnp.float32),
        mesh=mesh,
        scratch_types=[
            pltpu.VMEM_SHARED((N_PAD, D), jnp.float32),
            pltpu.VMEM((chunks, B), jnp.int32),
            pltpu.VMEM((B, D), jnp.float32),
        ],
    )


def _dense_body(act, p0r, p1r, c0r, c1r, xr, wlr, blr, wrr, outr):
    cnt = c0r[0][:, 0:1] + c1r[0][:, 0:1]
    inv = 1.0 / jnp.maximum(cnt, 1.0)
    mean = (p0r[0] + p1r[0]) * inv
    y = (jnp.dot(mean, wlr[...], preferred_element_type=jnp.float32)
         + jnp.dot(xr[...], wrr[...], preferred_element_type=jnp.float32)
         + blr[...])
    if act:
        y = jnp.where(y > 0.0, y, jnp.exp(jnp.minimum(y, 0.0)) - 1.0)
    outr[...] = y


def _dense(psum, pcnt, x, Wl, bl, Wr, act):
    bn = 1000
    grid = (N // bn,)
    part0_spec = pl.BlockSpec((1, bn, D), lambda i: (0, i, 0))
    part1_spec = pl.BlockSpec((1, bn, D), lambda i: (1, i, 0))
    row_spec = pl.BlockSpec((bn, D), lambda i: (i, 0))
    w_spec = pl.BlockSpec((D, D), lambda i: (0, 0))
    b_spec = pl.BlockSpec((1, D), lambda i: (0, 0))
    return pl.pallas_call(
        functools.partial(_dense_body, act),
        grid=grid,
        in_specs=[part0_spec, part1_spec, part0_spec, part1_spec, row_spec,
                  w_spec, b_spec, w_spec],
        out_specs=row_spec,
        out_shape=jax.ShapeDtypeStruct((N, D), jnp.float32),
    )(psum, psum, pcnt, pcnt, x, Wl, bl.reshape(1, D), Wr)


def _pad_edges(src, dst, total):
    pad = total - src.shape[0]
    if pad:
        src = jnp.concatenate([src, jnp.zeros((pad,), jnp.int32)])
        dst = jnp.concatenate([dst, jnp.full((pad,), N, jnp.int32)])
    return src, dst


def _split_layout(arr, ch0, ch1):
    chm = max(ch0, ch1)
    n0 = NS * ch0 * B
    a0 = arr[:n0].reshape(NS, ch0, B)
    a1 = arr[n0:].reshape(NS, ch1, B)
    a0 = jnp.pad(a0, ((0, 0), (0, chm - ch0), (0, 0)))
    a1 = jnp.pad(a1, ((0, 0), (0, chm - ch1), (0, 0)))
    return jnp.concatenate([a0, a1], axis=0)


def kernel(x, edge_index, W1l, b1l, W1r, W2l, b2l, W2r):
    src = edge_index[0]
    dst = edge_index[1]
    e = src.shape[0]

    chunks_u = -(-e // (NW * B))
    src_u, dst_u = _pad_edges(src, dst, chunks_u * NW * B)
    dst3u = dst_u.reshape(NW, chunks_u, B)

    total_chunks = -(-e // (NS * B))
    ch0 = int(round(total_chunks * SPLIT))
    ch0 = min(max(2 * (ch0 // 2), 4), total_chunks - 1)
    ch1 = total_chunks - ch0
    src_a, dst_a = _pad_edges(src, dst, total_chunks * NS * B)
    packed = _split_layout(dst_a * 65536 + src_a, ch0, ch1)

    zf = jnp.zeros((ROWS, D), jnp.float32)
    ones = jnp.ones((B, D), jnp.float32)

    aggregate = _make_aggregate(ch0, ch1)
    counts = _make_counts(chunks_u)

    pcnt = counts(dst3u, zf, ones)
    psum = aggregate(x, packed, zf)
    h = _dense(psum, pcnt, x, W1l, b1l, W1r, act=True)
    psum2 = aggregate(h, packed, zf)
    return _dense(psum2, pcnt, h, W2l, b2l, W2r, act=False)

# --- scband reference (transcript-rebuilt; emitter-appended) ---
"""Pipeline reference for scband-graph-sage-63711544869024 (READ-ONLY COPY).

The authoritative reference and input builder live on the scoring server;
editing this copy changes nothing except your own understanding.
"""

import jax, jax.numpy as jnp
import numpy as np

N = 10000
E = 320000
D = 128


def _glorot(key, shape):
    scale = 1.0 / np.sqrt(shape[0])
    return jax.random.uniform(key, shape, minval=-scale, maxval=scale, dtype=jnp.float32)


def setup_inputs(seed: int = 0) -> dict:
    key = jax.random.key(seed)
    ks = jax.random.split(key, 8)
    x = jax.random.normal(ks[0], (N, D), dtype=jnp.float32)
    edge_index = jax.random.randint(ks[1], (2, E), 0, N, dtype=jnp.int32)
    # Layer 1 (SAGEConv 128 -> 128): lin_l (neighbor aggr, with bias), lin_r (root, no bias)
    W1l = _glorot(ks[2], (D, D))
    b1l = jnp.zeros((D,), dtype=jnp.float32)
    W1r = _glorot(ks[3], (D, D))
    # Layer 2 (SAGEConv 128 -> 128)
    W2l = _glorot(ks[4], (D, D))
    b2l = jnp.zeros((D,), dtype=jnp.float32)
    W2r = _glorot(ks[5], (D, D))
    return {"x": x, "edge_index": edge_index, "W1l": W1l, "b1l": b1l, "W1r": W1r,
            "W2l": W2l, "b2l": b2l, "W2r": W2r}


def _sage_conv(x, src, dst, Wl, bl, Wr):
    n = x.shape[0]
    msgs = jnp.take(x, src, axis=0)                      # gather source node feats
    aggr = jax.ops.segment_sum(msgs, dst, num_segments=n)  # scatter-add to dst
    cnt = jax.ops.segment_sum(jnp.ones((src.shape[0], 1), dtype=x.dtype), dst, num_segments=n)
    mean = aggr / jnp.clip(cnt, 1.0)
    return mean @ Wl + bl + x @ Wr


def reference(x, edge_index, W1l, b1l, W1r, W2l, b2l, W2r):
    src = edge_index[0]
    dst = edge_index[1]
    h = jax.nn.elu(_sage_conv(x, src, dst, W1l, b1l, W1r))
    # dropout p=0.0 -> identity
    out = _sage_conv(h, src, dst, W2l, b2l, W2r)
    return out

if __name__ == "__main__":
    import jax
    _d = setup_inputs()
    print(jax.jit(kernel)(*tuple(_d.values())))

</pallas_src>

<mosaic_0001>
#map = affine_map<(d0, d1) -> (0, 0)>
#map1 = affine_map<(d0, d1) -> (0, 0, 0)>
module attributes {stable_mosaic.version = 14 : i64} {
  func.func @body(%arg0: i32, %arg1: i32, %arg2: memref<10000x128xf32, #tpu.memory_space<hbm>>, %arg3: memref<32x118x128xi32, #tpu.memory_space<hbm>>, %arg4: memref<640x128xf32, #tpu.memory_space<hbm>>, %arg5: memref<2x10240x128xf32, #tpu.memory_space<hbm>>, %arg6: memref<10240x128xf32, #tpu.memory_space<vmem_shared>>, %arg7: memref<118x128xi32, #tpu.memory_space<vmem>>, %arg8: memref<128x128xf32, #tpu.memory_space<vmem>>, %arg9: memref<128x128xf32, #tpu.memory_space<vmem>>, %arg10: memref<128xi32, #tpu.memory_space<vmem>>, %arg11: memref<128xi32, #tpu.memory_space<vmem>>, %arg12: memref<128xi32, #tpu.memory_space<vmem>>, %arg13: memref<128xi32, #tpu.memory_space<vmem>>, %arg14: memref<!tpu.dma_semaphore, #tpu.memory_space<semaphore_mem>>, %arg15: memref<!tpu.dma_semaphore, #tpu.memory_space<semaphore_mem>>, %arg16: memref<!tpu.dma_semaphore, #tpu.memory_space<semaphore_mem>>, %arg17: memref<!tpu.dma_semaphore, #tpu.memory_space<semaphore_mem>>) attributes {dimension_semantics = [#tpu.dimension_semantics<core_parallel>, #tpu.dimension_semantics<subcore_parallel>], iteration_bounds = array<i64: 2, 16>, scalar_prefetch = 0 : i64, scratch_operands = 12 : i64, tpu.core_type = #tpu.core_type<sc_vector_subcore>, window_params = [{transform_indices = #map}, {transform_indices = #map1}, {transform_indices = #map}, {transform_indices = #map1}]} {
    %mul3A = arith.constant 16 : i32
    %mul3A_0 = arith.muli %arg0, %mul3A : i32
    %add3A = arith.addi %mul3A_0, %arg1 : i32
    %mul3A_1 = arith.constant 640 : i32
    %mul3A_2 = arith.muli %arg1, %mul3A_1 : i32
    "tpu.region"() ({
      %run_scoped3A = tpu.sem_alloc : memref<!tpu.dma_semaphore, #tpu.memory_space<semaphore_mem>>
      %dma_start3A = arith.constant 0 : i32
      %dma_start3A_15 = tpu.memref_slice %arg6[%mul3A_2, %dma_start3A] : memref<10240x128xf32, #tpu.memory_space<vmem_shared>> -> memref<640x128xf32, #tpu.memory_space<vmem_shared>>
      tpu.enqueue_dma source(%arg4 : memref<640x128xf32, #tpu.memory_space<hbm>>) target(%dma_start3A_15 : memref<640x128xf32, #tpu.memory_space<vmem_shared>>) target_semaphore(%run_scoped3A : memref<!tpu.dma_semaphore, #tpu.memory_space<semaphore_mem>>)
      %dma_wait3A = arith.constant 0 : i32
      %dma_wait3A_16 = tpu.memref_slice %arg6[%mul3A_2, %dma_wait3A] : memref<10240x128xf32, #tpu.memory_space<vmem_shared>> -> memref<640x128xf32, #tpu.memory_space<vmem_shared>>
      tpu.wait_dma2 semaphore(%run_scoped3A : memref<!tpu.dma_semaphore, #tpu.memory_space<semaphore_mem>>) src(%arg4 : memref<640x128xf32, #tpu.memory_space<hbm>>) dst(%dma_wait3A_16 : memref<640x128xf32, #tpu.memory_space<vmem_shared>>)
      tpu.yield
    }) : () -> ()
    "tpu.region"() ({
      %run_scoped3A = tpu.sem_alloc : memref<!tpu.dma_semaphore, #tpu.memory_space<semaphore_mem>>
      %dma_start3A = arith.constant 0 : i32
      %dma_start3A_15 = arith.constant 0 : i32
      %dma_start3A_16 = tpu.memref_slice %arg3[%add3A, %dma_start3A, %dma_start3A_15] : memref<32x118x128xi32, #tpu.memory_space<hbm>> -> memref<1x118x128xi32, #tpu.memory_space<hbm>>
      %dma_start3A_17 = tpu.memref_squeeze %dma_start3A_16 : memref<1x118x128xi32, #tpu.memory_space<hbm>> -> memref<118x128xi32, #tpu.memory_space<hbm>>
      %dma_start3A_18 = arith.constant 0 : i32
      %dma_start3A_19 = arith.constant 0 : i32
      %dma_start3A_20 = tpu.memref_slice %arg3[%add3A, %dma_start3A_18, %dma_start3A_19] : memref<32x118x128xi32, #tpu.memory_space<hbm>> -> memref<1x118x128xi32, #tpu.memory_space<hbm>>
      %dma_start3A_21 = tpu.memref_squeeze %dma_start3A_20 : memref<1x118x128xi32, #tpu.memory_space<hbm>> -> memref<118x128xi32, #tpu.memory_space<hbm>>
      tpu.enqueue_dma source(%dma_start3A_21 : memref<118x128xi32, #tpu.memory_space<hbm>>) target(%arg7 : memref<118x128xi32, #tpu.memory_space<vmem>>) target_semaphore(%run_scoped3A : memref<!tpu.dma_semaphore, #tpu.memory_space<semaphore_mem>>)
      %dma_wait3A = arith.constant 0 : i32
      %dma_wait3A_22 = arith.constant 0 : i32
      %dma_wait3A_23 = tpu.memref_slice %arg3[%add3A, %dma_wait3A, %dma_wait3A_22] : memref<32x118x128xi32, #tpu.memory_space<hbm>> -> memref<1x118x128xi32, #tpu.memory_space<hbm>>
      %dma_wait3A_24 = tpu.memref_squeeze %dma_wait3A_23 : memref<1x118x128xi32, #tpu.memory_space<hbm>> -> memref<118x128xi32, #tpu.memory_space<hbm>>
      %dma_wait3A_25 = arith.constant 0 : i32
      %dma_wait3A_26 = arith.constant 0 : i32
      %dma_wait3A_27 = tpu.memref_slice %arg3[%add3A, %dma_wait3A_25, %dma_wait3A_26] : memref<32x118x128xi32, #tpu.memory_space<hbm>> -> memref<1x118x128xi32, #tpu.memory_space<hbm>>
      %dma_wait3A_28 = tpu.memref_squeeze %dma_wait3A_27 : memref<1x118x128xi32, #tpu.memory_space<hbm>> -> memref<118x128xi32, #tpu.memory_space<hbm>>
      tpu.wait_dma2 semaphore(%run_scoped3A : memref<!tpu.dma_semaphore, #tpu.memory_space<semaphore_mem>>) src(%dma_wait3A_28 : memref<118x128xi32, #tpu.memory_space<hbm>>) dst(%arg7 : memref<118x128xi32, #tpu.memory_space<vmem>>)
      tpu.yield
    }) : () -> ()
    %barrier3A = arith.constant 0 : index
    tpu.barrier barrier_id(%barrier3A)
    %eq3A = arith.constant 0 : i32
    %eq3A_3 = arith.cmpi eq, %arg0, %eq3A : i32
    %convert_element_type3A = arith.extui %eq3A_3 : i1 to i32
    %cond3A = arith.constant 0 : i32
    %cond3A_4 = arith.cmpi ne, %convert_element_type3A, %cond3A : i32
    scf.if %cond3A_4 {
      %get3A = arith.constant 0 : i32
      %get3A_15 = arith.index_cast %get3A : i32 to index
      %get3A_16 = arith.constant 0 : index
      %get3A_17 = tpu.vector_load %arg7[%get3A_15, %get3A_16] {strides = array<i32>} : memref<118x128xi32, #tpu.memory_space<vmem>>, vector<1x16xi32>,
      %get3A_18 = vector.shape_cast %get3A_17 : vector<1x16xi32> to vector<16xi32>
      %and3A = arith.constant 65535 : i32
      %and3A_19 = vector.broadcast %and3A : i32 to vector<16xi32>
      %and3A_20 = arith.andi %get3A_18, %and3A_19 : vector<16xi32>
      %swap3A = arith.constant 0 : index
      %swap3A_21 = tpu.vector_load %arg10[%swap3A] {strides = array<i32>} : memref<128xi32, #tpu.memory_space<vmem>>, vector<16xi32>,
      %swap3A_22 = vector.shape_cast %swap3A_21 : vector<16xi32> to vector<16xi32>
      %swap3A_23 = vector.shape_cast %and3A_20 : vector<16xi32> to vector<16xi32>
      tpu.vector_store %arg10[%swap3A], %swap3A_23 {strides = array<i32>} : memref<128xi32, #tpu.memory_space<vmem>>, vector<16xi32>,
      %shift_right_logical3A = arith.constant 16 : i32
      %shift_right_logical3A_24 = vector.broadcast %shift_right_logical3A : i32 to vector<16xi32>
      %shift_right_logical3A_25 = arith.shrui %get3A_18, %shift_right_logical3A_24 : vector<16xi32>
      %swap3A_26 = arith.constant 0 : index
      %swap3A_27 = tpu.vector_load %arg11[%swap3A_26] {strides = array<i32>} : memref<128xi32, #tpu.memory_space<vmem>>, vector<16xi32>,
      %swap3A_28 = vector.shape_cast %swap3A_27 : vector<16xi32> to vector<16xi32>
      %swap3A_29 = vector.shape_cast %shift_right_logical3A_25 : vector<16xi32> to vector<16xi32>
      tpu.vector_store %arg11[%swap3A_26], %swap3A_29 {strides = array<i32>} : memref<128xi32, #tpu.memory_space<vmem>>, vector<16xi32>,
      %get3A_30 = arith.constant 0 : i32
      %get3A_31 = arith.index_cast %get3A_30 : i32 to index
      %get3A_32 = arith.constant 16 : index
      %get3A_33 = tpu.vector_load %arg7[%get3A_31, %get3A_32] {strides = array<i32>} : memref<118x128xi32, #tpu.memory_space<vmem>>, vector<1x16xi32>,
      %get3A_34 = vector.shape_cast %get3A_33 : vector<1x16xi32> to vector<16xi32>
      %and3A_35 = arith.constant 65535 : i32
      %and3A_36 = vector.broadcast %and3A_35 : i32 to vector<16xi32>
      %and3A_37 = arith.andi %get3A_34, %and3A_36 : vector<16xi32>
      %swap3A_38 = arith.constant 16 : index
      %swap3A_39 = tpu.vector_load %arg10[%swap3A_38] {strides = array<i32>} : memref<128xi32, #tpu.memory_space<vmem>>, vector<16xi32>,
      %swap3A_40 = vector.shape_cast %swap3A_39 : vector<16xi32> to vector<16xi32>
      %swap3A_41 = vector.shape_cast %and3A_37 : vector<16xi32> to vector<16xi32>
      tpu.vector_store %arg10[%swap3A_38], %swap3A_41 {strides = array<i32>} : memref<128xi32, #tpu.memory_space<vmem>>, vector<16xi32>,
      %shift_right_logical3A_42 = arith.constant 16 : i32
      %shift_right_logical3A_43 = vector.broadcast %shift_right_logical3A_42 : i32 to vector<16xi32>
      %shift_right_logical3A_44 = arith.shrui %get3A_34, %shift_right_logical3A_43 : vector<16xi32>
      %swap3A_45 = arith.constant 16 : index
      %swap3A_46 = tpu.vector_load %arg11[%swap3A_45] {strides = array<i32>} : memref<128xi32, #tpu.memory_space<vmem>>, vector<16xi32>,
      %swap3A_47 = vector.shape_cast %swap3A_46 : vector<16xi32> to vector<16xi32>
      %swap3A_48 = vector.shape_cast %shift_right_logical3A_44 : vector<16xi32> to vector<16xi32>
      tpu.vector_store %arg11[%swap3A_45], %swap3A_48 {strides = array<i32>} : memref<128xi32, #tpu.memory_space<vmem>>, vector<16xi32>,
      %get3A_49 = arith.constant 0 : i32
      %get3A_50 = arith.index_cast %get3A_49 : i32 to index
      %get3A_51 = arith.constant 32 : index
      %get3A_52 = tpu.vector_load %arg7[%get3A_50, %get3A_51] {strides = array<i32>} : memref<118x128xi32, #tpu.memory_space<vmem>>, vector<1x16xi32>,
      %get3A_53 = vector.shape_cast %get3A_52 : vector<1x16xi32> to vector<16xi32>
      %and3A_54 = arith.constant 65535 : i32
      %and3A_55 = vector.broadcast %and3A_54 : i32 to vector<16xi32>
      %and3A_56 = arith.andi %get3A_53, %and3A_55 : vector<16xi32>
      %swap3A_57 = arith.constant 32 : index
      %swap3A_58 = tpu.vector_load %arg10[%swap3A_57] {strides = array<i32>} : memref<128xi32, #tpu.memory_space<vmem>>, vector<16xi32>,
      %swap3A_59 = vector.shape_cast %swap3A_58 : vector<16xi32> to vector<16xi32>
      %swap3A_60 = vector.shape_cast %and3A_56 : vector<16xi32> to vector<16xi32>
      tpu.vector_store %arg10[%swap3A_57], %swap3A_60 {strides = array<i32>} : memref<128xi32, #tpu.memory_space<vmem>>, vector<16xi32>,
      %shift_right_logical3A_61 = arith.constant 16 : i32
      %shift_right_logical3A_62 = vector.broadcast %shift_right_logical3A_61 : i32 to vector<16xi32>
      %shift_right_logical3A_63 = arith.shrui %get3A_53, %shift_right_logical3A_62 : vector<16xi32>
      %swap3A_64 = arith.constant 32 : index
      %swap3A_65 = tpu.vector_load %arg11[%swap3A_64] {strides = array<i32>} : memref<128xi32, #tpu.memory_space<vmem>>, vector<16xi32>,
      %swap3A_66 = vector.shape_cast %swap3A_65 : vector<16xi32> to vector<16xi32>
      %swap3A_67 = vector.shape_cast %shift_right_logical3A_63 : vector<16xi32> to vector<16xi32>
      tpu.vector_store %arg11[%swap3A_64], %swap3A_67 {strides = array<i32>} : memref<128xi32, #tpu.memory_space<vmem>>, vector<16xi32>,
      %get3A_68 = arith.constant 0 : i32
      %get3A_69 = arith.index_cast %get3A_68 : i32 to index
      %get3A_70 = arith.constant 48 : index
      %get3A_71 = tpu.vector_load %arg7[%get3A_69, %get3A_70] {strides = array<i32>} : memref<118x128xi32, #tpu.memory_space<vmem>>, vector<1x16xi32>,
      %get3A_72 = vector.shape_cast %get3A_71 : vector<1x16xi32> to vector<16xi32>
      %and3A_73 = arith.constant 65535 : i32
      %and3A_74 = vector.broadcast %and3A_73 : i32 to vector<16xi32>
      %and3A_75 = arith.andi %get3A_72, %and3A_74 : vector<16xi32>
      %swap3A_76 = arith.constant 48 : index
      %swap3A_77 = tpu.vector_load %arg10[%swap3A_76] {strides = array<i32>} : memref<128xi32, #tpu.memory_space<vmem>>, vector<16xi32>,
      %swap3A_78 = vector.shape_cast %swap3A_77 : vector<16xi32> to vector<16xi32>
      %swap3A_79 = vector.shape_cast %and3A_75 : vector<16xi32> to vector<16xi32>
      tpu.vector_store %arg10[%swap3A_76], %swap3A_79 {strides = array<i32>} : memref<128xi32, #tpu.memory_space<vmem>>, vector<16xi32>,
      %shift_right_logical3A_80 = arith.constant 16 : i32
      %shift_right_logical3A_81 = vector.broadcast %shift_right_logical3A_80 : i32 to vector<16xi32>
      %shift_right_logical3A_82 = arith.shrui %get3A_72, %shift_right_logical3A_81 : vector<16xi32>
      %swap3A_83 = arith.constant 48 : index
      %swap3A_84 = tpu.vector_load %arg11[%swap3A_83] {strides = array<i32>} : memref<128xi32, #tpu.memory_space<vmem>>, vector<16xi32>,
      %swap3A_85 = vector.shape_cast %swap3A_84 : vector<16xi32> to vector<16xi32>
      %swap3A_86 = vector.shape_cast %shift_right_logical3A_82 : vector<16xi32> to vector<16xi32>
      tpu.vector_store %arg11[%swap3A_83], %swap3A_86 {strides = array<i32>} : memref<128xi32, #tpu.memory_space<vmem>>, vector<16xi32>,
      %get3A_87 = arith.constant 0 : i32
      %get3A_88 = arith.index_cast %get3A_87 : i32 to index
      %get3A_89 = arith.constant 64 : index
      %get3A_90 = tpu.vector_load %arg7[%get3A_88, %get3A_89] {strides = array<i32>} : memref<118x128xi32, #tpu.memory_space<vmem>>, vector<1x16xi32>,
      %get3A_91 = vector.shape_cast %get3A_90 : vector<1x16xi32> to vector<16xi32>
      %and3A_92 = arith.constant 65535 : i32
      %and3A_93 = vector.broadcast %and3A_92 : i32 to vector<16xi32>
      %and3A_94 = arith.andi %get3A_91, %and3A_93 : vector<16xi32>
      %swap3A_95 = arith.constant 64 : index
      %swap3A_96 = tpu.vector_load %arg10[%swap3A_95] {strides = array<i32>} : memref<128xi32, #tpu.memory_space<vmem>>, vector<16xi32>,
      %swap3A_97 = vector.shape_cast %swap3A_96 : vector<16xi32> to vector<16xi32>
      %swap3A_98 = vector.shape_cast %and3A_94 : vector<16xi32> to vector<16xi32>
      tpu.vector_store %arg10[%swap3A_95], %swap3A_98 {strides = array<i32>} : memref<128xi32, #tpu.memory_space<vmem>>, vector<16xi32>,
      %shift_right_logical3A_99 = arith.constant 16 : i32
      %shift_right_logical3A_100 = vector.broadcast %shift_right_logical3A_99 : i32 to vector<16xi32>
      %shift_right_logical3A_101 = arith.shrui %get3A_91, %shift_right_logical3A_100 : vector<16xi32>
      %swap3A_102 = arith.constant 64 : index
      %swap3A_103 = tpu.vector_load %arg11[%swap3A_102] {strides = array<i32>} : memref<128xi32, #tpu.memory_space<vmem>>, vector<16xi32>,
      %swap3A_104 = vector.shape_cast %swap3A_103 : vector<16xi32> to vector<16xi32>
      %swap3A_105 = vector.shape_cast %shift_right_logical3A_101 : vector<16xi32> to vector<16xi32>
      tpu.vector_store %arg11[%swap3A_102], %swap3A_105 {strides = array<i32>} : memref<128xi32, #tpu.memory_space<vmem>>, vector<16xi32>,
      %get3A_106 = arith.constant 0 : i32
      %get3A_107 = arith.index_cast %get3A_106 : i32 to index
      %get3A_108 = arith.constant 80 : index
      %get3A_109 = tpu.vector_load %arg7[%get3A_107, %get3A_108] {strides = array<i32>} : memref<118x128xi32, #tpu.memory_space<vmem>>, vector<1x16xi32>,
      %get3A_110 = vector.shape_cast %get3A_109 : vector<1x16xi32> to vector<16xi32>
      %and3A_111 = arith.constant 65535 : i32
      %and3A_112 = vector.broadcast %and3A_111 : i32 to vector<16xi32>
      %and3A_113 = arith.andi %get3A_110, %and3A_112 : vector<16xi32>
      %swap3A_114 = arith.constant 80 : index
      %swap3A_115 = tpu.vector_load %arg10[%swap3A_114] {strides = array<i32>} : memref<128xi32, #tpu.memory_space<vmem>>, vector<16xi32>,
      %swap3A_116 = vector.shape_cast %swap3A_115 : vector<16xi32> to vector<16xi32>
      %swap3A_117 = vector.shape_cast %and3A_113 : vector<16xi32> to vector<16xi32>
      tpu.vector_store %arg10[%swap3A_114], %swap3A_117 {strides = array<i32>} : memref<128xi32, #tpu.memory_space<vmem>>, vector<16xi32>,
      %shift_right_logical3A_118 = arith.constant 16 : i32
      %shift_right_logical3A_119 = vector.broadcast %shift_right_logical3A_118 : i32 to vector<16xi32>
      %shift_right_logical3A_120 = arith.shrui %get3A_110, %shift_right_logical3A_119 : vector<16xi32>
      %swap3A_121 = arith.constant 80 : index
      %swap3A_122 = tpu.vector_load %arg11[%swap3A_121] {strides = array<i32>} : memref<128xi32, #tpu.memory_space<vmem>>, vector<16xi32>,
      %swap3A_123 = vector.shape_cast %swap3A_122 : vector<16xi32> to vector<16xi32>
      %swap3A_124 = vector.shape_cast %shift_right_logical3A_120 : vector<16xi32> to vector<16xi32>
      tpu.vector_store %arg11[%swap3A_121], %swap3A_124 {strides = array<i32>} : memref<128xi32, #tpu.memory_space<vmem>>, vector<16xi32>,
      %get3A_125 = arith.constant 0 : i32
      %get3A_126 = arith.index_cast %get3A_125 : i32 to index
      %get3A_127 = arith.constant 96 : index
      %get3A_128 = tpu.vector_load %arg7[%get3A_126, %get3A_127] {strides = array<i32>} : memref<118x128xi32, #tpu.memory_space<vmem>>, vector<1x16xi32>,
      %get3A_129 = vector.shape_cast %get3A_128 : vector<1x16xi32> to vector<16xi32>
      %and3A_130 = arith.constant 65535 : i32
      %and3A_131 = vector.broadcast %and3A_130 : i32 to vector<16xi32>
      %and3A_132 = arith.andi %get3A_129, %and3A_131 : vector<16xi32>
      %swap3A_133 = arith.constant 96 : index
      %swap3A_134 = tpu.vector_load %arg10[%swap3A_133] {strides = array<i32>} : memref<128xi32, #tpu.memory_space<vmem>>, vector<16xi32>,
      %swap3A_135 = vector.shape_cast %swap3A_134 : vector<16xi32> to vector<16xi32>
      %swap3A_136 = vector.shape_cast %and3A_132 : vector<16xi32> to vector<16xi32>
      tpu.vector_store %arg10[%swap3A_133], %swap3A_136 {strides = array<i32>} : memref<128xi32, #tpu.memory_space<vmem>>, vector<16xi32>,
      %shift_right_logical3A_137 = arith.constant 16 : i32
      %shift_right_logical3A_138 = vector.broadcast %shift_right_logical3A_137 : i32 to vector<16xi32>
      %shift_right_logical3A_139 = arith.shrui %get3A_129, %shift_right_logical3A_138 : vector<16xi32>
      %swap3A_140 = arith.constant 96 : index
      %swap3A_141 = tpu.vector_load %arg11[%swap3A_140] {strides = array<i32>} : memref<128xi32, #tpu.memory_space<vmem>>, vector<16xi32>,
      %swap3A_142 = vector.shape_cast %swap3A_141 : vector<16xi32> to vector<16xi32>
      %swap3A_143 = vector.shape_cast %shift_right_logical3A_139 : vector<16xi32> to vector<16xi32>
      tpu.vector_store %arg11[%swap3A_140], %swap3A_143 {strides = array<i32>} : memref<128xi32, #tpu.memory_space<vmem>>, vector<16xi32>,
      %get3A_144 = arith.constant 0 : i32
      %get3A_145 = arith.index_cast %get3A_144 : i32 to index
      %get3A_146 = arith.constant 112 : index
      %get3A_147 = tpu.vector_load %arg7[%get3A_145, %get3A_146] {strides = array<i32>} : memref<118x128xi32, #tpu.memory_space<vmem>>, vector<1x16xi32>,
      %get3A_148 = vector.shape_cast %get3A_147 : vector<1x16xi32> to vector<16xi32>
      %and3A_149 = arith.constant 65535 : i32
      %and3A_150 = vector.broadcast %and3A_149 : i32 to vector<16xi32>
      %and3A_151 = arith.andi %get3A_148, %and3A_150 : vector<16xi32>
      %swap3A_152 = arith.constant 112 : index
      %swap3A_153 = tpu.vector_load %arg10[%swap3A_152] {strides = array<i32>} : memref<128xi32, #tpu.memory_space<vmem>>, vector<16xi32>,
      %swap3A_154 = vector.shape_cast %swap3A_153 : vector<16xi32> to vector<16xi32>
      %swap3A_155 = vector.shape_cast %and3A_151 : vector<16xi32> to vector<16xi32>
      tpu.vector_store %arg10[%swap3A_152], %swap3A_155 {strides = array<i32>} : memref<128xi32, #tpu.memory_space<vmem>>, vector<16xi32>,
      %shift_right_logical3A_156 = arith.constant 16 : i32
      %shift_right_logical3A_157 = vector.broadcast %shift_right_logical3A_156 : i32 to vector<16xi32>
      %shift_right_logical3A_158 = arith.shrui %get3A_148, %shift_right_logical3A_157 : vector<16xi32>
      %swap3A_159 = arith.constant 112 : index
      %swap3A_160 = tpu.vector_load %arg11[%swap3A_159] {strides = array<i32>} : memref<128xi32, #tpu.memory_space<vmem>>, vector<16xi32>,
      %swap3A_161 = vector.shape_cast %swap3A_160 : vector<16xi32> to vector<16xi32>
      %swap3A_162 = vector.shape_cast %shift_right_logical3A_158 : vector<16xi32> to vector<16xi32>
      tpu.vector_store %arg11[%swap3A_159], %swap3A_162 {strides = array<i32>} : memref<128xi32, #tpu.memory_space<vmem>>, vector<16xi32>,
      %dma_start3A = arith.constant 0 : i32
      %dma_start3A_163 = arith.constant 0 : i32
      %dma_start3A_164 = tpu.memref_slice %arg2[%dma_start3A, %dma_start3A_163] : memref<10000x128xf32, #tpu.memory_space<hbm>> -> memref<10000x128xf32, #tpu.memory_space<hbm>>
      tpu.enqueue_indirect_dma source(%dma_start3A_164 : memref<10000x128xf32, #tpu.memory_space<hbm>>) target(%arg8 : memref<128x128xf32, #tpu.memory_space<vmem>>) offsets(%arg10 : memref<128xi32, #tpu.memory_space<vmem>>) semaphore(%arg14 : memref<!tpu.dma_semaphore, #tpu.memory_space<semaphore_mem>>)
      %get3A_165 = arith.constant 1 : i32
      %get3A_166 = arith.index_cast %get3A_165 : i32 to index
      %get3A_167 = arith.constant 0 : index
      %get3A_168 = tpu.vector_load %arg7[%get3A_166, %get3A_167] {strides = array<i32>} : memref<118x128xi32, #tpu.memory_space<vmem>>, vector<1x16xi32>,
      %get3A_169 = vector.shape_cast %get3A_168 : vector<1x16xi32> to vector<16xi32>
      %and3A_170 = arith.constant 65535 : i32
      %and3A_171 = vector.broadcast %and3A_170 : i32 to vector<16xi32>
      %and3A_172 = arith.andi %get3A_169, %and3A_171 : vector<16xi32>
      %swap3A_173 = arith.constant 0 : index
      %swap3A_174 = tpu.vector_load %arg12[%swap3A_173] {strides = array<i32>} : memref<128xi32, #tpu.memory_space<vmem>>, vector<16xi32>,
      %swap3A_175 = vector.shape_cast %swap3A_174 : vector<16xi32> to vector<16xi32>
      %swap3A_176 = vector.shape_cast %and3A_172 : vector<16xi32> to vector<16xi32>
      tpu.vector_store %arg12[%swap3A_173], %swap3A_176 {strides = array<i32>} : memref<128xi32, #tpu.memory_space<vmem>>, vector<16xi32>,
      %shift_right_logical3A_177 = arith.constant 16 : i32
      %shift_right_logical3A_178 = vector.broadcast %shift_right_logical3A_177 : i32 to vector<16xi32>
      %shift_right_logical3A_179 = arith.shrui %get3A_169, %shift_right_logical3A_178 : vector<16xi32>
      %swap3A_180 = arith.constant 0 : index
      %swap3A_181 = tpu.vector_load %arg13[%swap3A_180] {strides = array<i32>} : memref<128xi32, #tpu.memory_space<vmem>>, vector<16xi32>,
      %swap3A_182 = vector.shape_cast %swap3A_181 : vector<16xi32> to vector<16xi32>
      %swap3A_183 = vector.shape_cast %shift_right_logical3A_179 : vector<16xi32> to vector<16xi32>
      tpu.vector_store %arg13[%swap3A_180], %swap3A_183 {strides = array<i32>} : memref<128xi32, #tpu.memory_space<vmem>>, vector<16xi32>,
      %get3A_184 = arith.constant 1 : i32
      %get3A_185 = arith.index_cast %get3A_184 : i32 to index
      %get3A_186 = arith.constant 16 : index
      %get3A_187 = tpu.vector_load %arg7[%get3A_185, %get3A_186] {strides = array<i32>} : memref<118x128xi32, #tpu.memory_space<vmem>>, vector<1x16xi32>,
      %get3A_188 = vector.shape_cast %get3A_187 : vector<1x16xi32> to vector<16xi32>
      %and3A_189 = arith.constant 65535 : i32
      %and3A_190 = vector.broadcast %and3A_189 : i32 to vector<16xi32>
      %and3A_191 = arith.andi %get3A_188, %and3A_190 : vector<16xi32>
      %swap3A_192 = arith.constant 16 : index
      %swap3A_193 = tpu.vector_load %arg12[%swap3A_192] {strides = array<i32>} : memref<128xi32, #tpu.memory_space<vmem>>, vector<16xi32>,
      %swap3A_194 = vector.shape_cast %swap3A_193 : vector<16xi32> to vector<16xi32>
      %swap3A_195 = vector.shape_cast %and3A_191 : vector<16xi32> to vector<16xi32>
      tpu.vector_store %arg12[%swap3A_192], %swap3A_195 {strides = array<i32>} : memref<128xi32, #tpu.memory_space<vmem>>, vector<16xi32>,
      %shift_right_logical3A_196 = arith.constant 16 : i32
      %shift_right_logical3A_197 = vector.broadcast %shift_right_logical3A_196 : i32 to vector<16xi32>
      %shift_right_logical3A_198 = arith.shrui %get3A_188, %shift_right_logical3A_197 : vector<16xi32>
      %swap3A_199 = arith.constant 16 : index
      %swap3A_200 = tpu.vector_load %arg13[%swap3A_199] {strides = array<i32>} : memref<128xi32, #tpu.memory_space<vmem>>, vector<16xi32>,
      %swap3A_201 = vector.shape_cast %swap3A_200 : vector<16xi32> to vector<16xi32>
      %swap3A_202 = vector.shape_cast %shift_right_logical3A_198 : vector<16xi32> to vector<16xi32>
      tpu.vector_store %arg13[%swap3A_199], %swap3A_202 {strides = array<i32>} : memref<128xi32, #tpu.memory_space<vmem>>, vector<16xi32>,
      %get3A_203 = arith.constant 1 : i32
      %get3A_204 = arith.index_cast %get3A_203 : i32 to index
      %get3A_205 = arith.constant 32 : index
      %get3A_206 = tpu.vector_load %arg7[%get3A_204, %get3A_205] {strides = array<i32>} : memref<118x128xi32, #tpu.memory_space<vmem>>, vector<1x16xi32>,
      %get3A_207 = vector.shape_cast %get3A_206 : vector<1x16xi32> to vector<16xi32>
      %and3A_208 = arith.constant 65535 : i32
      %and3A_209 = vector.broadcast %and3A_208 : i32 to vector<16xi32>
      %and3A_210 = arith.andi %get3A_207, %and3A_209 : vector<16xi32>
      %swap3A_211 = arith.constant 32 : index
      %swap3A_212 = tpu.vector_load %arg12[%swap3A_211] {strides = array<i32>} : memref<128xi32, #tpu.memory_space<vmem>>, vector<16xi32>,
      %swap3A_213 = vector.shape_cast %swap3A_212 : vector<16xi32> to vector<16xi32>
      %swap3A_214 = vector.shape_cast %and3A_210 : vector<16xi32> to vector<16xi32>
      tpu.vector_store %arg12[%swap3A_211], %swap3A_214 {strides = array<i32>} : memref<128xi32, #tpu.memory_space<vmem>>, vector<16xi32>,
      %shift_right_logical3A_215 = arith.constant 16 : i32
      %shift_right_logical3A_216 = vector.broadcast %shift_right_logical3A_215 : i32 to vector<16xi32>
      %shift_right_logical3A_217 = arith.shrui %get3A_207, %shift_right_logical3A_216 : vector<16xi32>
      %swap3A_218 = arith.constant 32 : index
      %swap3A_219 = tpu.vector_load %arg13[%swap3A_218] {strides = array<i32>} : memref<128xi32, #tpu.memory_space<vmem>>, vector<16xi32>,
      %swap3A_220 = vector.shape_cast %swap3A_219 : vector<16xi32> to vector<16xi32>
      %swap3A_221 = vector.shape_cast %shift_right_logical3A_217 : vector<16xi32> to vector<16xi32>
      tpu.vector_store %arg13[%swap3A_218], %swap3A_221 {strides = array<i32>} : memref<128xi32, #tpu.memory_space<vmem>>, vector<16xi32>,
      %get3A_222 = arith.constant 1 : i32
      %get3A_223 = arith.index_cast %get3A_222 : i32 to index
      %get3A_224 = arith.constant 48 : index
      %get3A_225 = tpu.vector_load %arg7[%get3A_223, %get3A_224] {strides = array<i32>} : memref<118x128xi32, #tpu.memory_space<vmem>>, vector<1x16xi32>,
      %get3A_226 = vector.shape_cast %get3A_225 : vector<1x16xi32> to vector<16xi32>
      %and3A_227 = arith.constant 65535 : i32
      %and3A_228 = vector.broadcast %and3A_227 : i32 to vector<16xi32>
      %and3A_229 = arith.andi %get3A_226, %and3A_228 : vector<16xi32>
      %swap3A_230 = arith.constant 48 : index
      %swap3A_231 = tpu.vector_load %arg12[%swap3A_230] {strides = array<i32>} : memref<128xi32, #tpu.memory_space<vmem>>, vector<16xi32>,
      %swap3A_232 = vector.shape_cast %swap3A_231 : vector<16xi32> to vector<16xi32>
      %swap3A_233 = vector.shape_cast %and3A_229 : vector<16xi32> to vector<16xi32>
      tpu.vector_store %arg12[%swap3A_230], %swap3A_233 {strides = array<i32>} : memref<128xi32, #tpu.memory_space<vmem>>, vector<16xi32>,
      %shift_right_logical3A_234 = arith.constant 16 : i32
      %shift_right_logical3A_235 = vector.broadcast %shift_right_logical3A_234 : i32 to vector<16xi32>
      %shift_right_logical3A_236 = arith.shrui %get3A_226, %shift_right_logical3A_235 : vector<16xi32>
      %swap3A_237 = arith.constant 48 : index
      %swap3A_238 = tpu.vector_load %arg13[%swap3A_237] {strides = array<i32>} : memref<128xi32, #tpu.memory_space<vmem>>, vector<16xi32>,
      %swap3A_239 = vector.shape_cast %swap3A_238 : vector<16xi32> to vector<16xi32>
      %swap3A_240 = vector.shape_cast %shift_right_logical3A_236 : vector<16xi32> to vector<16xi32>
      tpu.vector_store %arg13[%swap3A_237], %swap3A_240 {strides = array<i32>} : memref<128xi32, #tpu.memory_space<vmem>>, vector<16xi32>,
      %get3A_241 = arith.constant 1 : i32
      %get3A_242 = arith.index_cast %get3A_241 : i32 to index
      %get3A_243 = arith.constant 64 : index
      %get3A_244 = tpu.vector_load %arg7[%get3A_242, %get3A_243] {strides = array<i32>} : memref<118x128xi32, #tpu.memory_space<vmem>>, vector<1x16xi32>,
      %get3A_245 = vector.shape_cast %get3A_244 : vector<1x16xi32> to vector<16xi32>
      %and3A_246 = arith.constant 65535 : i32
      %and3A_247 = vector.broadcast %and3A_246 : i32 to vector<16xi32>
      %and3A_248 = arith.andi %get3A_245, %and3A_247 : vector<16xi32>
      %swap3A_249 = arith.constant 64 : index
      %swap3A_250 = tpu.vector_load %arg12[%swap3A_249] {strides = array<i32>} : memref<128xi32, #tpu.memory_space<vmem>>, vector<16xi32>,
      %swap3A_251 = vector.shape_cast %swap3A_250 : vector<16xi32> to vector<16xi32>
      %swap3A_252 = vector.shape_cast %and3A_248 : vector<16xi32> to vector<16xi32>
      tpu.vector_store %arg12[%swap3A_249], %swap3A_252 {strides = array<i32>} : memref<128xi32, #tpu.memory_space<vmem>>, vector<16xi32>,
      %shift_right_logical3A_253 = arith.constant 16 : i32
      %shift_right_logical3A_254 = vector.broadcast %shift_right_logical3A_253 : i32 to vector<16xi32>
      %shift_right_logical3A_255 = arith.shrui %get3A_245, %shift_right_logical3A_254 : vector<16xi32>
      %swap3A_256 = arith.constant 64 : index
      %swap3A_257 = tpu.vector_load %arg13[%swap3A_256] {strides = array<i32>} : memref<128xi32, #tpu.memory_space<vmem>>, vector<16xi32>,
      %swap3A_258 = vector.shape_cast %swap3A_257 : vector<16xi32> to vector<16xi32>
      %swap3A_259 = vector.shape_cast %shift_right_logical3A_255 : vector<16xi32> to vector<16xi32>
      tpu.vector_store %arg13[%swap3A_256], %swap3A_259 {strides = array<i32>} : memref<128xi32, #tpu.memory_space<vmem>>, vector<16xi32>,
      %get3A_260 = arith.constant 1 : i32
      %get3A_261 = arith.index_cast %get3A_260 : i32 to index
      %get3A_262 = arith.constant 80 : index
      %get3A_263 = tpu.vector_load %arg7[%get3A_261, %get3A_262] {strides = array<i32>} : memref<118x128xi32, #tpu.memory_space<vmem>>, vector<1x16xi32>,
      %get3A_264 = vector.shape_cast %get3A_263 : vector<1x16xi32> to vector<16xi32>
      %and3A_265 = arith.constant 65535 : i32
      %and3A_266 = vector.broadcast %and3A_265 : i32 to vector<16xi32>
      %and3A_267 = arith.andi %get3A_264, %and3A_266 : vector<16xi32>
      %swap3A_268 = arith.constant 80 : index
      %swap3A_269 = tpu.vector_load %arg12[%swap3A_268] {strides = array<i32>} : memref<128xi32, #tpu.memory_space<vmem>>, vector<16xi32>,
      %swap3A_270 = vector.shape_cast %swap3A_269 : vector<16xi32> to vector<16xi32>
      %swap3A_271 = vector.shape_cast %and3A_267 : vector<16xi32> to vector<16xi32>
      tpu.vector_store %arg12[%swap3A_268], %swap3A_271 {strides = array<i32>} : memref<128xi32, #tpu.memory_space<vmem>>, vector<16xi32>,
      %shift_right_logical3A_272 = arith.constant 16 : i32
      %shift_right_logical3A_273 = vector.broadcast %shift_right_logical3A_272 : i32 to vector<16xi32>
      %shift_right_logical3A_274 = arith.shrui %get3A_264, %shift_right_logical3A_273 : vector<16xi32>
      %swap3A_275 = arith.constant 80 : index
      %swap3A_276 = tpu.vector_load %arg13[%swap3A_275] {strides = array<i32>} : memref<128xi32, #tpu.memory_space<vmem>>, vector<16xi32>,
      %swap3A_277 = vector.shape_cast %swap3A_276 : vector<16xi32> to vector<16xi32>
      %swap3A_278 = vector.shape_cast %shift_right_logical3A_274 : vector<16xi32> to vector<16xi32>
      tpu.vector_store %arg13[%swap3A_275], %swap3A_278 {strides = array<i32>} : memref<128xi32, #tpu.memory_space<vmem>>, vector<16xi32>,
      %get3A_279 = arith.constant 1 : i32
      %get3A_280 = arith.index_cast %get3A_279 : i32 to index
      %get3A_281 = arith.constant 96 : index
      %get3A_282 = tpu.vector_load %arg7[%get3A_280, %get3A_281] {strides = array<i32>} : memref<118x128xi32, #tpu.memory_space<vmem>>, vector<1x16xi32>,
      %get3A_283 = vector.shape_cast %get3A_282 : vector<1x16xi32> to vector<16xi32>
      %and3A_284 = arith.constant 65535 : i32
      %and3A_285 = vector.broadcast %and3A_284 : i32 to vector<16xi32>
      %and3A_286 = arith.andi %get3A_283, %and3A_285 : vector<16xi32>
      %swap3A_287 = arith.constant 96 : index
      %swap3A_288 = tpu.vector_load %arg12[%swap3A_287] {strides = array<i32>} : memref<128xi32, #tpu.memory_space<vmem>>, vector<16xi32>,
      %swap3A_289 = vector.shape_cast %swap3A_288 : vector<16xi32> to vector<16xi32>
      %swap3A_290 = vector.shape_cast %and3A_286 : vector<16xi32> to vector<16xi32>
      tpu.vector_store %arg12[%swap3A_287], %swap3A_290 {strides = array<i32>} : memref<128xi32, #tpu.memory_space<vmem>>, vector<16xi32>,
      %shift_right_logical3A_291 = arith.constant 16 : i32
      %shift_right_logical3A_292 = vector.broadcast %shift_right_logical3A_291 : i32 to vector<16xi32>
      %shift_right_logical3A_293 = arith.shrui %get3A_283, %shift_right_logical3A_292 : vector<16xi32>
      %swap3A_294 = arith.constant 96 : index
      %swap3A_295 = tpu.vector_load %arg13[%swap3A_294] {strides = array<i32>} : memref<128xi32, #tpu.memory_space<vmem>>, vector<16xi32>,
      %swap3A_296 = vector.shape_cast %swap3A_295 : vector<16xi32> to vector<16xi32>
      %swap3A_297 = vector.shape_cast %shift_right_logical3A_293 : vector<16xi32> to vector<16xi32>
      tpu.vector_store %arg13[%swap3A_294], %swap3A_297 {strides = array<i32>} : memref<128xi32, #tpu.memory_space<vmem>>, vector<16xi32>,
      %get3A_298 = arith.constant 1 : i32
      %get3A_299 = arith.index_cast %get3A_298 : i32 to index
      %get3A_300 = arith.constant 112 : index
      %get3A_301 = tpu.vector_load %arg7[%get3A_299, %get3A_300] {strides = array<i32>} : memref<118x128xi32, #tpu.memory_space<vmem>>, vector<1x16xi32>,
      %get3A_302 = vector.shape_cast %get3A_301 : vector<1x16xi32> to vector<16xi32>
      %and3A_303 = arith.constant 65535 : i32
      %and3A_304 = vector.broadcast %and3A_303 : i32 to vector<16xi32>
      %and3A_305 = arith.andi %get3A_302, %and3A_304 : vector<16xi32>
      %swap3A_306 = arith.constant 112 : index
      %swap3A_307 = tpu.vector_load %arg12[%swap3A_306] {strides = array<i32>} : memref<128xi32, #tpu.memory_space<vmem>>, vector<16xi32>,
      %swap3A_308 = vector.shape_cast %swap3A_307 : vector<16xi32> to vector<16xi32>
      %swap3A_309 = vector.shape_cast %and3A_305 : vector<16xi32> to vector<16xi32>
      tpu.vector_store %arg12[%swap3A_306], %swap3A_309 {strides = array<i32>} : memref<128xi32, #tpu.memory_space<vmem>>, vector<16xi32>,
      %shift_right_logical3A_310 = arith.constant 16 : i32
      %shift_right_logical3A_311 = vector.broadcast %shift_right_logical3A_310 : i32 to vector<16xi32>
      %shift_right_logical3A_312 = arith.shrui %get3A_302, %shift_right_logical3A_311 : vector<16xi32>
      %swap3A_313 = arith.constant 112 : index
      %swap3A_314 = tpu.vector_load %arg13[%swap3A_313] {strides = array<i32>} : memref<128xi32, #tpu.memory_space<vmem>>, vector<16xi32>,
      %swap3A_315 = vector.shape_cast %swap3A_314 : vector<16xi32> to vector<16xi32>
      %swap3A_316 = vector.shape_cast %shift_right_logical3A_312 : vector<16xi32> to vector<16xi32>
      tpu.vector_store %arg13[%swap3A_313], %swap3A_316 {strides = array<i32>} : memref<128xi32, #tpu.memory_space<vmem>>, vector<16xi32>,
      %dma_start3A_317 = arith.constant 0 : i32
      %dma_start3A_318 = arith.constant 0 : i32
      %dma_start3A_319 = tpu.memref_slice %arg2[%dma_start3A_317, %dma_start3A_318] : memref<10000x128xf32, #tpu.memory_space<hbm>> -> memref<10000x128xf32, #tpu.memory_space<hbm>>
      tpu.enqueue_indirect_dma source(%dma_start3A_319 : memref<10000x128xf32, #tpu.memory_space<hbm>>) target(%arg9 : memref<128x128xf32, #tpu.memory_space<vmem>>) offsets(%arg12 : memref<128xi32, #tpu.memory_space<vmem>>) semaphore(%arg15 : memref<!tpu.dma_semaphore, #tpu.memory_space<semaphore_mem>>)
      %dma_wait3A = arith.constant 0 : i32
      %dma_wait3A_320 = arith.constant 0 : i32
      %dma_wait3A_321 = tpu.memref_slice %arg2[%dma_wait3A, %dma_wait3A_320] : memref<10000x128xf32, #tpu.memory_space<hbm>> -> memref<10000x128xf32, #tpu.memory_space<hbm>>
      tpu.wait_indirect_dma semaphore(%arg14 : memref<!tpu.dma_semaphore, #tpu.memory_space<semaphore_mem>>) src(%dma_wait3A_321 : memref<10000x128xf32, #tpu.memory_space<hbm>>) dst(%arg8 : memref<128x128xf32, #tpu.memory_space<vmem>>)
      %dma_start3A_322 = arith.constant 0 : i32
      %dma_start3A_323 = arith.constant 0 : i32
      %dma_start3A_324 = tpu.memref_slice %arg6[%dma_start3A_322, %dma_start3A_323] : memref<10240x128xf32, #tpu.memory_space<vmem_shared>> -> memref<10240x128xf32, #tpu.memory_space<vmem_shared>>
      tpu.enqueue_indirect_dma source(%arg8 : memref<128x128xf32, #tpu.memory_space<vmem>>) target(%dma_start3A_324 : memref<10240x128xf32, #tpu.memory_space<vmem_shared>>) offsets(%arg11 : memref<128xi32, #tpu.memory_space<vmem>>) semaphore(%arg16 : memref<!tpu.dma_semaphore, #tpu.memory_space<semaphore_mem>>) {add = true}
      %dma_wait3A_325 = arith.constant 0 : i32
      %dma_wait3A_326 = arith.constant 0 : i32
      %dma_wait3A_327 = tpu.memref_slice %arg6[%dma_wait3A_325, %dma_wait3A_326] : memref<10240x128xf32, #tpu.memory_space<vmem_shared>> -> memref<10240x128xf32, #tpu.memory_space<vmem_shared>>
      tpu.wait_indirect_dma semaphore(%arg16 : memref<!tpu.dma_semaphore, #tpu.memory_space<semaphore_mem>>) src(%arg8 : memref<128x128xf32, #tpu.memory_space<vmem>>) dst(%dma_wait3A_327 : memref<10240x128xf32, #tpu.memory_space<vmem_shared>>)
      %get3A_328 = arith.constant 2 : i32
      %get3A_329 = arith.index_cast %get3A_328 : i32 to index
      %get3A_330 = arith.constant 0 : index
      %get3A_331 = tpu.vector_load %arg7[%get3A_329, %get3A_330] {strides = array<i32>} : memref<118x128xi32, #tpu.memory_space<vmem>>, vector<1x16xi32>,
      %get3A_332 = vector.shape_cast %get3A_331 : vector<1x16xi32> to vector<16xi32>
      %and3A_333 = arith.constant 65535 : i32
      %and3A_334 = vector.broadcast %and3A_333 : i32 to vector<16xi32>
      %and3A_335 = arith.andi %get3A_332, %and3A_334 : vector<16xi32>
      %swap3A_336 = arith.constant 0 : index
      %swap3A_337 = tpu.vector_load %arg10[%swap3A_336] {strides = array<i32>} : memref<128xi32, #tpu.memory_space<vmem>>, vector<16xi32>,
      %swap3A_338 = vector.shape_cast %swap3A_337 : vector<16xi32> to vector<16xi32>
      %swap3A_339 = vector.shape_cast %and3A_335 : vector<16xi32> to vector<16xi32>
      tpu.vector_store %arg10[%swap3A_336], %swap3A_339 {strides = array<i32>} : memref<128xi32, #tpu.memory_space<vmem>>, vector<16xi32>,
      %shift_right_logical3A_340 = arith.constant 16 : i32
      %shift_right_logical3A_341 = vector.broadcast %shift_right_logical3A_340 : i32 to vector<16xi32>
      %shift_right_logical3A_342 = arith.shrui %get3A_332, %shift_right_logical3A_341 : vector<16xi32>
      %swap3A_343 = arith.constant 0 : index
      %swap3A_344 = tpu.vector_load %arg11[%swap3A_343] {strides = array<i32>} : memref<128xi32, #tpu.memory_space<vmem>>, vector<16xi32>,
      %swap3A_345 = vector.shape_cast %swap3A_344 : vector<16xi32> to vector<16xi32>
      %swap3A_346 = vector.shape_cast %shift_right_logical3A_342 : vector<16xi32> to vector<16xi32>
      tpu.vector_store %arg11[%swap3A_343], %swap3A_346 {strides = array<i32>} : memref<128xi32, #tpu.memory_space<vmem>>, vector<16xi32>,
      %get3A_347 = arith.constant 2 : i32
      %get3A_348 = arith.index_cast %get3A_347 : i32 to index
      %get3A_349 = arith.constant 16 : index
      %get3A_350 = tpu.vector_load %arg7[%get3A_348, %get3A_349] {strides = array<i32>} : memref<118x128xi32, #tpu.memory_space<vmem>>, vector<1x16xi32>,
      %get3A_351 = vector.shape_cast %get3A_350 : vector<1x16xi32> to vector<16xi32>
      %and3A_352 = arith.constant 65535 : i32
      %and3A_353 = vector.broadcast %and3A_352 : i32 to vector<16xi32>
      %and3A_354 = arith.andi %get3A_351, %and3A_353 : vector<16xi32>
      %swap3A_355 = arith.constant 16 : index
      %swap3A_356 = tpu.vector_load %arg10[%swap3A_355] {strides = array<i32>} : memref<128xi32, #tpu.memory_space<vmem>>, vector<16xi32>,
      %swap3A_357 = vector.shape_cast %swap3A_356 : vector<16xi32> to vector<16xi32>
      %swap3A_358 = vector.shape_cast %and3A_354 : vector<16xi32> to vector<16xi32>
      tpu.vector_store %arg10[%swap3A_355], %swap3A_358 {strides = array<i32>} : memref<128xi32, #tpu.memory_space<vmem>>, vector<16xi32>,
      %shift_right_logical3A_359 = arith.constant 16 : i32
      %shift_right_logical3A_360 = vector.broadcast %shift_right_logical3A_359 : i32 to vector<16xi32>
      %shift_right_logical3A_361 = arith.shrui %get3A_351, %shift_right_logical3A_360 : vector<16xi32>
      %swap3A_362 = arith.constant 16 : index
      %swap3A_363 = tpu.vector_load %arg11[%swap3A_362] {strides = array<i32>} : memref<128xi32, #tpu.memory_space<vmem>>, vector<16xi32>,
      %swap3A_364 = vector.shape_cast %swap3A_363 : vector<16xi32> to vector<16xi32>
      %swap3A_365 = vector.shape_cast %shift_right_logical3A_361 : vector<16xi32> to vector<16xi32>
      tpu.vector_store %arg11[%swap3A_362], %swap3A_365 {strides = array<i32>} : memref<128xi32, #tpu.memory_space<vmem>>, vector<16xi32>,
      %get3A_366 = arith.constant 2 : i32
      %get3A_367 = arith.index_cast %get3A_366 : i32 to index
      %get3A_368 = arith.constant 32 : index
      %get3A_369 = tpu.vector_load %arg7[%get3A_367, %get3A_368] {strides = array<i32>} : memref<118x128xi32, #tpu.memory_space<vmem>>, vector<1x16xi32>,
      %get3A_370 = vector.shape_cast %get3A_369 : vector<1x16xi32> to vector<16xi32>
      %and3A_371 = arith.constant 65535 : i32
      %and3A_372 = vector.broadcast %and3A_371 : i32 to vector<16xi32>
      %and3A_373 = arith.andi %get3A_370, %and3A_372 : vector<16xi32>
      %swap3A_374 = arith.constant 32 : index
      %swap3A_375 = tpu.vector_load %arg10[%swap3A_374] {strides = array<i32>} : memref<128xi32, #tpu.memory_space<vmem>>, vector<16xi32>,
      %swap3A_376 = vector.shape_cast %swap3A_375 : vector<16xi32> to vector<16xi32>
      %swap3A_377 = vector.shape_cast %and3A_373 : vector<16xi32> to vector<16xi32>
      tpu.vector_store %arg10[%swap3A_374], %swap3A_377 {strides = array<i32>} : memref<128xi32, #tpu.memory_space<vmem>>, vector<16xi32>,
      %shift_right_logical3A_378 = arith.constant 16 : i32
      %shift_right_logical3A_379 = vector.broadcast %shift_right_logical3A_378 : i32 to vector<16xi32>
      %shift_right_logical3A_380 = arith.shrui %get3A_370, %shift_right_logical3A_379 : vector<16xi32>
      %swap3A_381 = arith.constant 32 : index
      %swap3A_382 = tpu.vector_load %arg11[%swap3A_381] {strides = array<i32>} : memref<128xi32, #tpu.memory_space<vmem>>, vector<16xi32>,
      %swap3A_383 = vector.shape_cast %swap3A_382 : vector<16xi32> to vector<16xi32>
      %swap3A_384 = vector.shape_cast %shift_right_logical3A_380 : vector<16xi32> to vector<16xi32>
      tpu.vector_store %arg11[%swap3A_381], %swap3A_384 {strides = array<i32>} : memref<128xi32, #tpu.memory_space<vmem>>, vector<16xi32>,
      %get3A_385 = arith.constant 2 : i32
      %get3A_386 = arith.index_cast %get3A_385 : i32 to index
      %get3A_387 = arith.constant 48 : index
      %get3A_388 = tpu.vector_load %arg7[%get3A_386, %get3A_387] {strides = array<i32>} : memref<118x128xi32, #tpu.memory_space<vmem>>, vector<1x16xi32>,
      %get3A_389 = vector.shape_cast %get3A_388 : vector<1x16xi32> to vector<16xi32>
      %and3A_390 = arith.constant 65535 : i32
      %and3A_391 = vector.broadcast %and3A_390 : i32 to vector<16xi32>
      %and3A_392 = arith.andi %get3A_389, %and3A_391 : vector<16xi32>
      %swap3A_393 = arith.constant 48 : index
      %swap3A_394 = tpu.vector_load %arg10[%swap3A_393] {strides = array<i32>} : memref<128xi32, #tpu.memory_space<vmem>>, vector<16xi32>,
      %swap3A_395 = vector.shape_cast %swap3A_394 : vector<16xi32> to vector<16xi32>
      %swap3A_396 = vector.shape_cast %and3A_392 : vector<16xi32> to vector<16xi32>
      tpu.vector_store %arg10[%swap3A_393], %swap3A_396 {strides = array<i32>} : memref<128xi32, #tpu.memory_space<vmem>>, vector<16xi32>,
      %shift_right_logical3A_397 = arith.constant 16 : i32
      %shift_right_logical3A_398 = vector.broadcast %shift_right_logical3A_397 : i32 to vector<16xi32>
      %shift_right_logical3A_399 = arith.shrui %get3A_389, %shift_right_logical3A_398 : vector<16xi32>
      %swap3A_400 = arith.constant 48 : index
      %swap3A_401 = tpu.vector_load %arg11[%swap3A_400] {strides = array<i32>} : memref<128xi32, #tpu.memory_space<vmem>>, vector<16xi32>,
      %swap3A_402 = vector.shape_cast %swap3A_401 : vector<16xi32> to vector<16xi32>
      %swap3A_403 = vector.shape_cast %shift_right_logical3A_399 : vector<16xi32> to vector<16xi32>
      tpu.vector_store %arg11[%swap3A_400], %swap3A_403 {strides = array<i32>} : memref<128xi32, #tpu.memory_space<vmem>>, vector<16xi32>,
      %get3A_404 = arith.constant 2 : i32
      %get3A_405 = arith.index_cast %get3A_404 : i32 to index
      %get3A_406 = arith.constant 64 : index
      %get3A_407 = tpu.vector_load %arg7[%get3A_405, %get3A_406] {strides = array<i32>} : memref<118x128xi32, #tpu.memory_space<vmem>>, vector<1x16xi32>,
      %get3A_408 = vector.shape_cast %get3A_407 : vector<1x16xi32> to vector<16xi32>
      %and3A_409 = arith.constant 65535 : i32
      %and3A_410 = vector.broadcast %and3A_409 : i32 to vector<16xi32>
      %and3A_411 = arith.andi %get3A_408, %and3A_410 : vector<16xi32>
      %swap3A_412 = arith.constant 64 : index
      %swap3A_413 = tpu.vector_load %arg10[%swap3A_412] {strides = array<i32>} : memref<128xi32, #tpu.memory_space<vmem>>, vector<16xi32>,
      %swap3A_414 = vector.shape_cast %swap3A_413 : vector<16xi32> to vector<16xi32>
      %swap3A_415 = vector.shape_cast %and3A_411 : vector<16xi32> to vector<16xi32>
      tpu.vector_store %arg10[%swap3A_412], %swap3A_415 {strides = array<i32>} : memref<128xi32, #tpu.memory_space<vmem>>, vector<16xi32>,
      %shift_right_logical3A_416 = arith.constant 16 : i32
      %shift_right_logical3A_417 = vector.broadcast %shift_right_logical3A_416 : i32 to vector<16xi32>
      %shift_right_logical3A_418 = arith.shrui %get3A_408, %shift_right_logical3A_417 : vector<16xi32>
      %swap3A_419 = arith.constant 64 : index
      %swap3A_420 = tpu.vector_load %arg11[%swap3A_419] {strides = array<i32>} : memref<128xi32, #tpu.memory_space<vmem>>, vector<16xi32>,
      %swap3A_421 = vector.shape_cast %swap3A_420 : vector<16xi32> to vector<16xi32>
      %swap3A_422 = vector.shape_cast %shift_right_logical3A_418 : vector<16xi32> to vector<16xi32>
      tpu.vector_store %arg11[%swap3A_419], %swap3A_422 {strides = array<i32>} : memref<128xi32, #tpu.memory_space<vmem>>, vector<16xi32>,
      %get3A_423 = arith.constant 2 : i32
      %get3A_424 = arith.index_cast %get3A_423 : i32 to index
      %get3A_425 = arith.constant 80 : index
      %get3A_426 = tpu.vector_load %arg7[%get3A_424, %get3A_425] {strides = array<i32>} : memref<118x128xi32, #tpu.memory_space<vmem>>, vector<1x16xi32>,
      %get3A_427 = vector.shape_cast %get3A_426 : vector<1x16xi32> to vector<16xi32>
      %and3A_428 = arith.constant 65535 : i32
      %and3A_429 = vector.broadcast %and3A_428 : i32 to vector<16xi32>
      %and3A_430 = arith.andi %get3A_427, %and3A_429 : vector<16xi32>
      %swap3A_431 = arith.constant 80 : index
      %swap3A_432 = tpu.vector_load %arg10[%swap3A_431] {strides = array<i32>} : memref<128xi32, #tpu.memory_space<vmem>>, vector<16xi32>,
      %swap3A_433 = vector.shape_cast %swap3A_432 : vector<16xi32> to vector<16xi32>
      %swap3A_434 = vector.shape_cast %and3A_430 : vector<16xi32> to vector<16xi32>
      tpu.vector_store %arg10[%swap3A_431], %swap3A_434 {strides = array<i32>} : memref<128xi32, #tpu.memory_space<vmem>>, vector<16xi32>,
      %shift_right_logical3A_435 = arith.constant 16 : i32
      %shift_right_logical3A_436 = vector.broadcast %shift_right_logical3A_435 : i32 to vector<16xi32>
      %shift_right_logical3A_437 = arith.shrui %get3A_427, %shift_right_logical3A_436 : vector<16xi32>
      %swap3A_438 = arith.constant 80 : index
      %swap3A_439 = tpu.vector_load %arg11[%swap3A_438] {strides = array<i32>} : memref<128xi32, #tpu.memory_space<vmem>>, vector<16xi32>,
      %swap3A_440 = vector.shape_cast %swap3A_439 : vector<16xi32> to vector<16xi32>
      %swap3A_441 = vector.shape_cast %shift_right_logical3A_437 : vector<16xi32> to vector<16xi32>
      tpu.vector_store %arg11[%swap3A_438], %swap3A_441 {strides = array<i32>} : memref<128xi32, #tpu.memory_space<vmem>>, vector<16xi32>,
      %get3A_442 = arith.constant 2 : i32
      %get3A_443 = arith.index_cast %get3A_442 : i32 to index
      %get3A_444 = arith.constant 96 : index
      %get3A_445 = tpu.vector_load %arg7[%get3A_443, %get3A_444] {strides = array<i32>} : memref<118x128xi32, #tpu.memory_space<vmem>>, vector<1x16xi32>,
      %get3A_446 = vector.shape_cast %get3A_445 : vector<1x16xi32> to vector<16xi32>
      %and3A_447 = arith.constant 65535 : i32
      %and3A_448 = vector.broadcast %and3A_447 : i32 to vector<16xi32>
      %and3A_449 = arith.andi %get3A_446, %and3A_448 : vector<16xi32>
      %swap3A_450 = arith.constant 96 : index
      %swap3A_451 = tpu.vector_load %arg10[%swap3A_450] {strides = array<i32>} : memref<128xi32, #tpu.memory_space<vmem>>, vector<16xi32>,
      %swap3A_452 = vector.shape_cast %swap3A_451 : vector<16xi32> to vector<16xi32>
      %swap3A_453 = vector.shape_cast %and3A_449 : vector<16xi32> to vector<16xi32>
      tpu.vector_store %arg10[%swap3A_450], %swap3A_453 {strides = array<i32>} : memref<128xi32, #tpu.memory_space<vmem>>, vector<16xi32>,
      %shift_right_logical3A_454 = arith.constant 16 : i32
      %shift_right_logical3A_455 = vector.broadcast %shift_right_logical3A_454 : i32 to vector<16xi32>
      %shift_right_logical3A_456 = arith.shrui %get3A_446, %shift_right_logical3A_455 : vector<16xi32>
      %swap3A_457 = arith.constant 96 : index
      %swap3A_458 = tpu.vector_load %arg11[%swap3A_457] {strides = array<i32>} : memref<128xi32, #tpu.memory_space<vmem>>, vector<16xi32>,
      %swap3A_459 = vector.shape_cast %swap3A_458 : vector<16xi32> to vector<16xi32>
      %swap3A_460 = vector.shape_cast %shift_right_logical3A_456 : vector<16xi32> to vector<16xi32>
      tpu.vector_store %arg11[%swap3A_457], %swap3A_460 {strides = array<i32>} : memref<128xi32, #tpu.memory_space<vmem>>, vector<16xi32>,
      %get3A_461 = arith.constant 2 : i32
      %get3A_462 = arith.index_cast %get3A_461 : i32 to index
      %get3A_463 = arith.constant 112 : index
      %get3A_464 = tpu.vector_load %arg7[%get3A_462, %get3A_463] {strides = array<i32>} : memref<118x128xi32, #tpu.memory_space<vmem>>, vector<1x16xi32>,
      %get3A_465 = vector.shape_cast %get3A_464 : vector<1x16xi32> to vector<16xi32>
      %and3A_466 = arith.constant 65535 : i32
      %and3A_467 = vector.broadcast %and3A_466 : i32 to vector<16xi32>
      %and3A_468 = arith.andi %get3A_465, %and3A_467 : vector<16xi32>
      %swap3A_469 = arith.constant 112 : index
      %swap3A_470 = tpu.vector_load %arg10[%swap3A_469] {strides = array<i32>} : memref<128xi32, #tpu.memory_space<vmem>>, vector<16xi32>,
      %swap3A_471 = vector.shape_cast %swap3A_470 : vector<16xi32> to vector<16xi32>
      %swap3A_472 = vector.shape_cast %and3A_468 : vector<16xi32> to vector<16xi32>
      tpu.vector_store %arg10[%swap3A_469], %swap3A_472 {strides = array<i32>} : memref<128xi32, #tpu.memory_space<vmem>>, vector<16xi32>,
      %shift_right_logical3A_473 = arith.constant 16 : i32
      %shift_right_logical3A_474 = vector.broadcast %shift_right_logical3A_473 : i32 to vector<16xi32>
      %shift_right_logical3A_475 = arith.shrui %get3A_465, %shift_right_logical3A_474 : vector<16xi32>
      %swap3A_476 = arith.constant 112 : index
      %swap3A_477 = tpu.vector_load %arg11[%swap3A_476] {strides = array<i32>} : memref<128xi32, #tpu.memory_space<vmem>>, vector<16xi32>,
      %swap3A_478 = vector.shape_cast %swap3A_477 : vector<16xi32> to vector<16xi32>
      %swap3A_479 = vector.shape_cast %shift_right_logical3A_475 : vector<16xi32> to vector<16xi32>
      tpu.vector_store %arg11[%swap3A_476], %swap3A_479 {strides = array<i32>} : memref<128xi32, #tpu.memory_space<vmem>>, vector<16xi32>,
      %dma_start3A_480 = arith.constant 0 : i32
      %dma_start3A_481 = arith.constant 0 : i32
      %dma_start3A_482 = tpu.memref_slice %arg2[%dma_start3A_480, %dma_start3A_481] : memref<10000x128xf32, #tpu.memory_space<hbm>> -> memref<10000x128xf32, #tpu.memory_space<hbm>>
      tpu.enqueue_indirect_dma source(%dma_start3A_482 : memref<10000x128xf32, #tpu.memory_space<hbm>>) target(%arg8 : memref<128x128xf32, #tpu.memory_space<vmem>>) offsets(%arg10 : memref<128xi32, #tpu.memory_space<vmem>>) semaphore(%arg14 : memref<!tpu.dma_semaphore, #tpu.memory_space<semaphore_mem>>)
      %dma_wait3A_483 = arith.constant 0 : i32
      %dma_wait3A_484 = arith.constant 0 : i32
      %dma_wait3A_485 = tpu.memref_slice %arg2[%dma_wait3A_483, %dma_wait3A_484] : memref<10000x128xf32, #tpu.memory_space<hbm>> -> memref<10000x128xf32, #tpu.memory_space<hbm>>
      tpu.wait_indirect_dma semaphore(%arg15 : memref<!tpu.dma_semaphore, #tpu.memory_space<semaphore_mem>>) src(%dma_wait3A_485 : memref<10000x128xf32, #tpu.memory_space<hbm>>) dst(%arg9 : memref<128x128xf32, #tpu.memory_space<vmem>>)
      %dma_start3A_486 = arith.constant 0 : i32
      %dma_start3A_487 = arith.constant 0 : i32
      %dma_start3A_488 = tpu.memref_slice %arg6[%dma_start3A_486, %dma_start3A_487] : memref<10240x128xf32, #tpu.memory_space<vmem_shared>> -> memref<10240x128xf32, #tpu.memory_space<vmem_shared>>
      tpu.enqueue_indirect_dma source(%arg9 : memref<128x128xf32, #tpu.memory_space<vmem>>) target(%dma_start3A_488 : memref<10240x128xf32, #tpu.memory_space<vmem_shared>>) offsets(%arg13 : memref<128xi32, #tpu.memory_space<vmem>>) semaphore(%arg17 : memref<!tpu.dma_semaphore, #tpu.memory_space<semaphore_mem>>) {add = true}
      %scan3A = arith.constant 0 : i32
      %scan3A_489 = arith.constant 1 : i32
      %scan3A_490 = arith.constant 58 : i32
      %scan3A_491 = arith.addi %scan3A_489, %scan3A_490 : i32
      %scan3A_492 = arith.constant 1 : i32
      scf.for %scan3A_497 = %scan3A_489 to %scan3A_491 step %scan3A_492  : i32 {
        %mul3A_498 = arith.constant 2 : i32
        %mul3A_499 = arith.muli %mul3A_498, %scan3A_497 : i32
        %dma_wait3A_500 = arith.constant 0 : i32
        %dma_wait3A_501 = arith.constant 0 : i32
        %dma_wait3A_502 = tpu.memref_slice %arg6[%dma_wait3A_500, %dma_wait3A_501] : memref<10240x128xf32, #tpu.memory_space<vmem_shared>> -> memref<10240x128xf32, #tpu.memory_space<vmem_shared>>
        tpu.wait_indirect_dma semaphore(%arg17 : memref<!tpu.dma_semaphore, #tpu.memory_space<semaphore_mem>>) src(%arg9 : memref<128x128xf32, #tpu.memory_space<vmem>>) dst(%dma_wait3A_502 : memref<10240x128xf32, #tpu.memory_space<vmem_shared>>)
        %add3A_503 = arith.constant 1 : i32
        %add3A_504 = arith.addi %mul3A_499, %add3A_503 : i32
        %get3A_505 = arith.index_cast %add3A_504 : i32 to index
        %get3A_506 = arith.constant 0 : index
        %get3A_507 = tpu.vector_load %arg7[%get3A_505, %get3A_506] {strides = array<i32>} : memref<118x128xi32, #tpu.memory_space<vmem>>, vector<1x16xi32>,
        %get3A_508 = vector.shape_cast %get3A_507 : vector<1x16xi32> to vector<16xi32>
        %and3A_509 = arith.constant 65535 : i32
        %and3A_510 = vector.broadcast %and3A_509 : i32 to vector<16xi32>
        %and3A_511 = arith.andi %get3A_508, %and3A_510 : vector<16xi32>
        %swap3A_512 = arith.constant 0 : index
        %swap3A_513 = tpu.vector_load %arg12[%swap3A_512] {strides = array<i32>} : memref<128xi32, #tpu.memory_space<vmem>>, vector<16xi32>,
        %swap3A_514 = vector.shape_cast %swap3A_513 : vector<16xi32> to vector<16xi32>
        %swap3A_515 = vector.shape_cast %and3A_511 : vector<16xi32> to vector<16xi32>
        tpu.vector_store %arg12[%swap3A_512], %swap3A_515 {strides = array<i32>} : memref<128xi32, #tpu.memory_space<vmem>>, vector<16xi32>,
        %shift_right_logical3A_516 = arith.constant 16 : i32
        %shift_right_logical3A_517 = vector.broadcast %shift_right_logical3A_516 : i32 to vector<16xi32>
        %shift_right_logical3A_518 = arith.shrui %get3A_508, %shift_right_logical3A_517 : vector<16xi32>
        %swap3A_519 = arith.constant 0 : index
        %swap3A_520 = tpu.vector_load %arg13[%swap3A_519] {strides = array<i32>} : memref<128xi32, #tpu.memory_space<vmem>>, vector<16xi32>,
        %swap3A_521 = vector.shape_cast %swap3A_520 : vector<16xi32> to vector<16xi32>
        %swap3A_522 = vector.shape_cast %shift_right_logical3A_518 : vector<16xi32> to vector<16xi32>
        tpu.vector_store %arg13[%swap3A_519], %swap3A_522 {strides = array<i32>} : memref<128xi32, #tpu.memory_space<vmem>>, vector<16xi32>,
        %get3A_523 = arith.index_cast %add3A_504 : i32 to index
        %get3A_524 = arith.constant 16 : index
        %get3A_525 = tpu.vector_load %arg7[%get3A_523, %get3A_524] {strides = array<i32>} : memref<118x128xi32, #tpu.memory_space<vmem>>, vector<1x16xi32>,
        %get3A_526 = vector.shape_cast %get3A_525 : vector<1x16xi32> to vector<16xi32>
        %and3A_527 = arith.constant 65535 : i32
        %and3A_528 = vector.broadcast %and3A_527 : i32 to vector<16xi32>
        %and3A_529 = arith.andi %get3A_526, %and3A_528 : vector<16xi32>
        %swap3A_530 = arith.constant 16 : index
        %swap3A_531 = tpu.vector_load %arg12[%swap3A_530] {strides = array<i32>} : memref<128xi32, #tpu.memory_space<vmem>>, vector<16xi32>,
        %swap3A_532 = vector.shape_cast %swap3A_531 : vector<16xi32> to vector<16xi32>
        %swap3A_533 = vector.shape_cast %and3A_529 : vector<16xi32> to vector<16xi32>
        tpu.vector_store %arg12[%swap3A_530], %swap3A_533 {strides = array<i32>} : memref<128xi32, #tpu.memory_space<vmem>>, vector<16xi32>,
        %shift_right_logical3A_534 = arith.constant 16 : i32
        %shift_right_logical3A_535 = vector.broadcast %shift_right_logical3A_534 : i32 to vector<16xi32>
        %shift_right_logical3A_536 = arith.shrui %get3A_526, %shift_right_logical3A_535 : vector<16xi32>
        %swap3A_537 = arith.constant 16 : index
        %swap3A_538 = tpu.vector_load %arg13[%swap3A_537] {strides = array<i32>} : memref<128xi32, #tpu.memory_space<vmem>>, vector<16xi32>,
        %swap3A_539 = vector.shape_cast %swap3A_538 : vector<16xi32> to vector<16xi32>
        %swap3A_540 = vector.shape_cast %shift_right_logical3A_536 : vector<16xi32> to vector<16xi32>
        tpu.vector_store %arg13[%swap3A_537], %swap3A_540 {strides = array<i32>} : memref<128xi32, #tpu.memory_space<vmem>>, vector<16xi32>,
        %get3A_541 = arith.index_cast %add3A_504 : i32 to index
        %get3A_542 = arith.constant 32 : index
        %get3A_543 = tpu.vector_load %arg7[%get3A_541, %get3A_542] {strides = array<i32>} : memref<118x128xi32, #tpu.memory_space<vmem>>, vector<1x16xi32>,
        %get3A_544 = vector.shape_cast %get3A_543 : vector<1x16xi32> to vector<16xi32>
        %and3A_545 = arith.constant 65535 : i32
        %and3A_546 = vector.broadcast %and3A_545 : i32 to vector<16xi32>
        %and3A_547 = arith.andi %get3A_544, %and3A_546 : vector<16xi32>
        %swap3A_548 = arith.constant 32 : index
        %swap3A_549 = tpu.vector_load %arg12[%swap3A_548] {strides = array<i32>} : memref<128xi32, #tpu.memory_space<vmem>>, vector<16xi32>,
        %swap3A_550 = vector.shape_cast %swap3A_549 : vector<16xi32> to vector<16xi32>
        %swap3A_551 = vector.shape_cast %and3A_547 : vector<16xi32> to vector<16xi32>
        tpu.vector_store %arg12[%swap3A_548], %swap3A_551 {strides = array<i32>} : memref<128xi32, #tpu.memory_space<vmem>>, vector<16xi32>,
        %shift_right_logical3A_552 = arith.constant 16 : i32
        %shift_right_logical3A_553 = vector.broadcast %shift_right_logical3A_552 : i32 to vector<16xi32>
        %shift_right_logical3A_554 = arith.shrui %get3A_544, %shift_right_logical3A_553 : vector<16xi32>
        %swap3A_555 = arith.constant 32 : index
        %swap3A_556 = tpu.vector_load %arg13[%swap3A_555] {strides = array<i32>} : memref<128xi32, #tpu.memory_space<vmem>>, vector<16xi32>,
        %swap3A_557 = vector.shape_cast %swap3A_556 : vector<16xi32> to vector<16xi32>
        %swap3A_558 = vector.shape_cast %shift_right_logical3A_554 : vector<16xi32> to vector<16xi32>
        tpu.vector_store %arg13[%swap3A_555], %swap3A_558 {strides = array<i32>} : memref<128xi32, #tpu.memory_space<vmem>>, vector<16xi32>,
        %get3A_559 = arith.index_cast %add3A_504 : i32 to index
        %get3A_560 = arith.constant 48 : index
        %get3A_561 = tpu.vector_load %arg7[%get3A_559, %get3A_560] {strides = array<i32>} : memref<118x128xi32, #tpu.memory_space<vmem>>, vector<1x16xi32>,
        %get3A_562 = vector.shape_cast %get3A_561 : vector<1x16xi32> to vector<16xi32>
        %and3A_563 = arith.constant 65535 : i32
        %and3A_564 = vector.broadcast %and3A_563 : i32 to vector<16xi32>
        %and3A_565 = arith.andi %get3A_562, %and3A_564 : vector<16xi32>
        %swap3A_566 = arith.constant 48 : index
        %swap3A_567 = tpu.vector_load %arg12[%swap3A_566] {strides = array<i32>} : memref<128xi32, #tpu.memory_space<vmem>>, vector<16xi32>,
        %swap3A_568 = vector.shape_cast %swap3A_567 : vector<16xi32> to vector<16xi32>
        %swap3A_569 = vector.shape_cast %and3A_565 : vector<16xi32> to vector<16xi32>
        tpu.vector_store %arg12[%swap3A_566], %swap3A_569 {strides = array<i32>} : memref<128xi32, #tpu.memory_space<vmem>>, vector<16xi32>,
        %shift_right_logical3A_570 = arith.constant 16 : i32
        %shift_right_logical3A_571 = vector.broadcast %shift_right_logical3A_570 : i32 to vector<16xi32>
        %shift_right_logical3A_572 = arith.shrui %get3A_562, %shift_right_logical3A_571 : vector<16xi32>
        %swap3A_573 = arith.constant 48 : index
        %swap3A_574 = tpu.vector_load %arg13[%swap3A_573] {strides = array<i32>} : memref<128xi32, #tpu.memory_space<vmem>>, vector<16xi32>,
        %swap3A_575 = vector.shape_cast %swap3A_574 : vector<16xi32> to vector<16xi32>
        %swap3A_576 = vector.shape_cast %shift_right_logical3A_572 : vector<16xi32> to vector<16xi32>
        tpu.vector_store %arg13[%swap3A_573], %swap3A_576 {strides = array<i32>} : memref<128xi32, #tpu.memory_space<vmem>>, vector<16xi32>,
        %get3A_577 = arith.index_cast %add3A_504 : i32 to index
        %get3A_578 = arith.constant 64 : index
        %get3A_579 = tpu.vector_load %arg7[%get3A_577, %get3A_578] {strides = array<i32>} : memref<118x128xi32, #tpu.memory_space<vmem>>, vector<1x16xi32>,
        %get3A_580 = vector.shape_cast %get3A_579 : vector<1x16xi32> to vector<16xi32>
        %and3A_581 = arith.constant 65535 : i32
        %and3A_582 = vector.broadcast %and3A_581 : i32 to vector<16xi32>
        %and3A_583 = arith.andi %get3A_580, %and3A_582 : vector<16xi32>
        %swap3A_584 = arith.constant 64 : index
        %swap3A_585 = tpu.vector_load %arg12[%swap3A_584] {strides = array<i32>} : memref<128xi32, #tpu.memory_space<vmem>>, vector<16xi32>,
        %swap3A_586 = vector.shape_cast %swap3A_585 : vector<16xi32> to vector<16xi32>
        %swap3A_587 = vector.shape_cast %and3A_583 : vector<16xi32> to vector<16xi32>
        tpu.vector_store %arg12[%swap3A_584], %swap3A_587 {strides = array<i32>} : memref<128xi32, #tpu.memory_space<vmem>>, vector<16xi32>,
        %shift_right_logical3A_588 = arith.constant 16 : i32
        %shift_right_logical3A_589 = vector.broadcast %shift_right_logical3A_588 : i32 to vector<16xi32>
        %shift_right_logical3A_590 = arith.shrui %get3A_580, %shift_right_logical3A_589 : vector<16xi32>
        %swap3A_591 = arith.constant 64 : index
        %swap3A_592 = tpu.vector_load %arg13[%swap3A_591] {strides = array<i32>} : memref<128xi32, #tpu.memory_space<vmem>>, vector<16xi32>,
        %swap3A_593 = vector.shape_cast %swap3A_592 : vector<16xi32> to vector<16xi32>
        %swap3A_594 = vector.shape_cast %shift_right_logical3A_590 : vector<16xi32> to vector<16xi32>
        tpu.vector_store %arg13[%swap3A_591], %swap3A_594 {strides = array<i32>} : memref<128xi32, #tpu.memory_space<vmem>>, vector<16xi32>,
        %get3A_595 = arith.index_cast %add3A_504 : i32 to index
        %get3A_596 = arith.constant 80 : index
        %get3A_597 = tpu.vector_load %arg7[%get3A_595, %get3A_596] {strides = array<i32>} : memref<118x128xi32, #tpu.memory_space<vmem>>, vector<1x16xi32>,
        %get3A_598 = vector.shape_cast %get3A_597 : vector<1x16xi32> to vector<16xi32>
        %and3A_599 = arith.constant 65535 : i32
        %and3A_600 = vector.broadcast %and3A_599 : i32 to vector<16xi32>
        %and3A_601 = arith.andi %get3A_598, %and3A_600 : vector<16xi32>
        %swap3A_602 = arith.constant 80 : index
        %swap3A_603 = tpu.vector_load %arg12[%swap3A_602] {strides = array<i32>} : memref<128xi32, #tpu.memory_space<vmem>>, vector<16xi32>,
        %swap3A_604 = vector.shape_cast %swap3A_603 : vector<16xi32> to vector<16xi32>
        %swap3A_605 = vector.shape_cast %and3A_601 : vector<16xi32> to vector<16xi32>
        tpu.vector_store %arg12[%swap3A_602], %swap3A_605 {strides = array<i32>} : memref<128xi32, #tpu.memory_space<vmem>>, vector<16xi32>,
        %shift_right_logical3A_606 = arith.constant 16 : i32
        %shift_right_logical3A_607 = vector.broadcast %shift_right_logical3A_606 : i32 to vector<16xi32>
        %shift_right_logical3A_608 = arith.shrui %get3A_598, %shift_right_logical3A_607 : vector<16xi32>
        %swap3A_609 = arith.constant 80 : index
        %swap3A_610 = tpu.vector_load %arg13[%swap3A_609] {strides = array<i32>} : memref<128xi32, #tpu.memory_space<vmem>>, vector<16xi32>,
        %swap3A_611 = vector.shape_cast %swap3A_610 : vector<16xi32> to vector<16xi32>
        %swap3A_612 = vector.shape_cast %shift_right_logical3A_608 : vector<16xi32> to vector<16xi32>
        tpu.vector_store %arg13[%swap3A_609], %swap3A_612 {strides = array<i32>} : memref<128xi32, #tpu.memory_space<vmem>>, vector<16xi32>,
        %get3A_613 = arith.index_cast %add3A_504 : i32 to index
        %get3A_614 = arith.constant 96 : index
        %get3A_615 = tpu.vector_load %arg7[%get3A_613, %get3A_614] {strides = array<i32>} : memref<118x128xi32, #tpu.memory_space<vmem>>, vector<1x16xi32>,
        %get3A_616 = vector.shape_cast %get3A_615 : vector<1x16xi32> to vector<16xi32>
        %and3A_617 = arith.constant 65535 : i32
        %and3A_618 = vector.broadcast %and3A_617 : i32 to vector<16xi32>
        %and3A_619 = arith.andi %get3A_616, %and3A_618 : vector<16xi32>
        %swap3A_620 = arith.constant 96 : index
        %swap3A_621 = tpu.vector_load %arg12[%swap3A_620] {strides = array<i32>} : memref<128xi32, #tpu.memory_space<vmem>>, vector<16xi32>,
        %swap3A_622 = vector.shape_cast %swap3A_621 : vector<16xi32> to vector<16xi32>
        %swap3A_623 = vector.shape_cast %and3A_619 : vector<16xi32> to vector<16xi32>
        tpu.vector_store %arg12[%swap3A_620], %swap3A_623 {strides = array<i32>} : memref<128xi32, #tpu.memory_space<vmem>>, vector<16xi32>,
        %shift_right_logical3A_624 = arith.constant 16 : i32
        %shift_right_logical3A_625 = vector.broadcast %shift_right_logical3A_624 : i32 to vector<16xi32>
        %shift_right_logical3A_626 = arith.shrui %get3A_616, %shift_right_logical3A_625 : vector<16xi32>
        %swap3A_627 = arith.constant 96 : index
        %swap3A_628 = tpu.vector_load %arg13[%swap3A_627] {strides = array<i32>} : memref<128xi32, #tpu.memory_space<vmem>>, vector<16xi32>,
        %swap3A_629 = vector.shape_cast %swap3A_628 : vector<16xi32> to vector<16xi32>
        %swap3A_630 = vector.shape_cast %shift_right_logical3A_626 : vector<16xi32> to vector<16xi32>
        tpu.vector_store %arg13[%swap3A_627], %swap3A_630 {strides = array<i32>} : memref<128xi32, #tpu.memory_space<vmem>>, vector<16xi32>,
        %get3A_631 = arith.index_cast %add3A_504 : i32 to index
        %get3A_632 = arith.constant 112 : index
        %get3A_633 = tpu.vector_load %arg7[%get3A_631, %get3A_632] {strides = array<i32>} : memref<118x128xi32, #tpu.memory_space<vmem>>, vector<1x16xi32>,
        %get3A_634 = vector.shape_cast %get3A_633 : vector<1x16xi32> to vector<16xi32>
        %and3A_635 = arith.constant 65535 : i32
        %and3A_636 = vector.broadcast %and3A_635 : i32 to vector<16xi32>
        %and3A_637 = arith.andi %get3A_634, %and3A_636 : vector<16xi32>
        %swap3A_638 = arith.constant 112 : index
        %swap3A_639 = tpu.vector_load %arg12[%swap3A_638] {strides = array<i32>} : memref<128xi32, #tpu.memory_space<vmem>>, vector<16xi32>,
        %swap3A_640 = vector.shape_cast %swap3A_639 : vector<16xi32> to vector<16xi32>
        %swap3A_641 = vector.shape_cast %and3A_637 : vector<16xi32> to vector<16xi32>
        tpu.vector_store %arg12[%swap3A_638], %swap3A_641 {strides = array<i32>} : memref<128xi32, #tpu.memory_space<vmem>>, vector<16xi32>,
        %shift_right_logical3A_642 = arith.constant 16 : i32
        %shift_right_logical3A_643 = vector.broadcast %shift_right_logical3A_642 : i32 to vector<16xi32>
        %shift_right_logical3A_644 = arith.shrui %get3A_634, %shift_right_logical3A_643 : vector<16xi32>
        %swap3A_645 = arith.constant 112 : index
        %swap3A_646 = tpu.vector_load %arg13[%swap3A_645] {strides = array<i32>} : memref<128xi32, #tpu.memory_space<vmem>>, vector<16xi32>,
        %swap3A_647 = vector.shape_cast %swap3A_646 : vector<16xi32> to vector<16xi32>
        %swap3A_648 = vector.shape_cast %shift_right_logical3A_644 : vector<16xi32> to vector<16xi32>
        tpu.vector_store %arg13[%swap3A_645], %swap3A_648 {strides = array<i32>} : memref<128xi32, #tpu.memory_space<vmem>>, vector<16xi32>,
        %dma_start3A_649 = arith.constant 0 : i32
        %dma_start3A_650 = arith.constant 0 : i32
        %dma_start3A_651 = tpu.memref_slice %arg2[%dma_start3A_649, %dma_start3A_650] : memref<10000x128xf32, #tpu.memory_space<hbm>> -> memref<10000x128xf32, #tpu.memory_space<hbm>>
        tpu.enqueue_indirect_dma source(%dma_start3A_651 : memref<10000x128xf32, #tpu.memory_space<hbm>>) target(%arg9 : memref<128x128xf32, #tpu.memory_space<vmem>>) offsets(%arg12 : memref<128xi32, #tpu.memory_space<vmem>>) semaphore(%arg15 : memref<!tpu.dma_semaphore, #tpu.memory_space<semaphore_mem>>)
        %dma_wait3A_652 = arith.constant 0 : i32
        %dma_wait3A_653 = arith.constant 0 : i32
        %dma_wait3A_654 = tpu.memref_slice %arg2[%dma_wait3A_652, %dma_wait3A_653] : memref<10000x128xf32, #tpu.memory_space<hbm>> -> memref<10000x128xf32, #tpu.memory_space<hbm>>
        tpu.wait_indirect_dma semaphore(%arg14 : memref<!tpu.dma_semaphore, #tpu.memory_space<semaphore_mem>>) src(%dma_wait3A_654 : memref<10000x128xf32, #tpu.memory_space<hbm>>) dst(%arg8 : memref<128x128xf32, #tpu.memory_space<vmem>>)
        %dma_start3A_655 = arith.constant 0 : i32
        %dma_start3A_656 = arith.constant 0 : i32
        %dma_start3A_657 = tpu.memref_slice %arg6[%dma_start3A_655, %dma_start3A_656] : memref<10240x128xf32, #tpu.memory_space<vmem_shared>> -> memref<10240x128xf32, #tpu.memory_space<vmem_shared>>
        tpu.enqueue_indirect_dma source(%arg8 : memref<128x128xf32, #tpu.memory_space<vmem>>) target(%dma_start3A_657 : memref<10240x128xf32, #tpu.memory_space<vmem_shared>>) offsets(%arg11 : memref<128xi32, #tpu.memory_space<vmem>>) semaphore(%arg16 : memref<!tpu.dma_semaphore, #tpu.memory_space<semaphore_mem>>) {add = true}
        %dma_wait3A_658 = arith.constant 0 : i32
        %dma_wait3A_659 = arith.constant 0 : i32
        %dma_wait3A_660 = tpu.memref_slice %arg6[%dma_wait3A_658, %dma_wait3A_659] : memref<10240x128xf32, #tpu.memory_space<vmem_shared>> -> memref<10240x128xf32, #tpu.memory_space<vmem_shared>>
        tpu.wait_indirect_dma semaphore(%arg16 : memref<!tpu.dma_semaphore, #tpu.memory_space<semaphore_mem>>) src(%arg8 : memref<128x128xf32, #tpu.memory_space<vmem>>) dst(%dma_wait3A_660 : memref<10240x128xf32, #tpu.memory_space<vmem_shared>>)
        %add3A_661 = arith.constant 2 : i32
        %add3A_662 = arith.addi %mul3A_499, %add3A_661 : i32
        %min3A = arith.constant 117 : i32
        %min3A_663 = arith.minsi %add3A_662, %min3A : i32
        %get3A_664 = arith.index_cast %min3A_663 : i32 to index
        %get3A_665 = arith.constant 0 : index
        %get3A_666 = tpu.vector_load %arg7[%get3A_664, %get3A_665] {strides = array<i32>} : memref<118x128xi32, #tpu.memory_space<vmem>>, vector<1x16xi32>,
        %get3A_667 = vector.shape_cast %get3A_666 : vector<1x16xi32> to vector<16xi32>
        %and3A_668 = arith.constant 65535 : i32
        %and3A_669 = vector.broadcast %and3A_668 : i32 to vector<16xi32>
        %and3A_670 = arith.andi %get3A_667, %and3A_669 : vector<16xi32>
        %swap3A_671 = arith.constant 0 : index
        %swap3A_672 = tpu.vector_load %arg10[%swap3A_671] {strides = array<i32>} : memref<128xi32, #tpu.memory_space<vmem>>, vector<16xi32>,
        %swap3A_673 = vector.shape_cast %swap3A_672 : vector<16xi32> to vector<16xi32>
        %swap3A_674 = vector.shape_cast %and3A_670 : vector<16xi32> to vector<16xi32>
        tpu.vector_store %arg10[%swap3A_671], %swap3A_674 {strides = array<i32>} : memref<128xi32, #tpu.memory_space<vmem>>, vector<16xi32>,
        %shift_right_logical3A_675 = arith.constant 16 : i32
        %shift_right_logical3A_676 = vector.broadcast %shift_right_logical3A_675 : i32 to vector<16xi32>
        %shift_right_logical3A_677 = arith.shrui %get3A_667, %shift_right_logical3A_676 : vector<16xi32>
        %swap3A_678 = arith.constant 0 : index
        %swap3A_679 = tpu.vector_load %arg11[%swap3A_678] {strides = array<i32>} : memref<128xi32, #tpu.memory_space<vmem>>, vector<16xi32>,
        %swap3A_680 = vector.shape_cast %swap3A_679 : vector<16xi32> to vector<16xi32>
        %swap3A_681 = vector.shape_cast %shift_right_logical3A_677 : vector<16xi32> to vector<16xi32>
        tpu.vector_store %arg11[%swap3A_678], %swap3A_681 {strides = array<i32>} : memref<128xi32, #tpu.memory_space<vmem>>, vector<16xi32>,
        %get3A_682 = arith.index_cast %min3A_663 : i32 to index
        %get3A_683 = arith.constant 16 : index
        %get3A_684 = tpu.vector_load %arg7[%get3A_682, %get3A_683] {strides = array<i32>} : memref<118x128xi32, #tpu.memory_space<vmem>>, vector<1x16xi32>,
        %get3A_685 = vector.shape_cast %get3A_684 : vector<1x16xi32> to vector<16xi32>
        %and3A_686 = arith.constant 65535 : i32
        %and3A_687 = vector.broadcast %and3A_686 : i32 to vector<16xi32>
        %and3A_688 = arith.andi %get3A_685, %and3A_687 : vector<16xi32>
        %swap3A_689 = arith.constant 16 : index
        %swap3A_690 = tpu.vector_load %arg10[%swap3A_689] {strides = array<i32>} : memref<128xi32, #tpu.memory_space<vmem>>, vector<16xi32>,
        %swap3A_691 = vector.shape_cast %swap3A_690 : vector<16xi32> to vector<16xi32>
        %swap3A_692 = vector.shape_cast %and3A_688 : vector<16xi32> to vector<16xi32>
        tpu.vector_store %arg10[%swap3A_689], %swap3A_692 {strides = array<i32>} : memref<128xi32, #tpu.memory_space<vmem>>, vector<16xi32>,
        %shift_right_logical3A_693 = arith.constant 16 : i32
        %shift_right_logical3A_694 = vector.broadcast %shift_right_logical3A_693 : i32 to vector<16xi32>
        %shift_right_logical3A_695 = arith.shrui %get3A_685, %shift_right_logical3A_694 : vector<16xi32>
        %swap3A_696 = arith.constant 16 : index
        %swap3A_697 = tpu.vector_load %arg11[%swap3A_696] {strides = array<i32>} : memref<128xi32, #tpu.memory_space<vmem>>, vector<16xi32>,
        %swap3A_698 = vector.shape_cast %swap3A_697 : vector<16xi32> to vector<16xi32>
        %swap3A_699 = vector.shape_cast %shift_right_logical3A_695 : vector<16xi32> to vector<16xi32>
        tpu.vector_store %arg11[%swap3A_696], %swap3A_699 {strides = array<i32>} : memref<128xi32, #tpu.memory_space<vmem>>, vector<16xi32>,
        %get3A_700 = arith.index_cast %min3A_663 : i32 to index
        %get3A_701 = arith.constant 32 : index
        %get3A_702 = tpu.vector_load %arg7[%get3A_700, %get3A_701] {strides = array<i32>} : memref<118x128xi32, #tpu.memory_space<vmem>>, vector<1x16xi32>,
        %get3A_703 = vector.shape_cast %get3A_702 : vector<1x16xi32> to vector<16xi32>
        %and3A_704 = arith.constant 65535 : i32
        %and3A_705 = vector.broadcast %and3A_704 : i32 to vector<16xi32>
        %and3A_706 = arith.andi %get3A_703, %and3A_705 : vector<16xi32>
        %swap3A_707 = arith.constant 32 : index
        %swap3A_708 = tpu.vector_load %arg10[%swap3A_707] {strides = array<i32>} : memref<128xi32, #tpu.memory_space<vmem>>, vector<16xi32>,
        %swap3A_709 = vector.shape_cast %swap3A_708 : vector<16xi32> to vector<16xi32>
        %swap3A_710 = vector.shape_cast %and3A_706 : vector<16xi32> to vector<16xi32>
        tpu.vector_store %arg10[%swap3A_707], %swap3A_710 {strides = array<i32>} : memref<128xi32, #tpu.memory_space<vmem>>, vector<16xi32>,
        %shift_right_logical3A_711 = arith.constant 16 : i32
        %shift_right_logical3A_712 = vector.broadcast %shift_right_logical3A_711 : i32 to vector<16xi32>
        %shift_right_logical3A_713 = arith.shrui %get3A_703, %shift_right_logical3A_712 : vector<16xi32>
        %swap3A_714 = arith.constant 32 : index
        %swap3A_715 = tpu.vector_load %arg11[%swap3A_714] {strides = array<i32>} : memref<128xi32, #tpu.memory_space<vmem>>, vector<16xi32>,
        %swap3A_716 = vector.shape_cast %swap3A_715 : vector<16xi32> to vector<16xi32>
        %swap3A_717 = vector.shape_cast %shift_right_logical3A_713 : vector<16xi32> to vector<16xi32>
        tpu.vector_store %arg11[%swap3A_714], %swap3A_717 {strides = array<i32>} : memref<128xi32, #tpu.memory_space<vmem>>, vector<16xi32>,
        %get3A_718 = arith.index_cast %min3A_663 : i32 to index
        %get3A_719 = arith.constant 48 : index
        %get3A_720 = tpu.vector_load %arg7[%get3A_718, %get3A_719] {strides = array<i32>} : memref<118x128xi32, #tpu.memory_space<vmem>>, vector<1x16xi32>,
        %get3A_721 = vector.shape_cast %get3A_720 : vector<1x16xi32> to vector<16xi32>
        %and3A_722 = arith.constant 65535 : i32
        %and3A_723 = vector.broadcast %and3A_722 : i32 to vector<16xi32>
        %and3A_724 = arith.andi %get3A_721, %and3A_723 : vector<16xi32>
        %swap3A_725 = arith.constant 48 : index
        %swap3A_726 = tpu.vector_load %arg10[%swap3A_725] {strides = array<i32>} : memref<128xi32, #tpu.memory_space<vmem>>, vector<16xi32>,
        %swap3A_727 = vector.shape_cast %swap3A_726 : vector<16xi32> to vector<16xi32>
        %swap3A_728 = vector.shape_cast %and3A_724 : vector<16xi32> to vector<16xi32>
        tpu.vector_store %arg10[%swap3A_725], %swap3A_728 {strides = array<i32>} : memref<128xi32, #tpu.memory_space<vmem>>, vector<16xi32>,
        %shift_right_logical3A_729 = arith.constant 16 : i32
        %shift_right_logical3A_730 = vector.broadcast %shift_right_logical3A_729 : i32 to vector<16xi32>
        %shift_right_logical3A_731 = arith.shrui %get3A_721, %shift_right_logical3A_730 : vector<16xi32>
        %swap3A_732 = arith.constant 48 : index
        %swap3A_733 = tpu.vector_load %arg11[%swap3A_732] {strides = array<i32>} : memref<128xi32, #tpu.memory_space<vmem>>, vector<16xi32>,
        %swap3A_734 = vector.shape_cast %swap3A_733 : vector<16xi32> to vector<16xi32>
        %swap3A_735 = vector.shape_cast %shift_right_logical3A_731 : vector<16xi32> to vector<16xi32>
        tpu.vector_store %arg11[%swap3A_732], %swap3A_735 {strides = array<i32>} : memref<128xi32, #tpu.memory_space<vmem>>, vector<16xi32>,
        %get3A_736 = arith.index_cast %min3A_663 : i32 to index
        %get3A_737 = arith.constant 64 : index
        %get3A_738 = tpu.vector_load %arg7[%get3A_736, %get3A_737] {strides = array<i32>} : memref<118x128xi32, #tpu.memory_space<vmem>>, vector<1x16xi32>,
        %get3A_739 = vector.shape_cast %get3A_738 : vector<1x16xi32> to vector<16xi32>
        %and3A_740 = arith.constant 65535 : i32
        %and3A_741 = vector.broadcast %and3A_740 : i32 to vector<16xi32>
        %and3A_742 = arith.andi %get3A_739, %and3A_741 : vector<16xi32>
        %swap3A_743 = arith.constant 64 : index
        %swap3A_744 = tpu.vector_load %arg10[%swap3A_743] {strides = array<i32>} : memref<128xi32, #tpu.memory_space<vmem>>, vector<16xi32>,
        %swap3A_745 = vector.shape_cast %swap3A_744 : vector<16xi32> to vector<16xi32>
        %swap3A_746 = vector.shape_cast %and3A_742 : vector<16xi32> to vector<16xi32>
        tpu.vector_store %arg10[%swap3A_743], %swap3A_746 {strides = array<i32>} : memref<128xi32, #tpu.memory_space<vmem>>, vector<16xi32>,
        %shift_right_logical3A_747 = arith.constant 16 : i32
        %shift_right_logical3A_748 = vector.broadcast %shift_right_logical3A_747 : i32 to vector<16xi32>
        %shift_right_logical3A_749 = arith.shrui %get3A_739, %shift_right_logical3A_748 : vector<16xi32>
        %swap3A_750 = arith.constant 64 : index
        %swap3A_751 = tpu.vector_load %arg11[%swap3A_750] {strides = array<i32>} : memref<128xi32, #tpu.memory_space<vmem>>, vector<16xi32>,
        %swap3A_752 = vector.shape_cast %swap3A_751 : vector<16xi32> to vector<16xi32>
        %swap3A_753 = vector.shape_cast %shift_right_logical3A_749 : vector<16xi32> to vector<16xi32>
        tpu.vector_store %arg11[%swap3A_750], %swap3A_753 {strides = array<i32>} : memref<128xi32, #tpu.memory_space<vmem>>, vector<16xi32>,
        %get3A_754 = arith.index_cast %min3A_663 : i32 to index
        %get3A_755 = arith.constant 80 : index
        %get3A_756 = tpu.vector_load %arg7[%get3A_754, %get3A_755] {strides = array<i32>} : memref<118x128xi32, #tpu.memory_space<vmem>>, vector<1x16xi32>,
        %get3A_757 = vector.shape_cast %get3A_756 : vector<1x16xi32> to vector<16xi32>
        %and3A_758 = arith.constant 65535 : i32
        %and3A_759 = vector.broadcast %and3A_758 : i32 to vector<16xi32>
        %and3A_760 = arith.andi %get3A_757, %and3A_759 : vector<16xi32>
        %swap3A_761 = arith.constant 80 : index
        %swap3A_762 = tpu.vector_load %arg10[%swap3A_761] {strides = array<i32>} : memref<128xi32, #tpu.memory_space<vmem>>, vector<16xi32>,
        %swap3A_763 = vector.shape_cast %swap3A_762 : vector<16xi32> to vector<16xi32>
        %swap3A_764 = vector.shape_cast %and3A_760 : vector<16xi32> to vector<16xi32>
        tpu.vector_store %arg10[%swap3A_761], %swap3A_764 {strides = array<i32>} : memref<128xi32, #tpu.memory_space<vmem>>, vector<16xi32>,
        %shift_right_logical3A_765 = arith.constant 16 : i32
        %shift_right_logical3A_766 = vector.broadcast %shift_right_logical3A_765 : i32 to vector<16xi32>
        %shift_right_logical3A_767 = arith.shrui %get3A_757, %shift_right_logical3A_766 : vector<16xi32>
        %swap3A_768 = arith.constant 80 : index
        %swap3A_769 = tpu.vector_load %arg11[%swap3A_768] {strides = array<i32>} : memref<128xi32, #tpu.memory_space<vmem>>, vector<16xi32>,
        %swap3A_770 = vector.shape_cast %swap3A_769 : vector<16xi32> to vector<16xi32>
        %swap3A_771 = vector.shape_cast %shift_right_logical3A_767 : vector<16xi32> to vector<16xi32>
        tpu.vector_store %arg11[%swap3A_768], %swap3A_771 {strides = array<i32>} : memref<128xi32, #tpu.memory_space<vmem>>, vector<16xi32>,
        %get3A_772 = arith.index_cast %min3A_663 : i32 to index
        %get3A_773 = arith.constant 96 : index
        %get3A_774 = tpu.vector_load %arg7[%get3A_772, %get3A_773] {strides = array<i32>} : memref<118x128xi32, #tpu.memory_space<vmem>>, vector<1x16xi32>,
        %get3A_775 = vector.shape_cast %get3A_774 : vector<1x16xi32> to vector<16xi32>
        %and3A_776 = arith.constant 65535 : i32
        %and3A_777 = vector.broadcast %and3A_776 : i32 to vector<16xi32>
        %and3A_778 = arith.andi %get3A_775, %and3A_777 : vector<16xi32>
        %swap3A_779 = arith.constant 96 : index
        %swap3A_780 = tpu.vector_load %arg10[%swap3A_779] {strides = array<i32>} : memref<128xi32, #tpu.memory_space<vmem>>, vector<16xi32>,
        %swap3A_781 = vector.shape_cast %swap3A_780 : vector<16xi32> to vector<16xi32>
        %swap3A_782 = vector.shape_cast %and3A_778 : vector<16xi32> to vector<16xi32>
        tpu.vector_store %arg10[%swap3A_779], %swap3A_782 {strides = array<i32>} : memref<128xi32, #tpu.memory_space<vmem>>, vector<16xi32>,
        %shift_right_logical3A_783 = arith.constant 16 : i32
        %shift_right_logical3A_784 = vector.broadcast %shift_right_logical3A_783 : i32 to vector<16xi32>
        %shift_right_logical3A_785 = arith.shrui %get3A_775, %shift_right_logical3A_784 : vector<16xi32>
        %swap3A_786 = arith.constant 96 : index
        %swap3A_787 = tpu.vector_load %arg11[%swap3A_786] {strides = array<i32>} : memref<128xi32, #tpu.memory_space<vmem>>, vector<16xi32>,
        %swap3A_788 = vector.shape_cast %swap3A_787 : vector<16xi32> to vector<16xi32>
        %swap3A_789 = vector.shape_cast %shift_right_logical3A_785 : vector<16xi32> to vector<16xi32>
        tpu.vector_store %arg11[%swap3A_786], %swap3A_789 {strides = array<i32>} : memref<128xi32, #tpu.memory_space<vmem>>, vector<16xi32>,
        %get3A_790 = arith.index_cast %min3A_663 : i32 to index
        %get3A_791 = arith.constant 112 : index
        %get3A_792 = tpu.vector_load %arg7[%get3A_790, %get3A_791] {strides = array<i32>} : memref<118x128xi32, #tpu.memory_space<vmem>>, vector<1x16xi32>,
        %get3A_793 = vector.shape_cast %get3A_792 : vector<1x16xi32> to vector<16xi32>
        %and3A_794 = arith.constant 65535 : i32
        %and3A_795 = vector.broadcast %and3A_794 : i32 to vector<16xi32>
        %and3A_796 = arith.andi %get3A_793, %and3A_795 : vector<16xi32>
        %swap3A_797 = arith.constant 112 : index
        %swap3A_798 = tpu.vector_load %arg10[%swap3A_797] {strides = array<i32>} : memref<128xi32, #tpu.memory_space<vmem>>, vector<16xi32>,
        %swap3A_799 = vector.shape_cast %swap3A_798 : vector<16xi32> to vector<16xi32>
        %swap3A_800 = vector.shape_cast %and3A_796 : vector<16xi32> to vector<16xi32>
        tpu.vector_store %arg10[%swap3A_797], %swap3A_800 {strides = array<i32>} : memref<128xi32, #tpu.memory_space<vmem>>, vector<16xi32>,
        %shift_right_logical3A_801 = arith.constant 16 : i32
        %shift_right_logical3A_802 = vector.broadcast %shift_right_logical3A_801 : i32 to vector<16xi32>
        %shift_right_logical3A_803 = arith.shrui %get3A_793, %shift_right_logical3A_802 : vector<16xi32>
        %swap3A_804 = arith.constant 112 : index
        %swap3A_805 = tpu.vector_load %arg11[%swap3A_804] {strides = array<i32>} : memref<128xi32, #tpu.memory_space<vmem>>, vector<16xi32>,
        %swap3A_806 = vector.shape_cast %swap3A_805 : vector<16xi32> to vector<16xi32>
        %swap3A_807 = vector.shape_cast %shift_right_logical3A_803 : vector<16xi32> to vector<16xi32>
        tpu.vector_store %arg11[%swap3A_804], %swap3A_807 {strides = array<i32>} : memref<128xi32, #tpu.memory_space<vmem>>, vector<16xi32>,
        %lt3A = arith.constant 58 : i32
        %lt3A_808 = arith.cmpi slt, %scan3A_497, %lt3A : i32
        %convert_element_type3A_809 = arith.extui %lt3A_808 : i1 to i32
        %cond3A_810 = arith.constant 0 : i32
        %cond3A_811 = arith.cmpi ne, %convert_element_type3A_809, %cond3A_810 : i32
        scf.if %cond3A_811 {
          %dma_start3A_818 = arith.constant 0 : i32
          %dma_start3A_819 = arith.constant 0 : i32
          %dma_start3A_820 = tpu.memref_slice %arg2[%dma_start3A_818, %dma_start3A_819] : memref<10000x128xf32, #tpu.memory_space<hbm>> -> memref<10000x128xf32, #tpu.memory_space<hbm>>
          tpu.enqueue_indirect_dma source(%dma_start3A_820 : memref<10000x128xf32, #tpu.memory_space<hbm>>) target(%arg8 : memref<128x128xf32, #tpu.memory_space<vmem>>) offsets(%arg10 : memref<128xi32, #tpu.memory_space<vmem>>) semaphore(%arg14 : memref<!tpu.dma_semaphore, #tpu.memory_space<semaphore_mem>>)
        } else {
        }
        %dma_wait3A_812 = arith.constant 0 : i32
        %dma_wait3A_813 = arith.constant 0 : i32
        %dma_wait3A_814 = tpu.memref_slice %arg2[%dma_wait3A_812, %dma_wait3A_813] : memref<10000x128xf32, #tpu.memory_space<hbm>> -> memref<10000x128xf32, #tpu.memory_space<hbm>>
        tpu.wait_indirect_dma semaphore(%arg15 : memref<!tpu.dma_semaphore, #tpu.memory_space<semaphore_mem>>) src(%dma_wait3A_814 : memref<10000x128xf32, #tpu.memory_space<hbm>>) dst(%arg9 : memref<128x128xf32, #tpu.memory_space<vmem>>)
        %dma_start3A_815 = arith.constant 0 : i32
        %dma_start3A_816 = arith.constant 0 : i32
        %dma_start3A_817 = tpu.memref_slice %arg6[%dma_start3A_815, %dma_start3A_816] : memref<10240x128xf32, #tpu.memory_space<vmem_shared>> -> memref<10240x128xf32, #tpu.memory_space<vmem_shared>>
        tpu.enqueue_indirect_dma source(%arg9 : memref<128x128xf32, #tpu.memory_space<vmem>>) target(%dma_start3A_817 : memref<10240x128xf32, #tpu.memory_space<vmem_shared>>) offsets(%arg13 : memref<128xi32, #tpu.memory_space<vmem>>) semaphore(%arg17 : memref<!tpu.dma_semaphore, #tpu.memory_space<semaphore_mem>>) {add = true}
      }
      %scan3A_493 = arith.constant 58 : i32
      %dma_wait3A_494 = arith.constant 0 : i32
      %dma_wait3A_495 = arith.constant 0 : i32
      %dma_wait3A_496 = tpu.memref_slice %arg6[%dma_wait3A_494, %dma_wait3A_495] : memref<10240x128xf32, #tpu.memory_space<vmem_shared>> -> memref<10240x128xf32, #tpu.memory_space<vmem_shared>>
      tpu.wait_indirect_dma semaphore(%arg17 : memref<!tpu.dma_semaphore, #tpu.memory_space<semaphore_mem>>) src(%arg9 : memref<128x128xf32, #tpu.memory_space<vmem>>) dst(%dma_wait3A_496 : memref<10240x128xf32, #tpu.memory_space<vmem_shared>>)
    } else {
    }
    %eq3A_5 = arith.constant 1 : i32
    %eq3A_6 = arith.cmpi eq, %arg0, %eq3A_5 : i32
    %convert_element_type3A_7 = arith.extui %eq3A_6 : i1 to i32
    %cond3A_8 = arith.constant 0 : i32
    %cond3A_9 = arith.cmpi ne, %convert_element_type3A_7, %cond3A_8 : i32
    scf.if %cond3A_9 {
      %scan3A = arith.constant 0 : i32
      %scan3A_15 = arith.constant 0 : i32
      %scan3A_16 = arith.constant 39 : i32
      %scan3A_17 = arith.addi %scan3A_15, %scan3A_16 : i32
      %scan3A_18 = arith.constant 1 : i32
      scf.for %scan3A_20 = %scan3A_15 to %scan3A_17 step %scan3A_18  : i32 {
        %get3A = arith.index_cast %scan3A_20 : i32 to index
        %get3A_21 = arith.constant 0 : index
        %get3A_22 = tpu.vector_load %arg7[%get3A, %get3A_21] {strides = array<i32>} : memref<118x128xi32, #tpu.memory_space<vmem>>, vector<1x16xi32>,
        %get3A_23 = vector.shape_cast %get3A_22 : vector<1x16xi32> to vector<16xi32>
        %and3A = arith.constant 65535 : i32
        %and3A_24 = vector.broadcast %and3A : i32 to vector<16xi32>
        %and3A_25 = arith.andi %get3A_23, %and3A_24 : vector<16xi32>
        %swap3A = arith.constant 0 : index
        %swap3A_26 = tpu.vector_load %arg10[%swap3A] {strides = array<i32>} : memref<128xi32, #tpu.memory_space<vmem>>, vector<16xi32>,
        %swap3A_27 = vector.shape_cast %swap3A_26 : vector<16xi32> to vector<16xi32>
        %swap3A_28 = vector.shape_cast %and3A_25 : vector<16xi32> to vector<16xi32>
        tpu.vector_store %arg10[%swap3A], %swap3A_28 {strides = array<i32>} : memref<128xi32, #tpu.memory_space<vmem>>, vector<16xi32>,
        %shift_right_logical3A = arith.constant 16 : i32
        %shift_right_logical3A_29 = vector.broadcast %shift_right_logical3A : i32 to vector<16xi32>
        %shift_right_logical3A_30 = arith.shrui %get3A_23, %shift_right_logical3A_29 : vector<16xi32>
        %swap3A_31 = arith.constant 0 : index
        %swap3A_32 = tpu.vector_load %arg11[%swap3A_31] {strides = array<i32>} : memref<128xi32, #tpu.memory_space<vmem>>, vector<16xi32>,
        %swap3A_33 = vector.shape_cast %swap3A_32 : vector<16xi32> to vector<16xi32>
        %swap3A_34 = vector.shape_cast %shift_right_logical3A_30 : vector<16xi32> to vector<16xi32>
        tpu.vector_store %arg11[%swap3A_31], %swap3A_34 {strides = array<i32>} : memref<128xi32, #tpu.memory_space<vmem>>, vector<16xi32>,
        %get3A_35 = arith.index_cast %scan3A_20 : i32 to index
        %get3A_36 = arith.constant 16 : index
        %get3A_37 = tpu.vector_load %arg7[%get3A_35, %get3A_36] {strides = array<i32>} : memref<118x128xi32, #tpu.memory_space<vmem>>, vector<1x16xi32>,
        %get3A_38 = vector.shape_cast %get3A_37 : vector<1x16xi32> to vector<16xi32>
        %and3A_39 = arith.constant 65535 : i32
        %and3A_40 = vector.broadcast %and3A_39 : i32 to vector<16xi32>
        %and3A_41 = arith.andi %get3A_38, %and3A_40 : vector<16xi32>
        %swap3A_42 = arith.constant 16 : index
        %swap3A_43 = tpu.vector_load %arg10[%swap3A_42] {strides = array<i32>} : memref<128xi32, #tpu.memory_space<vmem>>, vector<16xi32>,
        %swap3A_44 = vector.shape_cast %swap3A_43 : vector<16xi32> to vector<16xi32>
        %swap3A_45 = vector.shape_cast %and3A_41 : vector<16xi32> to vector<16xi32>
        tpu.vector_store %arg10[%swap3A_42], %swap3A_45 {strides = array<i32>} : memref<128xi32, #tpu.memory_space<vmem>>, vector<16xi32>,
        %shift_right_logical3A_46 = arith.constant 16 : i32
        %shift_right_logical3A_47 = vector.broadcast %shift_right_logical3A_46 : i32 to vector<16xi32>
        %shift_right_logical3A_48 = arith.shrui %get3A_38, %shift_right_logical3A_47 : vector<16xi32>
        %swap3A_49 = arith.constant 16 : index
        %swap3A_50 = tpu.vector_load %arg11[%swap3A_49] {strides = array<i32>} : memref<128xi32, #tpu.memory_space<vmem>>, vector<16xi32>,
        %swap3A_51 = vector.shape_cast %swap3A_50 : vector<16xi32> to vector<16xi32>
        %swap3A_52 = vector.shape_cast %shift_right_logical3A_48 : vector<16xi32> to vector<16xi32>
        tpu.vector_store %arg11[%swap3A_49], %swap3A_52 {strides = array<i32>} : memref<128xi32, #tpu.memory_space<vmem>>, vector<16xi32>,
        %get3A_53 = arith.index_cast %scan3A_20 : i32 to index
        %get3A_54 = arith.constant 32 : index
        %get3A_55 = tpu.vector_load %arg7[%get3A_53, %get3A_54] {strides = array<i32>} : memref<118x128xi32, #tpu.memory_space<vmem>>, vector<1x16xi32>,
        %get3A_56 = vector.shape_cast %get3A_55 : vector<1x16xi32> to vector<16xi32>
        %and3A_57 = arith.constant 65535 : i32
        %and3A_58 = vector.broadcast %and3A_57 : i32 to vector<16xi32>
        %and3A_59 = arith.andi %get3A_56, %and3A_58 : vector<16xi32>
        %swap3A_60 = arith.constant 32 : index
        %swap3A_61 = tpu.vector_load %arg10[%swap3A_60] {strides = array<i32>} : memref<128xi32, #tpu.memory_space<vmem>>, vector<16xi32>,
        %swap3A_62 = vector.shape_cast %swap3A_61 : vector<16xi32> to vector<16xi32>
        %swap3A_63 = vector.shape_cast %and3A_59 : vector<16xi32> to vector<16xi32>
        tpu.vector_store %arg10[%swap3A_60], %swap3A_63 {strides = array<i32>} : memref<128xi32, #tpu.memory_space<vmem>>, vector<16xi32>,
        %shift_right_logical3A_64 = arith.constant 16 : i32
        %shift_right_logical3A_65 = vector.broadcast %shift_right_logical3A_64 : i32 to vector<16xi32>
        %shift_right_logical3A_66 = arith.shrui %get3A_56, %shift_right_logical3A_65 : vector<16xi32>
        %swap3A_67 = arith.constant 32 : index
        %swap3A_68 = tpu.vector_load %arg11[%swap3A_67] {strides = array<i32>} : memref<128xi32, #tpu.memory_space<vmem>>, vector<16xi32>,
        %swap3A_69 = vector.shape_cast %swap3A_68 : vector<16xi32> to vector<16xi32>
        %swap3A_70 = vector.shape_cast %shift_right_logical3A_66 : vector<16xi32> to vector<16xi32>
        tpu.vector_store %arg11[%swap3A_67], %swap3A_70 {strides = array<i32>} : memref<128xi32, #tpu.memory_space<vmem>>, vector<16xi32>,
        %get3A_71 = arith.index_cast %scan3A_20 : i32 to index
        %get3A_72 = arith.constant 48 : index
        %get3A_73 = tpu.vector_load %arg7[%get3A_71, %get3A_72] {strides = array<i32>} : memref<118x128xi32, #tpu.memory_space<vmem>>, vector<1x16xi32>,
        %get3A_74 = vector.shape_cast %get3A_73 : vector<1x16xi32> to vector<16xi32>
        %and3A_75 = arith.constant 65535 : i32
        %and3A_76 = vector.broadcast %and3A_75 : i32 to vector<16xi32>
        %and3A_77 = arith.andi %get3A_74, %and3A_76 : vector<16xi32>
        %swap3A_78 = arith.constant 48 : index
        %swap3A_79 = tpu.vector_load %arg10[%swap3A_78] {strides = array<i32>} : memref<128xi32, #tpu.memory_space<vmem>>, vector<16xi32>,
        %swap3A_80 = vector.shape_cast %swap3A_79 : vector<16xi32> to vector<16xi32>
        %swap3A_81 = vector.shape_cast %and3A_77 : vector<16xi32> to vector<16xi32>
        tpu.vector_store %arg10[%swap3A_78], %swap3A_81 {strides = array<i32>} : memref<128xi32, #tpu.memory_space<vmem>>, vector<16xi32>,
        %shift_right_logical3A_82 = arith.constant 16 : i32
        %shift_right_logical3A_83 = vector.broadcast %shift_right_logical3A_82 : i32 to vector<16xi32>
        %shift_right_logical3A_84 = arith.shrui %get3A_74, %shift_right_logical3A_83 : vector<16xi32>
        %swap3A_85 = arith.constant 48 : index
        %swap3A_86 = tpu.vector_load %arg11[%swap3A_85] {strides = array<i32>} : memref<128xi32, #tpu.memory_space<vmem>>, vector<16xi32>,
        %swap3A_87 = vector.shape_cast %swap3A_86 : vector<16xi32> to vector<16xi32>
        %swap3A_88 = vector.shape_cast %shift_right_logical3A_84 : vector<16xi32> to vector<16xi32>
        tpu.vector_store %arg11[%swap3A_85], %swap3A_88 {strides = array<i32>} : memref<128xi32, #tpu.memory_space<vmem>>, vector<16xi32>,
        %get3A_89 = arith.index_cast %scan3A_20 : i32 to index
        %get3A_90 = arith.constant 64 : index
        %get3A_91 = tpu.vector_load %arg7[%get3A_89, %get3A_90] {strides = array<i32>} : memref<118x128xi32, #tpu.memory_space<vmem>>, vector<1x16xi32>,
        %get3A_92 = vector.shape_cast %get3A_91 : vector<1x16xi32> to vector<16xi32>
        %and3A_93 = arith.constant 65535 : i32
        %and3A_94 = vector.broadcast %and3A_93 : i32 to vector<16xi32>
        %and3A_95 = arith.andi %get3A_92, %and3A_94 : vector<16xi32>
        %swap3A_96 = arith.constant 64 : index
        %swap3A_97 = tpu.vector_load %arg10[%swap3A_96] {strides = array<i32>} : memref<128xi32, #tpu.memory_space<vmem>>, vector<16xi32>,
        %swap3A_98 = vector.shape_cast %swap3A_97 : vector<16xi32> to vector<16xi32>
        %swap3A_99 = vector.shape_cast %and3A_95 : vector<16xi32> to vector<16xi32>
        tpu.vector_store %arg10[%swap3A_96], %swap3A_99 {strides = array<i32>} : memref<128xi32, #tpu.memory_space<vmem>>, vector<16xi32>,
        %shift_right_logical3A_100 = arith.constant 16 : i32
        %shift_right_logical3A_101 = vector.broadcast %shift_right_logical3A_100 : i32 to vector<16xi32>
        %shift_right_logical3A_102 = arith.shrui %get3A_92, %shift_right_logical3A_101 : vector<16xi32>
        %swap3A_103 = arith.constant 64 : index
        %swap3A_104 = tpu.vector_load %arg11[%swap3A_103] {strides = array<i32>} : memref<128xi32, #tpu.memory_space<vmem>>, vector<16xi32>,
        %swap3A_105 = vector.shape_cast %swap3A_104 : vector<16xi32> to vector<16xi32>
        %swap3A_106 = vector.shape_cast %shift_right_logical3A_102 : vector<16xi32> to vector<16xi32>
        tpu.vector_store %arg11[%swap3A_103], %swap3A_106 {strides = array<i32>} : memref<128xi32, #tpu.memory_space<vmem>>, vector<16xi32>,
        %get3A_107 = arith.index_cast %scan3A_20 : i32 to index
        %get3A_108 = arith.constant 80 : index
        %get3A_109 = tpu.vector_load %arg7[%get3A_107, %get3A_108] {strides = array<i32>} : memref<118x128xi32, #tpu.memory_space<vmem>>, vector<1x16xi32>,
        %get3A_110 = vector.shape_cast %get3A_109 : vector<1x16xi32> to vector<16xi32>
        %and3A_111 = arith.constant 65535 : i32
        %and3A_112 = vector.broadcast %and3A_111 : i32 to vector<16xi32>
        %and3A_113 = arith.andi %get3A_110, %and3A_112 : vector<16xi32>
        %swap3A_114 = arith.constant 80 : index
        %swap3A_115 = tpu.vector_load %arg10[%swap3A_114] {strides = array<i32>} : memref<128xi32, #tpu.memory_space<vmem>>, vector<16xi32>,
        %swap3A_116 = vector.shape_cast %swap3A_115 : vector<16xi32> to vector<16xi32>
        %swap3A_117 = vector.shape_cast %and3A_113 : vector<16xi32> to vector<16xi32>
        tpu.vector_store %arg10[%swap3A_114], %swap3A_117 {strides = array<i32>} : memref<128xi32, #tpu.memory_space<vmem>>, vector<16xi32>,
        %shift_right_logical3A_118 = arith.constant 16 : i32
        %shift_right_logical3A_119 = vector.broadcast %shift_right_logical3A_118 : i32 to vector<16xi32>
        %shift_right_logical3A_120 = arith.shrui %get3A_110, %shift_right_logical3A_119 : vector<16xi32>
        %swap3A_121 = arith.constant 80 : index
        %swap3A_122 = tpu.vector_load %arg11[%swap3A_121] {strides = array<i32>} : memref<128xi32, #tpu.memory_space<vmem>>, vector<16xi32>,
        %swap3A_123 = vector.shape_cast %swap3A_122 : vector<16xi32> to vector<16xi32>
        %swap3A_124 = vector.shape_cast %shift_right_logical3A_120 : vector<16xi32> to vector<16xi32>
        tpu.vector_store %arg11[%swap3A_121], %swap3A_124 {strides = array<i32>} : memref<128xi32, #tpu.memory_space<vmem>>, vector<16xi32>,
        %get3A_125 = arith.index_cast %scan3A_20 : i32 to index
        %get3A_126 = arith.constant 96 : index
        %get3A_127 = tpu.vector_load %arg7[%get3A_125, %get3A_126] {strides = array<i32>} : memref<118x128xi32, #tpu.memory_space<vmem>>, vector<1x16xi32>,
        %get3A_128 = vector.shape_cast %get3A_127 : vector<1x16xi32> to vector<16xi32>
        %and3A_129 = arith.constant 65535 : i32
        %and3A_130 = vector.broadcast %and3A_129 : i32 to vector<16xi32>
        %and3A_131 = arith.andi %get3A_128, %and3A_130 : vector<16xi32>
        %swap3A_132 = arith.constant 96 : index
        %swap3A_133 = tpu.vector_load %arg10[%swap3A_132] {strides = array<i32>} : memref<128xi32, #tpu.memory_space<vmem>>, vector<16xi32>,
        %swap3A_134 = vector.shape_cast %swap3A_133 : vector<16xi32> to vector<16xi32>
        %swap3A_135 = vector.shape_cast %and3A_131 : vector<16xi32> to vector<16xi32>
        tpu.vector_store %arg10[%swap3A_132], %swap3A_135 {strides = array<i32>} : memref<128xi32, #tpu.memory_space<vmem>>, vector<16xi32>,
        %shift_right_logical3A_136 = arith.constant 16 : i32
        %shift_right_logical3A_137 = vector.broadcast %shift_right_logical3A_136 : i32 to vector<16xi32>
        %shift_right_logical3A_138 = arith.shrui %get3A_128, %shift_right_logical3A_137 : vector<16xi32>
        %swap3A_139 = arith.constant 96 : index
        %swap3A_140 = tpu.vector_load %arg11[%swap3A_139] {strides = array<i32>} : memref<128xi32, #tpu.memory_space<vmem>>, vector<16xi32>,
        %swap3A_141 = vector.shape_cast %swap3A_140 : vector<16xi32> to vector<16xi32>
        %swap3A_142 = vector.shape_cast %shift_right_logical3A_138 : vector<16xi32> to vector<16xi32>
        tpu.vector_store %arg11[%swap3A_139], %swap3A_142 {strides = array<i32>} : memref<128xi32, #tpu.memory_space<vmem>>, vector<16xi32>,
        %get3A_143 = arith.index_cast %scan3A_20 : i32 to index
        %get3A_144 = arith.constant 112 : index
        %get3A_145 = tpu.vector_load %arg7[%get3A_143, %get3A_144] {strides = array<i32>} : memref<118x128xi32, #tpu.memory_space<vmem>>, vector<1x16xi32>,
        %get3A_146 = vector.shape_cast %get3A_145 : vector<1x16xi32> to vector<16xi32>
        %and3A_147 = arith.constant 65535 : i32
        %and3A_148 = vector.broadcast %and3A_147 : i32 to vector<16xi32>
        %and3A_149 = arith.andi %get3A_146, %and3A_148 : vector<16xi32>
        %swap3A_150 = arith.constant 112 : index
        %swap3A_151 = tpu.vector_load %arg10[%swap3A_150] {strides = array<i32>} : memref<128xi32, #tpu.memory_space<vmem>>, vector<16xi32>,
        %swap3A_152 = vector.shape_cast %swap3A_151 : vector<16xi32> to vector<16xi32>
        %swap3A_153 = vector.shape_cast %and3A_149 : vector<16xi32> to vector<16xi32>
        tpu.vector_store %arg10[%swap3A_150], %swap3A_153 {strides = array<i32>} : memref<128xi32, #tpu.memory_space<vmem>>, vector<16xi32>,
        %shift_right_logical3A_154 = arith.constant 16 : i32
        %shift_right_logical3A_155 = vector.broadcast %shift_right_logical3A_154 : i32 to vector<16xi32>
        %shift_right_logical3A_156 = arith.shrui %get3A_146, %shift_right_logical3A_155 : vector<16xi32>
        %swap3A_157 = arith.constant 112 : index
        %swap3A_158 = tpu.vector_load %arg11[%swap3A_157] {strides = array<i32>} : memref<128xi32, #tpu.memory_space<vmem>>, vector<16xi32>,
        %swap3A_159 = vector.shape_cast %swap3A_158 : vector<16xi32> to vector<16xi32>
        %swap3A_160 = vector.shape_cast %shift_right_logical3A_156 : vector<16xi32> to vector<16xi32>
        tpu.vector_store %arg11[%swap3A_157], %swap3A_160 {strides = array<i32>} : memref<128xi32, #tpu.memory_space<vmem>>, vector<16xi32>,
        %dma_start3A = arith.constant 0 : i32
        %dma_start3A_161 = arith.constant 0 : i32
        %dma_start3A_162 = tpu.memref_slice %arg2[%dma_start3A, %dma_start3A_161] : memref<10000x128xf32, #tpu.memory_space<hbm>> -> memref<10000x128xf32, #tpu.memory_space<hbm>>
        tpu.enqueue_indirect_dma source(%dma_start3A_162 : memref<10000x128xf32, #tpu.memory_space<hbm>>) target(%arg8 : memref<128x128xf32, #tpu.memory_space<vmem>>) offsets(%arg10 : memref<128xi32, #tpu.memory_space<vmem>>) semaphore(%arg14 : memref<!tpu.dma_semaphore, #tpu.memory_space<semaphore_mem>>)
        %dma_wait3A = arith.constant 0 : i32
        %dma_wait3A_163 = arith.constant 0 : i32
        %dma_wait3A_164 = tpu.memref_slice %arg2[%dma_wait3A, %dma_wait3A_163] : memref<10000x128xf32, #tpu.memory_space<hbm>> -> memref<10000x128xf32, #tpu.memory_space<hbm>>
        tpu.wait_indirect_dma semaphore(%arg14 : memref<!tpu.dma_semaphore, #tpu.memory_space<semaphore_mem>>) src(%dma_wait3A_164 : memref<10000x128xf32, #tpu.memory_space<hbm>>) dst(%arg8 : memref<128x128xf32, #tpu.memory_space<vmem>>)
        "tpu.region"() ({
          %run_scoped3A = tpu.sem_alloc : memref<!tpu.dma_semaphore, #tpu.memory_space<semaphore_mem>>
          %dma_start3A_165 = arith.constant 0 : i32
          %dma_start3A_166 = arith.constant 0 : i32
          %dma_start3A_167 = tpu.memref_slice %arg6[%dma_start3A_165, %dma_start3A_166] : memref<10240x128xf32, #tpu.memory_space<vmem_shared>> -> memref<10240x128xf32, #tpu.memory_space<vmem_shared>>
          tpu.enqueue_indirect_dma source(%arg8 : memref<128x128xf32, #tpu.memory_space<vmem>>) target(%dma_start3A_167 : memref<10240x128xf32, #tpu.memory_space<vmem_shared>>) offsets(%arg11 : memref<128xi32, #tpu.memory_space<vmem>>) semaphore(%run_scoped3A : memref<!tpu.dma_semaphore, #tpu.memory_space<semaphore_mem>>) {add = true}
          %dma_wait3A_168 = arith.constant 0 : i32
          %dma_wait3A_169 = arith.constant 0 : i32
          %dma_wait3A_170 = tpu.memref_slice %arg6[%dma_wait3A_168, %dma_wait3A_169] : memref<10240x128xf32, #tpu.memory_space<vmem_shared>> -> memref<10240x128xf32, #tpu.memory_space<vmem_shared>>
          tpu.wait_indirect_dma semaphore(%run_scoped3A : memref<!tpu.dma_semaphore, #tpu.memory_space<semaphore_mem>>) src(%arg8 : memref<128x128xf32, #tpu.memory_space<vmem>>) dst(%dma_wait3A_170 : memref<10240x128xf32, #tpu.memory_space<vmem_shared>>)
          tpu.yield
        }) : () -> ()
      }
      %scan3A_19 = arith.constant 39 : i32
    } else {
    }
    %barrier3A_10 = arith.constant 0 : index
    tpu.barrier barrier_id(%barrier3A_10)
    %mul3A_11 = arith.constant 640 : i32
    %mul3A_12 = arith.muli %arg1, %mul3A_11 : i32
    %mul3A_13 = arith.constant 640 : i32
    %mul3A_14 = arith.muli %arg1, %mul3A_13 : i32
    "tpu.region"() ({
      %run_scoped3A = tpu.sem_alloc : memref<!tpu.dma_semaphore, #tpu.memory_space<semaphore_mem>>
      %dma_start3A = arith.constant 0 : i32
      %dma_start3A_15 = arith.constant 0 : i32
      %dma_start3A_16 = tpu.memref_slice %arg5[%arg0, %dma_start3A, %dma_start3A_15] : memref<2x10240x128xf32, #tpu.memory_space<hbm>> -> memref<1x10240x128xf32, #tpu.memory_space<hbm>>
      %dma_start3A_17 = tpu.memref_squeeze %dma_start3A_16 : memref<1x10240x128xf32, #tpu.memory_space<hbm>> -> memref<10240x128xf32, #tpu.memory_space<hbm>>
      %dma_start3A_18 = arith.constant 0 : i32
      %dma_start3A_19 = tpu.memref_slice %dma_start3A_17[%mul3A_14, %dma_start3A_18] : memref<10240x128xf32, #tpu.memory_space<hbm>> -> memref<640x128xf32, #tpu.memory_space<hbm>>
      %dma_start3A_20 = arith.constant 0 : i32
      %dma_start3A_21 = tpu.memref_slice %arg6[%mul3A_12, %dma_start3A_20] : memref<10240x128xf32, #tpu.memory_space<vmem_shared>> -> memref<640x128xf32, #tpu.memory_space<vmem_shared>>
      tpu.enqueue_dma source(%dma_start3A_21 : memref<640x128xf32, #tpu.memory_space<vmem_shared>>) target(%dma_start3A_19 : memref<640x128xf32, #tpu.memory_space<hbm>>) target_semaphore(%run_scoped3A : memref<!tpu.dma_semaphore, #tpu.memory_space<semaphore_mem>>)
      %dma_wait3A = arith.constant 0 : i32
      %dma_wait3A_22 = arith.constant 0 : i32
      %dma_wait3A_23 = tpu.memref_slice %arg5[%arg0, %dma_wait3A, %dma_wait3A_22] : memref<2x10240x128xf32, #tpu.memory_space<hbm>> -> memref<1x10240x128xf32, #tpu.memory_space<hbm>>
      %dma_wait3A_24 = tpu.memref_squeeze %dma_wait3A_23 : memref<1x10240x128xf32, #tpu.memory_space<hbm>> -> memref<10240x128xf32, #tpu.memory_space<hbm>>
      %dma_wait3A_25 = arith.constant 0 : i32
      %dma_wait3A_26 = tpu.memref_slice %dma_wait3A_24[%mul3A_14, %dma_wait3A_25] : memref<10240x128xf32, #tpu.memory_space<hbm>> -> memref<640x128xf32, #tpu.memory_space<hbm>>
      %dma_wait3A_27 = arith.constant 0 : i32
      %dma_wait3A_28 = tpu.memref_slice %arg6[%mul3A_12, %dma_wait3A_27] : memref<10240x128xf32, #tpu.memory_space<vmem_shared>> -> memref<640x128xf32, #tpu.memory_space<vmem_shared>>
      tpu.wait_dma2 semaphore(%run_scoped3A : memref<!tpu.dma_semaphore, #tpu.memory_space<semaphore_mem>>) src(%dma_wait3A_28 : memref<640x128xf32, #tpu.memory_space<vmem_shared>>) dst(%dma_wait3A_26 : memref<640x128xf32, #tpu.memory_space<hbm>>)
      tpu.yield
    }) : () -> ()
    return
  }
}

#map = affine_map<(d0, d1) -> (0, 0, 0)>
#map1 = affine_map<(d0, d1) -> (0, 0)>
module attributes {stable_mosaic.version = 14 : i64} {
  func.func @body(%arg0: i32, %arg1: i32, %arg2: memref<32x79x128xi32, #tpu.memory_space<hbm>>, %arg3: memref<640x128xf32, #tpu.memory_space<hbm>>, %arg4: memref<128x128xf32, #tpu.memory_space<hbm>>, %arg5: memref<2x10240x128xf32, #tpu.memory_space<hbm>>, %arg6: memref<10240x128xf32, #tpu.memory_space<vmem_shared>>, %arg7: memref<79x128xi32, #tpu.memory_space<vmem>>, %arg8: memref<128x128xf32, #tpu.memory_space<vmem>>) attributes {dimension_semantics = [#tpu.dimension_semantics<core_parallel>, #tpu.dimension_semantics<subcore_parallel>], iteration_bounds = array<i64: 2, 16>, scalar_prefetch = 0 : i64, scratch_operands = 3 : i64, tpu.core_type = #tpu.core_type<sc_vector_subcore>, window_params = [{transform_indices = #map}, {transform_indices = #map1}, {transform_indices = #map1}, {transform_indices = #map}]} {
    %mul3A = arith.constant 16 : i32
    %mul3A_0 = arith.muli %arg0, %mul3A : i32
    %add3A = arith.addi %mul3A_0, %arg1 : i32
    %mul3A_1 = arith.constant 640 : i32
    %mul3A_2 = arith.muli %arg1, %mul3A_1 : i32
    "tpu.region"() ({
      %run_scoped3A = tpu.sem_alloc : memref<!tpu.dma_semaphore, #tpu.memory_space<semaphore_mem>>
      %dma_start3A = arith.constant 0 : i32
      %dma_start3A_13 = tpu.memref_slice %arg6[%mul3A_2, %dma_start3A] : memref<10240x128xf32, #tpu.memory_space<vmem_shared>> -> memref<640x128xf32, #tpu.memory_space<vmem_shared>>
      tpu.enqueue_dma source(%arg3 : memref<640x128xf32, #tpu.memory_space<hbm>>) target(%dma_start3A_13 : memref<640x128xf32, #tpu.memory_space<vmem_shared>>) target_semaphore(%run_scoped3A : memref<!tpu.dma_semaphore, #tpu.memory_space<semaphore_mem>>)
      %dma_wait3A = arith.constant 0 : i32
      %dma_wait3A_14 = tpu.memref_slice %arg6[%mul3A_2, %dma_wait3A] : memref<10240x128xf32, #tpu.memory_space<vmem_shared>> -> memref<640x128xf32, #tpu.memory_space<vmem_shared>>
      tpu.wait_dma2 semaphore(%run_scoped3A : memref<!tpu.dma_semaphore, #tpu.memory_space<semaphore_mem>>) src(%arg3 : memref<640x128xf32, #tpu.memory_space<hbm>>) dst(%dma_wait3A_14 : memref<640x128xf32, #tpu.memory_space<vmem_shared>>)
      tpu.yield
    }) : () -> ()
    "tpu.region"() ({
      %run_scoped3A = tpu.sem_alloc : memref<!tpu.dma_semaphore, #tpu.memory_space<semaphore_mem>>
      tpu.enqueue_dma source(%arg4 : memref<128x128xf32, #tpu.memory_space<hbm>>) target(%arg8 : memref<128x128xf32, #tpu.memory_space<vmem>>) target_semaphore(%run_scoped3A : memref<!tpu.dma_semaphore, #tpu.memory_space<semaphore_mem>>)
      tpu.wait_dma2 semaphore(%run_scoped3A : memref<!tpu.dma_semaphore, #tpu.memory_space<semaphore_mem>>) src(%arg4 : memref<128x128xf32, #tpu.memory_space<hbm>>) dst(%arg8 : memref<128x128xf32, #tpu.memory_space<vmem>>)
      tpu.yield
    }) : () -> ()
    "tpu.region"() ({
      %run_scoped3A = tpu.sem_alloc : memref<!tpu.dma_semaphore, #tpu.memory_space<semaphore_mem>>
      %dma_start3A = arith.constant 0 : i32
      %dma_start3A_13 = arith.constant 0 : i32
      %dma_start3A_14 = tpu.memref_slice %arg2[%add3A, %dma_start3A, %dma_start3A_13] : memref<32x79x128xi32, #tpu.memory_space<hbm>> -> memref<1x79x128xi32, #tpu.memory_space<hbm>>
      %dma_start3A_15 = tpu.memref_squeeze %dma_start3A_14 : memref<1x79x128xi32, #tpu.memory_space<hbm>> -> memref<79x128xi32, #tpu.memory_space<hbm>>
      %dma_start3A_16 = arith.constant 0 : i32
      %dma_start3A_17 = arith.constant 0 : i32
      %dma_start3A_18 = tpu.memref_slice %arg2[%add3A, %dma_start3A_16, %dma_start3A_17] : memref<32x79x128xi32, #tpu.memory_space<hbm>> -> memref<1x79x128xi32, #tpu.memory_space<hbm>>
      %dma_start3A_19 = tpu.memref_squeeze %dma_start3A_18 : memref<1x79x128xi32, #tpu.memory_space<hbm>> -> memref<79x128xi32, #tpu.memory_space<hbm>>
      tpu.enqueue_dma source(%dma_start3A_19 : memref<79x128xi32, #tpu.memory_space<hbm>>) target(%arg7 : memref<79x128xi32, #tpu.memory_space<vmem>>) target_semaphore(%run_scoped3A : memref<!tpu.dma_semaphore, #tpu.memory_space<semaphore_mem>>)
      %dma_wait3A = arith.constant 0 : i32
      %dma_wait3A_20 = arith.constant 0 : i32
      %dma_wait3A_21 = tpu.memref_slice %arg2[%add3A, %dma_wait3A, %dma_wait3A_20] : memref<32x79x128xi32, #tpu.memory_space<hbm>> -> memref<1x79x128xi32, #tpu.memory_space<hbm>>
      %dma_wait3A_22 = tpu.memref_squeeze %dma_wait3A_21 : memref<1x79x128xi32, #tpu.memory_space<hbm>> -> memref<79x128xi32, #tpu.memory_space<hbm>>
      %dma_wait3A_23 = arith.constant 0 : i32
      %dma_wait3A_24 = arith.constant 0 : i32
      %dma_wait3A_25 = tpu.memref_slice %arg2[%add3A, %dma_wait3A_23, %dma_wait3A_24] : memref<32x79x128xi32, #tpu.memory_space<hbm>> -> memref<1x79x128xi32, #tpu.memory_space<hbm>>
      %dma_wait3A_26 = tpu.memref_squeeze %dma_wait3A_25 : memref<1x79x128xi32, #tpu.memory_space<hbm>> -> memref<79x128xi32, #tpu.memory_space<hbm>>
      tpu.wait_dma2 semaphore(%run_scoped3A : memref<!tpu.dma_semaphore, #tpu.memory_space<semaphore_mem>>) src(%dma_wait3A_26 : memref<79x128xi32, #tpu.memory_space<hbm>>) dst(%arg7 : memref<79x128xi32, #tpu.memory_space<vmem>>)
      tpu.yield
    }) : () -> ()
    %barrier3A = arith.constant 0 : index
    tpu.barrier barrier_id(%barrier3A)
    %scan3A = arith.constant 0 : i32
    %scan3A_3 = arith.constant 0 : i32
    %scan3A_4 = arith.constant 79 : i32
    %scan3A_5 = arith.addi %scan3A_3, %scan3A_4 : i32
    %scan3A_6 = arith.constant 1 : i32
    scf.for %scan3A_13 = %scan3A_3 to %scan3A_5 step %scan3A_6  : i32 {
      "tpu.region"() ({
        %run_scoped3A = tpu.sem_alloc : memref<!tpu.dma_semaphore, #tpu.memory_space<semaphore_mem>>
        %dma_start3A = arith.constant 0 : i32
        %dma_start3A_14 = tpu.memref_slice %arg7[%scan3A_13, %dma_start3A] : memref<79x128xi32, #tpu.memory_space<vmem>> -> memref<1x128xi32, #tpu.memory_space<vmem>>
        %dma_start3A_15 = tpu.memref_squeeze %dma_start3A_14 : memref<1x128xi32, #tpu.memory_space<vmem>> -> memref<128xi32, #tpu.memory_space<vmem>>
        %dma_start3A_16 = arith.constant 0 : i32
        %dma_start3A_17 = arith.constant 0 : i32
        %dma_start3A_18 = tpu.memref_slice %arg6[%dma_start3A_16, %dma_start3A_17] : memref<10240x128xf32, #tpu.memory_space<vmem_shared>> -> memref<10240x128xf32, #tpu.memory_space<vmem_shared>>
        tpu.enqueue_indirect_dma source(%arg8 : memref<128x128xf32, #tpu.memory_space<vmem>>) target(%dma_start3A_18 : memref<10240x128xf32, #tpu.memory_space<vmem_shared>>) offsets(%dma_start3A_15 : memref<128xi32, #tpu.memory_space<vmem>>) semaphore(%run_scoped3A : memref<!tpu.dma_semaphore, #tpu.memory_space<semaphore_mem>>) {add = true}
        %dma_wait3A = arith.constant 0 : i32
        %dma_wait3A_19 = tpu.memref_slice %arg7[%scan3A_13, %dma_wait3A] : memref<79x128xi32, #tpu.memory_space<vmem>> -> memref<1x128xi32, #tpu.memory_space<vmem>>
        %dma_wait3A_20 = tpu.memref_squeeze %dma_wait3A_19 : memref<1x128xi32, #tpu.memory_space<vmem>> -> memref<128xi32, #tpu.memory_space<vmem>>
        %dma_wait3A_21 = arith.constant 0 : i32
        %dma_wait3A_22 = arith.constant 0 : i32
        %dma_wait3A_23 = tpu.memref_slice %arg6[%dma_wait3A_21, %dma_wait3A_22] : memref<10240x128xf32, #tpu.memory_space<vmem_shared>> -> memref<10240x128xf32, #tpu.memory_space<vmem_shared>>
        tpu.wait_indirect_dma semaphore(%run_scoped3A : memref<!tpu.dma_semaphore, #tpu.memory_space<semaphore_mem>>) src(%arg8 : memref<128x128xf32, #tpu.memory_space<vmem>>) dst(%dma_wait3A_23 : memref<10240x128xf32, #tpu.memory_space<vmem_shared>>)
        tpu.yield
      }) : () -> ()
    }
    %scan3A_7 = arith.constant 79 : i32
    %barrier3A_8 = arith.constant 0 : index
    tpu.barrier barrier_id(%barrier3A_8)
    %mul3A_9 = arith.constant 640 : i32
    %mul3A_10 = arith.muli %arg1, %mul3A_9 : i32
    %mul3A_11 = arith.constant 640 : i32
    %mul3A_12 = arith.muli %arg1, %mul3A_11 : i32
    "tpu.region"() ({
      %run_scoped3A = tpu.sem_alloc : memref<!tpu.dma_semaphore, #tpu.memory_space<semaphore_mem>>
      %dma_start3A = arith.constant 0 : i32
      %dma_start3A_13 = arith.constant 0 : i32
      %dma_start3A_14 = tpu.memref_slice %arg5[%arg0, %dma_start3A, %dma_start3A_13] : memref<2x10240x128xf32, #tpu.memory_space<hbm>> -> memref<1x10240x128xf32, #tpu.memory_space<hbm>>
      %dma_start3A_15 = tpu.memref_squeeze %dma_start3A_14 : memref<1x10240x128xf32, #tpu.memory_space<hbm>> -> memref<10240x128xf32, #tpu.memory_space<hbm>>
      %dma_start3A_16 = arith.constant 0 : i32
      %dma_start3A_17 = tpu.memref_slice %dma_start3A_15[%mul3A_12, %dma_start3A_16] : memref<10240x128xf32, #tpu.memory_space<hbm>> -> memref<640x128xf32, #tpu.memory_space<hbm>>
      %dma_start3A_18 = arith.constant 0 : i32
      %dma_start3A_19 = tpu.memref_slice %arg6[%mul3A_10, %dma_start3A_18] : memref<10240x128xf32, #tpu.memory_space<vmem_shared>> -> memref<640x128xf32, #tpu.memory_space<vmem_shared>>
      tpu.enqueue_dma source(%dma_start3A_19 : memref<640x128xf32, #tpu.memory_space<vmem_shared>>) target(%dma_start3A_17 : memref<640x128xf32, #tpu.memory_space<hbm>>) target_semaphore(%run_scoped3A : memref<!tpu.dma_semaphore, #tpu.memory_space<semaphore_mem>>)
      %dma_wait3A = arith.constant 0 : i32
      %dma_wait3A_20 = arith.constant 0 : i32
      %dma_wait3A_21 = tpu.memref_slice %arg5[%arg0, %dma_wait3A, %dma_wait3A_20] : memref<2x10240x128xf32, #tpu.memory_space<hbm>> -> memref<1x10240x128xf32, #tpu.memory_space<hbm>>
      %dma_wait3A_22 = tpu.memref_squeeze %dma_wait3A_21 : memref<1x10240x128xf32, #tpu.memory_space<hbm>> -> memref<10240x128xf32, #tpu.memory_space<hbm>>
      %dma_wait3A_23 = arith.constant 0 : i32
      %dma_wait3A_24 = tpu.memref_slice %dma_wait3A_22[%mul3A_12, %dma_wait3A_23] : memref<10240x128xf32, #tpu.memory_space<hbm>> -> memref<640x128xf32, #tpu.memory_space<hbm>>
      %dma_wait3A_25 = arith.constant 0 : i32
      %dma_wait3A_26 = tpu.memref_slice %arg6[%mul3A_10, %dma_wait3A_25] : memref<10240x128xf32, #tpu.memory_space<vmem_shared>> -> memref<640x128xf32, #tpu.memory_space<vmem_shared>>
      tpu.wait_dma2 semaphore(%run_scoped3A : memref<!tpu.dma_semaphore, #tpu.memory_space<semaphore_mem>>) src(%dma_wait3A_26 : memref<640x128xf32, #tpu.memory_space<vmem_shared>>) dst(%dma_wait3A_24 : memref<640x128xf32, #tpu.memory_space<hbm>>)
      tpu.yield
    }) : () -> ()
    return
  }
}

#map = affine_map<(d0, d1) -> (0, 0)>
#map1 = affine_map<(d0, d1) -> (0, 0, 0)>
module attributes {stable_mosaic.version = 14 : i64} {
  func.func @body(%arg0: i32, %arg1: i32, %arg2: memref<10000x128xf32, #tpu.memory_space<hbm>>, %arg3: memref<32x118x128xi32, #tpu.memory_space<hbm>>, %arg4: memref<640x128xf32, #tpu.memory_space<hbm>>, %arg5: memref<2x10240x128xf32, #tpu.memory_space<hbm>>, %arg6: memref<10240x128xf32, #tpu.memory_space<vmem_shared>>, %arg7: memref<118x128xi32, #tpu.memory_space<vmem>>, %arg8: memref<128x128xf32, #tpu.memory_space<vmem>>, %arg9: memref<128x128xf32, #tpu.memory_space<vmem>>, %arg10: memref<128xi32, #tpu.memory_space<vmem>>, %arg11: memref<128xi32, #tpu.memory_space<vmem>>, %arg12: memref<128xi32, #tpu.memory_space<vmem>>, %arg13: memref<128xi32, #tpu.memory_space<vmem>>, %arg14: memref<!tpu.dma_semaphore, #tpu.memory_space<semaphore_mem>>, %arg15: memref<!tpu.dma_semaphore, #tpu.memory_space<semaphore_mem>>, %arg16: memref<!tpu.dma_semaphore, #tpu.memory_space<semaphore_mem>>, %arg17: memref<!tpu.dma_semaphore, #tpu.memory_space<semaphore_mem>>) attributes {dimension_semantics = [#tpu.dimension_semantics<core_parallel>, #tpu.dimension_semantics<subcore_parallel>], iteration_bounds = array<i64: 2, 16>, scalar_prefetch = 0 : i64, scratch_operands = 12 : i64, tpu.core_type = #tpu.core_type<sc_vector_subcore>, window_params = [{transform_indices = #map}, {transform_indices = #map1}, {transform_indices = #map}, {transform_indices = #map1}]} {
    %mul3A = arith.constant 16 : i32
    %mul3A_0 = arith.muli %arg0, %mul3A : i32
    %add3A = arith.addi %mul3A_0, %arg1 : i32
    %mul3A_1 = arith.constant 640 : i32
    %mul3A_2 = arith.muli %arg1, %mul3A_1 : i32
    "tpu.region"() ({
      %run_scoped3A = tpu.sem_alloc : memref<!tpu.dma_semaphore, #tpu.memory_space<semaphore_mem>>
      %dma_start3A = arith.constant 0 : i32
      %dma_start3A_15 = tpu.memref_slice %arg6[%mul3A_2, %dma_start3A] : memref<10240x128xf32, #tpu.memory_space<vmem_shared>> -> memref<640x128xf32, #tpu.memory_space<vmem_shared>>
      tpu.enqueue_dma source(%arg4 : memref<640x128xf32, #tpu.memory_space<hbm>>) target(%dma_start3A_15 : memref<640x128xf32, #tpu.memory_space<vmem_shared>>) target_semaphore(%run_scoped3A : memref<!tpu.dma_semaphore, #tpu.memory_space<semaphore_mem>>)
      %dma_wait3A = arith.constant 0 : i32
      %dma_wait3A_16 = tpu.memref_slice %arg6[%mul3A_2, %dma_wait3A] : memref<10240x128xf32, #tpu.memory_space<vmem_shared>> -> memref<640x128xf32, #tpu.memory_space<vmem_shared>>
      tpu.wait_dma2 semaphore(%run_scoped3A : memref<!tpu.dma_semaphore, #tpu.memory_space<semaphore_mem>>) src(%arg4 : memref<640x128xf32, #tpu.memory_space<hbm>>) dst(%dma_wait3A_16 : memref<640x128xf32, #tpu.memory_space<vmem_shared>>)
      tpu.yield
    }) : () -> ()
    "tpu.region"() ({
      %run_scoped3A = tpu.sem_alloc : memref<!tpu.dma_semaphore, #tpu.memory_space<semaphore_mem>>
      %dma_start3A = arith.constant 0 : i32
      %dma_start3A_15 = arith.constant 0 : i32
      %dma_start3A_16 = tpu.memref_slice %arg3[%add3A, %dma_start3A, %dma_start3A_15] : memref<32x118x128xi32, #tpu.memory_space<hbm>> -> memref<1x118x128xi32, #tpu.memory_space<hbm>>
      %dma_start3A_17 = tpu.memref_squeeze %dma_start3A_16 : memref<1x118x128xi32, #tpu.memory_space<hbm>> -> memref<118x128xi32, #tpu.memory_space<hbm>>
      %dma_start3A_18 = arith.constant 0 : i32
      %dma_start3A_19 = arith.constant 0 : i32
      %dma_start3A_20 = tpu.memref_slice %arg3[%add3A, %dma_start3A_18, %dma_start3A_19] : memref<32x118x128xi32, #tpu.memory_space<hbm>> -> memref<1x118x128xi32, #tpu.memory_space<hbm>>
      %dma_start3A_21 = tpu.memref_squeeze %dma_start3A_20 : memref<1x118x128xi32, #tpu.memory_space<hbm>> -> memref<118x128xi32, #tpu.memory_space<hbm>>
      tpu.enqueue_dma source(%dma_start3A_21 : memref<118x128xi32, #tpu.memory_space<hbm>>) target(%arg7 : memref<118x128xi32, #tpu.memory_space<vmem>>) target_semaphore(%run_scoped3A : memref<!tpu.dma_semaphore, #tpu.memory_space<semaphore_mem>>)
      %dma_wait3A = arith.constant 0 : i32
      %dma_wait3A_22 = arith.constant 0 : i32
      %dma_wait3A_23 = tpu.memref_slice %arg3[%add3A, %dma_wait3A, %dma_wait3A_22] : memref<32x118x128xi32, #tpu.memory_space<hbm>> -> memref<1x118x128xi32, #tpu.memory_space<hbm>>
      %dma_wait3A_24 = tpu.memref_squeeze %dma_wait3A_23 : memref<1x118x128xi32, #tpu.memory_space<hbm>> -> memref<118x128xi32, #tpu.memory_space<hbm>>
      %dma_wait3A_25 = arith.constant 0 : i32
      %dma_wait3A_26 = arith.constant 0 : i32
      %dma_wait3A_27 = tpu.memref_slice %arg3[%add3A, %dma_wait3A_25, %dma_wait3A_26] : memref<32x118x128xi32, #tpu.memory_space<hbm>> -> memref<1x118x128xi32, #tpu.memory_space<hbm>>
      %dma_wait3A_28 = tpu.memref_squeeze %dma_wait3A_27 : memref<1x118x128xi32, #tpu.memory_space<hbm>> -> memref<118x128xi32, #tpu.memory_space<hbm>>
      tpu.wait_dma2 semaphore(%run_scoped3A : memref<!tpu.dma_semaphore, #tpu.memory_space<semaphore_mem>>) src(%dma_wait3A_28 : memref<118x128xi32, #tpu.memory_space<hbm>>) dst(%arg7 : memref<118x128xi32, #tpu.memory_space<vmem>>)
      tpu.yield
    }) : () -> ()
    %barrier3A = arith.constant 0 : index
    tpu.barrier barrier_id(%barrier3A)
    %eq3A = arith.constant 0 : i32
    %eq3A_3 = arith.cmpi eq, %arg0, %eq3A : i32
    %convert_element_type3A = arith.extui %eq3A_3 : i1 to i32
    %cond3A = arith.constant 0 : i32
    %cond3A_4 = arith.cmpi ne, %convert_element_type3A, %cond3A : i32
    scf.if %cond3A_4 {
      %get3A = arith.constant 0 : i32
      %get3A_15 = arith.index_cast %get3A : i32 to index
      %get3A_16 = arith.constant 0 : index
      %get3A_17 = tpu.vector_load %arg7[%get3A_15, %get3A_16] {strides = array<i32>} : memref<118x128xi32, #tpu.memory_space<vmem>>, vector<1x16xi32>,
      %get3A_18 = vector.shape_cast %get3A_17 : vector<1x16xi32> to vector<16xi32>
      %and3A = arith.constant 65535 : i32
      %and3A_19 = vector.broadcast %and3A : i32 to vector<16xi32>
      %and3A_20 = arith.andi %get3A_18, %and3A_19 : vector<16xi32>
      %swap3A = arith.constant 0 : index
      %swap3A_21 = tpu.vector_load %arg10[%swap3A] {strides = array<i32>} : memref<128xi32, #tpu.memory_space<vmem>>, vector<16xi32>,
      %swap3A_22 = vector.shape_cast %swap3A_21 : vector<16xi32> to vector<16xi32>
      %swap3A_23 = vector.shape_cast %and3A_20 : vector<16xi32> to vector<16xi32>
      tpu.vector_store %arg10[%swap3A], %swap3A_23 {strides = array<i32>} : memref<128xi32, #tpu.memory_space<vmem>>, vector<16xi32>,
      %shift_right_logical3A = arith.constant 16 : i32
      %shift_right_logical3A_24 = vector.broadcast %shift_right_logical3A : i32 to vector<16xi32>
      %shift_right_logical3A_25 = arith.shrui %get3A_18, %shift_right_logical3A_24 : vector<16xi32>
      %swap3A_26 = arith.constant 0 : index
      %swap3A_27 = tpu.vector_load %arg11[%swap3A_26] {strides = array<i32>} : memref<128xi32, #tpu.memory_space<vmem>>, vector<16xi32>,
      %swap3A_28 = vector.shape_cast %swap3A_27 : vector<16xi32> to vector<16xi32>
      %swap3A_29 = vector.shape_cast %shift_right_logical3A_25 : vector<16xi32> to vector<16xi32>
      tpu.vector_store %arg11[%swap3A_26], %swap3A_29 {strides = array<i32>} : memref<128xi32, #tpu.memory_space<vmem>>, vector<16xi32>,
      %get3A_30 = arith.constant 0 : i32
      %get3A_31 = arith.index_cast %get3A_30 : i32 to index
      %get3A_32 = arith.constant 16 : index
      %get3A_33 = tpu.vector_load %arg7[%get3A_31, %get3A_32] {strides = array<i32>} : memref<118x128xi32, #tpu.memory_space<vmem>>, vector<1x16xi32>,
      %get3A_34 = vector.shape_cast %get3A_33 : vector<1x16xi32> to vector<16xi32>
      %and3A_35 = arith.constant 65535 : i32
      %and3A_36 = vector.broadcast %and3A_35 : i32 to vector<16xi32>
      %and3A_37 = arith.andi %get3A_34, %and3A_36 : vector<16xi32>
      %swap3A_38 = arith.constant 16 : index
      %swap3A_39 = tpu.vector_load %arg10[%swap3A_38] {strides = array<i32>} : memref<128xi32, #tpu.memory_space<vmem>>, vector<16xi32>,
      %swap3A_40 = vector.shape_cast %swap3A_39 : vector<16xi32> to vector<16xi32>
      %swap3A_41 = vector.shape_cast %and3A_37 : vector<16xi32> to vector<16xi32>
      tpu.vector_store %arg10[%swap3A_38], %swap3A_41 {strides = array<i32>} : memref<128xi32, #tpu.memory_space<vmem>>, vector<16xi32>,
      %shift_right_logical3A_42 = arith.constant 16 : i32
      %shift_right_logical3A_43 = vector.broadcast %shift_right_logical3A_42 : i32 to vector<16xi32>
      %shift_right_logical3A_44 = arith.shrui %get3A_34, %shift_right_logical3A_43 : vector<16xi32>
      %swap3A_45 = arith.constant 16 : index
      %swap3A_46 = tpu.vector_load %arg11[%swap3A_45] {strides = array<i32>} : memref<128xi32, #tpu.memory_space<vmem>>, vector<16xi32>,
      %swap3A_47 = vector.shape_cast %swap3A_46 : vector<16xi32> to vector<16xi32>
      %swap3A_48 = vector.shape_cast %shift_right_logical3A_44 : vector<16xi32> to vector<16xi32>
      tpu.vector_store %arg11[%swap3A_45], %swap3A_48 {strides = array<i32>} : memref<128xi32, #tpu.memory_space<vmem>>, vector<16xi32>,
      %get3A_49 = arith.constant 0 : i32
      %get3A_50 = arith.index_cast %get3A_49 : i32 to index
      %get3A_51 = arith.constant 32 : index
      %get3A_52 = tpu.vector_load %arg7[%get3A_50, %get3A_51] {strides = array<i32>} : memref<118x128xi32, #tpu.memory_space<vmem>>, vector<1x16xi32>,
      %get3A_53 = vector.shape_cast %get3A_52 : vector<1x16xi32> to vector<16xi32>
      %and3A_54 = arith.constant 65535 : i32
      %and3A_55 = vector.broadcast %and3A_54 : i32 to vector<16xi32>
      %and3A_56 = arith.andi %get3A_53, %and3A_55 : vector<16xi32>
      %swap3A_57 = arith.constant 32 : index
      %swap3A_58 = tpu.vector_load %arg10[%swap3A_57] {strides = array<i32>} : memref<128xi32, #tpu.memory_space<vmem>>, vector<16xi32>,
      %swap3A_59 = vector.shape_cast %swap3A_58 : vector<16xi32> to vector<16xi32>
      %swap3A_60 = vector.shape_cast %and3A_56 : vector<16xi32> to vector<16xi32>
      tpu.vector_store %arg10[%swap3A_57], %swap3A_60 {strides = array<i32>} : memref<128xi32, #tpu.memory_space<vmem>>, vector<16xi32>,
      %shift_right_logical3A_61 = arith.constant 16 : i32
      %shift_right_logical3A_62 = vector.broadcast %shift_right_logical3A_61 : i32 to vector<16xi32>
      %shift_right_logical3A_63 = arith.shrui %get3A_53, %shift_right_logical3A_62 : vector<16xi32>
      %swap3A_64 = arith.constant 32 : index
      %swap3A_65 = tpu.vector_load %arg11[%swap3A_64] {strides = array<i32>} : memref<128xi32, #tpu.memory_space<vmem>>, vector<16xi32>,
      %swap3A_66 = vector.shape_cast %swap3A_65 : vector<16xi32> to vector<16xi32>
      %swap3A_67 = vector.shape_cast %shift_right_logical3A_63 : vector<16xi32> to vector<16xi32>
      tpu.vector_store %arg11[%swap3A_64], %swap3A_67 {strides = array<i32>} : memref<128xi32, #tpu.memory_space<vmem>>, vector<16xi32>,
      %get3A_68 = arith.constant 0 : i32
      %get3A_69 = arith.index_cast %get3A_68 : i32 to index
      %get3A_70 = arith.constant 48 : index
      %get3A_71 = tpu.vector_load %arg7[%get3A_69, %get3A_70] {strides = array<i32>} : memref<118x128xi32, #tpu.memory_space<vmem>>, vector<1x16xi32>,
      %get3A_72 = vector.shape_cast %get3A_71 : vector<1x16xi32> to vector<16xi32>
      %and3A_73 = arith.constant 65535 : i32
      %and3A_74 = vector.broadcast %and3A_73 : i32 to vector<16xi32>
      %and3A_75 = arith.andi %get3A_72, %and3A_74 : vector<16xi32>
      %swap3A_76 = arith.constant 48 : index
      %swap3A_77 = tpu.vector_load %arg10[%swap3A_76] {strides = array<i32>} : memref<128xi32, #tpu.memory_space<vmem>>, vector<16xi32>,
      %swap3A_78 = vector.shape_cast %swap3A_77 : vector<16xi32> to vector<16xi32>
      %swap3A_79 = vector.shape_cast %and3A_75 : vector<16xi32> to vector<16xi32>
      tpu.vector_store %arg10[%swap3A_76], %swap3A_79 {strides = array<i32>} : memref<128xi32, #tpu.memory_space<vmem>>, vector<16xi32>,
      %shift_right_logical3A_80 = arith.constant 16 : i32
      %shift_right_logical3A_81 = vector.broadcast %shift_right_logical3A_80 : i32 to vector<16xi32>
      %shift_right_logical3A_82 = arith.shrui %get3A_72, %shift_right_logical3A_81 : vector<16xi32>
      %swap3A_83 = arith.constant 48 : index
      %swap3A_84 = tpu.vector_load %arg11[%swap3A_83] {strides = array<i32>} : memref<128xi32, #tpu.memory_space<vmem>>, vector<16xi32>,
      %swap3A_85 = vector.shape_cast %swap3A_84 : vector<16xi32> to vector<16xi32>
      %swap3A_86 = vector.shape_cast %shift_right_logical3A_82 : vector<16xi32> to vector<16xi32>
      tpu.vector_store %arg11[%swap3A_83], %swap3A_86 {strides = array<i32>} : memref<128xi32, #tpu.memory_space<vmem>>, vector<16xi32>,
      %get3A_87 = arith.constant 0 : i32
      %get3A_88 = arith.index_cast %get3A_87 : i32 to index
      %get3A_89 = arith.constant 64 : index
      %get3A_90 = tpu.vector_load %arg7[%get3A_88, %get3A_89] {strides = array<i32>} : memref<118x128xi32, #tpu.memory_space<vmem>>, vector<1x16xi32>,
      %get3A_91 = vector.shape_cast %get3A_90 : vector<1x16xi32> to vector<16xi32>
      %and3A_92 = arith.constant 65535 : i32
      %and3A_93 = vector.broadcast %and3A_92 : i32 to vector<16xi32>
      %and3A_94 = arith.andi %get3A_91, %and3A_93 : vector<16xi32>
      %swap3A_95 = arith.constant 64 : index
      %swap3A_96 = tpu.vector_load %arg10[%swap3A_95] {strides = array<i32>} : memref<128xi32, #tpu.memory_space<vmem>>, vector<16xi32>,
      %swap3A_97 = vector.shape_cast %swap3A_96 : vector<16xi32> to vector<16xi32>
      %swap3A_98 = vector.shape_cast %and3A_94 : vector<16xi32> to vector<16xi32>
      tpu.vector_store %arg10[%swap3A_95], %swap3A_98 {strides = array<i32>} : memref<128xi32, #tpu.memory_space<vmem>>, vector<16xi32>,
      %shift_right_logical3A_99 = arith.constant 16 : i32
      %shift_right_logical3A_100 = vector.broadcast %shift_right_logical3A_99 : i32 to vector<16xi32>
      %shift_right_logical3A_101 = arith.shrui %get3A_91, %shift_right_logical3A_100 : vector<16xi32>
      %swap3A_102 = arith.constant 64 : index
      %swap3A_103 = tpu.vector_load %arg11[%swap3A_102] {strides = array<i32>} : memref<128xi32, #tpu.memory_space<vmem>>, vector<16xi32>,
      %swap3A_104 = vector.shape_cast %swap3A_103 : vector<16xi32> to vector<16xi32>
      %swap3A_105 = vector.shape_cast %shift_right_logical3A_101 : vector<16xi32> to vector<16xi32>
      tpu.vector_store %arg11[%swap3A_102], %swap3A_105 {strides = array<i32>} : memref<128xi32, #tpu.memory_space<vmem>>, vector<16xi32>,
      %get3A_106 = arith.constant 0 : i32
      %get3A_107 = arith.index_cast %get3A_106 : i32 to index
      %get3A_108 = arith.constant 80 : index
      %get3A_109 = tpu.vector_load %arg7[%get3A_107, %get3A_108] {strides = array<i32>} : memref<118x128xi32, #tpu.memory_space<vmem>>, vector<1x16xi32>,
      %get3A_110 = vector.shape_cast %get3A_109 : vector<1x16xi32> to vector<16xi32>
      %and3A_111 = arith.constant 65535 : i32
      %and3A_112 = vector.broadcast %and3A_111 : i32 to vector<16xi32>
      %and3A_113 = arith.andi %get3A_110, %and3A_112 : vector<16xi32>
      %swap3A_114 = arith.constant 80 : index
      %swap3A_115 = tpu.vector_load %arg10[%swap3A_114] {strides = array<i32>} : memref<128xi32, #tpu.memory_space<vmem>>, vector<16xi32>,
      %swap3A_116 = vector.shape_cast %swap3A_115 : vector<16xi32> to vector<16xi32>
      %swap3A_117 = vector.shape_cast %and3A_113 : vector<16xi32> to vector<16xi32>
      tpu.vector_store %arg10[%swap3A_114], %swap3A_117 {strides = array<i32>} : memref<128xi32, #tpu.memory_space<vmem>>, vector<16xi32>,
      %shift_right_logical3A_118 = arith.constant 16 : i32
      %shift_right_logical3A_119 = vector.broadcast %shift_right_logical3A_118 : i32 to vector<16xi32>
      %shift_right_logical3A_120 = arith.shrui %get3A_110, %shift_right_logical3A_119 : vector<16xi32>
      %swap3A_121 = arith.constant 80 : index
      %swap3A_122 = tpu.vector_load %arg11[%swap3A_121] {strides = array<i32>} : memref<128xi32, #tpu.memory_space<vmem>>, vector<16xi32>,
      %swap3A_123 = vector.shape_cast %swap3A_122 : vector<16xi32> to vector<16xi32>
      %swap3A_124 = vector.shape_cast %shift_right_logical3A_120 : vector<16xi32> to vector<16xi32>
      tpu.vector_store %arg11[%swap3A_121], %swap3A_124 {strides = array<i32>} : memref<128xi32, #tpu.memory_space<vmem>>, vector<16xi32>,
      %get3A_125 = arith.constant 0 : i32
      %get3A_126 = arith.index_cast %get3A_125 : i32 to index
      %get3A_127 = arith.constant 96 : index
      %get3A_128 = tpu.vector_load %arg7[%get3A_126, %get3A_127] {strides = array<i32>} : memref<118x128xi32, #tpu.memory_space<vmem>>, vector<1x16xi32>,
      %get3A_129 = vector.shape_cast %get3A_128 : vector<1x16xi32> to vector<16xi32>
      %and3A_130 = arith.constant 65535 : i32
      %and3A_131 = vector.broadcast %and3A_130 : i32 to vector<16xi32>
      %and3A_132 = arith.andi %get3A_129, %and3A_131 : vector<16xi32>
      %swap3A_133 = arith.constant 96 : index
      %swap3A_134 = tpu.vector_load %arg10[%swap3A_133] {strides = array<i32>} : memref<128xi32, #tpu.memory_space<vmem>>, vector<16xi32>,
      %swap3A_135 = vector.shape_cast %swap3A_134 : vector<16xi32> to vector<16xi32>
      %swap3A_136 = vector.shape_cast %and3A_132 : vector<16xi32> to vector<16xi32>
      tpu.vector_store %arg10[%swap3A_133], %swap3A_136 {strides = array<i32>} : memref<128xi32, #tpu.memory_space<vmem>>, vector<16xi32>,
      %shift_right_logical3A_137 = arith.constant 16 : i32
      %shift_right_logical3A_138 = vector.broadcast %shift_right_logical3A_137 : i32 to vector<16xi32>
      %shift_right_logical3A_139 = arith.shrui %get3A_129, %shift_right_logical3A_138 : vector<16xi32>
      %swap3A_140 = arith.constant 96 : index
      %swap3A_141 = tpu.vector_load %arg11[%swap3A_140] {strides = array<i32>} : memref<128xi32, #tpu.memory_space<vmem>>, vector<16xi32>,
      %swap3A_142 = vector.shape_cast %swap3A_141 : vector<16xi32> to vector<16xi32>
      %swap3A_143 = vector.shape_cast %shift_right_logical3A_139 : vector<16xi32> to vector<16xi32>
      tpu.vector_store %arg11[%swap3A_140], %swap3A_143 {strides = array<i32>} : memref<128xi32, #tpu.memory_space<vmem>>, vector<16xi32>,
      %get3A_144 = arith.constant 0 : i32
      %get3A_145 = arith.index_cast %get3A_144 : i32 to index
      %get3A_146 = arith.constant 112 : index
      %get3A_147 = tpu.vector_load %arg7[%get3A_145, %get3A_146] {strides = array<i32>} : memref<118x128xi32, #tpu.memory_space<vmem>>, vector<1x16xi32>,
      %get3A_148 = vector.shape_cast %get3A_147 : vector<1x16xi32> to vector<16xi32>
      %and3A_149 = arith.constant 65535 : i32
      %and3A_150 = vector.broadcast %and3A_149 : i32 to vector<16xi32>
      %and3A_151 = arith.andi %get3A_148, %and3A_150 : vector<16xi32>
      %swap3A_152 = arith.constant 112 : index
      %swap3A_153 = tpu.vector_load %arg10[%swap3A_152] {strides = array<i32>} : memref<128xi32, #tpu.memory_space<vmem>>, vector<16xi32>,
      %swap3A_154 = vector.shape_cast %swap3A_153 : vector<16xi32> to vector<16xi32>
      %swap3A_155 = vector.shape_cast %and3A_151 : vector<16xi32> to vector<16xi32>
      tpu.vector_store %arg10[%swap3A_152], %swap3A_155 {strides = array<i32>} : memref<128xi32, #tpu.memory_space<vmem>>, vector<16xi32>,
      %shift_right_logical3A_156 = arith.constant 16 : i32
      %shift_right_logical3A_157 = vector.broadcast %shift_right_logical3A_156 : i32 to vector<16xi32>
      %shift_right_logical3A_158 = arith.shrui %get3A_148, %shift_right_logical3A_157 : vector<16xi32>
      %swap3A_159 = arith.constant 112 : index
      %swap3A_160 = tpu.vector_load %arg11[%swap3A_159] {strides = array<i32>} : memref<128xi32, #tpu.memory_space<vmem>>, vector<16xi32>,
      %swap3A_161 = vector.shape_cast %swap3A_160 : vector<16xi32> to vector<16xi32>
      %swap3A_162 = vector.shape_cast %shift_right_logical3A_158 : vector<16xi32> to vector<16xi32>
      tpu.vector_store %arg11[%swap3A_159], %swap3A_162 {strides = array<i32>} : memref<128xi32, #tpu.memory_space<vmem>>, vector<16xi32>,
      %dma_start3A = arith.constant 0 : i32
      %dma_start3A_163 = arith.constant 0 : i32
      %dma_start3A_164 = tpu.memref_slice %arg2[%dma_start3A, %dma_start3A_163] : memref<10000x128xf32, #tpu.memory_space<hbm>> -> memref<10000x128xf32, #tpu.memory_space<hbm>>
      tpu.enqueue_indirect_dma source(%dma_start3A_164 : memref<10000x128xf32, #tpu.memory_space<hbm>>) target(%arg8 : memref<128x128xf32, #tpu.memory_space<vmem>>) offsets(%arg10 : memref<128xi32, #tpu.memory_space<vmem>>) semaphore(%arg14 : memref<!tpu.dma_semaphore, #tpu.memory_space<semaphore_mem>>)
      %get3A_165 = arith.constant 1 : i32
      %get3A_166 = arith.index_cast %get3A_165 : i32 to index
      %get3A_167 = arith.constant 0 : index
      %get3A_168 = tpu.vector_load %arg7[%get3A_166, %get3A_167] {strides = array<i32>} : memref<118x128xi32, #tpu.memory_space<vmem>>, vector<1x16xi32>,
      %get3A_169 = vector.shape_cast %get3A_168 : vector<1x16xi32> to vector<16xi32>
      %and3A_170 = arith.constant 65535 : i32
      %and3A_171 = vector.broadcast %and3A_170 : i32 to vector<16xi32>
      %and3A_172 = arith.andi %get3A_169, %and3A_171 : vector<16xi32>
      %swap3A_173 = arith.constant 0 : index
      %swap3A_174 = tpu.vector_load %arg12[%swap3A_173] {strides = array<i32>} : memref<128xi32, #tpu.memory_space<vmem>>, vector<16xi32>,
      %swap3A_175 = vector.shape_cast %swap3A_174 : vector<16xi32> to vector<16xi32>
      %swap3A_176 = vector.shape_cast %and3A_172 : vector<16xi32> to vector<16xi32>
      tpu.vector_store %arg12[%swap3A_173], %swap3A_176 {strides = array<i32>} : memref<128xi32, #tpu.memory_space<vmem>>, vector<16xi32>,
      %shift_right_logical3A_177 = arith.constant 16 : i32
      %shift_right_logical3A_178 = vector.broadcast %shift_right_logical3A_177 : i32 to vector<16xi32>
      %shift_right_logical3A_179 = arith.shrui %get3A_169, %shift_right_logical3A_178 : vector<16xi32>
      %swap3A_180 = arith.constant 0 : index
      %swap3A_181 = tpu.vector_load %arg13[%swap3A_180] {strides = array<i32>} : memref<128xi32, #tpu.memory_space<vmem>>, vector<16xi32>,
      %swap3A_182 = vector.shape_cast %swap3A_181 : vector<16xi32> to vector<16xi32>
      %swap3A_183 = vector.shape_cast %shift_right_logical3A_179 : vector<16xi32> to vector<16xi32>
      tpu.vector_store %arg13[%swap3A_180], %swap3A_183 {strides = array<i32>} : memref<128xi32, #tpu.memory_space<vmem>>, vector<16xi32>,
      %get3A_184 = arith.constant 1 : i32
      %get3A_185 = arith.index_cast %get3A_184 : i32 to index
      %get3A_186 = arith.constant 16 : index
      %get3A_187 = tpu.vector_load %arg7[%get3A_185, %get3A_186] {strides = array<i32>} : memref<118x128xi32, #tpu.memory_space<vmem>>, vector<1x16xi32>,
      %get3A_188 = vector.shape_cast %get3A_187 : vector<1x16xi32> to vector<16xi32>
      %and3A_189 = arith.constant 65535 : i32
      %and3A_190 = vector.broadcast %and3A_189 : i32 to vector<16xi32>
      %and3A_191 = arith.andi %get3A_188, %and3A_190 : vector<16xi32>
      %swap3A_192 = arith.constant 16 : index
      %swap3A_193 = tpu.vector_load %arg12[%swap3A_192] {strides = array<i32>} : memref<128xi32, #tpu.memory_space<vmem>>, vector<16xi32>,
      %swap3A_194 = vector.shape_cast %swap3A_193 : vector<16xi32> to vector<16xi32>
      %swap3A_195 = vector.shape_cast %and3A_191 : vector<16xi32> to vector<16xi32>
      tpu.vector_store %arg12[%swap3A_192], %swap3A_195 {strides = array<i32>} : memref<128xi32, #tpu.memory_space<vmem>>, vector<16xi32>,
      %shift_right_logical3A_196 = arith.constant 16 : i32
      %shift_right_logical3A_197 = vector.broadcast %shift_right_logical3A_196 : i32 to vector<16xi32>
      %shift_right_logical3A_198 = arith.shrui %get3A_188, %shift_right_logical3A_197 : vector<16xi32>
      %swap3A_199 = arith.constant 16 : index
      %swap3A_200 = tpu.vector_load %arg13[%swap3A_199] {strides = array<i32>} : memref<128xi32, #tpu.memory_space<vmem>>, vector<16xi32>,
      %swap3A_201 = vector.shape_cast %swap3A_200 : vector<16xi32> to vector<16xi32>
      %swap3A_202 = vector.shape_cast %shift_right_logical3A_198 : vector<16xi32> to vector<16xi32>
      tpu.vector_store %arg13[%swap3A_199], %swap3A_202 {strides = array<i32>} : memref<128xi32, #tpu.memory_space<vmem>>, vector<16xi32>,
      %get3A_203 = arith.constant 1 : i32
      %get3A_204 = arith.index_cast %get3A_203 : i32 to index
      %get3A_205 = arith.constant 32 : index
      %get3A_206 = tpu.vector_load %arg7[%get3A_204, %get3A_205] {strides = array<i32>} : memref<118x128xi32, #tpu.memory_space<vmem>>, vector<1x16xi32>,
      %get3A_207 = vector.shape_cast %get3A_206 : vector<1x16xi32> to vector<16xi32>
      %and3A_208 = arith.constant 65535 : i32
      %and3A_209 = vector.broadcast %and3A_208 : i32 to vector<16xi32>
      %and3A_210 = arith.andi %get3A_207, %and3A_209 : vector<16xi32>
      %swap3A_211 = arith.constant 32 : index
      %swap3A_212 = tpu.vector_load %arg12[%swap3A_211] {strides = array<i32>} : memref<128xi32, #tpu.memory_space<vmem>>, vector<16xi32>,
      %swap3A_213 = vector.shape_cast %swap3A_212 : vector<16xi32> to vector<16xi32>
      %swap3A_214 = vector.shape_cast %and3A_210 : vector<16xi32> to vector<16xi32>
      tpu.vector_store %arg12[%swap3A_211], %swap3A_214 {strides = array<i32>} : memref<128xi32, #tpu.memory_space<vmem>>, vector<16xi32>,
      %shift_right_logical3A_215 = arith.constant 16 : i32
      %shift_right_logical3A_216 = vector.broadcast %shift_right_logical3A_215 : i32 to vector<16xi32>
      %shift_right_logical3A_217 = arith.shrui %get3A_207, %shift_right_logical3A_216 : vector<16xi32>
      %swap3A_218 = arith.constant 32 : index
      %swap3A_219 = tpu.vector_load %arg13[%swap3A_218] {strides = array<i32>} : memref<128xi32, #tpu.memory_space<vmem>>, vector<16xi32>,
      %swap3A_220 = vector.shape_cast %swap3A_219 : vector<16xi32> to vector<16xi32>
      %swap3A_221 = vector.shape_cast %shift_right_logical3A_217 : vector<16xi32> to vector<16xi32>
      tpu.vector_store %arg13[%swap3A_218], %swap3A_221 {strides = array<i32>} : memref<128xi32, #tpu.memory_space<vmem>>, vector<16xi32>,
      %get3A_222 = arith.constant 1 : i32
      %get3A_223 = arith.index_cast %get3A_222 : i32 to index
      %get3A_224 = arith.constant 48 : index
      %get3A_225 = tpu.vector_load %arg7[%get3A_223, %get3A_224] {strides = array<i32>} : memref<118x128xi32, #tpu.memory_space<vmem>>, vector<1x16xi32>,
      %get3A_226 = vector.shape_cast %get3A_225 : vector<1x16xi32> to vector<16xi32>
      %and3A_227 = arith.constant 65535 : i32
      %and3A_228 = vector.broadcast %and3A_227 : i32 to vector<16xi32>
      %and3A_229 = arith.andi %get3A_226, %and3A_228 : vector<16xi32>
      %swap3A_230 = arith.constant 48 : index
      %swap3A_231 = tpu.vector_load %arg12[%swap3A_230] {strides = array<i32>} : memref<128xi32, #tpu.memory_space<vmem>>, vector<16xi32>,
      %swap3A_232 = vector.shape_cast %swap3A_231 : vector<16xi32> to vector<16xi32>
      %swap3A_233 = vector.shape_cast %and3A_229 : vector<16xi32> to vector<16xi32>
      tpu.vector_store %arg12[%swap3A_230], %swap3A_233 {strides = array<i32>} : memref<128xi32, #tpu.memory_space<vmem>>, vector<16xi32>,
      %shift_right_logical3A_234 = arith.constant 16 : i32
      %shift_right_logical3A_235 = vector.broadcast %shift_right_logical3A_234 : i32 to vector<16xi32>
      %shift_right_logical3A_236 = arith.shrui %get3A_226, %shift_right_logical3A_235 : vector<16xi32>
      %swap3A_237 = arith.constant 48 : index
      %swap3A_238 = tpu.vector_load %arg13[%swap3A_237] {strides = array<i32>} : memref<128xi32, #tpu.memory_space<vmem>>, vector<16xi32>,
      %swap3A_239 = vector.shape_cast %swap3A_238 : vector<16xi32> to vector<16xi32>
      %swap3A_240 = vector.shape_cast %shift_right_logical3A_236 : vector<16xi32> to vector<16xi32>
      tpu.vector_store %arg13[%swap3A_237], %swap3A_240 {strides = array<i32>} : memref<128xi32, #tpu.memory_space<vmem>>, vector<16xi32>,
      %get3A_241 = arith.constant 1 : i32
      %get3A_242 = arith.index_cast %get3A_241 : i32 to index
      %get3A_243 = arith.constant 64 : index
      %get3A_244 = tpu.vector_load %arg7[%get3A_242, %get3A_243] {strides = array<i32>} : memref<118x128xi32, #tpu.memory_space<vmem>>, vector<1x16xi32>,
      %get3A_245 = vector.shape_cast %get3A_244 : vector<1x16xi32> to vector<16xi32>
      %and3A_246 = arith.constant 65535 : i32
      %and3A_247 = vector.broadcast %and3A_246 : i32 to vector<16xi32>
      %and3A_248 = arith.andi %get3A_245, %and3A_247 : vector<16xi32>
      %swap3A_249 = arith.constant 64 : index
      %swap3A_250 = tpu.vector_load %arg12[%swap3A_249] {strides = array<i32>} : memref<128xi32, #tpu.memory_space<vmem>>, vector<16xi32>,
      %swap3A_251 = vector.shape_cast %swap3A_250 : vector<16xi32> to vector<16xi32>
      %swap3A_252 = vector.shape_cast %and3A_248 : vector<16xi32> to vector<16xi32>
      tpu.vector_store %arg12[%swap3A_249], %swap3A_252 {strides = array<i32>} : memref<128xi32, #tpu.memory_space<vmem>>, vector<16xi32>,
      %shift_right_logical3A_253 = arith.constant 16 : i32
      %shift_right_logical3A_254 = vector.broadcast %shift_right_logical3A_253 : i32 to vector<16xi32>
      %shift_right_logical3A_255 = arith.shrui %get3A_245, %shift_right_logical3A_254 : vector<16xi32>
      %swap3A_256 = arith.constant 64 : index
      %swap3A_257 = tpu.vector_load %arg13[%swap3A_256] {strides = array<i32>} : memref<128xi32, #tpu.memory_space<vmem>>, vector<16xi32>,
      %swap3A_258 = vector.shape_cast %swap3A_257 : vector<16xi32> to vector<16xi32>
      %swap3A_259 = vector.shape_cast %shift_right_logical3A_255 : vector<16xi32> to vector<16xi32>
      tpu.vector_store %arg13[%swap3A_256], %swap3A_259 {strides = array<i32>} : memref<128xi32, #tpu.memory_space<vmem>>, vector<16xi32>,
      %get3A_260 = arith.constant 1 : i32
      %get3A_261 = arith.index_cast %get3A_260 : i32 to index
      %get3A_262 = arith.constant 80 : index
      %get3A_263 = tpu.vector_load %arg7[%get3A_261, %get3A_262] {strides = array<i32>} : memref<118x128xi32, #tpu.memory_space<vmem>>, vector<1x16xi32>,
      %get3A_264 = vector.shape_cast %get3A_263 : vector<1x16xi32> to vector<16xi32>
      %and3A_265 = arith.constant 65535 : i32
      %and3A_266 = vector.broadcast %and3A_265 : i32 to vector<16xi32>
      %and3A_267 = arith.andi %get3A_264, %and3A_266 : vector<16xi32>
      %swap3A_268 = arith.constant 80 : index
      %swap3A_269 = tpu.vector_load %arg12[%swap3A_268] {strides = array<i32>} : memref<128xi32, #tpu.memory_space<vmem>>, vector<16xi32>,
      %swap3A_270 = vector.shape_cast %swap3A_269 : vector<16xi32> to vector<16xi32>
      %swap3A_271 = vector.shape_cast %and3A_267 : vector<16xi32> to vector<16xi32>
      tpu.vector_store %arg12[%swap3A_268], %swap3A_271 {strides = array<i32>} : memref<128xi32, #tpu.memory_space<vmem>>, vector<16xi32>,
      %shift_right_logical3A_272 = arith.constant 16 : i32
      %shift_right_logical3A_273 = vector.broadcast %shift_right_logical3A_272 : i32 to vector<16xi32>
      %shift_right_logical3A_274 = arith.shrui %get3A_264, %shift_right_logical3A_273 : vector<16xi32>
      %swap3A_275 = arith.constant 80 : index
      %swap3A_276 = tpu.vector_load %arg13[%swap3A_275] {strides = array<i32>} : memref<128xi32, #tpu.memory_space<vmem>>, vector<16xi32>,
      %swap3A_277 = vector.shape_cast %swap3A_276 : vector<16xi32> to vector<16xi32>
      %swap3A_278 = vector.shape_cast %shift_right_logical3A_274 : vector<16xi32> to vector<16xi32>
      tpu.vector_store %arg13[%swap3A_275], %swap3A_278 {strides = array<i32>} : memref<128xi32, #tpu.memory_space<vmem>>, vector<16xi32>,
      %get3A_279 = arith.constant 1 : i32
      %get3A_280 = arith.index_cast %get3A_279 : i32 to index
      %get3A_281 = arith.constant 96 : index
      %get3A_282 = tpu.vector_load %arg7[%get3A_280, %get3A_281] {strides = array<i32>} : memref<118x128xi32, #tpu.memory_space<vmem>>, vector<1x16xi32>,
      %get3A_283 = vector.shape_cast %get3A_282 : vector<1x16xi32> to vector<16xi32>
      %and3A_284 = arith.constant 65535 : i32
      %and3A_285 = vector.broadcast %and3A_284 : i32 to vector<16xi32>
      %and3A_286 = arith.andi %get3A_283, %and3A_285 : vector<16xi32>
      %swap3A_287 = arith.constant 96 : index
      %swap3A_288 = tpu.vector_load %arg12[%swap3A_287] {strides = array<i32>} : memref<128xi32, #tpu.memory_space<vmem>>, vector<16xi32>,
      %swap3A_289 = vector.shape_cast %swap3A_288 : vector<16xi32> to vector<16xi32>
      %swap3A_290 = vector.shape_cast %and3A_286 : vector<16xi32> to vector<16xi32>
      tpu.vector_store %arg12[%swap3A_287], %swap3A_290 {strides = array<i32>} : memref<128xi32, #tpu.memory_space<vmem>>, vector<16xi32>,
      %shift_right_logical3A_291 = arith.constant 16 : i32
      %shift_right_logical3A_292 = vector.broadcast %shift_right_logical3A_291 : i32 to vector<16xi32>
      %shift_right_logical3A_293 = arith.shrui %get3A_283, %shift_right_logical3A_292 : vector<16xi32>
      %swap3A_294 = arith.constant 96 : index
      %swap3A_295 = tpu.vector_load %arg13[%swap3A_294] {strides = array<i32>} : memref<128xi32, #tpu.memory_space<vmem>>, vector<16xi32>,
      %swap3A_296 = vector.shape_cast %swap3A_295 : vector<16xi32> to vector<16xi32>
      %swap3A_297 = vector.shape_cast %shift_right_logical3A_293 : vector<16xi32> to vector<16xi32>
      tpu.vector_store %arg13[%swap3A_294], %swap3A_297 {strides = array<i32>} : memref<128xi32, #tpu.memory_space<vmem>>, vector<16xi32>,
      %get3A_298 = arith.constant 1 : i32
      %get3A_299 = arith.index_cast %get3A_298 : i32 to index
      %get3A_300 = arith.constant 112 : index
      %get3A_301 = tpu.vector_load %arg7[%get3A_299, %get3A_300] {strides = array<i32>} : memref<118x128xi32, #tpu.memory_space<vmem>>, vector<1x16xi32>,
      %get3A_302 = vector.shape_cast %get3A_301 : vector<1x16xi32> to vector<16xi32>
      %and3A_303 = arith.constant 65535 : i32
      %and3A_304 = vector.broadcast %and3A_303 : i32 to vector<16xi32>
      %and3A_305 = arith.andi %get3A_302, %and3A_304 : vector<16xi32>
      %swap3A_306 = arith.constant 112 : index
      %swap3A_307 = tpu.vector_load %arg12[%swap3A_306] {strides = array<i32>} : memref<128xi32, #tpu.memory_space<vmem>>, vector<16xi32>,
      %swap3A_308 = vector.shape_cast %swap3A_307 : vector<16xi32> to vector<16xi32>
      %swap3A_309 = vector.shape_cast %and3A_305 : vector<16xi32> to vector<16xi32>
      tpu.vector_store %arg12[%swap3A_306], %swap3A_309 {strides = array<i32>} : memref<128xi32, #tpu.memory_space<vmem>>, vector<16xi32>,
      %shift_right_logical3A_310 = arith.constant 16 : i32
      %shift_right_logical3A_311 = vector.broadcast %shift_right_logical3A_310 : i32 to vector<16xi32>
      %shift_right_logical3A_312 = arith.shrui %get3A_302, %shift_right_logical3A_311 : vector<16xi32>
      %swap3A_313 = arith.constant 112 : index
      %swap3A_314 = tpu.vector_load %arg13[%swap3A_313] {strides = array<i32>} : memref<128xi32, #tpu.memory_space<vmem>>, vector<16xi32>,
      %swap3A_315 = vector.shape_cast %swap3A_314 : vector<16xi32> to vector<16xi32>
      %swap3A_316 = vector.shape_cast %shift_right_logical3A_312 : vector<16xi32> to vector<16xi32>
      tpu.vector_store %arg13[%swap3A_313], %swap3A_316 {strides = array<i32>} : memref<128xi32, #tpu.memory_space<vmem>>, vector<16xi32>,
      %dma_start3A_317 = arith.constant 0 : i32
      %dma_start3A_318 = arith.constant 0 : i32
      %dma_start3A_319 = tpu.memref_slice %arg2[%dma_start3A_317, %dma_start3A_318] : memref<10000x128xf32, #tpu.memory_space<hbm>> -> memref<10000x128xf32, #tpu.memory_space<hbm>>
      tpu.enqueue_indirect_dma source(%dma_start3A_319 : memref<10000x128xf32, #tpu.memory_space<hbm>>) target(%arg9 : memref<128x128xf32, #tpu.memory_space<vmem>>) offsets(%arg12 : memref<128xi32, #tpu.memory_space<vmem>>) semaphore(%arg15 : memref<!tpu.dma_semaphore, #tpu.memory_space<semaphore_mem>>)
      %dma_wait3A = arith.constant 0 : i32
      %dma_wait3A_320 = arith.constant 0 : i32
      %dma_wait3A_321 = tpu.memref_slice %arg2[%dma_wait3A, %dma_wait3A_320] : memref<10000x128xf32, #tpu.memory_space<hbm>> -> memref<10000x128xf32, #tpu.memory_space<hbm>>
      tpu.wait_indirect_dma semaphore(%arg14 : memref<!tpu.dma_semaphore, #tpu.memory_space<semaphore_mem>>) src(%dma_wait3A_321 : memref<10000x128xf32, #tpu.memory_space<hbm>>) dst(%arg8 : memref<128x128xf32, #tpu.memory_space<vmem>>)
      %dma_start3A_322 = arith.constant 0 : i32
      %dma_start3A_323 = arith.constant 0 : i32
      %dma_start3A_324 = tpu.memref_slice %arg6[%dma_start3A_322, %dma_start3A_323] : memref<10240x128xf32, #tpu.memory_space<vmem_shared>> -> memref<10240x128xf32, #tpu.memory_space<vmem_shared>>
      tpu.enqueue_indirect_dma source(%arg8 : memref<128x128xf32, #tpu.memory_space<vmem>>) target(%dma_start3A_324 : memref<10240x128xf32, #tpu.memory_space<vmem_shared>>) offsets(%arg11 : memref<128xi32, #tpu.memory_space<vmem>>) semaphore(%arg16 : memref<!tpu.dma_semaphore, #tpu.memory_space<semaphore_mem>>) {add = true}
      %dma_wait3A_325 = arith.constant 0 : i32
      %dma_wait3A_326 = arith.constant 0 : i32
      %dma_wait3A_327 = tpu.memref_slice %arg6[%dma_wait3A_325, %dma_wait3A_326] : memref<10240x128xf32, #tpu.memory_space<vmem_shared>> -> memref<10240x128xf32, #tpu.memory_space<vmem_shared>>
      tpu.wait_indirect_dma semaphore(%arg16 : memref<!tpu.dma_semaphore, #tpu.memory_space<semaphore_mem>>) src(%arg8 : memref<128x128xf32, #tpu.memory_space<vmem>>) dst(%dma_wait3A_327 : memref<10240x128xf32, #tpu.memory_space<vmem_shared>>)
      %get3A_328 = arith.constant 2 : i32
      %get3A_329 = arith.index_cast %get3A_328 : i32 to index
      %get3A_330 = arith.constant 0 : index
      %get3A_331 = tpu.vector_load %arg7[%get3A_329, %get3A_330] {strides = array<i32>} : memref<118x128xi32, #tpu.memory_space<vmem>>, vector<1x16xi32>,
      %get3A_332 = vector.shape_cast %get3A_331 : vector<1x16xi32> to vector<16xi32>
      %and3A_333 = arith.constant 65535 : i32
      %and3A_334 = vector.broadcast %and3A_333 : i32 to vector<16xi32>
      %and3A_335 = arith.andi %get3A_332, %and3A_334 : vector<16xi32>
      %swap3A_336 = arith.constant 0 : index
      %swap3A_337 = tpu.vector_load %arg10[%swap3A_336] {strides = array<i32>} : memref<128xi32, #tpu.memory_space<vmem>>, vector<16xi32>,
      %swap3A_338 = vector.shape_cast %swap3A_337 : vector<16xi32> to vector<16xi32>
      %swap3A_339 = vector.shape_cast %and3A_335 : vector<16xi32> to vector<16xi32>
      tpu.vector_store %arg10[%swap3A_336], %swap3A_339 {strides = array<i32>} : memref<128xi32, #tpu.memory_space<vmem>>, vector<16xi32>,
      %shift_right_logical3A_340 = arith.constant 16 : i32
      %shift_right_logical3A_341 = vector.broadcast %shift_right_logical3A_340 : i32 to vector<16xi32>
      %shift_right_logical3A_342 = arith.shrui %get3A_332, %shift_right_logical3A_341 : vector<16xi32>
      %swap3A_343 = arith.constant 0 : index
      %swap3A_344 = tpu.vector_load %arg11[%swap3A_343] {strides = array<i32>} : memref<128xi32, #tpu.memory_space<vmem>>, vector<16xi32>,
      %swap3A_345 = vector.shape_cast %swap3A_344 : vector<16xi32> to vector<16xi32>
      %swap3A_346 = vector.shape_cast %shift_right_logical3A_342 : vector<16xi32> to vector<16xi32>
      tpu.vector_store %arg11[%swap3A_343], %swap3A_346 {strides = array<i32>} : memref<128xi32, #tpu.memory_space<vmem>>, vector<16xi32>,
      %get3A_347 = arith.constant 2 : i32
      %get3A_348 = arith.index_cast %get3A_347 : i32 to index
      %get3A_349 = arith.constant 16 : index
      %get3A_350 = tpu.vector_load %arg7[%get3A_348, %get3A_349] {strides = array<i32>} : memref<118x128xi32, #tpu.memory_space<vmem>>, vector<1x16xi32>,
      %get3A_351 = vector.shape_cast %get3A_350 : vector<1x16xi32> to vector<16xi32>
      %and3A_352 = arith.constant 65535 : i32
      %and3A_353 = vector.broadcast %and3A_352 : i32 to vector<16xi32>
      %and3A_354 = arith.andi %get3A_351, %and3A_353 : vector<16xi32>
      %swap3A_355 = arith.constant 16 : index
      %swap3A_356 = tpu.vector_load %arg10[%swap3A_355] {strides = array<i32>} : memref<128xi32, #tpu.memory_space<vmem>>, vector<16xi32>,
      %swap3A_357 = vector.shape_cast %swap3A_356 : vector<16xi32> to vector<16xi32>
      %swap3A_358 = vector.shape_cast %and3A_354 : vector<16xi32> to vector<16xi32>
      tpu.vector_store %arg10[%swap3A_355], %swap3A_358 {strides = array<i32>} : memref<128xi32, #tpu.memory_space<vmem>>, vector<16xi32>,
      %shift_right_logical3A_359 = arith.constant 16 : i32
      %shift_right_logical3A_360 = vector.broadcast %shift_right_logical3A_359 : i32 to vector<16xi32>
      %shift_right_logical3A_361 = arith.shrui %get3A_351, %shift_right_logical3A_360 : vector<16xi32>
      %swap3A_362 = arith.constant 16 : index
      %swap3A_363 = tpu.vector_load %arg11[%swap3A_362] {strides = array<i32>} : memref<128xi32, #tpu.memory_space<vmem>>, vector<16xi32>,
      %swap3A_364 = vector.shape_cast %swap3A_363 : vector<16xi32> to vector<16xi32>
      %swap3A_365 = vector.shape_cast %shift_right_logical3A_361 : vector<16xi32> to vector<16xi32>
      tpu.vector_store %arg11[%swap3A_362], %swap3A_365 {strides = array<i32>} : memref<128xi32, #tpu.memory_space<vmem>>, vector<16xi32>,
      %get3A_366 = arith.constant 2 : i32
      %get3A_367 = arith.index_cast %get3A_366 : i32 to index
      %get3A_368 = arith.constant 32 : index
      %get3A_369 = tpu.vector_load %arg7[%get3A_367, %get3A_368] {strides = array<i32>} : memref<118x128xi32, #tpu.memory_space<vmem>>, vector<1x16xi32>,
      %get3A_370 = vector.shape_cast %get3A_369 : vector<1x16xi32> to vector<16xi32>
      %and3A_371 = arith.constant 65535 : i32
      %and3A_372 = vector.broadcast %and3A_371 : i32 to vector<16xi32>
      %and3A_373 = arith.andi %get3A_370, %and3A_372 : vector<16xi32>
      %swap3A_374 = arith.constant 32 : index
      %swap3A_375 = tpu.vector_load %arg10[%swap3A_374] {strides = array<i32>} : memref<128xi32, #tpu.memory_space<vmem>>, vector<16xi32>,
      %swap3A_376 = vector.shape_cast %swap3A_375 : vector<16xi32> to vector<16xi32>
      %swap3A_377 = vector.shape_cast %and3A_373 : vector<16xi32> to vector<16xi32>
      tpu.vector_store %arg10[%swap3A_374], %swap3A_377 {strides = array<i32>} : memref<128xi32, #tpu.memory_space<vmem>>, vector<16xi32>,
      %shift_right_logical3A_378 = arith.constant 16 : i32
      %shift_right_logical3A_379 = vector.broadcast %shift_right_logical3A_378 : i32 to vector<16xi32>
      %shift_right_logical3A_380 = arith.shrui %get3A_370, %shift_right_logical3A_379 : vector<16xi32>
      %swap3A_381 = arith.constant 32 : index
      %swap3A_382 = tpu.vector_load %arg11[%swap3A_381] {strides = array<i32>} : memref<128xi32, #tpu.memory_space<vmem>>, vector<16xi32>,
      %swap3A_383 = vector.shape_cast %swap3A_382 : vector<16xi32> to vector<16xi32>
      %swap3A_384 = vector.shape_cast %shift_right_logical3A_380 : vector<16xi32> to vector<16xi32>
      tpu.vector_store %arg11[%swap3A_381], %swap3A_384 {strides = array<i32>} : memref<128xi32, #tpu.memory_space<vmem>>, vector<16xi32>,
      %get3A_385 = arith.constant 2 : i32
      %get3A_386 = arith.index_cast %get3A_385 : i32 to index
      %get3A_387 = arith.constant 48 : index
      %get3A_388 = tpu.vector_load %arg7[%get3A_386, %get3A_387] {strides = array<i32>} : memref<118x128xi32, #tpu.memory_space<vmem>>, vector<1x16xi32>,
      %get3A_389 = vector.shape_cast %get3A_388 : vector<1x16xi32> to vector<16xi32>
      %and3A_390 = arith.constant 65535 : i32
      %and3A_391 = vector.broadcast %and3A_390 : i32 to vector<16xi32>
      %and3A_392 = arith.andi %get3A_389, %and3A_391 : vector<16xi32>
      %swap3A_393 = arith.constant 48 : index
      %swap3A_394 = tpu.vector_load %arg10[%swap3A_393] {strides = array<i32>} : memref<128xi32, #tpu.memory_space<vmem>>, vector<16xi32>,
      %swap3A_395 = vector.shape_cast %swap3A_394 : vector<16xi32> to vector<16xi32>
      %swap3A_396 = vector.shape_cast %and3A_392 : vector<16xi32> to vector<16xi32>
      tpu.vector_store %arg10[%swap3A_393], %swap3A_396 {strides = array<i32>} : memref<128xi32, #tpu.memory_space<vmem>>, vector<16xi32>,
      %shift_right_logical3A_397 = arith.constant 16 : i32
      %shift_right_logical3A_398 = vector.broadcast %shift_right_logical3A_397 : i32 to vector<16xi32>
      %shift_right_logical3A_399 = arith.shrui %get3A_389, %shift_right_logical3A_398 : vector<16xi32>
      %swap3A_400 = arith.constant 48 : index
      %swap3A_401 = tpu.vector_load %arg11[%swap3A_400] {strides = array<i32>} : memref<128xi32, #tpu.memory_space<vmem>>, vector<16xi32>,
      %swap3A_402 = vector.shape_cast %swap3A_401 : vector<16xi32> to vector<16xi32>
      %swap3A_403 = vector.shape_cast %shift_right_logical3A_399 : vector<16xi32> to vector<16xi32>
      tpu.vector_store %arg11[%swap3A_400], %swap3A_403 {strides = array<i32>} : memref<128xi32, #tpu.memory_space<vmem>>, vector<16xi32>,
      %get3A_404 = arith.constant 2 : i32
      %get3A_405 = arith.index_cast %get3A_404 : i32 to index
      %get3A_406 = arith.constant 64 : index
      %get3A_407 = tpu.vector_load %arg7[%get3A_405, %get3A_406] {strides = array<i32>} : memref<118x128xi32, #tpu.memory_space<vmem>>, vector<1x16xi32>,
      %get3A_408 = vector.shape_cast %get3A_407 : vector<1x16xi32> to vector<16xi32>
      %and3A_409 = arith.constant 65535 : i32
      %and3A_410 = vector.broadcast %and3A_409 : i32 to vector<16xi32>
      %and3A_411 = arith.andi %get3A_408, %and3A_410 : vector<16xi32>
      %swap3A_412 = arith.constant 64 : index
      %swap3A_413 = tpu.vector_load %arg10[%swap3A_412] {strides = array<i32>} : memref<128xi32, #tpu.memory_space<vmem>>, vector<16xi32>,
      %swap3A_414 = vector.shape_cast %swap3A_413 : vector<16xi32> to vector<16xi32>
      %swap3A_415 = vector.shape_cast %and3A_411 : vector<16xi32> to vector<16xi32>
      tpu.vector_store %arg10[%swap3A_412], %swap3A_415 {strides = array<i32>} : memref<128xi32, #tpu.memory_space<vmem>>, vector<16xi32>,
      %shift_right_logical3A_416 = arith.constant 16 : i32
      %shift_right_logical3A_417 = vector.broadcast %shift_right_logical3A_416 : i32 to vector<16xi32>
      %shift_right_logical3A_418 = arith.shrui %get3A_408, %shift_right_logical3A_417 : vector<16xi32>
      %swap3A_419 = arith.constant 64 : index
      %swap3A_420 = tpu.vector_load %arg11[%swap3A_419] {strides = array<i32>} : memref<128xi32, #tpu.memory_space<vmem>>, vector<16xi32>,
      %swap3A_421 = vector.shape_cast %swap3A_420 : vector<16xi32> to vector<16xi32>
      %swap3A_422 = vector.shape_cast %shift_right_logical3A_418 : vector<16xi32> to vector<16xi32>
      tpu.vector_store %arg11[%swap3A_419], %swap3A_422 {strides = array<i32>} : memref<128xi32, #tpu.memory_space<vmem>>, vector<16xi32>,
      %get3A_423 = arith.constant 2 : i32
      %get3A_424 = arith.index_cast %get3A_423 : i32 to index
      %get3A_425 = arith.constant 80 : index
      %get3A_426 = tpu.vector_load %arg7[%get3A_424, %get3A_425] {strides = array<i32>} : memref<118x128xi32, #tpu.memory_space<vmem>>, vector<1x16xi32>,
      %get3A_427 = vector.shape_cast %get3A_426 : vector<1x16xi32> to vector<16xi32>
      %and3A_428 = arith.constant 65535 : i32
      %and3A_429 = vector.broadcast %and3A_428 : i32 to vector<16xi32>
      %and3A_430 = arith.andi %get3A_427, %and3A_429 : vector<16xi32>
      %swap3A_431 = arith.constant 80 : index
      %swap3A_432 = tpu.vector_load %arg10[%swap3A_431] {strides = array<i32>} : memref<128xi32, #tpu.memory_space<vmem>>, vector<16xi32>,
      %swap3A_433 = vector.shape_cast %swap3A_432 : vector<16xi32> to vector<16xi32>
      %swap3A_434 = vector.shape_cast %and3A_430 : vector<16xi32> to vector<16xi32>
      tpu.vector_store %arg10[%swap3A_431], %swap3A_434 {strides = array<i32>} : memref<128xi32, #tpu.memory_space<vmem>>, vector<16xi32>,
      %shift_right_logical3A_435 = arith.constant 16 : i32
      %shift_right_logical3A_436 = vector.broadcast %shift_right_logical3A_435 : i32 to vector<16xi32>
      %shift_right_logical3A_437 = arith.shrui %get3A_427, %shift_right_logical3A_436 : vector<16xi32>
      %swap3A_438 = arith.constant 80 : index
      %swap3A_439 = tpu.vector_load %arg11[%swap3A_438] {strides = array<i32>} : memref<128xi32, #tpu.memory_space<vmem>>, vector<16xi32>,
      %swap3A_440 = vector.shape_cast %swap3A_439 : vector<16xi32> to vector<16xi32>
      %swap3A_441 = vector.shape_cast %shift_right_logical3A_437 : vector<16xi32> to vector<16xi32>
      tpu.vector_store %arg11[%swap3A_438], %swap3A_441 {strides = array<i32>} : memref<128xi32, #tpu.memory_space<vmem>>, vector<16xi32>,
      %get3A_442 = arith.constant 2 : i32
      %get3A_443 = arith.index_cast %get3A_442 : i32 to index
      %get3A_444 = arith.constant 96 : index
      %get3A_445 = tpu.vector_load %arg7[%get3A_443, %get3A_444] {strides = array<i32>} : memref<118x128xi32, #tpu.memory_space<vmem>>, vector<1x16xi32>,
      %get3A_446 = vector.shape_cast %get3A_445 : vector<1x16xi32> to vector<16xi32>
      %and3A_447 = arith.constant 65535 : i32
      %and3A_448 = vector.broadcast %and3A_447 : i32 to vector<16xi32>
      %and3A_449 = arith.andi %get3A_446, %and3A_448 : vector<16xi32>
      %swap3A_450 = arith.constant 96 : index
      %swap3A_451 = tpu.vector_load %arg10[%swap3A_450] {strides = array<i32>} : memref<128xi32, #tpu.memory_space<vmem>>, vector<16xi32>,
      %swap3A_452 = vector.shape_cast %swap3A_451 : vector<16xi32> to vector<16xi32>
      %swap3A_453 = vector.shape_cast %and3A_449 : vector<16xi32> to vector<16xi32>
      tpu.vector_store %arg10[%swap3A_450], %swap3A_453 {strides = array<i32>} : memref<128xi32, #tpu.memory_space<vmem>>, vector<16xi32>,
      %shift_right_logical3A_454 = arith.constant 16 : i32
      %shift_right_logical3A_455 = vector.broadcast %shift_right_logical3A_454 : i32 to vector<16xi32>
      %shift_right_logical3A_456 = arith.shrui %get3A_446, %shift_right_logical3A_455 : vector<16xi32>
      %swap3A_457 = arith.constant 96 : index
      %swap3A_458 = tpu.vector_load %arg11[%swap3A_457] {strides = array<i32>} : memref<128xi32, #tpu.memory_space<vmem>>, vector<16xi32>,
      %swap3A_459 = vector.shape_cast %swap3A_458 : vector<16xi32> to vector<16xi32>
      %swap3A_460 = vector.shape_cast %shift_right_logical3A_456 : vector<16xi32> to vector<16xi32>
      tpu.vector_store %arg11[%swap3A_457], %swap3A_460 {strides = array<i32>} : memref<128xi32, #tpu.memory_space<vmem>>, vector<16xi32>,
      %get3A_461 = arith.constant 2 : i32
      %get3A_462 = arith.index_cast %get3A_461 : i32 to index
      %get3A_463 = arith.constant 112 : index
      %get3A_464 = tpu.vector_load %arg7[%get3A_462, %get3A_463] {strides = array<i32>} : memref<118x128xi32, #tpu.memory_space<vmem>>, vector<1x16xi32>,
      %get3A_465 = vector.shape_cast %get3A_464 : vector<1x16xi32> to vector<16xi32>
      %and3A_466 = arith.constant 65535 : i32
      %and3A_467 = vector.broadcast %and3A_466 : i32 to vector<16xi32>
      %and3A_468 = arith.andi %get3A_465, %and3A_467 : vector<16xi32>
      %swap3A_469 = arith.constant 112 : index
      %swap3A_470 = tpu.vector_load %arg10[%swap3A_469] {strides = array<i32>} : memref<128xi32, #tpu.memory_space<vmem>>, vector<16xi32>,
      %swap3A_471 = vector.shape_cast %swap3A_470 : vector<16xi32> to vector<16xi32>
      %swap3A_472 = vector.shape_cast %and3A_468 : vector<16xi32> to vector<16xi32>
      tpu.vector_store %arg10[%swap3A_469], %swap3A_472 {strides = array<i32>} : memref<128xi32, #tpu.memory_space<vmem>>, vector<16xi32>,
      %shift_right_logical3A_473 = arith.constant 16 : i32
      %shift_right_logical3A_474 = vector.broadcast %shift_right_logical3A_473 : i32 to vector<16xi32>
      %shift_right_logical3A_475 = arith.shrui %get3A_465, %shift_right_logical3A_474 : vector<16xi32>
      %swap3A_476 = arith.constant 112 : index
      %swap3A_477 = tpu.vector_load %arg11[%swap3A_476] {strides = array<i32>} : memref<128xi32, #tpu.memory_space<vmem>>, vector<16xi32>,
      %swap3A_478 = vector.shape_cast %swap3A_477 : vector<16xi32> to vector<16xi32>
      %swap3A_479 = vector.shape_cast %shift_right_logical3A_475 : vector<16xi32> to vector<16xi32>
      tpu.vector_store %arg11[%swap3A_476], %swap3A_479 {strides = array<i32>} : memref<128xi32, #tpu.memory_space<vmem>>, vector<16xi32>,
      %dma_start3A_480 = arith.constant 0 : i32
      %dma_start3A_481 = arith.constant 0 : i32
      %dma_start3A_482 = tpu.memref_slice %arg2[%dma_start3A_480, %dma_start3A_481] : memref<10000x128xf32, #tpu.memory_space<hbm>> -> memref<10000x128xf32, #tpu.memory_space<hbm>>
      tpu.enqueue_indirect_dma source(%dma_start3A_482 : memref<10000x128xf32, #tpu.memory_space<hbm>>) target(%arg8 : memref<128x128xf32, #tpu.memory_space<vmem>>) offsets(%arg10 : memref<128xi32, #tpu.memory_space<vmem>>) semaphore(%arg14 : memref<!tpu.dma_semaphore, #tpu.memory_space<semaphore_mem>>)
      %dma_wait3A_483 = arith.constant 0 : i32
      %dma_wait3A_484 = arith.constant 0 : i32
      %dma_wait3A_485 = tpu.memref_slice %arg2[%dma_wait3A_483, %dma_wait3A_484] : memref<10000x128xf32, #tpu.memory_space<hbm>> -> memref<10000x128xf32, #tpu.memory_space<hbm>>
      tpu.wait_indirect_dma semaphore(%arg15 : memref<!tpu.dma_semaphore, #tpu.memory_space<semaphore_mem>>) src(%dma_wait3A_485 : memref<10000x128xf32, #tpu.memory_space<hbm>>) dst(%arg9 : memref<128x128xf32, #tpu.memory_space<vmem>>)
      %dma_start3A_486 = arith.constant 0 : i32
      %dma_start3A_487 = arith.constant 0 : i32
      %dma_start3A_488 = tpu.memref_slice %arg6[%dma_start3A_486, %dma_start3A_487] : memref<10240x128xf32, #tpu.memory_space<vmem_shared>> -> memref<10240x128xf32, #tpu.memory_space<vmem_shared>>
      tpu.enqueue_indirect_dma source(%arg9 : memref<128x128xf32, #tpu.memory_space<vmem>>) target(%dma_start3A_488 : memref<10240x128xf32, #tpu.memory_space<vmem_shared>>) offsets(%arg13 : memref<128xi32, #tpu.memory_space<vmem>>) semaphore(%arg17 : memref<!tpu.dma_semaphore, #tpu.memory_space<semaphore_mem>>) {add = true}
      %scan3A = arith.constant 0 : i32
      %scan3A_489 = arith.constant 1 : i32
      %scan3A_490 = arith.constant 58 : i32
      %scan3A_491 = arith.addi %scan3A_489, %scan3A_490 : i32
      %scan3A_492 = arith.constant 1 : i32
      scf.for %scan3A_497 = %scan3A_489 to %scan3A_491 step %scan3A_492  : i32 {
        %mul3A_498 = arith.constant 2 : i32
        %mul3A_499 = arith.muli %mul3A_498, %scan3A_497 : i32
        %dma_wait3A_500 = arith.constant 0 : i32
        %dma_wait3A_501 = arith.constant 0 : i32
        %dma_wait3A_502 = tpu.memref_slice %arg6[%dma_wait3A_500, %dma_wait3A_501] : memref<10240x128xf32, #tpu.memory_space<vmem_shared>> -> memref<10240x128xf32, #tpu.memory_space<vmem_shared>>
        tpu.wait_indirect_dma semaphore(%arg17 : memref<!tpu.dma_semaphore, #tpu.memory_space<semaphore_mem>>) src(%arg9 : memref<128x128xf32, #tpu.memory_space<vmem>>) dst(%dma_wait3A_502 : memref<10240x128xf32, #tpu.memory_space<vmem_shared>>)
        %add3A_503 = arith.constant 1 : i32
        %add3A_504 = arith.addi %mul3A_499, %add3A_503 : i32
        %get3A_505 = arith.index_cast %add3A_504 : i32 to index
        %get3A_506 = arith.constant 0 : index
        %get3A_507 = tpu.vector_load %arg7[%get3A_505, %get3A_506] {strides = array<i32>} : memref<118x128xi32, #tpu.memory_space<vmem>>, vector<1x16xi32>,
        %get3A_508 = vector.shape_cast %get3A_507 : vector<1x16xi32> to vector<16xi32>
        %and3A_509 = arith.constant 65535 : i32
        %and3A_510 = vector.broadcast %and3A_509 : i32 to vector<16xi32>
        %and3A_511 = arith.andi %get3A_508, %and3A_510 : vector<16xi32>
        %swap3A_512 = arith.constant 0 : index
        %swap3A_513 = tpu.vector_load %arg12[%swap3A_512] {strides = array<i32>} : memref<128xi32, #tpu.memory_space<vmem>>, vector<16xi32>,
        %swap3A_514 = vector.shape_cast %swap3A_513 : vector<16xi32> to vector<16xi32>
        %swap3A_515 = vector.shape_cast %and3A_511 : vector<16xi32> to vector<16xi32>
        tpu.vector_store %arg12[%swap3A_512], %swap3A_515 {strides = array<i32>} : memref<128xi32, #tpu.memory_space<vmem>>, vector<16xi32>,
        %shift_right_logical3A_516 = arith.constant 16 : i32
        %shift_right_logical3A_517 = vector.broadcast %shift_right_logical3A_516 : i32 to vector<16xi32>
        %shift_right_logical3A_518 = arith.shrui %get3A_508, %shift_right_logical3A_517 : vector<16xi32>
        %swap3A_519 = arith.constant 0 : index
        %swap3A_520 = tpu.vector_load %arg13[%swap3A_519] {strides = array<i32>} : memref<128xi32, #tpu.memory_space<vmem>>, vector<16xi32>,
        %swap3A_521 = vector.shape_cast %swap3A_520 : vector<16xi32> to vector<16xi32>
        %swap3A_522 = vector.shape_cast %shift_right_logical3A_518 : vector<16xi32> to vector<16xi32>
        tpu.vector_store %arg13[%swap3A_519], %swap3A_522 {strides = array<i32>} : memref<128xi32, #tpu.memory_space<vmem>>, vector<16xi32>,
        %get3A_523 = arith.index_cast %add3A_504 : i32 to index
        %get3A_524 = arith.constant 16 : index
        %get3A_525 = tpu.vector_load %arg7[%get3A_523, %get3A_524] {strides = array<i32>} : memref<118x128xi32, #tpu.memory_space<vmem>>, vector<1x16xi32>,
        %get3A_526 = vector.shape_cast %get3A_525 : vector<1x16xi32> to vector<16xi32>
        %and3A_527 = arith.constant 65535 : i32
        %and3A_528 = vector.broadcast %and3A_527 : i32 to vector<16xi32>
        %and3A_529 = arith.andi %get3A_526, %and3A_528 : vector<16xi32>
        %swap3A_530 = arith.constant 16 : index
        %swap3A_531 = tpu.vector_load %arg12[%swap3A_530] {strides = array<i32>} : memref<128xi32, #tpu.memory_space<vmem>>, vector<16xi32>,
        %swap3A_532 = vector.shape_cast %swap3A_531 : vector<16xi32> to vector<16xi32>
        %swap3A_533 = vector.shape_cast %and3A_529 : vector<16xi32> to vector<16xi32>
        tpu.vector_store %arg12[%swap3A_530], %swap3A_533 {strides = array<i32>} : memref<128xi32, #tpu.memory_space<vmem>>, vector<16xi32>,
        %shift_right_logical3A_534 = arith.constant 16 : i32
        %shift_right_logical3A_535 = vector.broadcast %shift_right_logical3A_534 : i32 to vector<16xi32>
        %shift_right_logical3A_536 = arith.shrui %get3A_526, %shift_right_logical3A_535 : vector<16xi32>
        %swap3A_537 = arith.constant 16 : index
        %swap3A_538 = tpu.vector_load %arg13[%swap3A_537] {strides = array<i32>} : memref<128xi32, #tpu.memory_space<vmem>>, vector<16xi32>,
        %swap3A_539 = vector.shape_cast %swap3A_538 : vector<16xi32> to vector<16xi32>
        %swap3A_540 = vector.shape_cast %shift_right_logical3A_536 : vector<16xi32> to vector<16xi32>
        tpu.vector_store %arg13[%swap3A_537], %swap3A_540 {strides = array<i32>} : memref<128xi32, #tpu.memory_space<vmem>>, vector<16xi32>,
        %get3A_541 = arith.index_cast %add3A_504 : i32 to index
        %get3A_542 = arith.constant 32 : index
        %get3A_543 = tpu.vector_load %arg7[%get3A_541, %get3A_542] {strides = array<i32>} : memref<118x128xi32, #tpu.memory_space<vmem>>, vector<1x16xi32>,
        %get3A_544 = vector.shape_cast %get3A_543 : vector<1x16xi32> to vector<16xi32>
        %and3A_545 = arith.constant 65535 : i32
        %and3A_546 = vector.broadcast %and3A_545 : i32 to vector<16xi32>
        %and3A_547 = arith.andi %get3A_544, %and3A_546 : vector<16xi32>
        %swap3A_548 = arith.constant 32 : index
        %swap3A_549 = tpu.vector_load %arg12[%swap3A_548] {strides = array<i32>} : memref<128xi32, #tpu.memory_space<vmem>>, vector<16xi32>,
        %swap3A_550 = vector.shape_cast %swap3A_549 : vector<16xi32> to vector<16xi32>
        %swap3A_551 = vector.shape_cast %and3A_547 : vector<16xi32> to vector<16xi32>
        tpu.vector_store %arg12[%swap3A_548], %swap3A_551 {strides = array<i32>} : memref<128xi32, #tpu.memory_space<vmem>>, vector<16xi32>,
        %shift_right_logical3A_552 = arith.constant 16 : i32
        %shift_right_logical3A_553 = vector.broadcast %shift_right_logical3A_552 : i32 to vector<16xi32>
        %shift_right_logical3A_554 = arith.shrui %get3A_544, %shift_right_logical3A_553 : vector<16xi32>
        %swap3A_555 = arith.constant 32 : index
        %swap3A_556 = tpu.vector_load %arg13[%swap3A_555] {strides = array<i32>} : memref<128xi32, #tpu.memory_space<vmem>>, vector<16xi32>,
        %swap3A_557 = vector.shape_cast %swap3A_556 : vector<16xi32> to vector<16xi32>
        %swap3A_558 = vector.shape_cast %shift_right_logical3A_554 : vector<16xi32> to vector<16xi32>
        tpu.vector_store %arg13[%swap3A_555], %swap3A_558 {strides = array<i32>} : memref<128xi32, #tpu.memory_space<vmem>>, vector<16xi32>,
        %get3A_559 = arith.index_cast %add3A_504 : i32 to index
        %get3A_560 = arith.constant 48 : index
        %get3A_561 = tpu.vector_load %arg7[%get3A_559, %get3A_560] {strides = array<i32>} : memref<118x128xi32, #tpu.memory_space<vmem>>, vector<1x16xi32>,
        %get3A_562 = vector.shape_cast %get3A_561 : vector<1x16xi32> to vector<16xi32>
        %and3A_563 = arith.constant 65535 : i32
        %and3A_564 = vector.broadcast %and3A_563 : i32 to vector<16xi32>
        %and3A_565 = arith.andi %get3A_562, %and3A_564 : vector<16xi32>
        %swap3A_566 = arith.constant 48 : index
        %swap3A_567 = tpu.vector_load %arg12[%swap3A_566] {strides = array<i32>} : memref<128xi32, #tpu.memory_space<vmem>>, vector<16xi32>,
        %swap3A_568 = vector.shape_cast %swap3A_567 : vector<16xi32> to vector<16xi32>
        %swap3A_569 = vector.shape_cast %and3A_565 : vector<16xi32> to vector<16xi32>
        tpu.vector_store %arg12[%swap3A_566], %swap3A_569 {strides = array<i32>} : memref<128xi32, #tpu.memory_space<vmem>>, vector<16xi32>,
        %shift_right_logical3A_570 = arith.constant 16 : i32
        %shift_right_logical3A_571 = vector.broadcast %shift_right_logical3A_570 : i32 to vector<16xi32>
        %shift_right_logical3A_572 = arith.shrui %get3A_562, %shift_right_logical3A_571 : vector<16xi32>
        %swap3A_573 = arith.constant 48 : index
        %swap3A_574 = tpu.vector_load %arg13[%swap3A_573] {strides = array<i32>} : memref<128xi32, #tpu.memory_space<vmem>>, vector<16xi32>,
        %swap3A_575 = vector.shape_cast %swap3A_574 : vector<16xi32> to vector<16xi32>
        %swap3A_576 = vector.shape_cast %shift_right_logical3A_572 : vector<16xi32> to vector<16xi32>
        tpu.vector_store %arg13[%swap3A_573], %swap3A_576 {strides = array<i32>} : memref<128xi32, #tpu.memory_space<vmem>>, vector<16xi32>,
        %get3A_577 = arith.index_cast %add3A_504 : i32 to index
        %get3A_578 = arith.constant 64 : index
        %get3A_579 = tpu.vector_load %arg7[%get3A_577, %get3A_578] {strides = array<i32>} : memref<118x128xi32, #tpu.memory_space<vmem>>, vector<1x16xi32>,
        %get3A_580 = vector.shape_cast %get3A_579 : vector<1x16xi32> to vector<16xi32>
        %and3A_581 = arith.constant 65535 : i32
        %and3A_582 = vector.broadcast %and3A_581 : i32 to vector<16xi32>
        %and3A_583 = arith.andi %get3A_580, %and3A_582 : vector<16xi32>
        %swap3A_584 = arith.constant 64 : index
        %swap3A_585 = tpu.vector_load %arg12[%swap3A_584] {strides = array<i32>} : memref<128xi32, #tpu.memory_space<vmem>>, vector<16xi32>,
        %swap3A_586 = vector.shape_cast %swap3A_585 : vector<16xi32> to vector<16xi32>
        %swap3A_587 = vector.shape_cast %and3A_583 : vector<16xi32> to vector<16xi32>
        tpu.vector_store %arg12[%swap3A_584], %swap3A_587 {strides = array<i32>} : memref<128xi32, #tpu.memory_space<vmem>>, vector<16xi32>,
        %shift_right_logical3A_588 = arith.constant 16 : i32
        %shift_right_logical3A_589 = vector.broadcast %shift_right_logical3A_588 : i32 to vector<16xi32>
        %shift_right_logical3A_590 = arith.shrui %get3A_580, %shift_right_logical3A_589 : vector<16xi32>
        %swap3A_591 = arith.constant 64 : index
        %swap3A_592 = tpu.vector_load %arg13[%swap3A_591] {strides = array<i32>} : memref<128xi32, #tpu.memory_space<vmem>>, vector<16xi32>,
        %swap3A_593 = vector.shape_cast %swap3A_592 : vector<16xi32> to vector<16xi32>
        %swap3A_594 = vector.shape_cast %shift_right_logical3A_590 : vector<16xi32> to vector<16xi32>
        tpu.vector_store %arg13[%swap3A_591], %swap3A_594 {strides = array<i32>} : memref<128xi32, #tpu.memory_space<vmem>>, vector<16xi32>,
        %get3A_595 = arith.index_cast %add3A_504 : i32 to index
        %get3A_596 = arith.constant 80 : index
        %get3A_597 = tpu.vector_load %arg7[%get3A_595, %get3A_596] {strides = array<i32>} : memref<118x128xi32, #tpu.memory_space<vmem>>, vector<1x16xi32>,
        %get3A_598 = vector.shape_cast %get3A_597 : vector<1x16xi32> to vector<16xi32>
        %and3A_599 = arith.constant 65535 : i32
        %and3A_600 = vector.broadcast %and3A_599 : i32 to vector<16xi32>
        %and3A_601 = arith.andi %get3A_598, %and3A_600 : vector<16xi32>
        %swap3A_602 = arith.constant 80 : index
        %swap3A_603 = tpu.vector_load %arg12[%swap3A_602] {strides = array<i32>} : memref<128xi32, #tpu.memory_space<vmem>>, vector<16xi32>,
        %swap3A_604 = vector.shape_cast %swap3A_603 : vector<16xi32> to vector<16xi32>
        %swap3A_605 = vector.shape_cast %and3A_601 : vector<16xi32> to vector<16xi32>
        tpu.vector_store %arg12[%swap3A_602], %swap3A_605 {strides = array<i32>} : memref<128xi32, #tpu.memory_space<vmem>>, vector<16xi32>,
        %shift_right_logical3A_606 = arith.constant 16 : i32
        %shift_right_logical3A_607 = vector.broadcast %shift_right_logical3A_606 : i32 to vector<16xi32>
        %shift_right_logical3A_608 = arith.shrui %get3A_598, %shift_right_logical3A_607 : vector<16xi32>
        %swap3A_609 = arith.constant 80 : index
        %swap3A_610 = tpu.vector_load %arg13[%swap3A_609] {strides = array<i32>} : memref<128xi32, #tpu.memory_space<vmem>>, vector<16xi32>,
        %swap3A_611 = vector.shape_cast %swap3A_610 : vector<16xi32> to vector<16xi32>
        %swap3A_612 = vector.shape_cast %shift_right_logical3A_608 : vector<16xi32> to vector<16xi32>
        tpu.vector_store %arg13[%swap3A_609], %swap3A_612 {strides = array<i32>} : memref<128xi32, #tpu.memory_space<vmem>>, vector<16xi32>,
        %get3A_613 = arith.index_cast %add3A_504 : i32 to index
        %get3A_614 = arith.constant 96 : index
        %get3A_615 = tpu.vector_load %arg7[%get3A_613, %get3A_614] {strides = array<i32>} : memref<118x128xi32, #tpu.memory_space<vmem>>, vector<1x16xi32>,
        %get3A_616 = vector.shape_cast %get3A_615 : vector<1x16xi32> to vector<16xi32>
        %and3A_617 = arith.constant 65535 : i32
        %and3A_618 = vector.broadcast %and3A_617 : i32 to vector<16xi32>
        %and3A_619 = arith.andi %get3A_616, %and3A_618 : vector<16xi32>
        %swap3A_620 = arith.constant 96 : index
        %swap3A_621 = tpu.vector_load %arg12[%swap3A_620] {strides = array<i32>} : memref<128xi32, #tpu.memory_space<vmem>>, vector<16xi32>,
        %swap3A_622 = vector.shape_cast %swap3A_621 : vector<16xi32> to vector<16xi32>
        %swap3A_623 = vector.shape_cast %and3A_619 : vector<16xi32> to vector<16xi32>
        tpu.vector_store %arg12[%swap3A_620], %swap3A_623 {strides = array<i32>} : memref<128xi32, #tpu.memory_space<vmem>>, vector<16xi32>,
        %shift_right_logical3A_624 = arith.constant 16 : i32
        %shift_right_logical3A_625 = vector.broadcast %shift_right_logical3A_624 : i32 to vector<16xi32>
        %shift_right_logical3A_626 = arith.shrui %get3A_616, %shift_right_logical3A_625 : vector<16xi32>
        %swap3A_627 = arith.constant 96 : index
        %swap3A_628 = tpu.vector_load %arg13[%swap3A_627] {strides = array<i32>} : memref<128xi32, #tpu.memory_space<vmem>>, vector<16xi32>,
        %swap3A_629 = vector.shape_cast %swap3A_628 : vector<16xi32> to vector<16xi32>
        %swap3A_630 = vector.shape_cast %shift_right_logical3A_626 : vector<16xi32> to vector<16xi32>
        tpu.vector_store %arg13[%swap3A_627], %swap3A_630 {strides = array<i32>} : memref<128xi32, #tpu.memory_space<vmem>>, vector<16xi32>,
        %get3A_631 = arith.index_cast %add3A_504 : i32 to index
        %get3A_632 = arith.constant 112 : index
        %get3A_633 = tpu.vector_load %arg7[%get3A_631, %get3A_632] {strides = array<i32>} : memref<118x128xi32, #tpu.memory_space<vmem>>, vector<1x16xi32>,
        %get3A_634 = vector.shape_cast %get3A_633 : vector<1x16xi32> to vector<16xi32>
        %and3A_635 = arith.constant 65535 : i32
        %and3A_636 = vector.broadcast %and3A_635 : i32 to vector<16xi32>
        %and3A_637 = arith.andi %get3A_634, %and3A_636 : vector<16xi32>
        %swap3A_638 = arith.constant 112 : index
        %swap3A_639 = tpu.vector_load %arg12[%swap3A_638] {strides = array<i32>} : memref<128xi32, #tpu.memory_space<vmem>>, vector<16xi32>,
        %swap3A_640 = vector.shape_cast %swap3A_639 : vector<16xi32> to vector<16xi32>
        %swap3A_641 = vector.shape_cast %and3A_637 : vector<16xi32> to vector<16xi32>
        tpu.vector_store %arg12[%swap3A_638], %swap3A_641 {strides = array<i32>} : memref<128xi32, #tpu.memory_space<vmem>>, vector<16xi32>,
        %shift_right_logical3A_642 = arith.constant 16 : i32
        %shift_right_logical3A_643 = vector.broadcast %shift_right_logical3A_642 : i32 to vector<16xi32>
        %shift_right_logical3A_644 = arith.shrui %get3A_634, %shift_right_logical3A_643 : vector<16xi32>
        %swap3A_645 = arith.constant 112 : index
        %swap3A_646 = tpu.vector_load %arg13[%swap3A_645] {strides = array<i32>} : memref<128xi32, #tpu.memory_space<vmem>>, vector<16xi32>,
        %swap3A_647 = vector.shape_cast %swap3A_646 : vector<16xi32> to vector<16xi32>
        %swap3A_648 = vector.shape_cast %shift_right_logical3A_644 : vector<16xi32> to vector<16xi32>
        tpu.vector_store %arg13[%swap3A_645], %swap3A_648 {strides = array<i32>} : memref<128xi32, #tpu.memory_space<vmem>>, vector<16xi32>,
        %dma_start3A_649 = arith.constant 0 : i32
        %dma_start3A_650 = arith.constant 0 : i32
        %dma_start3A_651 = tpu.memref_slice %arg2[%dma_start3A_649, %dma_start3A_650] : memref<10000x128xf32, #tpu.memory_space<hbm>> -> memref<10000x128xf32, #tpu.memory_space<hbm>>
        tpu.enqueue_indirect_dma source(%dma_start3A_651 : memref<10000x128xf32, #tpu.memory_space<hbm>>) target(%arg9 : memref<128x128xf32, #tpu.memory_space<vmem>>) offsets(%arg12 : memref<128xi32, #tpu.memory_space<vmem>>) semaphore(%arg15 : memref<!tpu.dma_semaphore, #tpu.memory_space<semaphore_mem>>)
        %dma_wait3A_652 = arith.constant 0 : i32
        %dma_wait3A_653 = arith.constant 0 : i32
        %dma_wait3A_654 = tpu.memref_slice %arg2[%dma_wait3A_652, %dma_wait3A_653] : memref<10000x128xf32, #tpu.memory_space<hbm>> -> memref<10000x128xf32, #tpu.memory_space<hbm>>
        tpu.wait_indirect_dma semaphore(%arg14 : memref<!tpu.dma_semaphore, #tpu.memory_space<semaphore_mem>>) src(%dma_wait3A_654 : memref<10000x128xf32, #tpu.memory_space<hbm>>) dst(%arg8 : memref<128x128xf32, #tpu.memory_space<vmem>>)
        %dma_start3A_655 = arith.constant 0 : i32
        %dma_start3A_656 = arith.constant 0 : i32
        %dma_start3A_657 = tpu.memref_slice %arg6[%dma_start3A_655, %dma_start3A_656] : memref<10240x128xf32, #tpu.memory_space<vmem_shared>> -> memref<10240x128xf32, #tpu.memory_space<vmem_shared>>
        tpu.enqueue_indirect_dma source(%arg8 : memref<128x128xf32, #tpu.memory_space<vmem>>) target(%dma_start3A_657 : memref<10240x128xf32, #tpu.memory_space<vmem_shared>>) offsets(%arg11 : memref<128xi32, #tpu.memory_space<vmem>>) semaphore(%arg16 : memref<!tpu.dma_semaphore, #tpu.memory_space<semaphore_mem>>) {add = true}
        %dma_wait3A_658 = arith.constant 0 : i32
        %dma_wait3A_659 = arith.constant 0 : i32
        %dma_wait3A_660 = tpu.memref_slice %arg6[%dma_wait3A_658, %dma_wait3A_659] : memref<10240x128xf32, #tpu.memory_space<vmem_shared>> -> memref<10240x128xf32, #tpu.memory_space<vmem_shared>>
        tpu.wait_indirect_dma semaphore(%arg16 : memref<!tpu.dma_semaphore, #tpu.memory_space<semaphore_mem>>) src(%arg8 : memref<128x128xf32, #tpu.memory_space<vmem>>) dst(%dma_wait3A_660 : memref<10240x128xf32, #tpu.memory_space<vmem_shared>>)
        %add3A_661 = arith.constant 2 : i32
        %add3A_662 = arith.addi %mul3A_499, %add3A_661 : i32
        %min3A = arith.constant 117 : i32
        %min3A_663 = arith.minsi %add3A_662, %min3A : i32
        %get3A_664 = arith.index_cast %min3A_663 : i32 to index
        %get3A_665 = arith.constant 0 : index
        %get3A_666 = tpu.vector_load %arg7[%get3A_664, %get3A_665] {strides = array<i32>} : memref<118x128xi32, #tpu.memory_space<vmem>>, vector<1x16xi32>,
        %get3A_667 = vector.shape_cast %get3A_666 : vector<1x16xi32> to vector<16xi32>
        %and3A_668 = arith.constant 65535 : i32
        %and3A_669 = vector.broadcast %and3A_668 : i32 to vector<16xi32>
        %and3A_670 = arith.andi %get3A_667, %and3A_669 : vector<16xi32>
        %swap3A_671 = arith.constant 0 : index
        %swap3A_672 = tpu.vector_load %arg10[%swap3A_671] {strides = array<i32>} : memref<128xi32, #tpu.memory_space<vmem>>, vector<16xi32>,
        %swap3A_673 = vector.shape_cast %swap3A_672 : vector<16xi32> to vector<16xi32>
        %swap3A_674 = vector.shape_cast %and3A_670 : vector<16xi32> to vector<16xi32>
        tpu.vector_store %arg10[%swap3A_671], %swap3A_674 {strides = array<i32>} : memref<128xi32, #tpu.memory_space<vmem>>, vector<16xi32>,
        %shift_right_logical3A_675 = arith.constant 16 : i32
        %shift_right_logical3A_676 = vector.broadcast %shift_right_logical3A_675 : i32 to vector<16xi32>
        %shift_right_logical3A_677 = arith.shrui %get3A_667, %shift_right_logical3A_676 : vector<16xi32>
        %swap3A_678 = arith.constant 0 : index
        %swap3A_679 = tpu.vector_load %arg11[%swap3A_678] {strides = array<i32>} : memref<128xi32, #tpu.memory_space<vmem>>, vector<16xi32>,
        %swap3A_680 = vector.shape_cast %swap3A_679 : vector<16xi32> to vector<16xi32>
        %swap3A_681 = vector.shape_cast %shift_right_logical3A_677 : vector<16xi32> to vector<16xi32>
        tpu.vector_store %arg11[%swap3A_678], %swap3A_681 {strides = array<i32>} : memref<128xi32, #tpu.memory_space<vmem>>, vector<16xi32>,
        %get3A_682 = arith.index_cast %min3A_663 : i32 to index
        %get3A_683 = arith.constant 16 : index
        %get3A_684 = tpu.vector_load %arg7[%get3A_682, %get3A_683] {strides = array<i32>} : memref<118x128xi32, #tpu.memory_space<vmem>>, vector<1x16xi32>,
        %get3A_685 = vector.shape_cast %get3A_684 : vector<1x16xi32> to vector<16xi32>
        %and3A_686 = arith.constant 65535 : i32
        %and3A_687 = vector.broadcast %and3A_686 : i32 to vector<16xi32>
        %and3A_688 = arith.andi %get3A_685, %and3A_687 : vector<16xi32>
        %swap3A_689 = arith.constant 16 : index
        %swap3A_690 = tpu.vector_load %arg10[%swap3A_689] {strides = array<i32>} : memref<128xi32, #tpu.memory_space<vmem>>, vector<16xi32>,
        %swap3A_691 = vector.shape_cast %swap3A_690 : vector<16xi32> to vector<16xi32>
        %swap3A_692 = vector.shape_cast %and3A_688 : vector<16xi32> to vector<16xi32>
        tpu.vector_store %arg10[%swap3A_689], %swap3A_692 {strides = array<i32>} : memref<128xi32, #tpu.memory_space<vmem>>, vector<16xi32>,
        %shift_right_logical3A_693 = arith.constant 16 : i32
        %shift_right_logical3A_694 = vector.broadcast %shift_right_logical3A_693 : i32 to vector<16xi32>
        %shift_right_logical3A_695 = arith.shrui %get3A_685, %shift_right_logical3A_694 : vector<16xi32>
        %swap3A_696 = arith.constant 16 : index
        %swap3A_697 = tpu.vector_load %arg11[%swap3A_696] {strides = array<i32>} : memref<128xi32, #tpu.memory_space<vmem>>, vector<16xi32>,
        %swap3A_698 = vector.shape_cast %swap3A_697 : vector<16xi32> to vector<16xi32>
        %swap3A_699 = vector.shape_cast %shift_right_logical3A_695 : vector<16xi32> to vector<16xi32>
        tpu.vector_store %arg11[%swap3A_696], %swap3A_699 {strides = array<i32>} : memref<128xi32, #tpu.memory_space<vmem>>, vector<16xi32>,
        %get3A_700 = arith.index_cast %min3A_663 : i32 to index
        %get3A_701 = arith.constant 32 : index
        %get3A_702 = tpu.vector_load %arg7[%get3A_700, %get3A_701] {strides = array<i32>} : memref<118x128xi32, #tpu.memory_space<vmem>>, vector<1x16xi32>,
        %get3A_703 = vector.shape_cast %get3A_702 : vector<1x16xi32> to vector<16xi32>
        %and3A_704 = arith.constant 65535 : i32
        %and3A_705 = vector.broadcast %and3A_704 : i32 to vector<16xi32>
        %and3A_706 = arith.andi %get3A_703, %and3A_705 : vector<16xi32>
        %swap3A_707 = arith.constant 32 : index
        %swap3A_708 = tpu.vector_load %arg10[%swap3A_707] {strides = array<i32>} : memref<128xi32, #tpu.memory_space<vmem>>, vector<16xi32>,
        %swap3A_709 = vector.shape_cast %swap3A_708 : vector<16xi32> to vector<16xi32>
        %swap3A_710 = vector.shape_cast %and3A_706 : vector<16xi32> to vector<16xi32>
        tpu.vector_store %arg10[%swap3A_707], %swap3A_710 {strides = array<i32>} : memref<128xi32, #tpu.memory_space<vmem>>, vector<16xi32>,
        %shift_right_logical3A_711 = arith.constant 16 : i32
        %shift_right_logical3A_712 = vector.broadcast %shift_right_logical3A_711 : i32 to vector<16xi32>
        %shift_right_logical3A_713 = arith.shrui %get3A_703, %shift_right_logical3A_712 : vector<16xi32>
        %swap3A_714 = arith.constant 32 : index
        %swap3A_715 = tpu.vector_load %arg11[%swap3A_714] {strides = array<i32>} : memref<128xi32, #tpu.memory_space<vmem>>, vector<16xi32>,
        %swap3A_716 = vector.shape_cast %swap3A_715 : vector<16xi32> to vector<16xi32>
        %swap3A_717 = vector.shape_cast %shift_right_logical3A_713 : vector<16xi32> to vector<16xi32>
        tpu.vector_store %arg11[%swap3A_714], %swap3A_717 {strides = array<i32>} : memref<128xi32, #tpu.memory_space<vmem>>, vector<16xi32>,
        %get3A_718 = arith.index_cast %min3A_663 : i32 to index
        %get3A_719 = arith.constant 48 : index
        %get3A_720 = tpu.vector_load %arg7[%get3A_718, %get3A_719] {strides = array<i32>} : memref<118x128xi32, #tpu.memory_space<vmem>>, vector<1x16xi32>,
        %get3A_721 = vector.shape_cast %get3A_720 : vector<1x16xi32> to vector<16xi32>
        %and3A_722 = arith.constant 65535 : i32
        %and3A_723 = vector.broadcast %and3A_722 : i32 to vector<16xi32>
        %and3A_724 = arith.andi %get3A_721, %and3A_723 : vector<16xi32>
        %swap3A_725 = arith.constant 48 : index
        %swap3A_726 = tpu.vector_load %arg10[%swap3A_725] {strides = array<i32>} : memref<128xi32, #tpu.memory_space<vmem>>, vector<16xi32>,
        %swap3A_727 = vector.shape_cast %swap3A_726 : vector<16xi32> to vector<16xi32>
        %swap3A_728 = vector.shape_cast %and3A_724 : vector<16xi32> to vector<16xi32>
        tpu.vector_store %arg10[%swap3A_725], %swap3A_728 {strides = array<i32>} : memref<128xi32, #tpu.memory_space<vmem>>, vector<16xi32>,
        %shift_right_logical3A_729 = arith.constant 16 : i32
        %shift_right_logical3A_730 = vector.broadcast %shift_right_logical3A_729 : i32 to vector<16xi32>
        %shift_right_logical3A_731 = arith.shrui %get3A_721, %shift_right_logical3A_730 : vector<16xi32>
        %swap3A_732 = arith.constant 48 : index
        %swap3A_733 = tpu.vector_load %arg11[%swap3A_732] {strides = array<i32>} : memref<128xi32, #tpu.memory_space<vmem>>, vector<16xi32>,
        %swap3A_734 = vector.shape_cast %swap3A_733 : vector<16xi32> to vector<16xi32>
        %swap3A_735 = vector.shape_cast %shift_right_logical3A_731 : vector<16xi32> to vector<16xi32>
        tpu.vector_store %arg11[%swap3A_732], %swap3A_735 {strides = array<i32>} : memref<128xi32, #tpu.memory_space<vmem>>, vector<16xi32>,
        %get3A_736 = arith.index_cast %min3A_663 : i32 to index
        %get3A_737 = arith.constant 64 : index
        %get3A_738 = tpu.vector_load %arg7[%get3A_736, %get3A_737] {strides = array<i32>} : memref<118x128xi32, #tpu.memory_space<vmem>>, vector<1x16xi32>,
        %get3A_739 = vector.shape_cast %get3A_738 : vector<1x16xi32> to vector<16xi32>
        %and3A_740 = arith.constant 65535 : i32
        %and3A_741 = vector.broadcast %and3A_740 : i32 to vector<16xi32>
        %and3A_742 = arith.andi %get3A_739, %and3A_741 : vector<16xi32>
        %swap3A_743 = arith.constant 64 : index
        %swap3A_744 = tpu.vector_load %arg10[%swap3A_743] {strides = array<i32>} : memref<128xi32, #tpu.memory_space<vmem>>, vector<16xi32>,
        %swap3A_745 = vector.shape_cast %swap3A_744 : vector<16xi32> to vector<16xi32>
        %swap3A_746 = vector.shape_cast %and3A_742 : vector<16xi32> to vector<16xi32>
        tpu.vector_store %arg10[%swap3A_743], %swap3A_746 {strides = array<i32>} : memref<128xi32, #tpu.memory_space<vmem>>, vector<16xi32>,
        %shift_right_logical3A_747 = arith.constant 16 : i32
        %shift_right_logical3A_748 = vector.broadcast %shift_right_logical3A_747 : i32 to vector<16xi32>
        %shift_right_logical3A_749 = arith.shrui %get3A_739, %shift_right_logical3A_748 : vector<16xi32>
        %swap3A_750 = arith.constant 64 : index
        %swap3A_751 = tpu.vector_load %arg11[%swap3A_750] {strides = array<i32>} : memref<128xi32, #tpu.memory_space<vmem>>, vector<16xi32>,
        %swap3A_752 = vector.shape_cast %swap3A_751 : vector<16xi32> to vector<16xi32>
        %swap3A_753 = vector.shape_cast %shift_right_logical3A_749 : vector<16xi32> to vector<16xi32>
        tpu.vector_store %arg11[%swap3A_750], %swap3A_753 {strides = array<i32>} : memref<128xi32, #tpu.memory_space<vmem>>, vector<16xi32>,
        %get3A_754 = arith.index_cast %min3A_663 : i32 to index
        %get3A_755 = arith.constant 80 : index
        %get3A_756 = tpu.vector_load %arg7[%get3A_754, %get3A_755] {strides = array<i32>} : memref<118x128xi32, #tpu.memory_space<vmem>>, vector<1x16xi32>,
        %get3A_757 = vector.shape_cast %get3A_756 : vector<1x16xi32> to vector<16xi32>
        %and3A_758 = arith.constant 65535 : i32
        %and3A_759 = vector.broadcast %and3A_758 : i32 to vector<16xi32>
        %and3A_760 = arith.andi %get3A_757, %and3A_759 : vector<16xi32>
        %swap3A_761 = arith.constant 80 : index
        %swap3A_762 = tpu.vector_load %arg10[%swap3A_761] {strides = array<i32>} : memref<128xi32, #tpu.memory_space<vmem>>, vector<16xi32>,
        %swap3A_763 = vector.shape_cast %swap3A_762 : vector<16xi32> to vector<16xi32>
        %swap3A_764 = vector.shape_cast %and3A_760 : vector<16xi32> to vector<16xi32>
        tpu.vector_store %arg10[%swap3A_761], %swap3A_764 {strides = array<i32>} : memref<128xi32, #tpu.memory_space<vmem>>, vector<16xi32>,
        %shift_right_logical3A_765 = arith.constant 16 : i32
        %shift_right_logical3A_766 = vector.broadcast %shift_right_logical3A_765 : i32 to vector<16xi32>
        %shift_right_logical3A_767 = arith.shrui %get3A_757, %shift_right_logical3A_766 : vector<16xi32>
        %swap3A_768 = arith.constant 80 : index
        %swap3A_769 = tpu.vector_load %arg11[%swap3A_768] {strides = array<i32>} : memref<128xi32, #tpu.memory_space<vmem>>, vector<16xi32>,
        %swap3A_770 = vector.shape_cast %swap3A_769 : vector<16xi32> to vector<16xi32>
        %swap3A_771 = vector.shape_cast %shift_right_logical3A_767 : vector<16xi32> to vector<16xi32>
        tpu.vector_store %arg11[%swap3A_768], %swap3A_771 {strides = array<i32>} : memref<128xi32, #tpu.memory_space<vmem>>, vector<16xi32>,
        %get3A_772 = arith.index_cast %min3A_663 : i32 to index
        %get3A_773 = arith.constant 96 : index
        %get3A_774 = tpu.vector_load %arg7[%get3A_772, %get3A_773] {strides = array<i32>} : memref<118x128xi32, #tpu.memory_space<vmem>>, vector<1x16xi32>,
        %get3A_775 = vector.shape_cast %get3A_774 : vector<1x16xi32> to vector<16xi32>
        %and3A_776 = arith.constant 65535 : i32
        %and3A_777 = vector.broadcast %and3A_776 : i32 to vector<16xi32>
        %and3A_778 = arith.andi %get3A_775, %and3A_777 : vector<16xi32>
        %swap3A_779 = arith.constant 96 : index
        %swap3A_780 = tpu.vector_load %arg10[%swap3A_779] {strides = array<i32>} : memref<128xi32, #tpu.memory_space<vmem>>, vector<16xi32>,
        %swap3A_781 = vector.shape_cast %swap3A_780 : vector<16xi32> to vector<16xi32>
        %swap3A_782 = vector.shape_cast %and3A_778 : vector<16xi32> to vector<16xi32>
        tpu.vector_store %arg10[%swap3A_779], %swap3A_782 {strides = array<i32>} : memref<128xi32, #tpu.memory_space<vmem>>, vector<16xi32>,
        %shift_right_logical3A_783 = arith.constant 16 : i32
        %shift_right_logical3A_784 = vector.broadcast %shift_right_logical3A_783 : i32 to vector<16xi32>
        %shift_right_logical3A_785 = arith.shrui %get3A_775, %shift_right_logical3A_784 : vector<16xi32>
        %swap3A_786 = arith.constant 96 : index
        %swap3A_787 = tpu.vector_load %arg11[%swap3A_786] {strides = array<i32>} : memref<128xi32, #tpu.memory_space<vmem>>, vector<16xi32>,
        %swap3A_788 = vector.shape_cast %swap3A_787 : vector<16xi32> to vector<16xi32>
        %swap3A_789 = vector.shape_cast %shift_right_logical3A_785 : vector<16xi32> to vector<16xi32>
        tpu.vector_store %arg11[%swap3A_786], %swap3A_789 {strides = array<i32>} : memref<128xi32, #tpu.memory_space<vmem>>, vector<16xi32>,
        %get3A_790 = arith.index_cast %min3A_663 : i32 to index
        %get3A_791 = arith.constant 112 : index
        %get3A_792 = tpu.vector_load %arg7[%get3A_790, %get3A_791] {strides = array<i32>} : memref<118x128xi32, #tpu.memory_space<vmem>>, vector<1x16xi32>,
        %get3A_793 = vector.shape_cast %get3A_792 : vector<1x16xi32> to vector<16xi32>
        %and3A_794 = arith.constant 65535 : i32
        %and3A_795 = vector.broadcast %and3A_794 : i32 to vector<16xi32>
        %and3A_796 = arith.andi %get3A_793, %and3A_795 : vector<16xi32>
        %swap3A_797 = arith.constant 112 : index
        %swap3A_798 = tpu.vector_load %arg10[%swap3A_797] {strides = array<i32>} : memref<128xi32, #tpu.memory_space<vmem>>, vector<16xi32>,
        %swap3A_799 = vector.shape_cast %swap3A_798 : vector<16xi32> to vector<16xi32>
        %swap3A_800 = vector.shape_cast %and3A_796 : vector<16xi32> to vector<16xi32>
        tpu.vector_store %arg10[%swap3A_797], %swap3A_800 {strides = array<i32>} : memref<128xi32, #tpu.memory_space<vmem>>, vector<16xi32>,
        %shift_right_logical3A_801 = arith.constant 16 : i32
        %shift_right_logical3A_802 = vector.broadcast %shift_right_logical3A_801 : i32 to vector<16xi32>
        %shift_right_logical3A_803 = arith.shrui %get3A_793, %shift_right_logical3A_802 : vector<16xi32>
        %swap3A_804 = arith.constant 112 : index
        %swap3A_805 = tpu.vector_load %arg11[%swap3A_804] {strides = array<i32>} : memref<128xi32, #tpu.memory_space<vmem>>, vector<16xi32>,
        %swap3A_806 = vector.shape_cast %swap3A_805 : vector<16xi32> to vector<16xi32>
        %swap3A_807 = vector.shape_cast %shift_right_logical3A_803 : vector<16xi32> to vector<16xi32>
        tpu.vector_store %arg11[%swap3A_804], %swap3A_807 {strides = array<i32>} : memref<128xi32, #tpu.memory_space<vmem>>, vector<16xi32>,
        %lt3A = arith.constant 58 : i32
        %lt3A_808 = arith.cmpi slt, %scan3A_497, %lt3A : i32
        %convert_element_type3A_809 = arith.extui %lt3A_808 : i1 to i32
        %cond3A_810 = arith.constant 0 : i32
        %cond3A_811 = arith.cmpi ne, %convert_element_type3A_809, %cond3A_810 : i32
        scf.if %cond3A_811 {
          %dma_start3A_818 = arith.constant 0 : i32
          %dma_start3A_819 = arith.constant 0 : i32
          %dma_start3A_820 = tpu.memref_slice %arg2[%dma_start3A_818, %dma_start3A_819] : memref<10000x128xf32, #tpu.memory_space<hbm>> -> memref<10000x128xf32, #tpu.memory_space<hbm>>
          tpu.enqueue_indirect_dma source(%dma_start3A_820 : memref<10000x128xf32, #tpu.memory_space<hbm>>) target(%arg8 : memref<128x128xf32, #tpu.memory_space<vmem>>) offsets(%arg10 : memref<128xi32, #tpu.memory_space<vmem>>) semaphore(%arg14 : memref<!tpu.dma_semaphore, #tpu.memory_space<semaphore_mem>>)
        } else {
        }
        %dma_wait3A_812 = arith.constant 0 : i32
        %dma_wait3A_813 = arith.constant 0 : i32
        %dma_wait3A_814 = tpu.memref_slice %arg2[%dma_wait3A_812, %dma_wait3A_813] : memref<10000x128xf32, #tpu.memory_space<hbm>> -> memref<10000x128xf32, #tpu.memory_space<hbm>>
        tpu.wait_indirect_dma semaphore(%arg15 : memref<!tpu.dma_semaphore, #tpu.memory_space<semaphore_mem>>) src(%dma_wait3A_814 : memref<10000x128xf32, #tpu.memory_space<hbm>>) dst(%arg9 : memref<128x128xf32, #tpu.memory_space<vmem>>)
        %dma_start3A_815 = arith.constant 0 : i32
        %dma_start3A_816 = arith.constant 0 : i32
        %dma_start3A_817 = tpu.memref_slice %arg6[%dma_start3A_815, %dma_start3A_816] : memref<10240x128xf32, #tpu.memory_space<vmem_shared>> -> memref<10240x128xf32, #tpu.memory_space<vmem_shared>>
        tpu.enqueue_indirect_dma source(%arg9 : memref<128x128xf32, #tpu.memory_space<vmem>>) target(%dma_start3A_817 : memref<10240x128xf32, #tpu.memory_space<vmem_shared>>) offsets(%arg13 : memref<128xi32, #tpu.memory_space<vmem>>) semaphore(%arg17 : memref<!tpu.dma_semaphore, #tpu.memory_space<semaphore_mem>>) {add = true}
      }
      %scan3A_493 = arith.constant 58 : i32
      %dma_wait3A_494 = arith.constant 0 : i32
      %dma_wait3A_495 = arith.constant 0 : i32
      %dma_wait3A_496 = tpu.memref_slice %arg6[%dma_wait3A_494, %dma_wait3A_495] : memref<10240x128xf32, #tpu.memory_space<vmem_shared>> -> memref<10240x128xf32, #tpu.memory_space<vmem_shared>>
      tpu.wait_indirect_dma semaphore(%arg17 : memref<!tpu.dma_semaphore, #tpu.memory_space<semaphore_mem>>) src(%arg9 : memref<128x128xf32, #tpu.memory_space<vmem>>) dst(%dma_wait3A_496 : memref<10240x128xf32, #tpu.memory_space<vmem_shared>>)
    } else {
    }
    %eq3A_5 = arith.constant 1 : i32
    %eq3A_6 = arith.cmpi eq, %arg0, %eq3A_5 : i32
    %convert_element_type3A_7 = arith.extui %eq3A_6 : i1 to i32
    %cond3A_8 = arith.constant 0 : i32
    %cond3A_9 = arith.cmpi ne, %convert_element_type3A_7, %cond3A_8 : i32
    scf.if %cond3A_9 {
      %scan3A = arith.constant 0 : i32
      %scan3A_15 = arith.constant 0 : i32
      %scan3A_16 = arith.constant 39 : i32
      %scan3A_17 = arith.addi %scan3A_15, %scan3A_16 : i32
      %scan3A_18 = arith.constant 1 : i32
      scf.for %scan3A_20 = %scan3A_15 to %scan3A_17 step %scan3A_18  : i32 {
        %get3A = arith.index_cast %scan3A_20 : i32 to index
        %get3A_21 = arith.constant 0 : index
        %get3A_22 = tpu.vector_load %arg7[%get3A, %get3A_21] {strides = array<i32>} : memref<118x128xi32, #tpu.memory_space<vmem>>, vector<1x16xi32>,
        %get3A_23 = vector.shape_cast %get3A_22 : vector<1x16xi32> to vector<16xi32>
        %and3A = arith.constant 65535 : i32
        %and3A_24 = vector.broadcast %and3A : i32 to vector<16xi32>
        %and3A_25 = arith.andi %get3A_23, %and3A_24 : vector<16xi32>
        %swap3A = arith.constant 0 : index
        %swap3A_26 = tpu.vector_load %arg10[%swap3A] {strides = array<i32>} : memref<128xi32, #tpu.memory_space<vmem>>, vector<16xi32>,
        %swap3A_27 = vector.shape_cast %swap3A_26 : vector<16xi32> to vector<16xi32>
        %swap3A_28 = vector.shape_cast %and3A_25 : vector<16xi32> to vector<16xi32>
        tpu.vector_store %arg10[%swap3A], %swap3A_28 {strides = array<i32>} : memref<128xi32, #tpu.memory_space<vmem>>, vector<16xi32>,
        %shift_right_logical3A = arith.constant 16 : i32
        %shift_right_logical3A_29 = vector.broadcast %shift_right_logical3A : i32 to vector<16xi32>
        %shift_right_logical3A_30 = arith.shrui %get3A_23, %shift_right_logical3A_29 : vector<16xi32>
        %swap3A_31 = arith.constant 0 : index
        %swap3A_32 = tpu.vector_load %arg11[%swap3A_31] {strides = array<i32>} : memref<128xi32, #tpu.memory_space<vmem>>, vector<16xi32>,
        %swap3A_33 = vector.shape_cast %swap3A_32 : vector<16xi32> to vector<16xi32>
        %swap3A_34 = vector.shape_cast %shift_right_logical3A_30 : vector<16xi32> to vector<16xi32>
        tpu.vector_store %arg11[%swap3A_31], %swap3A_34 {strides = array<i32>} : memref<128xi32, #tpu.memory_space<vmem>>, vector<16xi32>,
        %get3A_35 = arith.index_cast %scan3A_20 : i32 to index
        %get3A_36 = arith.constant 16 : index
        %get3A_37 = tpu.vector_load %arg7[%get3A_35, %get3A_36] {strides = array<i32>} : memref<118x128xi32, #tpu.memory_space<vmem>>, vector<1x16xi32>,
        %get3A_38 = vector.shape_cast %get3A_37 : vector<1x16xi32> to vector<16xi32>
        %and3A_39 = arith.constant 65535 : i32
        %and3A_40 = vector.broadcast %and3A_39 : i32 to vector<16xi32>
        %and3A_41 = arith.andi %get3A_38, %and3A_40 : vector<16xi32>
        %swap3A_42 = arith.constant 16 : index
        %swap3A_43 = tpu.vector_load %arg10[%swap3A_42] {strides = array<i32>} : memref<128xi32, #tpu.memory_space<vmem>>, vector<16xi32>,
        %swap3A_44 = vector.shape_cast %swap3A_43 : vector<16xi32> to vector<16xi32>
        %swap3A_45 = vector.shape_cast %and3A_41 : vector<16xi32> to vector<16xi32>
        tpu.vector_store %arg10[%swap3A_42], %swap3A_45 {strides = array<i32>} : memref<128xi32, #tpu.memory_space<vmem>>, vector<16xi32>,
        %shift_right_logical3A_46 = arith.constant 16 : i32
        %shift_right_logical3A_47 = vector.broadcast %shift_right_logical3A_46 : i32 to vector<16xi32>
        %shift_right_logical3A_48 = arith.shrui %get3A_38, %shift_right_logical3A_47 : vector<16xi32>
        %swap3A_49 = arith.constant 16 : index
        %swap3A_50 = tpu.vector_load %arg11[%swap3A_49] {strides = array<i32>} : memref<128xi32, #tpu.memory_space<vmem>>, vector<16xi32>,
        %swap3A_51 = vector.shape_cast %swap3A_50 : vector<16xi32> to vector<16xi32>
        %swap3A_52 = vector.shape_cast %shift_right_logical3A_48 : vector<16xi32> to vector<16xi32>
        tpu.vector_store %arg11[%swap3A_49], %swap3A_52 {strides = array<i32>} : memref<128xi32, #tpu.memory_space<vmem>>, vector<16xi32>,
        %get3A_53 = arith.index_cast %scan3A_20 : i32 to index
        %get3A_54 = arith.constant 32 : index
        %get3A_55 = tpu.vector_load %arg7[%get3A_53, %get3A_54] {strides = array<i32>} : memref<118x128xi32, #tpu.memory_space<vmem>>, vector<1x16xi32>,
        %get3A_56 = vector.shape_cast %get3A_55 : vector<1x16xi32> to vector<16xi32>
        %and3A_57 = arith.constant 65535 : i32
        %and3A_58 = vector.broadcast %and3A_57 : i32 to vector<16xi32>
        %and3A_59 = arith.andi %get3A_56, %and3A_58 : vector<16xi32>
        %swap3A_60 = arith.constant 32 : index
        %swap3A_61 = tpu.vector_load %arg10[%swap3A_60] {strides = array<i32>} : memref<128xi32, #tpu.memory_space<vmem>>, vector<16xi32>,
        %swap3A_62 = vector.shape_cast %swap3A_61 : vector<16xi32> to vector<16xi32>
        %swap3A_63 = vector.shape_cast %and3A_59 : vector<16xi32> to vector<16xi32>
        tpu.vector_store %arg10[%swap3A_60], %swap3A_63 {strides = array<i32>} : memref<128xi32, #tpu.memory_space<vmem>>, vector<16xi32>,
        %shift_right_logical3A_64 = arith.constant 16 : i32
        %shift_right_logical3A_65 = vector.broadcast %shift_right_logical3A_64 : i32 to vector<16xi32>
        %shift_right_logical3A_66 = arith.shrui %get3A_56, %shift_right_logical3A_65 : vector<16xi32>
        %swap3A_67 = arith.constant 32 : index
        %swap3A_68 = tpu.vector_load %arg11[%swap3A_67] {strides = array<i32>} : memref<128xi32, #tpu.memory_space<vmem>>, vector<16xi32>,
        %swap3A_69 = vector.shape_cast %swap3A_68 : vector<16xi32> to vector<16xi32>
        %swap3A_70 = vector.shape_cast %shift_right_logical3A_66 : vector<16xi32> to vector<16xi32>
        tpu.vector_store %arg11[%swap3A_67], %swap3A_70 {strides = array<i32>} : memref<128xi32, #tpu.memory_space<vmem>>, vector<16xi32>,
        %get3A_71 = arith.index_cast %scan3A_20 : i32 to index
        %get3A_72 = arith.constant 48 : index
        %get3A_73 = tpu.vector_load %arg7[%get3A_71, %get3A_72] {strides = array<i32>} : memref<118x128xi32, #tpu.memory_space<vmem>>, vector<1x16xi32>,
        %get3A_74 = vector.shape_cast %get3A_73 : vector<1x16xi32> to vector<16xi32>
        %and3A_75 = arith.constant 65535 : i32
        %and3A_76 = vector.broadcast %and3A_75 : i32 to vector<16xi32>
        %and3A_77 = arith.andi %get3A_74, %and3A_76 : vector<16xi32>
        %swap3A_78 = arith.constant 48 : index
        %swap3A_79 = tpu.vector_load %arg10[%swap3A_78] {strides = array<i32>} : memref<128xi32, #tpu.memory_space<vmem>>, vector<16xi32>,
        %swap3A_80 = vector.shape_cast %swap3A_79 : vector<16xi32> to vector<16xi32>
        %swap3A_81 = vector.shape_cast %and3A_77 : vector<16xi32> to vector<16xi32>
        tpu.vector_store %arg10[%swap3A_78], %swap3A_81 {strides = array<i32>} : memref<128xi32, #tpu.memory_space<vmem>>, vector<16xi32>,
        %shift_right_logical3A_82 = arith.constant 16 : i32
        %shift_right_logical3A_83 = vector.broadcast %shift_right_logical3A_82 : i32 to vector<16xi32>
        %shift_right_logical3A_84 = arith.shrui %get3A_74, %shift_right_logical3A_83 : vector<16xi32>
        %swap3A_85 = arith.constant 48 : index
        %swap3A_86 = tpu.vector_load %arg11[%swap3A_85] {strides = array<i32>} : memref<128xi32, #tpu.memory_space<vmem>>, vector<16xi32>,
        %swap3A_87 = vector.shape_cast %swap3A_86 : vector<16xi32> to vector<16xi32>
        %swap3A_88 = vector.shape_cast %shift_right_logical3A_84 : vector<16xi32> to vector<16xi32>
        tpu.vector_store %arg11[%swap3A_85], %swap3A_88 {strides = array<i32>} : memref<128xi32, #tpu.memory_space<vmem>>, vector<16xi32>,
        %get3A_89 = arith.index_cast %scan3A_20 : i32 to index
        %get3A_90 = arith.constant 64 : index
        %get3A_91 = tpu.vector_load %arg7[%get3A_89, %get3A_90] {strides = array<i32>} : memref<118x128xi32, #tpu.memory_space<vmem>>, vector<1x16xi32>,
        %get3A_92 = vector.shape_cast %get3A_91 : vector<1x16xi32> to vector<16xi32>
        %and3A_93 = arith.constant 65535 : i32
        %and3A_94 = vector.broadcast %and3A_93 : i32 to vector<16xi32>
        %and3A_95 = arith.andi %get3A_92, %and3A_94 : vector<16xi32>
        %swap3A_96 = arith.constant 64 : index
        %swap3A_97 = tpu.vector_load %arg10[%swap3A_96] {strides = array<i32>} : memref<128xi32, #tpu.memory_space<vmem>>, vector<16xi32>,
        %swap3A_98 = vector.shape_cast %swap3A_97 : vector<16xi32> to vector<16xi32>
        %swap3A_99 = vector.shape_cast %and3A_95 : vector<16xi32> to vector<16xi32>
        tpu.vector_store %arg10[%swap3A_96], %swap3A_99 {strides = array<i32>} : memref<128xi32, #tpu.memory_space<vmem>>, vector<16xi32>,
        %shift_right_logical3A_100 = arith.constant 16 : i32
        %shift_right_logical3A_101 = vector.broadcast %shift_right_logical3A_100 : i32 to vector<16xi32>
        %shift_right_logical3A_102 = arith.shrui %get3A_92, %shift_right_logical3A_101 : vector<16xi32>
        %swap3A_103 = arith.constant 64 : index
        %swap3A_104 = tpu.vector_load %arg11[%swap3A_103] {strides = array<i32>} : memref<128xi32, #tpu.memory_space<vmem>>, vector<16xi32>,
        %swap3A_105 = vector.shape_cast %swap3A_104 : vector<16xi32> to vector<16xi32>
        %swap3A_106 = vector.shape_cast %shift_right_logical3A_102 : vector<16xi32> to vector<16xi32>
        tpu.vector_store %arg11[%swap3A_103], %swap3A_106 {strides = array<i32>} : memref<128xi32, #tpu.memory_space<vmem>>, vector<16xi32>,
        %get3A_107 = arith.index_cast %scan3A_20 : i32 to index
        %get3A_108 = arith.constant 80 : index
        %get3A_109 = tpu.vector_load %arg7[%get3A_107, %get3A_108] {strides = array<i32>} : memref<118x128xi32, #tpu.memory_space<vmem>>, vector<1x16xi32>,
        %get3A_110 = vector.shape_cast %get3A_109 : vector<1x16xi32> to vector<16xi32>
        %and3A_111 = arith.constant 65535 : i32
        %and3A_112 = vector.broadcast %and3A_111 : i32 to vector<16xi32>
        %and3A_113 = arith.andi %get3A_110, %and3A_112 : vector<16xi32>
        %swap3A_114 = arith.constant 80 : index
        %swap3A_115 = tpu.vector_load %arg10[%swap3A_114] {strides = array<i32>} : memref<128xi32, #tpu.memory_space<vmem>>, vector<16xi32>,
        %swap3A_116 = vector.shape_cast %swap3A_115 : vector<16xi32> to vector<16xi32>
        %swap3A_117 = vector.shape_cast %and3A_113 : vector<16xi32> to vector<16xi32>
        tpu.vector_store %arg10[%swap3A_114], %swap3A_117 {strides = array<i32>} : memref<128xi32, #tpu.memory_space<vmem>>, vector<16xi32>,
        %shift_right_logical3A_118 = arith.constant 16 : i32
        %shift_right_logical3A_119 = vector.broadcast %shift_right_logical3A_118 : i32 to vector<16xi32>
        %shift_right_logical3A_120 = arith.shrui %get3A_110, %shift_right_logical3A_119 : vector<16xi32>
        %swap3A_121 = arith.constant 80 : index
        %swap3A_122 = tpu.vector_load %arg11[%swap3A_121] {strides = array<i32>} : memref<128xi32, #tpu.memory_space<vmem>>, vector<16xi32>,
        %swap3A_123 = vector.shape_cast %swap3A_122 : vector<16xi32> to vector<16xi32>
        %swap3A_124 = vector.shape_cast %shift_right_logical3A_120 : vector<16xi32> to vector<16xi32>
        tpu.vector_store %arg11[%swap3A_121], %swap3A_124 {strides = array<i32>} : memref<128xi32, #tpu.memory_space<vmem>>, vector<16xi32>,
        %get3A_125 = arith.index_cast %scan3A_20 : i32 to index
        %get3A_126 = arith.constant 96 : index
        %get3A_127 = tpu.vector_load %arg7[%get3A_125, %get3A_126] {strides = array<i32>} : memref<118x128xi32, #tpu.memory_space<vmem>>, vector<1x16xi32>,
        %get3A_128 = vector.shape_cast %get3A_127 : vector<1x16xi32> to vector<16xi32>
        %and3A_129 = arith.constant 65535 : i32
        %and3A_130 = vector.broadcast %and3A_129 : i32 to vector<16xi32>
        %and3A_131 = arith.andi %get3A_128, %and3A_130 : vector<16xi32>
        %swap3A_132 = arith.constant 96 : index
        %swap3A_133 = tpu.vector_load %arg10[%swap3A_132] {strides = array<i32>} : memref<128xi32, #tpu.memory_space<vmem>>, vector<16xi32>,
        %swap3A_134 = vector.shape_cast %swap3A_133 : vector<16xi32> to vector<16xi32>
        %swap3A_135 = vector.shape_cast %and3A_131 : vector<16xi32> to vector<16xi32>
        tpu.vector_store %arg10[%swap3A_132], %swap3A_135 {strides = array<i32>} : memref<128xi32, #tpu.memory_space<vmem>>, vector<16xi32>,
        %shift_right_logical3A_136 = arith.constant 16 : i32
        %shift_right_logical3A_137 = vector.broadcast %shift_right_logical3A_136 : i32 to vector<16xi32>
        %shift_right_logical3A_138 = arith.shrui %get3A_128, %shift_right_logical3A_137 : vector<16xi32>
        %swap3A_139 = arith.constant 96 : index
        %swap3A_140 = tpu.vector_load %arg11[%swap3A_139] {strides = array<i32>} : memref<128xi32, #tpu.memory_space<vmem>>, vector<16xi32>,
        %swap3A_141 = vector.shape_cast %swap3A_140 : vector<16xi32> to vector<16xi32>
        %swap3A_142 = vector.shape_cast %shift_right_logical3A_138 : vector<16xi32> to vector<16xi32>
        tpu.vector_store %arg11[%swap3A_139], %swap3A_142 {strides = array<i32>} : memref<128xi32, #tpu.memory_space<vmem>>, vector<16xi32>,
        %get3A_143 = arith.index_cast %scan3A_20 : i32 to index
        %get3A_144 = arith.constant 112 : index
        %get3A_145 = tpu.vector_load %arg7[%get3A_143, %get3A_144] {strides = array<i32>} : memref<118x128xi32, #tpu.memory_space<vmem>>, vector<1x16xi32>,
        %get3A_146 = vector.shape_cast %get3A_145 : vector<1x16xi32> to vector<16xi32>
        %and3A_147 = arith.constant 65535 : i32
        %and3A_148 = vector.broadcast %and3A_147 : i32 to vector<16xi32>
        %and3A_149 = arith.andi %get3A_146, %and3A_148 : vector<16xi32>
        %swap3A_150 = arith.constant 112 : index
        %swap3A_151 = tpu.vector_load %arg10[%swap3A_150] {strides = array<i32>} : memref<128xi32, #tpu.memory_space<vmem>>, vector<16xi32>,
        %swap3A_152 = vector.shape_cast %swap3A_151 : vector<16xi32> to vector<16xi32>
        %swap3A_153 = vector.shape_cast %and3A_149 : vector<16xi32> to vector<16xi32>
        tpu.vector_store %arg10[%swap3A_150], %swap3A_153 {strides = array<i32>} : memref<128xi32, #tpu.memory_space<vmem>>, vector<16xi32>,
        %shift_right_logical3A_154 = arith.constant 16 : i32
        %shift_right_logical3A_155 = vector.broadcast %shift_right_logical3A_154 : i32 to vector<16xi32>
        %shift_right_logical3A_156 = arith.shrui %get3A_146, %shift_right_logical3A_155 : vector<16xi32>
        %swap3A_157 = arith.constant 112 : index
        %swap3A_158 = tpu.vector_load %arg11[%swap3A_157] {strides = array<i32>} : memref<128xi32, #tpu.memory_space<vmem>>, vector<16xi32>,
        %swap3A_159 = vector.shape_cast %swap3A_158 : vector<16xi32> to vector<16xi32>
        %swap3A_160 = vector.shape_cast %shift_right_logical3A_156 : vector<16xi32> to vector<16xi32>
        tpu.vector_store %arg11[%swap3A_157], %swap3A_160 {strides = array<i32>} : memref<128xi32, #tpu.memory_space<vmem>>, vector<16xi32>,
        %dma_start3A = arith.constant 0 : i32
        %dma_start3A_161 = arith.constant 0 : i32
        %dma_start3A_162 = tpu.memref_slice %arg2[%dma_start3A, %dma_start3A_161] : memref<10000x128xf32, #tpu.memory_space<hbm>> -> memref<10000x128xf32, #tpu.memory_space<hbm>>
        tpu.enqueue_indirect_dma source(%dma_start3A_162 : memref<10000x128xf32, #tpu.memory_space<hbm>>) target(%arg8 : memref<128x128xf32, #tpu.memory_space<vmem>>) offsets(%arg10 : memref<128xi32, #tpu.memory_space<vmem>>) semaphore(%arg14 : memref<!tpu.dma_semaphore, #tpu.memory_space<semaphore_mem>>)
        %dma_wait3A = arith.constant 0 : i32
        %dma_wait3A_163 = arith.constant 0 : i32
        %dma_wait3A_164 = tpu.memref_slice %arg2[%dma_wait3A, %dma_wait3A_163] : memref<10000x128xf32, #tpu.memory_space<hbm>> -> memref<10000x128xf32, #tpu.memory_space<hbm>>
        tpu.wait_indirect_dma semaphore(%arg14 : memref<!tpu.dma_semaphore, #tpu.memory_space<semaphore_mem>>) src(%dma_wait3A_164 : memref<10000x128xf32, #tpu.memory_space<hbm>>) dst(%arg8 : memref<128x128xf32, #tpu.memory_space<vmem>>)
        "tpu.region"() ({
          %run_scoped3A = tpu.sem_alloc : memref<!tpu.dma_semaphore, #tpu.memory_space<semaphore_mem>>
          %dma_start3A_165 = arith.constant 0 : i32
          %dma_start3A_166 = arith.constant 0 : i32
          %dma_start3A_167 = tpu.memref_slice %arg6[%dma_start3A_165, %dma_start3A_166] : memref<10240x128xf32, #tpu.memory_space<vmem_shared>> -> memref<10240x128xf32, #tpu.memory_space<vmem_shared>>
          tpu.enqueue_indirect_dma source(%arg8 : memref<128x128xf32, #tpu.memory_space<vmem>>) target(%dma_start3A_167 : memref<10240x128xf32, #tpu.memory_space<vmem_shared>>) offsets(%arg11 : memref<128xi32, #tpu.memory_space<vmem>>) semaphore(%run_scoped3A : memref<!tpu.dma_semaphore, #tpu.memory_space<semaphore_mem>>) {add = true}
          %dma_wait3A_168 = arith.constant 0 : i32
          %dma_wait3A_169 = arith.constant 0 : i32
          %dma_wait3A_170 = tpu.memref_slice %arg6[%dma_wait3A_168, %dma_wait3A_169] : memref<10240x128xf32, #tpu.memory_space<vmem_shared>> -> memref<10240x128xf32, #tpu.memory_space<vmem_shared>>
          tpu.wait_indirect_dma semaphore(%run_scoped3A : memref<!tpu.dma_semaphore, #tpu.memory_space<semaphore_mem>>) src(%arg8 : memref<128x128xf32, #tpu.memory_space<vmem>>) dst(%dma_wait3A_170 : memref<10240x128xf32, #tpu.memory_space<vmem_shared>>)
          tpu.yield
        }) : () -> ()
      }
      %scan3A_19 = arith.constant 39 : i32
    } else {
    }
    %barrier3A_10 = arith.constant 0 : index
    tpu.barrier barrier_id(%barrier3A_10)
    %mul3A_11 = arith.constant 640 : i32
    %mul3A_12 = arith.muli %arg1, %mul3A_11 : i32
    %mul3A_13 = arith.constant 640 : i32
    %mul3A_14 = arith.muli %arg1, %mul3A_13 : i32
    "tpu.region"() ({
      %run_scoped3A = tpu.sem_alloc : memref<!tpu.dma_semaphore, #tpu.memory_space<semaphore_mem>>
      %dma_start3A = arith.constant 0 : i32
      %dma_start3A_15 = arith.constant 0 : i32
      %dma_start3A_16 = tpu.memref_slice %arg5[%arg0, %dma_start3A, %dma_start3A_15] : memref<2x10240x128xf32, #tpu.memory_space<hbm>> -> memref<1x10240x128xf32, #tpu.memory_space<hbm>>
      %dma_start3A_17 = tpu.memref_squeeze %dma_start3A_16 : memref<1x10240x128xf32, #tpu.memory_space<hbm>> -> memref<10240x128xf32, #tpu.memory_space<hbm>>
      %dma_start3A_18 = arith.constant 0 : i32
      %dma_start3A_19 = tpu.memref_slice %dma_start3A_17[%mul3A_14, %dma_start3A_18] : memref<10240x128xf32, #tpu.memory_space<hbm>> -> memref<640x128xf32, #tpu.memory_space<hbm>>
      %dma_start3A_20 = arith.constant 0 : i32
      %dma_start3A_21 = tpu.memref_slice %arg6[%mul3A_12, %dma_start3A_20] : memref<10240x128xf32, #tpu.memory_space<vmem_shared>> -> memref<640x128xf32, #tpu.memory_space<vmem_shared>>
      tpu.enqueue_dma source(%dma_start3A_21 : memref<640x128xf32, #tpu.memory_space<vmem_shared>>) target(%dma_start3A_19 : memref<640x128xf32, #tpu.memory_space<hbm>>) target_semaphore(%run_scoped3A : memref<!tpu.dma_semaphore, #tpu.memory_space<semaphore_mem>>)
      %dma_wait3A = arith.constant 0 : i32
      %dma_wait3A_22 = arith.constant 0 : i32
      %dma_wait3A_23 = tpu.memref_slice %arg5[%arg0, %dma_wait3A, %dma_wait3A_22] : memref<2x10240x128xf32, #tpu.memory_space<hbm>> -> memref<1x10240x128xf32, #tpu.memory_space<hbm>>
      %dma_wait3A_24 = tpu.memref_squeeze %dma_wait3A_23 : memref<1x10240x128xf32, #tpu.memory_space<hbm>> -> memref<10240x128xf32, #tpu.memory_space<hbm>>
      %dma_wait3A_25 = arith.constant 0 : i32
      %dma_wait3A_26 = tpu.memref_slice %dma_wait3A_24[%mul3A_14, %dma_wait3A_25] : memref<10240x128xf32, #tpu.memory_space<hbm>> -> memref<640x128xf32, #tpu.memory_space<hbm>>
      %dma_wait3A_27 = arith.constant 0 : i32
      %dma_wait3A_28 = tpu.memref_slice %arg6[%mul3A_12, %dma_wait3A_27] : memref<10240x128xf32, #tpu.memory_space<vmem_shared>> -> memref<640x128xf32, #tpu.memory_space<vmem_shared>>
      tpu.wait_dma2 semaphore(%run_scoped3A : memref<!tpu.dma_semaphore, #tpu.memory_space<semaphore_mem>>) src(%dma_wait3A_28 : memref<640x128xf32, #tpu.memory_space<vmem_shared>>) dst(%dma_wait3A_26 : memref<640x128xf32, #tpu.memory_space<hbm>>)
      tpu.yield
    }) : () -> ()
    return
  }
}

module attributes {stable_mosaic.version = 14 : i64} {
  func.func @_dense_body(%arg0: i32, %arg1: memref<1x1000x128xf32, #tpu.memory_space<vmem>>, %arg2: memref<1x1000x128xf32, #tpu.memory_space<vmem>>, %arg3: memref<1x1000x128xf32, #tpu.memory_space<vmem>>, %arg4: memref<1x1000x128xf32, #tpu.memory_space<vmem>>, %arg5: memref<1000x128xf32, #tpu.memory_space<vmem>>, %arg6: memref<128x128xf32, #tpu.memory_space<vmem>>, %arg7: memref<1x128xf32, #tpu.memory_space<vmem>>, %arg8: memref<128x128xf32, #tpu.memory_space<vmem>>, %arg9: memref<1000x128xf32, #tpu.memory_space<vmem>>) attributes {dimension_semantics = [#tpu.dimension_semantics<arbitrary>], iteration_bounds = array<i64: 10>, scalar_prefetch = 0 : i64, scratch_operands = 0 : i64, tpu.core_type = #tpu.core_type<tc>, window_params = [{transform_indices = @transform_0, window_bounds = array<i64: 1, 1000, 128>}, {transform_indices = @transform_1, window_bounds = array<i64: 1, 1000, 128>}, {transform_indices = @transform_2, window_bounds = array<i64: 1, 1000, 128>}, {transform_indices = @transform_3, window_bounds = array<i64: 1, 1000, 128>}, {transform_indices = @transform_4, window_bounds = array<i64: 1000, 128>}, {pipeline_mode = #tpu.pipeline_mode<synchronous>, transform_indices = @transform_5, window_bounds = array<i64: 128, 128>}, {pipeline_mode = #tpu.pipeline_mode<synchronous>, transform_indices = @transform_6, window_bounds = array<i64: 1, 128>}, {pipeline_mode = #tpu.pipeline_mode<synchronous>, transform_indices = @transform_7, window_bounds = array<i64: 128, 128>}, {transform_indices = @transform_8, window_bounds = array<i64: 1000, 128>}]} {
    %get3A = arith.constant 0 : index
    %get3A_0 = arith.constant 0 : index
    %get3A_1 = arith.constant 0 : index
    %get3A_2 = vector.load %arg3[%get3A, %get3A_0, %get3A_1] : memref<1x1000x128xf32, #tpu.memory_space<vmem>>, vector<1x1000x128xf32>
    %get3A_3 = vector.shape_cast %get3A_2 : vector<1x1000x128xf32> to vector<1000x128xf32>
    %slice3A = vector.extract_strided_slice %get3A_3 {offsets = [0, 0], sizes = [1000, 1], strides = [1, 1]} : vector<1000x128xf32> to vector<1000x1xf32>
    %get3A_4 = arith.constant 0 : index
    %get3A_5 = arith.constant 0 : index
    %get3A_6 = arith.constant 0 : index
    %get3A_7 = vector.load %arg4[%get3A_4, %get3A_5, %get3A_6] : memref<1x1000x128xf32, #tpu.memory_space<vmem>>, vector<1x1000x128xf32>
    %get3A_8 = vector.shape_cast %get3A_7 : vector<1x1000x128xf32> to vector<1000x128xf32>
    %slice3A_9 = vector.extract_strided_slice %get3A_8 {offsets = [0, 0], sizes = [1000, 1], strides = [1, 1]} : vector<1000x128xf32> to vector<1000x1xf32>
    %add3A = arith.addf %slice3A, %slice3A_9 : vector<1000x1xf32>
    %max3A = arith.constant 1.000000e+00 : f32
    %max3A_10 = vector.broadcast %max3A : f32 to vector<1000x1xf32>
    %max3A_11 = arith.maximumf %add3A, %max3A_10 : vector<1000x1xf32>
    %div3A = arith.constant 1.000000e+00 : f32
    %div3A_12 = vector.broadcast %div3A : f32 to vector<1000x1xf32>
    %div3A_13 = arith.divf %div3A_12, %max3A_11 : vector<1000x1xf32>
    %get3A_14 = arith.constant 0 : index
    %get3A_15 = arith.constant 0 : index
    %get3A_16 = arith.constant 0 : index
    %get3A_17 = vector.load %arg1[%get3A_14, %get3A_15, %get3A_16] : memref<1x1000x128xf32, #tpu.memory_space<vmem>>, vector<1x1000x128xf32>
    %get3A_18 = vector.shape_cast %get3A_17 : vector<1x1000x128xf32> to vector<1000x128xf32>
    %get3A_19 = arith.constant 0 : index
    %get3A_20 = arith.constant 0 : index
    %get3A_21 = arith.constant 0 : index
    %get3A_22 = vector.load %arg2[%get3A_19, %get3A_20, %get3A_21] : memref<1x1000x128xf32, #tpu.memory_space<vmem>>, vector<1x1000x128xf32>
    %get3A_23 = vector.shape_cast %get3A_22 : vector<1x1000x128xf32> to vector<1000x128xf32>
    %add3A_24 = arith.addf %get3A_18, %get3A_23 : vector<1000x128xf32>
    %mul3A = vector.broadcast %div3A_13 : vector<1000x1xf32> to vector<1000x128xf32>
    %mul3A_25 = arith.mulf %add3A_24, %mul3A : vector<1000x128xf32>
    %get3A_26 = arith.constant 0 : index
    %get3A_27 = arith.constant 0 : index
    %get3A_28 = vector.load %arg6[%get3A_26, %get3A_27] : memref<128x128xf32, #tpu.memory_space<vmem>>, vector<128x128xf32>
    %dot_general3A = arith.constant dense<0.000000e+00> : vector<1000x128xf32>
    %dot_general3A_29 = tpu.matmul %mul3A_25, %get3A_28, %dot_general3A {dimension_numbers = #tpu.dot_dimension_numbers<[1], [0], [0], [1], [0, 0, 1, 1], [], []>, transpose_lhs_hint = false} : vector<1000x128xf32>, vector<128x128xf32>, vector<1000x128xf32> -> vector<1000x128xf32>
    %get3A_30 = arith.constant 0 : index
    %get3A_31 = arith.constant 0 : index
    %get3A_32 = vector.load %arg5[%get3A_30, %get3A_31] : memref<1000x128xf32, #tpu.memory_space<vmem>>, vector<1000x128xf32>
    %get3A_33 = arith.constant 0 : index
    %get3A_34 = arith.constant 0 : index
    %get3A_35 = vector.load %arg8[%get3A_33, %get3A_34] : memref<128x128xf32, #tpu.memory_space<vmem>>, vector<128x128xf32>
    %dot_general3A_36 = arith.constant dense<0.000000e+00> : vector<1000x128xf32>
    %dot_general3A_37 = tpu.matmul %get3A_32, %get3A_35, %dot_general3A_36 {dimension_numbers = #tpu.dot_dimension_numbers<[1], [0], [0], [1], [0, 0, 1, 1], [], []>, transpose_lhs_hint = false} : vector<1000x128xf32>, vector<128x128xf32>, vector<1000x128xf32> -> vector<1000x128xf32>
    %add3A_38 = arith.addf %dot_general3A_29, %dot_general3A_37 : vector<1000x128xf32>
    %get3A_39 = arith.constant 0 : index
    %get3A_40 = arith.constant 0 : index
    %get3A_41 = vector.load %arg7[%get3A_39, %get3A_40] : memref<1x128xf32, #tpu.memory_space<vmem>>, vector<1x128xf32>
    %add3A_42 = vector.broadcast %get3A_41 : vector<1x128xf32> to vector<1000x128xf32>
    %add3A_43 = arith.addf %add3A_38, %add3A_42 : vector<1000x128xf32>
    %gt3A = arith.constant 0.000000e+00 : f32
    %gt3A_44 = vector.broadcast %gt3A : f32 to vector<1000x128xf32>
    %gt3A_45 = arith.cmpf ogt, %add3A_43, %gt3A_44 : vector<1000x128xf32>
    %min3A = arith.constant 0.000000e+00 : f32
    %min3A_46 = vector.broadcast %min3A : f32 to vector<1000x128xf32>
    %min3A_47 = arith.minimumf %add3A_43, %min3A_46 : vector<1000x128xf32>
    %exp3A = math.exp %min3A_47 : vector<1000x128xf32>
    %sub3A = arith.constant 1.000000e+00 : f32
    %sub3A_48 = vector.broadcast %sub3A : f32 to vector<1000x128xf32>
    %sub3A_49 = arith.subf %exp3A, %sub3A_48 : vector<1000x128xf32>
    %select_n3A = arith.select %gt3A_45, %add3A_43, %sub3A_49 : vector<1000x128xi1>, vector<1000x128xf32>
    %swap3A = arith.constant 0 : index
    %swap3A_50 = arith.constant 0 : index
    %swap3A_51 = vector.load %arg9[%swap3A, %swap3A_50] : memref<1000x128xf32, #tpu.memory_space<vmem>>, vector<1000x128xf32>
    tpu.vector_store %arg9[%swap3A, %swap3A_50], %select_n3A {strides = array<i32>} : memref<1000x128xf32, #tpu.memory_space<vmem>>, vector<1000x128xf32>,
    return
  }
  func.func @transform_0(%arg0: i32) -> (i32, i32, i32) {
    %c0_i32 = arith.constant 0 : i32
    %c0_i32_0 = arith.constant 0 : i32
    %c0_i32_1 = arith.constant 0 : i32
    return %c0_i32, %arg0, %c0_i32_0 : i32, i32, i32
  }
  func.func @transform_1(%arg0: i32) -> (i32, i32, i32) {
    %c1_i32 = arith.constant 1 : i32
    %c0_i32 = arith.constant 0 : i32
    %c0_i32_0 = arith.constant 0 : i32
    return %c1_i32, %arg0, %c0_i32 : i32, i32, i32
  }
  func.func @transform_2(%arg0: i32) -> (i32, i32, i32) {
    %c0_i32 = arith.constant 0 : i32
    %c0_i32_0 = arith.constant 0 : i32
    %c0_i32_1 = arith.constant 0 : i32
    return %c0_i32, %arg0, %c0_i32_0 : i32, i32, i32
  }
  func.func @transform_3(%arg0: i32) -> (i32, i32, i32) {
    %c1_i32 = arith.constant 1 : i32
    %c0_i32 = arith.constant 0 : i32
    %c0_i32_0 = arith.constant 0 : i32
    return %c1_i32, %arg0, %c0_i32 : i32, i32, i32
  }
  func.func @transform_4(%arg0: i32) -> (i32, i32) {
    %c0_i32 = arith.constant 0 : i32
    %c0_i32_0 = arith.constant 0 : i32
    return %arg0, %c0_i32 : i32, i32
  }
  func.func @transform_5(%arg0: i32) -> (i32, i32) {
    %c0_i32 = arith.constant 0 : i32
    %c0_i32_0 = arith.constant 0 : i32
    %c0_i32_1 = arith.constant 0 : i32
    return %c0_i32, %c0_i32_0 : i32, i32
  }
  func.func @transform_6(%arg0: i32) -> (i32, i32) {
    %c0_i32 = arith.constant 0 : i32
    %c0_i32_0 = arith.constant 0 : i32
    %c0_i32_1 = arith.constant 0 : i32
    return %c0_i32, %c0_i32_0 : i32, i32
  }
  func.func @transform_7(%arg0: i32) -> (i32, i32) {
    %c0_i32 = arith.constant 0 : i32
    %c0_i32_0 = arith.constant 0 : i32
    %c0_i32_1 = arith.constant 0 : i32
    return %c0_i32, %c0_i32_0 : i32, i32
  }
  func.func @transform_8(%arg0: i32) -> (i32, i32) {
    %c0_i32 = arith.constant 0 : i32
    %c0_i32_0 = arith.constant 0 : i32
    return %arg0, %c0_i32 : i32, i32
  }
}

module attributes {stable_mosaic.version = 14 : i64} {
  func.func @_dense_body(%arg0: i32, %arg1: memref<1x1000x128xf32, #tpu.memory_space<vmem>>, %arg2: memref<1x1000x128xf32, #tpu.memory_space<vmem>>, %arg3: memref<1x1000x128xf32, #tpu.memory_space<vmem>>, %arg4: memref<1x1000x128xf32, #tpu.memory_space<vmem>>, %arg5: memref<1000x128xf32, #tpu.memory_space<vmem>>, %arg6: memref<128x128xf32, #tpu.memory_space<vmem>>, %arg7: memref<1x128xf32, #tpu.memory_space<vmem>>, %arg8: memref<128x128xf32, #tpu.memory_space<vmem>>, %arg9: memref<1000x128xf32, #tpu.memory_space<vmem>>) attributes {dimension_semantics = [#tpu.dimension_semantics<arbitrary>], iteration_bounds = array<i64: 10>, scalar_prefetch = 0 : i64, scratch_operands = 0 : i64, tpu.core_type = #tpu.core_type<tc>, window_params = [{transform_indices = @transform_0, window_bounds = array<i64: 1, 1000, 128>}, {transform_indices = @transform_1, window_bounds = array<i64: 1, 1000, 128>}, {transform_indices = @transform_2, window_bounds = array<i64: 1, 1000, 128>}, {transform_indices = @transform_3, window_bounds = array<i64: 1, 1000, 128>}, {transform_indices = @transform_4, window_bounds = array<i64: 1000, 128>}, {pipeline_mode = #tpu.pipeline_mode<synchronous>, transform_indices = @transform_5, window_bounds = array<i64: 128, 128>}, {pipeline_mode = #tpu.pipeline_mode<synchronous>, transform_indices = @transform_6, window_bounds = array<i64: 1, 128>}, {pipeline_mode = #tpu.pipeline_mode<synchronous>, transform_indices = @transform_7, window_bounds = array<i64: 128, 128>}, {transform_indices = @transform_8, window_bounds = array<i64: 1000, 128>}]} {
    %get3A = arith.constant 0 : index
    %get3A_0 = arith.constant 0 : index
    %get3A_1 = arith.constant 0 : index
    %get3A_2 = vector.load %arg3[%get3A, %get3A_0, %get3A_1] : memref<1x1000x128xf32, #tpu.memory_space<vmem>>, vector<1x1000x128xf32>
    %get3A_3 = vector.shape_cast %get3A_2 : vector<1x1000x128xf32> to vector<1000x128xf32>
    %slice3A = vector.extract_strided_slice %get3A_3 {offsets = [0, 0], sizes = [1000, 1], strides = [1, 1]} : vector<1000x128xf32> to vector<1000x1xf32>
    %get3A_4 = arith.constant 0 : index
    %get3A_5 = arith.constant 0 : index
    %get3A_6 = arith.constant 0 : index
    %get3A_7 = vector.load %arg4[%get3A_4, %get3A_5, %get3A_6] : memref<1x1000x128xf32, #tpu.memory_space<vmem>>, vector<1x1000x128xf32>
    %get3A_8 = vector.shape_cast %get3A_7 : vector<1x1000x128xf32> to vector<1000x128xf32>
    %slice3A_9 = vector.extract_strided_slice %get3A_8 {offsets = [0, 0], sizes = [1000, 1], strides = [1, 1]} : vector<1000x128xf32> to vector<1000x1xf32>
    %add3A = arith.addf %slice3A, %slice3A_9 : vector<1000x1xf32>
    %max3A = arith.constant 1.000000e+00 : f32
    %max3A_10 = vector.broadcast %max3A : f32 to vector<1000x1xf32>
    %max3A_11 = arith.maximumf %add3A, %max3A_10 : vector<1000x1xf32>
    %div3A = arith.constant 1.000000e+00 : f32
    %div3A_12 = vector.broadcast %div3A : f32 to vector<1000x1xf32>
    %div3A_13 = arith.divf %div3A_12, %max3A_11 : vector<1000x1xf32>
    %get3A_14 = arith.constant 0 : index
    %get3A_15 = arith.constant 0 : index
    %get3A_16 = arith.constant 0 : index
    %get3A_17 = vector.load %arg1[%get3A_14, %get3A_15, %get3A_16] : memref<1x1000x128xf32, #tpu.memory_space<vmem>>, vector<1x1000x128xf32>
    %get3A_18 = vector.shape_cast %get3A_17 : vector<1x1000x128xf32> to vector<1000x128xf32>
    %get3A_19 = arith.constant 0 : index
    %get3A_20 = arith.constant 0 : index
    %get3A_21 = arith.constant 0 : index
    %get3A_22 = vector.load %arg2[%get3A_19, %get3A_20, %get3A_21] : memref<1x1000x128xf32, #tpu.memory_space<vmem>>, vector<1x1000x128xf32>
    %get3A_23 = vector.shape_cast %get3A_22 : vector<1x1000x128xf32> to vector<1000x128xf32>
    %add3A_24 = arith.addf %get3A_18, %get3A_23 : vector<1000x128xf32>
    %mul3A = vector.broadcast %div3A_13 : vector<1000x1xf32> to vector<1000x128xf32>
    %mul3A_25 = arith.mulf %add3A_24, %mul3A : vector<1000x128xf32>
    %get3A_26 = arith.constant 0 : index
    %get3A_27 = arith.constant 0 : index
    %get3A_28 = vector.load %arg6[%get3A_26, %get3A_27] : memref<128x128xf32, #tpu.memory_space<vmem>>, vector<128x128xf32>
    %dot_general3A = arith.constant dense<0.000000e+00> : vector<1000x128xf32>
    %dot_general3A_29 = tpu.matmul %mul3A_25, %get3A_28, %dot_general3A {dimension_numbers = #tpu.dot_dimension_numbers<[1], [0], [0], [1], [0, 0, 1, 1], [], []>, transpose_lhs_hint = false} : vector<1000x128xf32>, vector<128x128xf32>, vector<1000x128xf32> -> vector<1000x128xf32>
    %get3A_30 = arith.constant 0 : index
    %get3A_31 = arith.constant 0 : index
    %get3A_32 = vector.load %arg5[%get3A_30, %get3A_31] : memref<1000x128xf32, #tpu.memory_space<vmem>>, vector<1000x128xf32>
    %get3A_33 = arith.constant 0 : index
    %get3A_34 = arith.constant 0 : index
    %get3A_35 = vector.load %arg8[%get3A_33, %get3A_34] : memref<128x128xf32, #tpu.memory_space<vmem>>, vector<128x128xf32>
    %dot_general3A_36 = arith.constant dense<0.000000e+00> : vector<1000x128xf32>
    %dot_general3A_37 = tpu.matmul %get3A_32, %get3A_35, %dot_general3A_36 {dimension_numbers = #tpu.dot_dimension_numbers<[1], [0], [0], [1], [0, 0, 1, 1], [], []>, transpose_lhs_hint = false} : vector<1000x128xf32>, vector<128x128xf32>, vector<1000x128xf32> -> vector<1000x128xf32>
    %add3A_38 = arith.addf %dot_general3A_29, %dot_general3A_37 : vector<1000x128xf32>
    %get3A_39 = arith.constant 0 : index
    %get3A_40 = arith.constant 0 : index
    %get3A_41 = vector.load %arg7[%get3A_39, %get3A_40] : memref<1x128xf32, #tpu.memory_space<vmem>>, vector<1x128xf32>
    %add3A_42 = vector.broadcast %get3A_41 : vector<1x128xf32> to vector<1000x128xf32>
    %add3A_43 = arith.addf %add3A_38, %add3A_42 : vector<1000x128xf32>
    %swap3A = arith.constant 0 : index
    %swap3A_44 = arith.constant 0 : index
    %swap3A_45 = vector.load %arg9[%swap3A, %swap3A_44] : memref<1000x128xf32, #tpu.memory_space<vmem>>, vector<1000x128xf32>
    tpu.vector_store %arg9[%swap3A, %swap3A_44], %add3A_43 {strides = array<i32>} : memref<1000x128xf32, #tpu.memory_space<vmem>>, vector<1000x128xf32>,
    return
  }
  func.func @transform_0(%arg0: i32) -> (i32, i32, i32) {
    %c0_i32 = arith.constant 0 : i32
    %c0_i32_0 = arith.constant 0 : i32
    %c0_i32_1 = arith.constant 0 : i32
    return %c0_i32, %arg0, %c0_i32_0 : i32, i32, i32
  }
  func.func @transform_1(%arg0: i32) -> (i32, i32, i32) {
    %c1_i32 = arith.constant 1 : i32
    %c0_i32 = arith.constant 0 : i32
    %c0_i32_0 = arith.constant 0 : i32
    return %c1_i32, %arg0, %c0_i32 : i32, i32, i32
  }
  func.func @transform_2(%arg0: i32) -> (i32, i32, i32) {
    %c0_i32 = arith.constant 0 : i32
    %c0_i32_0 = arith.constant 0 : i32
    %c0_i32_1 = arith.constant 0 : i32
    return %c0_i32, %arg0, %c0_i32_0 : i32, i32, i32
  }
  func.func @transform_3(%arg0: i32) -> (i32, i32, i32) {
    %c1_i32 = arith.constant 1 : i32
    %c0_i32 = arith.constant 0 : i32
    %c0_i32_0 = arith.constant 0 : i32
    return %c1_i32, %arg0, %c0_i32 : i32, i32, i32
  }
  func.func @transform_4(%arg0: i32) -> (i32, i32) {
    %c0_i32 = arith.constant 0 : i32
    %c0_i32_0 = arith.constant 0 : i32
    return %arg0, %c0_i32 : i32, i32
  }
  func.func @transform_5(%arg0: i32) -> (i32, i32) {
    %c0_i32 = arith.constant 0 : i32
    %c0_i32_0 = arith.constant 0 : i32
    %c0_i32_1 = arith.constant 0 : i32
    return %c0_i32, %c0_i32_0 : i32, i32
  }
  func.func @transform_6(%arg0: i32) -> (i32, i32) {
    %c0_i32 = arith.constant 0 : i32
    %c0_i32_0 = arith.constant 0 : i32
    %c0_i32_1 = arith.constant 0 : i32
    return %c0_i32, %c0_i32_0 : i32, i32
  }
  func.func @transform_7(%arg0: i32) -> (i32, i32) {
    %c0_i32 = arith.constant 0 : i32
    %c0_i32_0 = arith.constant 0 : i32
    %c0_i32_1 = arith.constant 0 : i32
    return %c0_i32, %c0_i32_0 : i32, i32
  }
  func.func @transform_8(%arg0: i32) -> (i32, i32) {
    %c0_i32 = arith.constant 0 : i32
    %c0_i32_0 = arith.constant 0 : i32
    return %arg0, %c0_i32 : i32, i32
  }
}

</mosaic_0001>

<sc_bundles>
// kernel: kernel.10.cloned.1.call-start
scs
__scs_entry_jumppad:
0x0: {  	(pc) =	sbr.rel $0x88, $3  }
0x1: {  	(tag) =	ssettag $0x0;
	lr =	simm.s32 $0x1  }
0x2: {  	[smem:$0x3F99] =	sst lr;
	_ =	strace $0xD0000000  }
0x3: {  	_ = 	snop  }
0x4: {  	_ = 	snop  }
0x5: {  	_ = 	snop  }
0x6: {  	_ = 	snop  }
0x7: {  	_ = 	snop  }
__scs_overlays_trampoline_lowered:
0x8: {  	[smem:$0x3FA8] =	sst s0  }
0x9: {  	[smem:$0x3FA9] =	sst s1  }
0xa: {  	[smem:$0x3FAA] =	sst s2  }
0xb: {  	[smem:$0x3FAB] =	sst s3  }
0xc: {  	[smem:$0x3FAC] =	sst s4  }
0xd: {  	[smem:$0x3FAD] =	sst s5  }
0xe: {  	[smem:$0x3FAE] =	sst s6  }
0xf: {  	[smem:$0x3FAF] =	sst s7  }
0x10: {  	[smem:$0x3FB0] =	sst s8  }
0x11: {  	[smem:$0x3FB1] =	sst s9;
	s0 =	simm.s32 @!p0 $0x0  }
0x12: {  	s1 =	sld [smem:$0x3F97];
	s0 =	simm.s32 @p0 $0x1  }
0x13: {  	[smem:$0x3FB2] =	sst s0;
	s0 =	simm.s32 @!p1 $0x0  }
0x14: {  	s2 =	sld [smem:$0x3F96];
	s0 =	simm.s32 @p1 $0x1  }
0x15: {  	[smem:$0x3FB3] =	sst s0;
	s0 =	simm.s32 @!p2 $0x0  }
0x16: {  	s3 =	sld [smem:$0x3FDB];
	s0 =	simm.s32 @p2 $0x1  }
0x17: {  	s4 =	simm.s32 $0x1BF5;
	[smem:$0x3FB5] =	sst s0  }
0x18: {  	s0 =	sld [smem:$0x3F98];
	_ =	swait.ge [sflag:s4], $0x0  }
0x19: {  	s7 =	sld [smem:$0x3F99]  }
0x1a: {  	s8 =	sadd.s32 $0xFFFFE003, lr  }
0x1b: {  	s9 =	sadd.s32 $0xFFFFFEF7, lr;
	s5 =	simm.s32 $0xFFFFFFFF;
	p2 =	slt.u32 s8, $0xFFFFF086  }
0x1c: {  	p1 =	slt.u32 s9, $0xF7A;
	s5 =	simm.s32 @!p2 $0x0  }
0x1d: {  	s5 =	simm.s32 @p1 $0x1;
	p0 =	seq.s32 s7, s2  }
0x1e: {  	s7 =	smul.u32 @!p0 $0xF7A, s2;
	p2 =	seq.s32 @!p0 s5, $0x0  }
0x1f: {  	s9 =	smul.u32 $0xF7A, s1;
	s8 =	simm.s32 @!p0 $0x1BF5;
	p2 =	por !p2, p0  }
0x20: {  	[sflag:s8] =	ssyncset.s32 @!p0 $0xFFFFF086;
	s6 =	sadd.s32 @!p0 s3, s7;
	s7 =	simm.s32 @!p0 $0x108  }
0x21: {  	s3 =	sadd.s32 s3, s9;
	s6 =	sadd.s32 @!p0 $0x88, s6;
	s7 =	simm.s32 @p2 $0x1082  }
0x22: {  	[simem:s7], [sflag:s8] =	dma.local @!p0 [hbm:s6], $0xF7A  }
0x23: {  	s9 =	sor.u32 $0xD0000000, s2;
	s6 =	simm.s32 $0x108;
	_ =	swait.ge @!p0 [sflag:s8], $0x0  }
0x24: {  	s3 =	sadd.s32 $0x88, s3;
	s6 =	simm.s32 @!p1 $0x1082;
	[sflag:s4] =	ssyncset.s32 $0xFFFFF086  }
0x25: {  	[simem:s6], [sflag:s4] =	dma.local [hbm:s3], $0xF7A  }
0x26: {  	[smem:$0x3F99] =	sst s1;
	(tag) =	ssettag s2;
	_ =	strace s9  }
0x27: {  	s1 =	sld [smem:$0x3FA9]  }
0x28: {  	s2 =	sld [smem:$0x3FAA]  }
0x29: {  	s4 =	sld [smem:$0x3FAC]  }
0x2a: {  	p0 =	seq.s32 s5, $0x0;
	s5 =	sld [smem:$0x3FAD]  }
0x2b: {  	s6 =	sld [smem:$0x3FAE]  }
0x2c: {  	s7 =	sld [smem:$0x3FAF]  }
0x2d: {  	s3 =	simm.s32 $0x108;
	s8 =	sld [smem:$0x3FB0]  }
0x2e: {  	s3 =	simm.s32 @!p0 $0x1082;
	s9 =	sld [smem:$0x3FB1]  }
0x2f: {  	lr =	sadd.s32 s0, s3;
	s0 =	sld [smem:$0x3FA8]  }
0x30: {  	s3 =	sld [smem:$0x3FAB]  }
0x31: {  	[smem:$0x3FB4] =	sst s10  }
0x32: {  	s10 =	sld [smem:$0x3FB2];
	_ =	sdelay $0x3  }
0x33: {  	p0 =	seq.s32 s10, $0x1;
	s10 =	sld [smem:$0x3FB4];
	_ =	sdelay $0x3  }
0x34: {  	[smem:$0x3FB4] =	sst s10  }
0x35: {  	s10 =	sld [smem:$0x3FB3];
	_ =	sdelay $0x3  }
0x36: {  	p1 =	seq.s32 s10, $0x1;
	s10 =	sld [smem:$0x3FB4];
	_ =	sdelay $0x3  }
0x37: {  	[smem:$0x3FB4] =	sst s10  }
0x38: {  	s10 =	sld [smem:$0x3FB5]  }
0x39: {  	_ = 	snop;
	(pc) =	sbr.ind lr, $3  }
0x3a: {  	_ = 	snop  }
0x3b: {  	_ = 	snop  }
0x3c: {  	p2 =	seq.s32 s10, $0x1;
	s10 =	sld [smem:$0x3FB4]  }
0x3d: {  	_ =	shalt  }
0x3e: {  	_ =	shalt  }
0x3f: {  	_ =	shalt  }
0x40: {  	_ =	shalt  }
0x41: {  	_ =	shalt  }
0x42: {  	_ =	shalt  }
0x43: {  	_ =	shalt  }
0x44: {  	_ =	shalt  }
0x45: {  	_ =	shalt  }
0x46: {  	_ =	shalt  }
0x47: {  	_ =	shalt  }
0x48: {  	_ =	shalt  }
0x49: {  	_ =	shalt  }
0x4a: {  	_ =	shalt  }
0x4b: {  	_ =	shalt  }
0x4c: {  	_ =	shalt  }
0x4d: {  	_ =	shalt  }
0x4e: {  	_ =	shalt  }
0x4f: {  	_ =	shalt  }
0x50: {  	_ =	shalt  }
0x51: {  	_ =	shalt  }
0x52: {  	_ =	shalt  }
0x53: {  	_ =	shalt  }
0x54: {  	_ =	shalt  }
0x55: {  	_ =	shalt  }
0x56: {  	_ =	shalt  }
0x57: {  	_ =	shalt  }
0x58: {  	_ =	shalt  }
0x59: {  	_ =	shalt  }
0x5a: {  	_ =	shalt  }
0x5b: {  	_ =	shalt  }
0x5c: {  	_ =	shalt  }
0x5d: {  	_ =	shalt  }
0x5e: {  	_ =	shalt  }
0x5f: {  	_ =	shalt  }
0x60: {  	_ =	shalt  }
0x61: {  	_ =	shalt  }
0x62: {  	_ =	shalt  }
0x63: {  	_ =	shalt  }
0x64: {  	_ =	shalt  }
0x65: {  	_ =	shalt  }
0x66: {  	_ =	shalt  }
0x67: {  	_ =	shalt  }
0x68: {  	_ =	shalt  }
0x69: {  	_ =	shalt  }
0x6a: {  	_ =	shalt  }
0x6b: {  	_ =	shalt  }
0x6c: {  	_ =	shalt  }
0x6d: {  	_ =	shalt  }
0x6e: {  	_ =	shalt  }
0x6f: {  	_ =	shalt  }
0x70: {  	_ =	shalt  }
0x71: {  	_ =	shalt  }
0x72: {  	_ =	shalt  }
0x73: {  	_ =	shalt  }
0x74: {  	_ =	shalt  }
0x75: {  	_ =	shalt  }
0x76: {  	_ =	shalt  }
0x77: {  	_ =	shalt  }
0x78: {  	_ =	shalt  }
0x79: {  	_ =	shalt  }
0x7a: {  	_ =	shalt  }
0x7b: {  	_ =	shalt  }
0x7c: {  	_ =	shalt  }
0x7d: {  	_ =	shalt  }
0x7e: {  	_ =	shalt  }
0x7f: {  	_ =	shalt  }
0x80: {  	_ =	shalt  }
0x81: {  	_ =	shalt  }
0x82: {  	_ =	shalt  }
0x83: {  	_ =	shalt  }
0x84: {  	_ =	shalt  }
0x85: {  	_ =	shalt  }
0x86: {  	_ =	shalt  }
0x87: {  	_ =	shalt  }
.Lfunc_end0:
.L_simem_size_0:
called_computation.1_lowered:
.L_overlay_start_0:
0x88: {  	s2 =	sld [smem:$0x3FD9]  }
0x89: {  	s3 =	sld [smem:$0x3FFE];
	_ =	sdelay $0x1  }
0x8a: {  	s1 =	srdreg.scid  }
0x8b: {  	s0 =	sand.u32 $0x1, s1  }
0x8c: {  	s17 =	sshll.u32 s0, $0xA;
	s2 =	sadd.s32 s3, s2  }
0x8d: {  	s2 =	sadd.s32 s2, s17  }
0x8e: {  	[smem:$0x3FC0] =	sst s2  }
0x8f: {  	_ = 	snop  }
0x90: {  	s2 =	sld [smem:$0x3FC9];
	(tm) =	ssettm $0x1  }
0x91: {  	s18 =	sld [smem:$0x3FFB];
	_ =	sdelay $0x3  }
0x92: {  	_ =	strace s18  }
0x93: {  	s3 =	sld [smem:$0x3FFC];
	_ =	sdelay $0x3  }
0x94: {  	_ =	strace s3  }
0x95: {  	s3 =	sld [smem:$0x3FFD];
	_ =	sdelay $0x3  }
0x96: {  	_ =	strace s3  }
0x97: {  	_ =	strace $0x8FFFFFFF  }
0x98: {  	s19 =	sld [smem:$0x3FDB];
	_ =	sdelay $0x1  }
0x99: {  	s4 =	simm.s32 $_scs_section_size  }
0x9a: {  	s5 =	simm.s32 $_size__tile_overlayer_lowered;
	s6 =	simm.s32 $_tile_overlayer_lowered  }
0x9b: {  	s22 =	simm.s32 $0x1BFF;
	s21 =	sshll.u32 s6, $0x1;
	s3 =	sadd.s32 s4, s19  }
0x9c: {  	s7 =	simm.s32 $0x0;
	s20 =	sshll.u32 s5, $0x1;
	s5 =	sadd.s32 s21, s3  }
0x9d: {  	[timem:s7], [sflag:s22] =	dma.local [hbm:s5], s20  }
0x9e: {  	_ =	swait.ge [sflag:s22], s20  }
0x9f: {  	s4 =	ssub.s32 $0x0, s20;
	[sflag:s22] =	ssyncset.done $0x0  }
0xa0: {  	[sflag:s22] =	ssyncadd.s32 s4;
	_ =	sdelay $0x1  }
0xa1: {  	s23 =	simm.s32 $0x1B8B  }
0xa2: {  	_ =	swait.ge [sflag:s23], $0x1  }
0xa3: {  	[sflag:s23] =	ssyncset.done $0x0  }
0xa4: {  	s25 =	simm.s32 $0x1B8E;
	s24 =	sld [smem:$0x3FFE];
	[sflag:s23] =	ssyncadd.s32 $0xFFFFFFFF  }
0xa5: {  	s26 =	simm.s32 $execute0_lowered;
	[smem:$0x3FD2] =	sst s25  }
0xa6: {  	s5 =	sshll.u32 s26, $0x1;
	_ =	strace $0x80000046;
	[dreg:$0x1] =	wrdreg $0xFFFFFFFF  }
0xa7: {  	s28 =	simm.s32 $_size_execute0_lowered;
	s3 =	sadd.s32 s3, s5;
	[dreg:$0x0] =	wrdreg $0x0  }
0xa8: {  	s5 =	sshll.u32 s28, $0x1;
	[dreg:$0x2] =	wrdreg s3  }
0xa9: {  	[dreg:$0x3] =	wrdreg s5  }
0xaa: {  	[dreg:$0x4] =	wrdreg $0xC0  }
0xab: {  	_ =	task [dreg:s7], $0x5FFFF  }
0xac: {  	[dreg:$0x1] =	wrdreg $0xFFFFFFFF  }
0xad: {  	[dreg:$0x0] =	wrdreg $0x60  }
0xae: {  	[dreg:$0x2] =	wrdreg s2  }
0xaf: {  	[dreg:$0x3] =	wrdreg s24  }
0xb0: {  	[dreg:$0x4] =	wrdreg $0x0  }
0xb1: {  	[dreg:$0x5] =	wrdreg $0xA  }
0xb2: {  	_ =	task.clear_ibuf [dreg:s7], $0x6FFFF;
	_ =	strace $0x90000046  }
0xb3: {  	s29 =	simm.s32 $0xA;
	_ =	strace $0x80000048  }
0xb4: {  	_ =	swait.ge [sflag:s29], $0x1  }
0xb5: {  	[sflag:s29] =	ssyncadd.s32 $0xFFFFFFFF  }
0xb6: {  	_ =	strace $0x90000048  }
0xb7: {  	_ =	sfence  }
0xb8: {  	s30 =	sld [smem:$0x0];
	_ =	sdelay $0x2  }
0xb9: {  	s31 =	sshll.u32 s1, $0xD;
	s1 =	sshrl.u32 s1, $0x2  }
0xba: {  	s3 =	sand.u32 $0x4000, s31;
	s1 =	sadd.s32 s1, s30  }
0xbb: {  	s0 =	sor.u32 s3, s0;
	s1 =	sshll.u32 s1, $0x11  }
0xbc: {  	s0 =	sor.u32 s1, s0  }
0xbd: {  	s0 =	sadd.s32 $0x8F2B, s0  }
0xbe: {  	[sflag:s0] =	ssyncadd.remote.s32 $0x1  }
0xbf: {  	_ =	sfence.sel $0xFFFF  }
0xc0: {  	[dreg:$0x0] =	wrdreg $0xFFFFFFFF;
	(pc) =	sbr.abs _section_cstart, $3  }
0xc1: {  	[dreg:$0x1] =	wrdreg $0xFFFFFFFF  }
0xc2: {  	_ =	task.clear_ibuf [dreg:s7], $0x2FFFF;
	_ =	strace $0x9FFFFFFF  }
0xc3: {  	(tm) =	ssettm $0x7FFFFFFF  }
tec
execute0_lowered:
.L_overlay_start_1:
0x0: {  	(tag) =	ssettag $0x1  }
0x1: {  	s1 =	rddreg [dreg:$0x0]  }
0x2: {  	s6 =	rddreg [dreg:$0x1]  }
0x3: {  	s0 =	srdreg.scid;
	s3 =	rddreg [dreg:$0x2]  }
0x4: {  	s13 =	simm.s32 $0x1FC00;
	s14 =	simm.s32 $0x17C00;
	s15 =	simm.s32 $0x1  }
0x5: {  	s16 =	simm.s32 $0x1FC80;
	s18 =	simm.s32 $0x1FD00;
	s19 =	simm.s32 $0x1BC00  }
0x6: {  	s20 =	simm.s32 $0x3;
	s21 =	simm.s32 $0x1FD80;
	s22 =	simm.s32 $0x4  }
0x7: {  	s23 =	simm.s32 $0x2;
	s24 =	simm.s32 $0x0;
	s2 =	sand.u32 $0x1, s0  }
0x8: {  	s0 =	stileid.u32;
	s4 =	sshll.u32 s2, $0x4;
	s7 =	smul.u32 $0x28000, s2  }
0x9: {  	s9 =	smul.u32 $0x50000, s0;
	s29 =	ssub.s32 $0x2, s2;
	s11 =	sshll.u32 s0, $0x6  }
0xa: {  	p0 =	seq.s32 s2, $0x1;
	s17 =	smul.u32 $0x2800, s0;
	s5 =	sor.u32 s0, s4  }
0xb: {  	s4 =	simm.s32 $0x0;
	s30 =	sshrl.u32 s29, $0x1;
	s5 =	smul.u32 $0x780, s5  }
0xc: {  	[smem:$0x7FF] =	sst s4;
	s10 =	sadd.s32 s7, s6;
	s9 =	sshrl.u32 s9, $0x2  }
.Ltmp0:
0xd: {  	s12 =	ssub.s32 s29, s30;
	_ =	strace $0x80000047;
	(pc) =	sbr.rel .LBB2_1-.Ltmp0, $4  }
0xe: {  	s9 =	sadd.s32 s9, s3;
	s31 =	sadd.s32 $0x13800, s10;
	s10 =	simm.s32 $0x5  }
0xf: {  	s8 =	sadd.s32 s5, s6;
	s5 =	sadd.s32 $0x11000, s6;
	s6 =	sor.u32 $0x1C05, s11  }
0x10: {  	s9 =	sshrl.u32 s9, $0x3;
	s11 =	simm.s32 $0x14000;
	s17 =	sadd.s32 s17, s31  }
0x11: {  	s7 =	sadd.s32 $0x2000, s8;
	s8 =	smax.u32 s12, $0x1;
	s12 =	simm.s32 $0x80  }
.LBB2_7:
0x12: {  	[tilespmem:$0x1FCF0] =	vst v0  }
0x13: {  	[tilespmem:s14], [sflag:$0x1] =	stream.indirect.gather [hbm4b:s1+s12], $0x80, s13, s12, $0xb8;
	[tilespmem:$0x1FE00] =	vst v63  }
0x14: {  	_ =	swait.ge [sflag:s15], $0x4000  }
0x15: {  	[sflag:s15] =	ssyncset.done $0x0  }
0x16: {  	[sflag:s15] =	ssyncadd.s32 $0xFFFFC000  }
0x17: {  	[spmem:s3] =	stream.indirect.scatter.add.f32 [tilespmem:s14], [sflag:$0x5], $0x80, s16, s12, $0xb8;
	[tilespmem:$0x1FE00] =	vst v63  }
0x18: {  	_ =	swait.ge [sflag:s10], $0x4000  }
0x19: {  	[sflag:s10] =	ssyncset.done $0x0  }
0x1a: {  	[sflag:s10] =	ssyncadd.s32 $0xFFFFC000  }
.LBB2_8:
0x1b: {  	s24 =	sadd.s32 $0x1, s24  }
0x1c: {  	p1 =	sne.s32 s24, s8  }
.Ltmp1:
0x1d: {  	[bflag:$0x0] =	sbarrier.arrive $0xFFFF;
	(pc) =	sbr.rel @!p1 .LBB2_9-.Ltmp1, $4  }
0x1e: {  	[hbm:s17], [sflag:s6] =	dma.local [spmem:s9], $0x2800  }
0x1f: {  	_ =	swait.ge [sflag:s10], $0x2800  }
0x20: {  	[sflag:s10] =	ssyncset.done $0x0  }
0x21: {  	[sflag:s10] =	ssyncadd.s32 $0xFFFFD800  }
.LBB2_1:
0x22: {  	[spmem:s9], [sflag:s6] =	dma.local [hbm:s5], $0x2800  }
0x23: {  	_ =	swait.ge [sflag:s10], $0x2800  }
0x24: {  	[sflag:s10] =	ssyncset.done $0x0  }
0x25: {  	[sflag:s10] =	ssyncadd.s32 $0xFFFFD800  }
0x26: {  	[tilespmem:s11], [sflag:$0x5] =	stream.linear.gather [hbm4b:s7+s4], $0x3B00, $0x38;
	[tilespmem:$0x1FE00] =	vst v63  }
.Ltmp2:
0x27: {  	_ =	swait.ge [sflag:s10], $0x3B00;
	(pc) =	sbr.rel @!p0 .LBB2_2-.Ltmp2, $3  }
0x28: {  	[sflag:s10] =	ssyncset.done $0x0  }
0x29: {  	[sflag:s10] =	ssyncadd.s32 $0xFFFFC500  }
0x2a: {  	[bflag:$0x0] =	sbarrier.arrive $0xFFFF;
	_ =	sdelay $0x1  }
0x2b: {  	s2 =	simm.s32 $0x0  }
0x2c: {  	v0 =	vld [tilespmem:s2+$0x14000];
	_ =	sdelay $0x4  }
0x2d: {  	v1 =	vand.u32 $0xFFFF, v0  }
0x2e: {  	v0 =	vshrl.u32 v0, $0x10;
	[tilespmem:$0x1FC00] =	vst v1  }
0x2f: {  	[tilespmem:$0x1FC80] =	vst v0  }
0x30: {  	v0 =	vld [tilespmem:s2+$0x14010];
	_ =	sdelay $0x4  }
0x31: {  	v1 =	vand.u32 $0xFFFF, v0  }
0x32: {  	v0 =	vshrl.u32 v0, $0x10;
	[tilespmem:$0x1FC10] =	vst v1  }
0x33: {  	[tilespmem:$0x1FC90] =	vst v0  }
0x34: {  	v0 =	vld [tilespmem:s2+$0x14020];
	_ =	sdelay $0x4  }
0x35: {  	v1 =	vand.u32 $0xFFFF, v0  }
0x36: {  	v0 =	vshrl.u32 v0, $0x10;
	[tilespmem:$0x1FC20] =	vst v1  }
0x37: {  	[tilespmem:$0x1FCA0] =	vst v0  }
0x38: {  	v0 =	vld [tilespmem:s2+$0x14030];
	_ =	sdelay $0x4  }
0x39: {  	v1 =	vand.u32 $0xFFFF, v0  }
0x3a: {  	v0 =	vshrl.u32 v0, $0x10;
	[tilespmem:$0x1FC30] =	vst v1  }
0x3b: {  	[tilespmem:$0x1FCB0] =	vst v0  }
0x3c: {  	v0 =	vld [tilespmem:s2+$0x14040];
	_ =	sdelay $0x4  }
0x3d: {  	v1 =	vand.u32 $0xFFFF, v0  }
0x3e: {  	v0 =	vshrl.u32 v0, $0x10;
	[tilespmem:$0x1FC40] =	vst v1  }
0x3f: {  	[tilespmem:$0x1FCC0] =	vst v0  }
0x40: {  	v0 =	vld [tilespmem:s2+$0x14050];
	_ =	sdelay $0x4  }
0x41: {  	v1 =	vand.u32 $0xFFFF, v0  }
0x42: {  	v0 =	vshrl.u32 v0, $0x10;
	[tilespmem:$0x1FC50] =	vst v1  }
0x43: {  	[tilespmem:$0x1FCD0] =	vst v0  }
0x44: {  	v0 =	vld [tilespmem:s2+$0x14060];
	_ =	sdelay $0x4  }
0x45: {  	v1 =	vand.u32 $0xFFFF, v0  }
0x46: {  	v0 =	vshrl.u32 v0, $0x10;
	[tilespmem:$0x1FC60] =	vst v1  }
0x47: {  	[tilespmem:$0x1FCE0] =	vst v0  }
0x48: {  	v0 =	vld [tilespmem:s2+$0x14070];
	_ =	sdelay $0x4  }
0x49: {  	v1 =	vand.u32 $0xFFFF, v0  }
0x4a: {  	s25 =	simm.s32 $0x200;
	v0 =	vshrl.u32 v0, $0x10;
	[tilespmem:$0x1FC70] =	vst v1  }
.LBB2_6:
0x4b: {  	p1 =	sne.s32 s25, $0x4C00;
	[tilespmem:$0x1FCF0] =	vst v0;
	s2 =	smov.u32 s25;
	s25 =	sadd.s32 $0x200, s25  }
0x4c: {  	[tilespmem:s14], [sflag:$0x1] =	stream.indirect.gather [hbm4b:s1+s12], $0x80, s13, s12, $0xb8;
	[tilespmem:$0x1FE00] =	vst v63  }
0x4d: {  	_ =	swait.ge [sflag:s15], $0x4000  }
0x4e: {  	[sflag:s15] =	ssyncset.done $0x0  }
0x4f: {  	[sflag:s15] =	ssyncadd.s32 $0xFFFFC000  }
0x50: {  	[spmem:s3] =	stream.indirect.scatter.add.f32 [tilespmem:s14], [sflag:$0x5], $0x80, s16, s12, $0xb8;
	[tilespmem:$0x1FE00] =	vst v63  }
0x51: {  	_ =	swait.ge [sflag:s10], $0x4000  }
0x52: {  	[sflag:s10] =	ssyncset.done $0x0  }
0x53: {  	s26 =	sshra.s32 s2, $0x2;
	[sflag:s10] =	ssyncadd.s32 $0xFFFFC000  }
0x54: {  	v0 =	vld [tilespmem:s26+$0x14000];
	_ =	sdelay $0x4  }
0x55: {  	v1 =	vand.u32 $0xFFFF, v0;
	v0 =	vshrl.u32 v0, $0x10  }
0x56: {  	[tilespmem:$0x1FC00] =	vst v1  }
0x57: {  	[tilespmem:$0x1FC80] =	vst v0  }
0x58: {  	v0 =	vld [tilespmem:s26+$0x14010];
	_ =	sdelay $0x4  }
0x59: {  	v1 =	vand.u32 $0xFFFF, v0;
	v0 =	vshrl.u32 v0, $0x10  }
0x5a: {  	[tilespmem:$0x1FC10] =	vst v1  }
0x5b: {  	[tilespmem:$0x1FC90] =	vst v0  }
0x5c: {  	v0 =	vld [tilespmem:s26+$0x14020];
	_ =	sdelay $0x4  }
0x5d: {  	v1 =	vand.u32 $0xFFFF, v0;
	v0 =	vshrl.u32 v0, $0x10  }
0x5e: {  	[tilespmem:$0x1FC20] =	vst v1  }
0x5f: {  	[tilespmem:$0x1FCA0] =	vst v0  }
0x60: {  	v0 =	vld [tilespmem:s26+$0x14030];
	_ =	sdelay $0x4  }
0x61: {  	v1 =	vand.u32 $0xFFFF, v0;
	v0 =	vshrl.u32 v0, $0x10  }
0x62: {  	[tilespmem:$0x1FC30] =	vst v1  }
0x63: {  	[tilespmem:$0x1FCB0] =	vst v0  }
0x64: {  	v0 =	vld [tilespmem:s26+$0x14040];
	_ =	sdelay $0x4  }
0x65: {  	v1 =	vand.u32 $0xFFFF, v0;
	v0 =	vshrl.u32 v0, $0x10  }
0x66: {  	[tilespmem:$0x1FC40] =	vst v1  }
0x67: {  	[tilespmem:$0x1FCC0] =	vst v0  }
0x68: {  	v0 =	vld [tilespmem:s26+$0x14050];
	_ =	sdelay $0x4  }
0x69: {  	v1 =	vand.u32 $0xFFFF, v0;
	v0 =	vshrl.u32 v0, $0x10  }
0x6a: {  	[tilespmem:$0x1FC50] =	vst v1  }
0x6b: {  	[tilespmem:$0x1FCD0] =	vst v0  }
0x6c: {  	v0 =	vld [tilespmem:s26+$0x14060];
	_ =	sdelay $0x4  }
0x6d: {  	v1 =	vand.u32 $0xFFFF, v0;
	v0 =	vshrl.u32 v0, $0x10  }
0x6e: {  	[tilespmem:$0x1FC60] =	vst v1  }
0x6f: {  	[tilespmem:$0x1FCE0] =	vst v0  }
0x70: {  	v0 =	vld [tilespmem:s26+$0x14070];
	_ =	sdelay $0x1  }
.Ltmp3:
0x71: {  	(pc) =	sbr.rel @p1 .LBB2_6-.Ltmp3, $3  }
0x72: {  	_ =	sdelay $0x1  }
0x73: {  	v1 =	vand.u32 $0xFFFF, v0;
	v0 =	vshrl.u32 v0, $0x10  }
0x74: {  	[tilespmem:$0x1FC70] =	vst v1  }
.Ltmp4:
0x75: {  	_ = 	snop;
	(pc) =	sbr.rel .LBB2_7-.Ltmp4, $1  }
0x76: {  	_ =	sdelay $0x3  }
.LBB2_2:
0x77: {  	v0 =	vld [tilespmem:$0x14000];
	_ =	sdelay $0x1  }
0x78: {  	v1 =	vld [tilespmem:$0x14010];
	_ =	sdelay $0x1  }
0x79: {  	v2 =	vld [tilespmem:$0x14020]  }
0x7a: {  	v3 =	vand.u32 $0xFFFF, v0  }
0x7b: {  	v0 =	vshrl.u32 v0, $0x10;
	[tilespmem:$0x1FC00] =	vst v3;
	v3 =	vld [tilespmem:$0x14030]  }
0x7c: {  	[tilespmem:$0x1FC80] =	vst v0;
	v0 =	vand.u32 $0xFFFF, v1  }
0x7d: {  	[tilespmem:$0x1FC10] =	vst v0;
	v0 =	vshrl.u32 v1, $0x10;
	v1 =	vld [tilespmem:$0x14040]  }
0x7e: {  	[tilespmem:$0x1FC90] =	vst v0;
	v0 =	vand.u32 $0xFFFF, v2  }
0x7f: {  	[tilespmem:$0x1FC20] =	vst v0;
	v0 =	vshrl.u32 v2, $0x10;
	v2 =	vld [tilespmem:$0x14050]  }
0x80: {  	[tilespmem:$0x1FCA0] =	vst v0;
	v0 =	vand.u32 $0xFFFF, v3  }
0x81: {  	[tilespmem:$0x1FC30] =	vst v0;
	v0 =	vshrl.u32 v3, $0x10;
	v3 =	vld [tilespmem:$0x14060]  }
0x82: {  	[tilespmem:$0x1FCB0] =	vst v0;
	v0 =	vand.u32 $0xFFFF, v1  }
0x83: {  	[tilespmem:$0x1FC40] =	vst v0;
	v0 =	vshrl.u32 v1, $0x10;
	v1 =	vld [tilespmem:$0x14070]  }
0x84: {  	[tilespmem:$0x1FCC0] =	vst v0;
	v0 =	vand.u32 $0xFFFF, v2  }
0x85: {  	[tilespmem:$0x1FC50] =	vst v0;
	v0 =	vshrl.u32 v2, $0x10  }
0x86: {  	[tilespmem:$0x1FCD0] =	vst v0;
	v0 =	vand.u32 $0xFFFF, v3  }
0x87: {  	[tilespmem:$0x1FC60] =	vst v0;
	v0 =	vshrl.u32 v3, $0x10  }
0x88: {  	[tilespmem:$0x1FCE0] =	vst v0;
	v0 =	vand.u32 $0xFFFF, v1  }
0x89: {  	[tilespmem:$0x1FC70] =	vst v0;
	v0 =	vshrl.u32 v1, $0x10  }
0x8a: {  	[tilespmem:$0x1FCF0] =	vst v0  }
0x8b: {  	[tilespmem:s14], [sflag:$0x1] =	stream.indirect.gather [hbm4b:s1+s12], $0x80, s13, s12, $0xb8;
	[tilespmem:$0x1FE00] =	vst v63  }
0x8c: {  	v0 =	vld [tilespmem:$0x14080];
	_ =	sdelay $0x1  }
0x8d: {  	v1 =	vld [tilespmem:$0x14090];
	_ =	sdelay $0x1  }
0x8e: {  	v2 =	vld [tilespmem:$0x140A0]  }
0x8f: {  	v3 =	vand.u32 $0xFFFF, v0  }
0x90: {  	v0 =	vshrl.u32 v0, $0x10;
	[tilespmem:$0x1FD00] =	vst v3;
	v3 =	vld [tilespmem:$0x140B0]  }
0x91: {  	[tilespmem:$0x1FD80] =	vst v0;
	v0 =	vand.u32 $0xFFFF, v1  }
0x92: {  	[tilespmem:$0x1FD10] =	vst v0;
	v0 =	vshrl.u32 v1, $0x10;
	v1 =	vld [tilespmem:$0x140C0]  }
0x93: {  	[tilespmem:$0x1FD90] =	vst v0;
	v0 =	vand.u32 $0xFFFF, v2  }
0x94: {  	[tilespmem:$0x1FD20] =	vst v0;
	v0 =	vshrl.u32 v2, $0x10;
	v2 =	vld [tilespmem:$0x140D0]  }
0x95: {  	[tilespmem:$0x1FDA0] =	vst v0;
	v0 =	vand.u32 $0xFFFF, v3  }
0x96: {  	[tilespmem:$0x1FD30] =	vst v0;
	v0 =	vshrl.u32 v3, $0x10;
	v3 =	vld [tilespmem:$0x140E0]  }
0x97: {  	[tilespmem:$0x1FDB0] =	vst v0;
	v0 =	vand.u32 $0xFFFF, v1  }
0x98: {  	[tilespmem:$0x1FD40] =	vst v0;
	v0 =	vshrl.u32 v1, $0x10;
	v1 =	vld [tilespmem:$0x140F0]  }
0x99: {  	[tilespmem:$0x1FDC0] =	vst v0;
	v0 =	vand.u32 $0xFFFF, v2  }
0x9a: {  	[tilespmem:$0x1FD50] =	vst v0;
	v0 =	vshrl.u32 v2, $0x10  }
0x9b: {  	[tilespmem:$0x1FDD0] =	vst v0;
	v0 =	vand.u32 $0xFFFF, v3  }
0x9c: {  	[tilespmem:$0x1FD60] =	vst v0;
	v0 =	vshrl.u32 v3, $0x10  }
0x9d: {  	[tilespmem:$0x1FDE0] =	vst v0;
	v0 =	vand.u32 $0xFFFF, v1  }
0x9e: {  	[tilespmem:$0x1FD70] =	vst v0;
	v0 =	vshrl.u32 v1, $0x10  }
0x9f: {  	[tilespmem:$0x1FDF0] =	vst v0  }
0xa0: {  	[tilespmem:s19], [sflag:$0x2] =	stream.indirect.gather [hbm4b:s1+s12], $0x80, s18, s12, $0xb8;
	[tilespmem:$0x1FE00] =	vst v63  }
0xa1: {  	_ =	swait.ge [sflag:s15], $0x4000  }
0xa2: {  	[sflag:s15] =	ssyncset.done $0x0  }
0xa3: {  	[sflag:s15] =	ssyncadd.s32 $0xFFFFC000  }
0xa4: {  	[spmem:s3] =	stream.indirect.scatter.add.f32 [tilespmem:s14], [sflag:$0x3], $0x80, s16, s12, $0xb8;
	[tilespmem:$0x1FE00] =	vst v63  }
0xa5: {  	_ =	swait.ge [sflag:s20], $0x4000  }
0xa6: {  	[sflag:s20] =	ssyncset.done $0x0  }
0xa7: {  	[sflag:s20] =	ssyncadd.s32 $0xFFFFC000  }
0xa8: {  	v0 =	vld [tilespmem:$0x14100];
	_ =	sdelay $0x1  }
0xa9: {  	v1 =	vld [tilespmem:$0x14110];
	_ =	sdelay $0x1  }
0xaa: {  	v2 =	vld [tilespmem:$0x14120]  }
0xab: {  	v3 =	vand.u32 $0xFFFF, v0  }
0xac: {  	v0 =	vshrl.u32 v0, $0x10;
	[tilespmem:$0x1FC00] =	vst v3;
	v3 =	vld [tilespmem:$0x14130]  }
0xad: {  	[tilespmem:$0x1FC80] =	vst v0;
	v0 =	vand.u32 $0xFFFF, v1  }
0xae: {  	[tilespmem:$0x1FC10] =	vst v0;
	v0 =	vshrl.u32 v1, $0x10;
	v1 =	vld [tilespmem:$0x14140]  }
0xaf: {  	[tilespmem:$0x1FC90] =	vst v0;
	v0 =	vand.u32 $0xFFFF, v2  }
0xb0: {  	[tilespmem:$0x1FC20] =	vst v0;
	v0 =	vshrl.u32 v2, $0x10;
	v2 =	vld [tilespmem:$0x14150]  }
0xb1: {  	[tilespmem:$0x1FCA0] =	vst v0;
	v0 =	vand.u32 $0xFFFF, v3  }
0xb2: {  	[tilespmem:$0x1FC30] =	vst v0;
	v0 =	vshrl.u32 v3, $0x10;
	v3 =	vld [tilespmem:$0x14160]  }
0xb3: {  	[tilespmem:$0x1FCB0] =	vst v0;
	v0 =	vand.u32 $0xFFFF, v1  }
0xb4: {  	[tilespmem:$0x1FC40] =	vst v0;
	v0 =	vshrl.u32 v1, $0x10;
	v1 =	vld [tilespmem:$0x14170]  }
0xb5: {  	[tilespmem:$0x1FCC0] =	vst v0;
	v0 =	vand.u32 $0xFFFF, v2  }
0xb6: {  	[tilespmem:$0x1FC50] =	vst v0;
	v0 =	vshrl.u32 v2, $0x10  }
0xb7: {  	[tilespmem:$0x1FCD0] =	vst v0;
	v0 =	vand.u32 $0xFFFF, v3  }
0xb8: {  	[tilespmem:$0x1FC60] =	vst v0;
	v0 =	vshrl.u32 v3, $0x10  }
0xb9: {  	[tilespmem:$0x1FCE0] =	vst v0;
	v0 =	vand.u32 $0xFFFF, v1  }
0xba: {  	[tilespmem:$0x1FC70] =	vst v0;
	v0 =	vshrl.u32 v1, $0x10  }
0xbb: {  	s2 =	simm.s32 $0x2;
	[tilespmem:$0x1FCF0] =	vst v0  }
0xbc: {  	[tilespmem:s14], [sflag:$0x1] =	stream.indirect.gather [hbm4b:s1+s12], $0x80, s13, s12, $0xb8;
	[tilespmem:$0x1FE00] =	vst v63  }
0xbd: {  	_ =	swait.ge [sflag:s2], $0x4000  }
0xbe: {  	[sflag:s2] =	ssyncset.done $0x0  }
0xbf: {  	[sflag:s2] =	ssyncadd.s32 $0xFFFFC000  }
0xc0: {  	[spmem:s3] =	stream.indirect.scatter.add.f32 [tilespmem:s19], [sflag:$0x4], $0x80, s21, s12, $0xb8;
	[tilespmem:$0x1FE00] =	vst v63  }
0xc1: {  	_ =	swait.ge [sflag:s22], $0x4000  }
0xc2: {  	[sflag:s22] =	ssyncset.done $0x0  }
0xc3: {  	s25 =	simm.s32 $0x141F0;
	[sflag:s22] =	ssyncadd.s32 $0xFFFFC000  }
0xc4: {  	v0 =	vld [tilespmem:s25+$0xFFFFFF90];
	_ =	sdelay $0x4  }
0xc5: {  	v1 =	vand.u32 $0xFFFF, v0  }
0xc6: {  	v0 =	vshrl.u32 v0, $0x10;
	[tilespmem:$0x1FD00] =	vst v1  }
0xc7: {  	[tilespmem:$0x1FD80] =	vst v0  }
0xc8: {  	v0 =	vld [tilespmem:s25+$0xFFFFFFA0];
	_ =	sdelay $0x4  }
0xc9: {  	v1 =	vand.u32 $0xFFFF, v0  }
0xca: {  	v0 =	vshrl.u32 v0, $0x10;
	[tilespmem:$0x1FD10] =	vst v1  }
0xcb: {  	[tilespmem:$0x1FD90] =	vst v0  }
0xcc: {  	v0 =	vld [tilespmem:s25+$0xFFFFFFB0];
	_ =	sdelay $0x4  }
0xcd: {  	v1 =	vand.u32 $0xFFFF, v0  }
0xce: {  	v0 =	vshrl.u32 v0, $0x10;
	[tilespmem:$0x1FD20] =	vst v1  }
0xcf: {  	[tilespmem:$0x1FDA0] =	vst v0  }
0xd0: {  	v0 =	vld [tilespmem:s25+$0xFFFFFFC0];
	_ =	sdelay $0x4  }
0xd1: {  	v1 =	vand.u32 $0xFFFF, v0  }
0xd2: {  	v0 =	vshrl.u32 v0, $0x10;
	[tilespmem:$0x1FD30] =	vst v1  }
0xd3: {  	[tilespmem:$0x1FDB0] =	vst v0  }
0xd4: {  	v0 =	vld [tilespmem:s25+$0xFFFFFFD0];
	_ =	sdelay $0x4  }
0xd5: {  	v1 =	vand.u32 $0xFFFF, v0  }
0xd6: {  	v0 =	vshrl.u32 v0, $0x10;
	[tilespmem:$0x1FD40] =	vst v1  }
0xd7: {  	[tilespmem:$0x1FDC0] =	vst v0  }
0xd8: {  	v0 =	vld [tilespmem:s25+$0xFFFFFFE0];
	_ =	sdelay $0x4  }
0xd9: {  	v1 =	vand.u32 $0xFFFF, v0  }
0xda: {  	v0 =	vshrl.u32 v0, $0x10;
	[tilespmem:$0x1FD50] =	vst v1  }
0xdb: {  	[tilespmem:$0x1FDD0] =	vst v0  }
0xdc: {  	v0 =	vld [tilespmem:s25+$0xFFFFFFF0];
	_ =	sdelay $0x4  }
0xdd: {  	v1 =	vand.u32 $0xFFFF, v0  }
0xde: {  	v0 =	vshrl.u32 v0, $0x10;
	[tilespmem:$0x1FD60] =	vst v1  }
0xdf: {  	[tilespmem:$0x1FDE0] =	vst v0  }
0xe0: {  	v0 =	vld [tilespmem:s25+$0x0];
	_ =	sdelay $0x4  }
0xe1: {  	v1 =	vand.u32 $0xFFFF, v0  }
0xe2: {  	v0 =	vshrl.u32 v0, $0x10;
	[tilespmem:$0x1FD70] =	vst v1  }
0xe3: {  	[tilespmem:$0x1FDF0] =	vst v0  }
0xe4: {  	[tilespmem:s19], [sflag:$0x2] =	stream.indirect.gather [hbm4b:s1+s12], $0x80, s18, s12, $0xb8;
	[tilespmem:$0x1FE00] =	vst v63  }
0xe5: {  	_ =	swait.ge [sflag:s15], $0x4000  }
0xe6: {  	[sflag:s15] =	ssyncset.done $0x0  }
0xe7: {  	[sflag:s15] =	ssyncadd.s32 $0xFFFFC000  }
0xe8: {  	[spmem:s3] =	stream.indirect.scatter.add.f32 [tilespmem:s14], [sflag:$0x3], $0x80, s16, s12, $0xb8;
	[tilespmem:$0x1FE00] =	vst v63  }
0xe9: {  	_ =	swait.ge [sflag:s20], $0x4000  }
0xea: {  	s2 =	smin.u32 s2, $0x73;
	[sflag:s20] =	ssyncset.done $0x0  }
0xeb: {  	s29 =	sshll.u32 s2, $0x7;
	[sflag:s20] =	ssyncadd.s32 $0xFFFFC000  }
0xec: {  	v0 =	vld [tilespmem:s29+$0x14100];
	_ =	sdelay $0x4  }
0xed: {  	v1 =	vand.u32 $0xFFFF, v0  }
0xee: {  	v0 =	vshrl.u32 v0, $0x10;
	[tilespmem:$0x1FC00] =	vst v1  }
0xef: {  	[tilespmem:$0x1FC80] =	vst v0  }
0xf0: {  	v0 =	vld [tilespmem:s29+$0x14110];
	_ =	sdelay $0x4  }
0xf1: {  	v1 =	vand.u32 $0xFFFF, v0  }
0xf2: {  	v0 =	vshrl.u32 v0, $0x10;
	[tilespmem:$0x1FC10] =	vst v1  }
0xf3: {  	[tilespmem:$0x1FC90] =	vst v0  }
0xf4: {  	v0 =	vld [tilespmem:s29+$0x14120];
	_ =	sdelay $0x4  }
0xf5: {  	v1 =	vand.u32 $0xFFFF, v0  }
0xf6: {  	v0 =	vshrl.u32 v0, $0x10;
	[tilespmem:$0x1FC20] =	vst v1  }
0xf7: {  	[tilespmem:$0x1FCA0] =	vst v0  }
0xf8: {  	v0 =	vld [tilespmem:s29+$0x14130];
	_ =	sdelay $0x4  }
0xf9: {  	v1 =	vand.u32 $0xFFFF, v0  }
0xfa: {  	v0 =	vshrl.u32 v0, $0x10;
	[tilespmem:$0x1FC30] =	vst v1  }
0xfb: {  	[tilespmem:$0x1FCB0] =	vst v0  }
0xfc: {  	v0 =	vld [tilespmem:s29+$0x14140];
	_ =	sdelay $0x4  }
0xfd: {  	v1 =	vand.u32 $0xFFFF, v0  }
0xfe: {  	v0 =	vshrl.u32 v0, $0x10;
	[tilespmem:$0x1FC40] =	vst v1  }
0xff: {  	[tilespmem:$0x1FCC0] =	vst v0  }
0x100: {  	v0 =	vld [tilespmem:s29+$0x14150];
	_ =	sdelay $0x4  }
0x101: {  	v1 =	vand.u32 $0xFFFF, v0  }
0x102: {  	v0 =	vshrl.u32 v0, $0x10;
	[tilespmem:$0x1FC50] =	vst v1  }
0x103: {  	s26 =	simm.s32 $0x4;
	p2 =	por $0x0, $0x0;
	[tilespmem:$0x1FCD0] =	vst v0  }
0x104: {  	s30 =	simm.s32 @!p2 $0x80;
	s31 =	simm.s32 @!p2 $0x1FC00;
	s2 =	simm.s32 @!p2 $0x17C00;
	v0 =	vld [tilespmem:s29+$0x14160]  }
.LBB2_3:
0x105: {  	_ =	sdelay $0x2  }
0x106: {  	s25 =	sadd.s32 $0x100, s25;
	s28 =	smov.u32 s26;
	s26 =	sadd.s32 $0x2, s26  }
0x107: {  	p1 =	sne.s32 s26, $0x76;
	v1 =	vand.u32 $0xFFFF, v0;
	v0 =	vshrl.u32 v0, $0x10  }
0x108: {  	[tilespmem:$0x1FC60] =	vst v1  }
0x109: {  	[tilespmem:$0x1FCE0] =	vst v0  }
0x10a: {  	v0 =	vld [tilespmem:s29+$0x14170];
	_ =	sdelay $0x4  }
0x10b: {  	v1 =	vand.u32 $0xFFFF, v0;
	v0 =	vshrl.u32 v0, $0x10  }
0x10c: {  	[tilespmem:$0x1FC70] =	vst v1  }
0x10d: {  	[tilespmem:$0x1FCF0] =	vst v0  }
0x10e: {  	[tilespmem:s2], [sflag:$0x1] =	stream.indirect.gather @!p2 [hbm4b:s1+s30], $0x80, s31, s30, $0xb8;
	[tilespmem:$0x1FE00] =	vst v63  }
0x10f: {  	_ =	swait.ge [sflag:s23], $0x4000  }
0x110: {  	[sflag:s23] =	ssyncset.done $0x0  }
0x111: {  	[sflag:s23] =	ssyncadd.s32 $0xFFFFC000  }
0x112: {  	[spmem:s3] =	stream.indirect.scatter.add.f32 [tilespmem:s19], [sflag:$0x4], $0x80, s21, s12, $0xb8;
	[tilespmem:$0x1FE00] =	vst v63  }
0x113: {  	_ =	swait.ge [sflag:s22], $0x4000  }
0x114: {  	[sflag:s22] =	ssyncset.done $0x0  }
0x115: {  	[sflag:s22] =	ssyncadd.s32 $0xFFFFC000  }
0x116: {  	v0 =	vld [tilespmem:s25+$0xFFFFFF90];
	_ =	sdelay $0x4  }
0x117: {  	v1 =	vand.u32 $0xFFFF, v0;
	v0 =	vshrl.u32 v0, $0x10  }
0x118: {  	[tilespmem:$0x1FD00] =	vst v1  }
0x119: {  	[tilespmem:$0x1FD80] =	vst v0  }
0x11a: {  	v0 =	vld [tilespmem:s25+$0xFFFFFFA0];
	_ =	sdelay $0x4  }
0x11b: {  	v1 =	vand.u32 $0xFFFF, v0;
	v0 =	vshrl.u32 v0, $0x10  }
0x11c: {  	[tilespmem:$0x1FD10] =	vst v1  }
0x11d: {  	[tilespmem:$0x1FD90] =	vst v0  }
0x11e: {  	v0 =	vld [tilespmem:s25+$0xFFFFFFB0];
	_ =	sdelay $0x4  }
0x11f: {  	v1 =	vand.u32 $0xFFFF, v0;
	v0 =	vshrl.u32 v0, $0x10  }
0x120: {  	[tilespmem:$0x1FD20] =	vst v1  }
0x121: {  	[tilespmem:$0x1FDA0] =	vst v0  }
0x122: {  	v0 =	vld [tilespmem:s25+$0xFFFFFFC0];
	_ =	sdelay $0x4  }
0x123: {  	v1 =	vand.u32 $0xFFFF, v0;
	v0 =	vshrl.u32 v0, $0x10  }
0x124: {  	[tilespmem:$0x1FD30] =	vst v1  }
0x125: {  	[tilespmem:$0x1FDB0] =	vst v0  }
0x126: {  	v0 =	vld [tilespmem:s25+$0xFFFFFFD0];
	_ =	sdelay $0x4  }
0x127: {  	v1 =	vand.u32 $0xFFFF, v0;
	v0 =	vshrl.u32 v0, $0x10  }
0x128: {  	[tilespmem:$0x1FD40] =	vst v1  }
0x129: {  	[tilespmem:$0x1FDC0] =	vst v0  }
0x12a: {  	v0 =	vld [tilespmem:s25+$0xFFFFFFE0];
	_ =	sdelay $0x4  }
0x12b: {  	v1 =	vand.u32 $0xFFFF, v0;
	v0 =	vshrl.u32 v0, $0x10  }
0x12c: {  	[tilespmem:$0x1FD50] =	vst v1  }
0x12d: {  	[tilespmem:$0x1FDD0] =	vst v0  }
0x12e: {  	v0 =	vld [tilespmem:s25+$0xFFFFFFF0];
	_ =	sdelay $0x4  }
0x12f: {  	v1 =	vand.u32 $0xFFFF, v0;
	v0 =	vshrl.u32 v0, $0x10  }
0x130: {  	[tilespmem:$0x1FD60] =	vst v1  }
0x131: {  	[tilespmem:$0x1FDE0] =	vst v0  }
0x132: {  	v0 =	vld [tilespmem:s25+$0x0];
	_ =	sdelay $0x4  }
0x133: {  	v1 =	vand.u32 $0xFFFF, v0;
	v0 =	vshrl.u32 v0, $0x10  }
0x134: {  	s2 =	smin.u32 s28, $0x73;
	[tilespmem:$0x1FD70] =	vst v1  }
0x135: {  	s29 =	sshll.u32 s2, $0x7;
	[tilespmem:$0x1FDF0] =	vst v0  }
0x136: {  	[tilespmem:s19], [sflag:$0x2] =	stream.indirect.gather [hbm4b:s1+s12], $0x80, s18, s12, $0xb8;
	[tilespmem:$0x1FE00] =	vst v63  }
0x137: {  	_ =	swait.ge [sflag:s15], $0x4000  }
0x138: {  	[sflag:s15] =	ssyncset.done $0x0  }
0x139: {  	[sflag:s15] =	ssyncadd.s32 $0xFFFFC000  }
0x13a: {  	[spmem:s3] =	stream.indirect.scatter.add.f32 [tilespmem:s14], [sflag:$0x3], $0x80, s16, s12, $0xb8;
	[tilespmem:$0x1FE00] =	vst v63  }
0x13b: {  	_ =	swait.ge [sflag:s20], $0x4000  }
0x13c: {  	[sflag:s20] =	ssyncset.done $0x0  }
0x13d: {  	[sflag:s20] =	ssyncadd.s32 $0xFFFFC000  }
0x13e: {  	v0 =	vld [tilespmem:s29+$0x14100];
	_ =	sdelay $0x4  }
0x13f: {  	v1 =	vand.u32 $0xFFFF, v0;
	v0 =	vshrl.u32 v0, $0x10  }
0x140: {  	[tilespmem:$0x1FC00] =	vst v1  }
0x141: {  	[tilespmem:$0x1FC80] =	vst v0  }
0x142: {  	v0 =	vld [tilespmem:s29+$0x14110];
	_ =	sdelay $0x4  }
0x143: {  	v1 =	vand.u32 $0xFFFF, v0;
	v0 =	vshrl.u32 v0, $0x10  }
0x144: {  	[tilespmem:$0x1FC10] =	vst v1  }
0x145: {  	[tilespmem:$0x1FC90] =	vst v0  }
0x146: {  	v0 =	vld [tilespmem:s29+$0x14120];
	_ =	sdelay $0x4  }
0x147: {  	v1 =	vand.u32 $0xFFFF, v0;
	v0 =	vshrl.u32 v0, $0x10  }
0x148: {  	[tilespmem:$0x1FC20] =	vst v1  }
0x149: {  	[tilespmem:$0x1FCA0] =	vst v0  }
0x14a: {  	v0 =	vld [tilespmem:s29+$0x14130];
	_ =	sdelay $0x4  }
0x14b: {  	v1 =	vand.u32 $0xFFFF, v0;
	v0 =	vshrl.u32 v0, $0x10  }
0x14c: {  	[tilespmem:$0x1FC30] =	vst v1  }
0x14d: {  	[tilespmem:$0x1FCB0] =	vst v0  }
0x14e: {  	v0 =	vld [tilespmem:s29+$0x14140];
	_ =	sdelay $0x4  }
0x14f: {  	v1 =	vand.u32 $0xFFFF, v0;
	v0 =	vshrl.u32 v0, $0x10  }
0x150: {  	[tilespmem:$0x1FC40] =	vst v1  }
0x151: {  	[tilespmem:$0x1FCC0] =	vst v0  }
0x152: {  	v0 =	vld [tilespmem:s29+$0x14150];
	_ =	sdelay $0x3  }
.Ltmp5:
0x153: {  	(pc) =	sbr.rel @p1 .LBB2_3-.Ltmp5, $4  }
0x154: {  	v1 =	vand.u32 $0xFFFF, v0;
	v0 =	vshrl.u32 v0, $0x10  }
0x155: {  	p2 =	seq.s32 s28, $0x74;
	[tilespmem:$0x1FC50] =	vst v1  }
0x156: {  	s30 =	simm.s32 @!p2 $0x80;
	s31 =	simm.s32 @!p2 $0x1FC00;
	s2 =	simm.s32 @!p2 $0x17C00;
	[tilespmem:$0x1FCD0] =	vst v0  }
0x157: {  	v0 =	vld [tilespmem:s29+$0x14160]  }
0x158: {  	_ =	sdelay $0x3  }
0x159: {  	v1 =	vand.u32 $0xFFFF, v0  }
0x15a: {  	v62 =	vshrl.u32 v0, $0x10;
	[tilespmem:$0x1FC60] =	vst v1  }
0x15b: {  	[tilespmem:$0x1FCE0] =	vst v62  }
0x15c: {  	v0 =	vld [tilespmem:s29+$0x14170];
	_ =	sdelay $0x4  }
0x15d: {  	v63 =	vand.u32 $0xFFFF, v0  }
0x15e: {  	v0 =	vshrl.u32 v0, $0x10;
	[tilespmem:$0x1FC70] =	vst v63  }
0x15f: {  	[tilespmem:$0x1FCF0] =	vst v0  }
0x160: {  	[tilespmem:s2], [sflag:$0x1] =	stream.indirect.gather @!p2 [hbm4b:s1+s30], $0x80, s31, s30, $0xb8;
	[tilespmem:$0x1FE00] =	vst v63  }
0x161: {  	_ =	swait.ge [sflag:s23], $0x4000  }
0x162: {  	[sflag:s23] =	ssyncset.done $0x0  }
.Ltmp6:
0x163: {  	[sflag:s23] =	ssyncadd.s32 $0xFFFFC000;
	(pc) =	sbr.rel .LBB2_8-.Ltmp6, $4  }
0x164: {  	[spmem:s3] =	stream.indirect.scatter.add.f32 [tilespmem:s19], [sflag:$0x4], $0x80, s21, s12, $0xb8;
	[tilespmem:$0x1FE00] =	vst v63  }
0x165: {  	_ =	swait.ge [sflag:s22], $0x4000  }
0x166: {  	[sflag:s22] =	ssyncset.done $0x0  }
0x167: {  	[sflag:s22] =	ssyncadd.s32 $0xFFFFC000  }
.LBB2_9:
0x168: {  	_ =	sfence.sel $0x180000  }
0x169: {  	[bflag:$0x0] =	sbarrier.arrive $0xFFFF  }
0x16a: {  	_ =	strace $0x90000047  }
0x16b: {  	[bflag:$0x2] =	sbarrier.arrive $0xFFFF  }
0x16c: {  	p0 =	sne.s32 s0, $0x0;
	s0 =	rddreg [dreg:$0x3]  }
0x16d: {  	s0 =	sadd.s32 @!p0 $0x100000, s0  }
0x16e: {  	[sflag:s0] =	ssyncadd.tile.s32 @!p0 $0x1;
	_ =	shalt  }
.Lfunc_end2:
_tile_overlayer_lowered:
.L_overlay_start_2:
0x16f: {  	(tag) =	ssettag $0x2  }
0x170: {  	s0 =	rddreg [dreg:$0x0];
	s2 =	stileid.u32  }
0x171: {  	s1 =	rddreg [dreg:$0x1];
	p0 =	sne.s32 s2, $0x0  }
0x172: {  	s3 =	rddreg [dreg:$0x2];
	[bflag:$0x3] =	sbarrier.arrive $0xFFFF;
	s2 =	simm.s32 @!p0 $0x1C05  }
0x173: {  	[timem:s3], [sflag:s2] =	dma.local @!p0 [hbm:s0], s1  }
0x174: {  	s0 =	simm.s32 @!p0 $0x5  }
0x175: {  	_ =	swait.ge @!p0 [sflag:s0], s1  }
0x176: {  	s1 =	ssub.s32 @!p0 $0x0, s1;
	[sflag:s0] =	ssyncset.done @!p0 $0x0  }
0x177: {  	[sflag:s0] =	ssyncadd.s32 @!p0 s1  }
0x178: {  	[bflag:$0x3] =	sbarrier.arrive $0xFFFF  }
0x179: {  	_ =	shalt  }

// kernel: kernel.13.cloned.1.call-start
scs
__scs_entry_jumppad:
0x0: {  	(pc) =	sbr.rel $0x88, $3  }
0x1: {  	(tag) =	ssettag $0x0;
	lr =	simm.s32 $0x1  }
0x2: {  	[smem:$0x3F99] =	sst lr;
	_ =	strace $0xD0000000  }
0x3: {  	_ = 	snop  }
0x4: {  	_ = 	snop  }
0x5: {  	_ = 	snop  }
0x6: {  	_ = 	snop  }
0x7: {  	_ = 	snop  }
__scs_overlays_trampoline_lowered:
0x8: {  	[smem:$0x3FA8] =	sst s0  }
0x9: {  	[smem:$0x3FA9] =	sst s1  }
0xa: {  	[smem:$0x3FAA] =	sst s2  }
0xb: {  	[smem:$0x3FAB] =	sst s3  }
0xc: {  	[smem:$0x3FAC] =	sst s4  }
0xd: {  	[smem:$0x3FAD] =	sst s5  }
0xe: {  	[smem:$0x3FAE] =	sst s6  }
0xf: {  	[smem:$0x3FAF] =	sst s7  }
0x10: {  	[smem:$0x3FB0] =	sst s8  }
0x11: {  	[smem:$0x3FB1] =	sst s9;
	s0 =	simm.s32 @!p0 $0x0  }
0x12: {  	s1 =	sld [smem:$0x3F97];
	s0 =	simm.s32 @p0 $0x1  }
0x13: {  	[smem:$0x3FB2] =	sst s0;
	s0 =	simm.s32 @!p1 $0x0  }
0x14: {  	s2 =	sld [smem:$0x3F96];
	s0 =	simm.s32 @p1 $0x1  }
0x15: {  	[smem:$0x3FB3] =	sst s0;
	s0 =	simm.s32 @!p2 $0x0  }
0x16: {  	s3 =	sld [smem:$0x3FDB];
	s0 =	simm.s32 @p2 $0x1  }
0x17: {  	s4 =	simm.s32 $0x1BF5;
	[smem:$0x3FB5] =	sst s0  }
0x18: {  	s0 =	sld [smem:$0x3F98];
	_ =	swait.ge [sflag:s4], $0x0  }
0x19: {  	s7 =	sld [smem:$0x3F99]  }
0x1a: {  	s8 =	sadd.s32 $0xFFFFE003, lr  }
0x1b: {  	s9 =	sadd.s32 $0xFFFFFEF7, lr;
	s5 =	simm.s32 $0xFFFFFFFF;
	p2 =	slt.u32 s8, $0xFFFFF086  }
0x1c: {  	p1 =	slt.u32 s9, $0xF7A;
	s5 =	simm.s32 @!p2 $0x0  }
0x1d: {  	s5 =	simm.s32 @p1 $0x1;
	p0 =	seq.s32 s7, s2  }
0x1e: {  	s7 =	smul.u32 @!p0 $0xF7A, s2;
	p2 =	seq.s32 @!p0 s5, $0x0  }
0x1f: {  	s9 =	smul.u32 $0xF7A, s1;
	s8 =	simm.s32 @!p0 $0x1BF5;
	p2 =	por !p2, p0  }
0x20: {  	[sflag:s8] =	ssyncset.s32 @!p0 $0xFFFFF086;
	s6 =	sadd.s32 @!p0 s3, s7;
	s7 =	simm.s32 @!p0 $0x108  }
0x21: {  	s3 =	sadd.s32 s3, s9;
	s6 =	sadd.s32 @!p0 $0x88, s6;
	s7 =	simm.s32 @p2 $0x1082  }
0x22: {  	[simem:s7], [sflag:s8] =	dma.local @!p0 [hbm:s6], $0xF7A  }
0x23: {  	s9 =	sor.u32 $0xD0000000, s2;
	s6 =	simm.s32 $0x108;
	_ =	swait.ge @!p0 [sflag:s8], $0x0  }
0x24: {  	s3 =	sadd.s32 $0x88, s3;
	s6 =	simm.s32 @!p1 $0x1082;
	[sflag:s4] =	ssyncset.s32 $0xFFFFF086  }
0x25: {  	[simem:s6], [sflag:s4] =	dma.local [hbm:s3], $0xF7A  }
0x26: {  	[smem:$0x3F99] =	sst s1;
	(tag) =	ssettag s2;
	_ =	strace s9  }
0x27: {  	s1 =	sld [smem:$0x3FA9]  }
0x28: {  	s2 =	sld [smem:$0x3FAA]  }
0x29: {  	s4 =	sld [smem:$0x3FAC]  }
0x2a: {  	p0 =	seq.s32 s5, $0x0;
	s5 =	sld [smem:$0x3FAD]  }
0x2b: {  	s6 =	sld [smem:$0x3FAE]  }
0x2c: {  	s7 =	sld [smem:$0x3FAF]  }
0x2d: {  	s3 =	simm.s32 $0x108;
	s8 =	sld [smem:$0x3FB0]  }
0x2e: {  	s3 =	simm.s32 @!p0 $0x1082;
	s9 =	sld [smem:$0x3FB1]  }
0x2f: {  	lr =	sadd.s32 s0, s3;
	s0 =	sld [smem:$0x3FA8]  }
0x30: {  	s3 =	sld [smem:$0x3FAB]  }
0x31: {  	[smem:$0x3FB4] =	sst s10  }
0x32: {  	s10 =	sld [smem:$0x3FB2];
	_ =	sdelay $0x3  }
0x33: {  	p0 =	seq.s32 s10, $0x1;
	s10 =	sld [smem:$0x3FB4];
	_ =	sdelay $0x3  }
0x34: {  	[smem:$0x3FB4] =	sst s10  }
0x35: {  	s10 =	sld [smem:$0x3FB3];
	_ =	sdelay $0x3  }
0x36: {  	p1 =	seq.s32 s10, $0x1;
	s10 =	sld [smem:$0x3FB4];
	_ =	sdelay $0x3  }
0x37: {  	[smem:$0x3FB4] =	sst s10  }
0x38: {  	s10 =	sld [smem:$0x3FB5]  }
0x39: {  	_ = 	snop;
	(pc) =	sbr.ind lr, $3  }
0x3a: {  	_ = 	snop  }
0x3b: {  	_ = 	snop  }
0x3c: {  	p2 =	seq.s32 s10, $0x1;
	s10 =	sld [smem:$0x3FB4]  }
0x3d: {  	_ =	shalt  }
0x3e: {  	_ =	shalt  }
0x3f: {  	_ =	shalt  }
0x40: {  	_ =	shalt  }
0x41: {  	_ =	shalt  }
0x42: {  	_ =	shalt  }
0x43: {  	_ =	shalt  }
0x44: {  	_ =	shalt  }
0x45: {  	_ =	shalt  }
0x46: {  	_ =	shalt  }
0x47: {  	_ =	shalt  }
0x48: {  	_ =	shalt  }
0x49: {  	_ =	shalt  }
0x4a: {  	_ =	shalt  }
0x4b: {  	_ =	shalt  }
0x4c: {  	_ =	shalt  }
0x4d: {  	_ =	shalt  }
0x4e: {  	_ =	shalt  }
0x4f: {  	_ =	shalt  }
0x50: {  	_ =	shalt  }
0x51: {  	_ =	shalt  }
0x52: {  	_ =	shalt  }
0x53: {  	_ =	shalt  }
0x54: {  	_ =	shalt  }
0x55: {  	_ =	shalt  }
0x56: {  	_ =	shalt  }
0x57: {  	_ =	shalt  }
0x58: {  	_ =	shalt  }
0x59: {  	_ =	shalt  }
0x5a: {  	_ =	shalt  }
0x5b: {  	_ =	shalt  }
0x5c: {  	_ =	shalt  }
0x5d: {  	_ =	shalt  }
0x5e: {  	_ =	shalt  }
0x5f: {  	_ =	shalt  }
0x60: {  	_ =	shalt  }
0x61: {  	_ =	shalt  }
0x62: {  	_ =	shalt  }
0x63: {  	_ =	shalt  }
0x64: {  	_ =	shalt  }
0x65: {  	_ =	shalt  }
0x66: {  	_ =	shalt  }
0x67: {  	_ =	shalt  }
0x68: {  	_ =	shalt  }
0x69: {  	_ =	shalt  }
0x6a: {  	_ =	shalt  }
0x6b: {  	_ =	shalt  }
0x6c: {  	_ =	shalt  }
0x6d: {  	_ =	shalt  }
0x6e: {  	_ =	shalt  }
0x6f: {  	_ =	shalt  }
0x70: {  	_ =	shalt  }
0x71: {  	_ =	shalt  }
0x72: {  	_ =	shalt  }
0x73: {  	_ =	shalt  }
0x74: {  	_ =	shalt  }
0x75: {  	_ =	shalt  }
0x76: {  	_ =	shalt  }
0x77: {  	_ =	shalt  }
0x78: {  	_ =	shalt  }
0x79: {  	_ =	shalt  }
0x7a: {  	_ =	shalt  }
0x7b: {  	_ =	shalt  }
0x7c: {  	_ =	shalt  }
0x7d: {  	_ =	shalt  }
0x7e: {  	_ =	shalt  }
0x7f: {  	_ =	shalt  }
0x80: {  	_ =	shalt  }
0x81: {  	_ =	shalt  }
0x82: {  	_ =	shalt  }
0x83: {  	_ =	shalt  }
0x84: {  	_ =	shalt  }
0x85: {  	_ =	shalt  }
0x86: {  	_ =	shalt  }
0x87: {  	_ =	shalt  }
.Lfunc_end0:
.L_simem_size_0:
called_computation.2_lowered:
.L_overlay_start_0:
0x88: {  	s2 =	sld [smem:$0x3FD9]  }
0x89: {  	s3 =	sld [smem:$0x3FFE];
	_ =	sdelay $0x1  }
0x8a: {  	s1 =	srdreg.scid  }
0x8b: {  	s0 =	sand.u32 $0x1, s1  }
0x8c: {  	s17 =	sshll.u32 s0, $0xA;
	s2 =	sadd.s32 s3, s2  }
0x8d: {  	s2 =	sadd.s32 s2, s17  }
0x8e: {  	[smem:$0x3FC0] =	sst s2  }
0x8f: {  	_ = 	snop  }
0x90: {  	s2 =	sld [smem:$0x3FD0];
	(tm) =	ssettm $0x1  }
0x91: {  	s18 =	sld [smem:$0x3FFB];
	_ =	sdelay $0x3  }
0x92: {  	_ =	strace s18  }
0x93: {  	s3 =	sld [smem:$0x3FFC];
	_ =	sdelay $0x3  }
0x94: {  	_ =	strace s3  }
0x95: {  	s3 =	sld [smem:$0x3FFD];
	_ =	sdelay $0x3  }
0x96: {  	_ =	strace s3  }
0x97: {  	_ =	strace $0x8FFFFFFF  }
0x98: {  	s19 =	sld [smem:$0x3FDB];
	_ =	sdelay $0x1  }
0x99: {  	s4 =	simm.s32 $_scs_section_size  }
0x9a: {  	s5 =	simm.s32 $_size__tile_overlayer_lowered;
	s6 =	simm.s32 $_tile_overlayer_lowered  }
0x9b: {  	s22 =	simm.s32 $0x1BFF;
	s21 =	sshll.u32 s6, $0x1;
	s3 =	sadd.s32 s4, s19  }
0x9c: {  	s7 =	simm.s32 $0x0;
	s20 =	sshll.u32 s5, $0x1;
	s5 =	sadd.s32 s21, s3  }
0x9d: {  	[timem:s7], [sflag:s22] =	dma.local [hbm:s5], s20  }
0x9e: {  	_ =	swait.ge [sflag:s22], s20  }
0x9f: {  	s4 =	ssub.s32 $0x0, s20;
	[sflag:s22] =	ssyncset.done $0x0  }
0xa0: {  	[sflag:s22] =	ssyncadd.s32 s4;
	_ =	sdelay $0x1  }
0xa1: {  	s23 =	simm.s32 $0x1B8B  }
0xa2: {  	_ =	swait.ge [sflag:s23], $0x1  }
0xa3: {  	[sflag:s23] =	ssyncset.done $0x0  }
0xa4: {  	s25 =	simm.s32 $0x1B8E;
	s24 =	sld [smem:$0x3FFE];
	[sflag:s23] =	ssyncadd.s32 $0xFFFFFFFF  }
0xa5: {  	s26 =	simm.s32 $execute0_lowered;
	[smem:$0x3FD2] =	sst s25  }
0xa6: {  	s5 =	sshll.u32 s26, $0x1;
	_ =	strace $0x8000004C;
	[dreg:$0x1] =	wrdreg $0xFFFFFFFF  }
0xa7: {  	s28 =	simm.s32 $_size_execute0_lowered;
	s3 =	sadd.s32 s3, s5;
	[dreg:$0x0] =	wrdreg $0x0  }
0xa8: {  	s5 =	sshll.u32 s28, $0x1;
	[dreg:$0x2] =	wrdreg s3  }
0xa9: {  	[dreg:$0x3] =	wrdreg s5  }
0xaa: {  	[dreg:$0x4] =	wrdreg $0xC0  }
0xab: {  	_ =	task [dreg:s7], $0x5FFFF  }
0xac: {  	[dreg:$0x1] =	wrdreg $0xFFFFFFFF  }
0xad: {  	[dreg:$0x0] =	wrdreg $0x60  }
0xae: {  	[dreg:$0x2] =	wrdreg s2  }
0xaf: {  	[dreg:$0x3] =	wrdreg s24  }
0xb0: {  	[dreg:$0x4] =	wrdreg $0x0  }
0xb1: {  	[dreg:$0x5] =	wrdreg $0x9  }
0xb2: {  	_ =	task.clear_ibuf [dreg:s7], $0x6FFFF;
	_ =	strace $0x9000004C  }
0xb3: {  	s29 =	simm.s32 $0x9;
	_ =	strace $0x8000004E  }
0xb4: {  	_ =	swait.ge [sflag:s29], $0x1  }
0xb5: {  	[sflag:s29] =	ssyncadd.s32 $0xFFFFFFFF  }
0xb6: {  	_ =	strace $0x9000004E  }
0xb7: {  	_ =	sfence  }
0xb8: {  	s30 =	sld [smem:$0x0];
	_ =	sdelay $0x2  }
0xb9: {  	s31 =	sshll.u32 s1, $0xD;
	s1 =	sshrl.u32 s1, $0x2  }
0xba: {  	s3 =	sand.u32 $0x4000, s31;
	s1 =	sadd.s32 s1, s30  }
0xbb: {  	s0 =	sor.u32 s3, s0;
	s1 =	sshll.u32 s1, $0x11  }
0xbc: {  	s0 =	sor.u32 s1, s0  }
0xbd: {  	s0 =	sadd.s32 $0x8F2B, s0  }
0xbe: {  	[sflag:s0] =	ssyncadd.remote.s32 $0x1  }
0xbf: {  	_ =	sfence.sel $0xFFFF  }
0xc0: {  	[dreg:$0x0] =	wrdreg $0xFFFFFFFF;
	(pc) =	sbr.abs _section_cstart, $3  }
0xc1: {  	[dreg:$0x1] =	wrdreg $0xFFFFFFFF  }
0xc2: {  	_ =	task.clear_ibuf [dreg:s7], $0x2FFFF;
	_ =	strace $0x9FFFFFFF  }
0xc3: {  	(tm) =	ssettm $0x7FFFFFFF  }
tec
execute0_lowered:
.L_overlay_start_1:
0x0: {  	(tag) =	ssettag $0x1  }
0x1: {  	s1 =	rddreg [dreg:$0x0]  }
0x2: {  	s6 =	rddreg [dreg:$0x1]  }
0x3: {  	s0 =	srdreg.scid;
	s3 =	rddreg [dreg:$0x2]  }
0x4: {  	s13 =	simm.s32 $0x1FC00;
	s14 =	simm.s32 $0x17C00;
	s15 =	simm.s32 $0x1  }
0x5: {  	s16 =	simm.s32 $0x1FC80;
	s18 =	simm.s32 $0x1FD00;
	s19 =	simm.s32 $0x1BC00  }
0x6: {  	s20 =	simm.s32 $0x3;
	s21 =	simm.s32 $0x1FD80;
	s22 =	simm.s32 $0x4  }
0x7: {  	s23 =	simm.s32 $0x2;
	s24 =	simm.s32 $0x0;
	s2 =	sand.u32 $0x1, s0  }
0x8: {  	s0 =	stileid.u32;
	s4 =	sshll.u32 s2, $0x4;
	s7 =	smul.u32 $0x28000, s2  }
0x9: {  	s9 =	smul.u32 $0x50000, s0;
	s29 =	ssub.s32 $0x2, s2;
	s11 =	sshll.u32 s0, $0x6  }
0xa: {  	p0 =	seq.s32 s2, $0x1;
	s17 =	smul.u32 $0x2800, s0;
	s5 =	sor.u32 s0, s4  }
0xb: {  	s4 =	simm.s32 $0x0;
	s30 =	sshrl.u32 s29, $0x1;
	s5 =	smul.u32 $0x780, s5  }
0xc: {  	[smem:$0x7FF] =	sst s4;
	s10 =	sadd.s32 s7, s6;
	s9 =	sshrl.u32 s9, $0x2  }
.Ltmp0:
0xd: {  	s12 =	ssub.s32 s29, s30;
	_ =	strace $0x8000004D;
	(pc) =	sbr.rel .LBB2_1-.Ltmp0, $4  }
0xe: {  	s9 =	sadd.s32 s9, s3;
	s31 =	sadd.s32 $0x13800, s10;
	s10 =	simm.s32 $0x5  }
0xf: {  	s8 =	sadd.s32 s5, s6;
	s5 =	sadd.s32 $0x11000, s6;
	s6 =	sor.u32 $0x1C05, s11  }
0x10: {  	s9 =	sshrl.u32 s9, $0x3;
	s11 =	simm.s32 $0x14000;
	s17 =	sadd.s32 s17, s31  }
0x11: {  	s7 =	sadd.s32 $0x2000, s8;
	s8 =	smax.u32 s12, $0x1;
	s12 =	simm.s32 $0x80  }
.LBB2_7:
0x12: {  	[tilespmem:$0x1FCF0] =	vst v0  }
0x13: {  	[tilespmem:s14], [sflag:$0x1] =	stream.indirect.gather [hbm4b:s1+s12], $0x80, s13, s12, $0xb8;
	[tilespmem:$0x1FE00] =	vst v63  }
0x14: {  	_ =	swait.ge [sflag:s15], $0x4000  }
0x15: {  	[sflag:s15] =	ssyncset.done $0x0  }
0x16: {  	[sflag:s15] =	ssyncadd.s32 $0xFFFFC000  }
0x17: {  	[spmem:s3] =	stream.indirect.scatter.add.f32 [tilespmem:s14], [sflag:$0x5], $0x80, s16, s12, $0xb8;
	[tilespmem:$0x1FE00] =	vst v63  }
0x18: {  	_ =	swait.ge [sflag:s10], $0x4000  }
0x19: {  	[sflag:s10] =	ssyncset.done $0x0  }
0x1a: {  	[sflag:s10] =	ssyncadd.s32 $0xFFFFC000  }
.LBB2_8:
0x1b: {  	s24 =	sadd.s32 $0x1, s24  }
0x1c: {  	p1 =	sne.s32 s24, s8  }
.Ltmp1:
0x1d: {  	[bflag:$0x0] =	sbarrier.arrive $0xFFFF;
	(pc) =	sbr.rel @!p1 .LBB2_9-.Ltmp1, $4  }
0x1e: {  	[hbm:s17], [sflag:s6] =	dma.local [spmem:s9], $0x2800  }
0x1f: {  	_ =	swait.ge [sflag:s10], $0x2800  }
0x20: {  	[sflag:s10] =	ssyncset.done $0x0  }
0x21: {  	[sflag:s10] =	ssyncadd.s32 $0xFFFFD800  }
.LBB2_1:
0x22: {  	[spmem:s9], [sflag:s6] =	dma.local [hbm:s5], $0x2800  }
0x23: {  	_ =	swait.ge [sflag:s10], $0x2800  }
0x24: {  	[sflag:s10] =	ssyncset.done $0x0  }
0x25: {  	[sflag:s10] =	ssyncadd.s32 $0xFFFFD800  }
0x26: {  	[tilespmem:s11], [sflag:$0x5] =	stream.linear.gather [hbm4b:s7+s4], $0x3B00, $0x38;
	[tilespmem:$0x1FE00] =	vst v63  }
.Ltmp2:
0x27: {  	_ =	swait.ge [sflag:s10], $0x3B00;
	(pc) =	sbr.rel @!p0 .LBB2_2-.Ltmp2, $3  }
0x28: {  	[sflag:s10] =	ssyncset.done $0x0  }
0x29: {  	[sflag:s10] =	ssyncadd.s32 $0xFFFFC500  }
0x2a: {  	[bflag:$0x0] =	sbarrier.arrive $0xFFFF;
	_ =	sdelay $0x1  }
0x2b: {  	s2 =	simm.s32 $0x0  }
0x2c: {  	v0 =	vld [tilespmem:s2+$0x14000];
	_ =	sdelay $0x4  }
0x2d: {  	v1 =	vand.u32 $0xFFFF, v0  }
0x2e: {  	v0 =	vshrl.u32 v0, $0x10;
	[tilespmem:$0x1FC00] =	vst v1  }
0x2f: {  	[tilespmem:$0x1FC80] =	vst v0  }
0x30: {  	v0 =	vld [tilespmem:s2+$0x14010];
	_ =	sdelay $0x4  }
0x31: {  	v1 =	vand.u32 $0xFFFF, v0  }
0x32: {  	v0 =	vshrl.u32 v0, $0x10;
	[tilespmem:$0x1FC10] =	vst v1  }
0x33: {  	[tilespmem:$0x1FC90] =	vst v0  }
0x34: {  	v0 =	vld [tilespmem:s2+$0x14020];
	_ =	sdelay $0x4  }
0x35: {  	v1 =	vand.u32 $0xFFFF, v0  }
0x36: {  	v0 =	vshrl.u32 v0, $0x10;
	[tilespmem:$0x1FC20] =	vst v1  }
0x37: {  	[tilespmem:$0x1FCA0] =	vst v0  }
0x38: {  	v0 =	vld [tilespmem:s2+$0x14030];
	_ =	sdelay $0x4  }
0x39: {  	v1 =	vand.u32 $0xFFFF, v0  }
0x3a: {  	v0 =	vshrl.u32 v0, $0x10;
	[tilespmem:$0x1FC30] =	vst v1  }
0x3b: {  	[tilespmem:$0x1FCB0] =	vst v0  }
0x3c: {  	v0 =	vld [tilespmem:s2+$0x14040];
	_ =	sdelay $0x4  }
0x3d: {  	v1 =	vand.u32 $0xFFFF, v0  }
0x3e: {  	v0 =	vshrl.u32 v0, $0x10;
	[tilespmem:$0x1FC40] =	vst v1  }
0x3f: {  	[tilespmem:$0x1FCC0] =	vst v0  }
0x40: {  	v0 =	vld [tilespmem:s2+$0x14050];
	_ =	sdelay $0x4  }
0x41: {  	v1 =	vand.u32 $0xFFFF, v0  }
0x42: {  	v0 =	vshrl.u32 v0, $0x10;
	[tilespmem:$0x1FC50] =	vst v1  }
0x43: {  	[tilespmem:$0x1FCD0] =	vst v0  }
0x44: {  	v0 =	vld [tilespmem:s2+$0x14060];
	_ =	sdelay $0x4  }
0x45: {  	v1 =	vand.u32 $0xFFFF, v0  }
0x46: {  	v0 =	vshrl.u32 v0, $0x10;
	[tilespmem:$0x1FC60] =	vst v1  }
0x47: {  	[tilespmem:$0x1FCE0] =	vst v0  }
0x48: {  	v0 =	vld [tilespmem:s2+$0x14070];
	_ =	sdelay $0x4  }
0x49: {  	v1 =	vand.u32 $0xFFFF, v0  }
0x4a: {  	s25 =	simm.s32 $0x200;
	v0 =	vshrl.u32 v0, $0x10;
	[tilespmem:$0x1FC70] =	vst v1  }
.LBB2_6:
0x4b: {  	p1 =	sne.s32 s25, $0x4C00;
	[tilespmem:$0x1FCF0] =	vst v0;
	s2 =	smov.u32 s25;
	s25 =	sadd.s32 $0x200, s25  }
0x4c: {  	[tilespmem:s14], [sflag:$0x1] =	stream.indirect.gather [hbm4b:s1+s12], $0x80, s13, s12, $0xb8;
	[tilespmem:$0x1FE00] =	vst v63  }
0x4d: {  	_ =	swait.ge [sflag:s15], $0x4000  }
0x4e: {  	[sflag:s15] =	ssyncset.done $0x0  }
0x4f: {  	[sflag:s15] =	ssyncadd.s32 $0xFFFFC000  }
0x50: {  	[spmem:s3] =	stream.indirect.scatter.add.f32 [tilespmem:s14], [sflag:$0x5], $0x80, s16, s12, $0xb8;
	[tilespmem:$0x1FE00] =	vst v63  }
0x51: {  	_ =	swait.ge [sflag:s10], $0x4000  }
0x52: {  	[sflag:s10] =	ssyncset.done $0x0  }
0x53: {  	s26 =	sshra.s32 s2, $0x2;
	[sflag:s10] =	ssyncadd.s32 $0xFFFFC000  }
0x54: {  	v0 =	vld [tilespmem:s26+$0x14000];
	_ =	sdelay $0x4  }
0x55: {  	v1 =	vand.u32 $0xFFFF, v0;
	v0 =	vshrl.u32 v0, $0x10  }
0x56: {  	[tilespmem:$0x1FC00] =	vst v1  }
0x57: {  	[tilespmem:$0x1FC80] =	vst v0  }
0x58: {  	v0 =	vld [tilespmem:s26+$0x14010];
	_ =	sdelay $0x4  }
0x59: {  	v1 =	vand.u32 $0xFFFF, v0;
	v0 =	vshrl.u32 v0, $0x10  }
0x5a: {  	[tilespmem:$0x1FC10] =	vst v1  }
0x5b: {  	[tilespmem:$0x1FC90] =	vst v0  }
0x5c: {  	v0 =	vld [tilespmem:s26+$0x14020];
	_ =	sdelay $0x4  }
0x5d: {  	v1 =	vand.u32 $0xFFFF, v0;
	v0 =	vshrl.u32 v0, $0x10  }
0x5e: {  	[tilespmem:$0x1FC20] =	vst v1  }
0x5f: {  	[tilespmem:$0x1FCA0] =	vst v0  }
0x60: {  	v0 =	vld [tilespmem:s26+$0x14030];
	_ =	sdelay $0x4  }
0x61: {  	v1 =	vand.u32 $0xFFFF, v0;
	v0 =	vshrl.u32 v0, $0x10  }
0x62: {  	[tilespmem:$0x1FC30] =	vst v1  }
0x63: {  	[tilespmem:$0x1FCB0] =	vst v0  }
0x64: {  	v0 =	vld [tilespmem:s26+$0x14040];
	_ =	sdelay $0x4  }
0x65: {  	v1 =	vand.u32 $0xFFFF, v0;
	v0 =	vshrl.u32 v0, $0x10  }
0x66: {  	[tilespmem:$0x1FC40] =	vst v1  }
0x67: {  	[tilespmem:$0x1FCC0] =	vst v0  }
0x68: {  	v0 =	vld [tilespmem:s26+$0x14050];
	_ =	sdelay $0x4  }
0x69: {  	v1 =	vand.u32 $0xFFFF, v0;
	v0 =	vshrl.u32 v0, $0x10  }
0x6a: {  	[tilespmem:$0x1FC50] =	vst v1  }
0x6b: {  	[tilespmem:$0x1FCD0] =	vst v0  }
0x6c: {  	v0 =	vld [tilespmem:s26+$0x14060];
	_ =	sdelay $0x4  }
0x6d: {  	v1 =	vand.u32 $0xFFFF, v0;
	v0 =	vshrl.u32 v0, $0x10  }
0x6e: {  	[tilespmem:$0x1FC60] =	vst v1  }
0x6f: {  	[tilespmem:$0x1FCE0] =	vst v0  }
0x70: {  	v0 =	vld [tilespmem:s26+$0x14070];
	_ =	sdelay $0x1  }
.Ltmp3:
0x71: {  	(pc) =	sbr.rel @p1 .LBB2_6-.Ltmp3, $3  }
0x72: {  	_ =	sdelay $0x1  }
0x73: {  	v1 =	vand.u32 $0xFFFF, v0;
	v0 =	vshrl.u32 v0, $0x10  }
0x74: {  	[tilespmem:$0x1FC70] =	vst v1  }
.Ltmp4:
0x75: {  	_ = 	snop;
	(pc) =	sbr.rel .LBB2_7-.Ltmp4, $1  }
0x76: {  	_ =	sdelay $0x3  }
.LBB2_2:
0x77: {  	v0 =	vld [tilespmem:$0x14000];
	_ =	sdelay $0x1  }
0x78: {  	v1 =	vld [tilespmem:$0x14010];
	_ =	sdelay $0x1  }
0x79: {  	v2 =	vld [tilespmem:$0x14020]  }
0x7a: {  	v3 =	vand.u32 $0xFFFF, v0  }
0x7b: {  	v0 =	vshrl.u32 v0, $0x10;
	[tilespmem:$0x1FC00] =	vst v3;
	v3 =	vld [tilespmem:$0x14030]  }
0x7c: {  	[tilespmem:$0x1FC80] =	vst v0;
	v0 =	vand.u32 $0xFFFF, v1  }
0x7d: {  	[tilespmem:$0x1FC10] =	vst v0;
	v0 =	vshrl.u32 v1, $0x10;
	v1 =	vld [tilespmem:$0x14040]  }
0x7e: {  	[tilespmem:$0x1FC90] =	vst v0;
	v0 =	vand.u32 $0xFFFF, v2  }
0x7f: {  	[tilespmem:$0x1FC20] =	vst v0;
	v0 =	vshrl.u32 v2, $0x10;
	v2 =	vld [tilespmem:$0x14050]  }
0x80: {  	[tilespmem:$0x1FCA0] =	vst v0;
	v0 =	vand.u32 $0xFFFF, v3  }
0x81: {  	[tilespmem:$0x1FC30] =	vst v0;
	v0 =	vshrl.u32 v3, $0x10;
	v3 =	vld [tilespmem:$0x14060]  }
0x82: {  	[tilespmem:$0x1FCB0] =	vst v0;
	v0 =	vand.u32 $0xFFFF, v1  }
0x83: {  	[tilespmem:$0x1FC40] =	vst v0;
	v0 =	vshrl.u32 v1, $0x10;
	v1 =	vld [tilespmem:$0x14070]  }
0x84: {  	[tilespmem:$0x1FCC0] =	vst v0;
	v0 =	vand.u32 $0xFFFF, v2  }
0x85: {  	[tilespmem:$0x1FC50] =	vst v0;
	v0 =	vshrl.u32 v2, $0x10  }
0x86: {  	[tilespmem:$0x1FCD0] =	vst v0;
	v0 =	vand.u32 $0xFFFF, v3  }
0x87: {  	[tilespmem:$0x1FC60] =	vst v0;
	v0 =	vshrl.u32 v3, $0x10  }
0x88: {  	[tilespmem:$0x1FCE0] =	vst v0;
	v0 =	vand.u32 $0xFFFF, v1  }
0x89: {  	[tilespmem:$0x1FC70] =	vst v0;
	v0 =	vshrl.u32 v1, $0x10  }
0x8a: {  	[tilespmem:$0x1FCF0] =	vst v0  }
0x8b: {  	[tilespmem:s14], [sflag:$0x1] =	stream.indirect.gather [hbm4b:s1+s12], $0x80, s13, s12, $0xb8;
	[tilespmem:$0x1FE00] =	vst v63  }
0x8c: {  	v0 =	vld [tilespmem:$0x14080];
	_ =	sdelay $0x1  }
0x8d: {  	v1 =	vld [tilespmem:$0x14090];
	_ =	sdelay $0x1  }
0x8e: {  	v2 =	vld [tilespmem:$0x140A0]  }
0x8f: {  	v3 =	vand.u32 $0xFFFF, v0  }
0x90: {  	v0 =	vshrl.u32 v0, $0x10;
	[tilespmem:$0x1FD00] =	vst v3;
	v3 =	vld [tilespmem:$0x140B0]  }
0x91: {  	[tilespmem:$0x1FD80] =	vst v0;
	v0 =	vand.u32 $0xFFFF, v1  }
0x92: {  	[tilespmem:$0x1FD10] =	vst v0;
	v0 =	vshrl.u32 v1, $0x10;
	v1 =	vld [tilespmem:$0x140C0]  }
0x93: {  	[tilespmem:$0x1FD90] =	vst v0;
	v0 =	vand.u32 $0xFFFF, v2  }
0x94: {  	[tilespmem:$0x1FD20] =	vst v0;
	v0 =	vshrl.u32 v2, $0x10;
	v2 =	vld [tilespmem:$0x140D0]  }
0x95: {  	[tilespmem:$0x1FDA0] =	vst v0;
	v0 =	vand.u32 $0xFFFF, v3  }
0x96: {  	[tilespmem:$0x1FD30] =	vst v0;
	v0 =	vshrl.u32 v3, $0x10;
	v3 =	vld [tilespmem:$0x140E0]  }
0x97: {  	[tilespmem:$0x1FDB0] =	vst v0;
	v0 =	vand.u32 $0xFFFF, v1  }
0x98: {  	[tilespmem:$0x1FD40] =	vst v0;
	v0 =	vshrl.u32 v1, $0x10;
	v1 =	vld [tilespmem:$0x140F0]  }
0x99: {  	[tilespmem:$0x1FDC0] =	vst v0;
	v0 =	vand.u32 $0xFFFF, v2  }
0x9a: {  	[tilespmem:$0x1FD50] =	vst v0;
	v0 =	vshrl.u32 v2, $0x10  }
0x9b: {  	[tilespmem:$0x1FDD0] =	vst v0;
	v0 =	vand.u32 $0xFFFF, v3  }
0x9c: {  	[tilespmem:$0x1FD60] =	vst v0;
	v0 =	vshrl.u32 v3, $0x10  }
0x9d: {  	[tilespmem:$0x1FDE0] =	vst v0;
	v0 =	vand.u32 $0xFFFF, v1  }
0x9e: {  	[tilespmem:$0x1FD70] =	vst v0;
	v0 =	vshrl.u32 v1, $0x10  }
0x9f: {  	[tilespmem:$0x1FDF0] =	vst v0  }
0xa0: {  	[tilespmem:s19], [sflag:$0x2] =	stream.indirect.gather [hbm4b:s1+s12], $0x80, s18, s12, $0xb8;
	[tilespmem:$0x1FE00] =	vst v63  }
0xa1: {  	_ =	swait.ge [sflag:s15], $0x4000  }
0xa2: {  	[sflag:s15] =	ssyncset.done $0x0  }
0xa3: {  	[sflag:s15] =	ssyncadd.s32 $0xFFFFC000  }
0xa4: {  	[spmem:s3] =	stream.indirect.scatter.add.f32 [tilespmem:s14], [sflag:$0x3], $0x80, s16, s12, $0xb8;
	[tilespmem:$0x1FE00] =	vst v63  }
0xa5: {  	_ =	swait.ge [sflag:s20], $0x4000  }
0xa6: {  	[sflag:s20] =	ssyncset.done $0x0  }
0xa7: {  	[sflag:s20] =	ssyncadd.s32 $0xFFFFC000  }
0xa8: {  	v0 =	vld [tilespmem:$0x14100];
	_ =	sdelay $0x1  }
0xa9: {  	v1 =	vld [tilespmem:$0x14110];
	_ =	sdelay $0x1  }
0xaa: {  	v2 =	vld [tilespmem:$0x14120]  }
0xab: {  	v3 =	vand.u32 $0xFFFF, v0  }
0xac: {  	v0 =	vshrl.u32 v0, $0x10;
	[tilespmem:$0x1FC00] =	vst v3;
	v3 =	vld [tilespmem:$0x14130]  }
0xad: {  	[tilespmem:$0x1FC80] =	vst v0;
	v0 =	vand.u32 $0xFFFF, v1  }
0xae: {  	[tilespmem:$0x1FC10] =	vst v0;
	v0 =	vshrl.u32 v1, $0x10;
	v1 =	vld [tilespmem:$0x14140]  }
0xaf: {  	[tilespmem:$0x1FC90] =	vst v0;
	v0 =	vand.u32 $0xFFFF, v2  }
0xb0: {  	[tilespmem:$0x1FC20] =	vst v0;
	v0 =	vshrl.u32 v2, $0x10;
	v2 =	vld [tilespmem:$0x14150]  }
0xb1: {  	[tilespmem:$0x1FCA0] =	vst v0;
	v0 =	vand.u32 $0xFFFF, v3  }
0xb2: {  	[tilespmem:$0x1FC30] =	vst v0;
	v0 =	vshrl.u32 v3, $0x10;
	v3 =	vld [tilespmem:$0x14160]  }
0xb3: {  	[tilespmem:$0x1FCB0] =	vst v0;
	v0 =	vand.u32 $0xFFFF, v1  }
0xb4: {  	[tilespmem:$0x1FC40] =	vst v0;
	v0 =	vshrl.u32 v1, $0x10;
	v1 =	vld [tilespmem:$0x14170]  }
0xb5: {  	[tilespmem:$0x1FCC0] =	vst v0;
	v0 =	vand.u32 $0xFFFF, v2  }
0xb6: {  	[tilespmem:$0x1FC50] =	vst v0;
	v0 =	vshrl.u32 v2, $0x10  }
0xb7: {  	[tilespmem:$0x1FCD0] =	vst v0;
	v0 =	vand.u32 $0xFFFF, v3  }
0xb8: {  	[tilespmem:$0x1FC60] =	vst v0;
	v0 =	vshrl.u32 v3, $0x10  }
0xb9: {  	[tilespmem:$0x1FCE0] =	vst v0;
	v0 =	vand.u32 $0xFFFF, v1  }
0xba: {  	[tilespmem:$0x1FC70] =	vst v0;
	v0 =	vshrl.u32 v1, $0x10  }
0xbb: {  	s2 =	simm.s32 $0x2;
	[tilespmem:$0x1FCF0] =	vst v0  }
0xbc: {  	[tilespmem:s14], [sflag:$0x1] =	stream.indirect.gather [hbm4b:s1+s12], $0x80, s13, s12, $0xb8;
	[tilespmem:$0x1FE00] =	vst v63  }
0xbd: {  	_ =	swait.ge [sflag:s2], $0x4000  }
0xbe: {  	[sflag:s2] =	ssyncset.done $0x0  }
0xbf: {  	[sflag:s2] =	ssyncadd.s32 $0xFFFFC000  }
0xc0: {  	[spmem:s3] =	stream.indirect.scatter.add.f32 [tilespmem:s19], [sflag:$0x4], $0x80, s21, s12, $0xb8;
	[tilespmem:$0x1FE00] =	vst v63  }
0xc1: {  	_ =	swait.ge [sflag:s22], $0x4000  }
0xc2: {  	[sflag:s22] =	ssyncset.done $0x0  }
0xc3: {  	s25 =	simm.s32 $0x141F0;
	[sflag:s22] =	ssyncadd.s32 $0xFFFFC000  }
0xc4: {  	v0 =	vld [tilespmem:s25+$0xFFFFFF90];
	_ =	sdelay $0x4  }
0xc5: {  	v1 =	vand.u32 $0xFFFF, v0  }
0xc6: {  	v0 =	vshrl.u32 v0, $0x10;
	[tilespmem:$0x1FD00] =	vst v1  }
0xc7: {  	[tilespmem:$0x1FD80] =	vst v0  }
0xc8: {  	v0 =	vld [tilespmem:s25+$0xFFFFFFA0];
	_ =	sdelay $0x4  }
0xc9: {  	v1 =	vand.u32 $0xFFFF, v0  }
0xca: {  	v0 =	vshrl.u32 v0, $0x10;
	[tilespmem:$0x1FD10] =	vst v1  }
0xcb: {  	[tilespmem:$0x1FD90] =	vst v0  }
0xcc: {  	v0 =	vld [tilespmem:s25+$0xFFFFFFB0];
	_ =	sdelay $0x4  }
0xcd: {  	v1 =	vand.u32 $0xFFFF, v0  }
0xce: {  	v0 =	vshrl.u32 v0, $0x10;
	[tilespmem:$0x1FD20] =	vst v1  }
0xcf: {  	[tilespmem:$0x1FDA0] =	vst v0  }
0xd0: {  	v0 =	vld [tilespmem:s25+$0xFFFFFFC0];
	_ =	sdelay $0x4  }
0xd1: {  	v1 =	vand.u32 $0xFFFF, v0  }
0xd2: {  	v0 =	vshrl.u32 v0, $0x10;
	[tilespmem:$0x1FD30] =	vst v1  }
0xd3: {  	[tilespmem:$0x1FDB0] =	vst v0  }
0xd4: {  	v0 =	vld [tilespmem:s25+$0xFFFFFFD0];
	_ =	sdelay $0x4  }
0xd5: {  	v1 =	vand.u32 $0xFFFF, v0  }
0xd6: {  	v0 =	vshrl.u32 v0, $0x10;
	[tilespmem:$0x1FD40] =	vst v1  }
0xd7: {  	[tilespmem:$0x1FDC0] =	vst v0  }
0xd8: {  	v0 =	vld [tilespmem:s25+$0xFFFFFFE0];
	_ =	sdelay $0x4  }
0xd9: {  	v1 =	vand.u32 $0xFFFF, v0  }
0xda: {  	v0 =	vshrl.u32 v0, $0x10;
	[tilespmem:$0x1FD50] =	vst v1  }
0xdb: {  	[tilespmem:$0x1FDD0] =	vst v0  }
0xdc: {  	v0 =	vld [tilespmem:s25+$0xFFFFFFF0];
	_ =	sdelay $0x4  }
0xdd: {  	v1 =	vand.u32 $0xFFFF, v0  }
0xde: {  	v0 =	vshrl.u32 v0, $0x10;
	[tilespmem:$0x1FD60] =	vst v1  }
0xdf: {  	[tilespmem:$0x1FDE0] =	vst v0  }
0xe0: {  	v0 =	vld [tilespmem:s25+$0x0];
	_ =	sdelay $0x4  }
0xe1: {  	v1 =	vand.u32 $0xFFFF, v0  }
0xe2: {  	v0 =	vshrl.u32 v0, $0x10;
	[tilespmem:$0x1FD70] =	vst v1  }
0xe3: {  	[tilespmem:$0x1FDF0] =	vst v0  }
0xe4: {  	[tilespmem:s19], [sflag:$0x2] =	stream.indirect.gather [hbm4b:s1+s12], $0x80, s18, s12, $0xb8;
	[tilespmem:$0x1FE00] =	vst v63  }
0xe5: {  	_ =	swait.ge [sflag:s15], $0x4000  }
0xe6: {  	[sflag:s15] =	ssyncset.done $0x0  }
0xe7: {  	[sflag:s15] =	ssyncadd.s32 $0xFFFFC000  }
0xe8: {  	[spmem:s3] =	stream.indirect.scatter.add.f32 [tilespmem:s14], [sflag:$0x3], $0x80, s16, s12, $0xb8;
	[tilespmem:$0x1FE00] =	vst v63  }
0xe9: {  	_ =	swait.ge [sflag:s20], $0x4000  }
0xea: {  	s2 =	smin.u32 s2, $0x73;
	[sflag:s20] =	ssyncset.done $0x0  }
0xeb: {  	s29 =	sshll.u32 s2, $0x7;
	[sflag:s20] =	ssyncadd.s32 $0xFFFFC000  }
0xec: {  	v0 =	vld [tilespmem:s29+$0x14100];
	_ =	sdelay $0x4  }
0xed: {  	v1 =	vand.u32 $0xFFFF, v0  }
0xee: {  	v0 =	vshrl.u32 v0, $0x10;
	[tilespmem:$0x1FC00] =	vst v1  }
0xef: {  	[tilespmem:$0x1FC80] =	vst v0  }
0xf0: {  	v0 =	vld [tilespmem:s29+$0x14110];
	_ =	sdelay $0x4  }
0xf1: {  	v1 =	vand.u32 $0xFFFF, v0  }
0xf2: {  	v0 =	vshrl.u32 v0, $0x10;
	[tilespmem:$0x1FC10] =	vst v1  }
0xf3: {  	[tilespmem:$0x1FC90] =	vst v0  }
0xf4: {  	v0 =	vld [tilespmem:s29+$0x14120];
	_ =	sdelay $0x4  }
0xf5: {  	v1 =	vand.u32 $0xFFFF, v0  }
0xf6: {  	v0 =	vshrl.u32 v0, $0x10;
	[tilespmem:$0x1FC20] =	vst v1  }
0xf7: {  	[tilespmem:$0x1FCA0] =	vst v0  }
0xf8: {  	v0 =	vld [tilespmem:s29+$0x14130];
	_ =	sdelay $0x4  }
0xf9: {  	v1 =	vand.u32 $0xFFFF, v0  }
0xfa: {  	v0 =	vshrl.u32 v0, $0x10;
	[tilespmem:$0x1FC30] =	vst v1  }
0xfb: {  	[tilespmem:$0x1FCB0] =	vst v0  }
0xfc: {  	v0 =	vld [tilespmem:s29+$0x14140];
	_ =	sdelay $0x4  }
0xfd: {  	v1 =	vand.u32 $0xFFFF, v0  }
0xfe: {  	v0 =	vshrl.u32 v0, $0x10;
	[tilespmem:$0x1FC40] =	vst v1  }
0xff: {  	[tilespmem:$0x1FCC0] =	vst v0  }
0x100: {  	v0 =	vld [tilespmem:s29+$0x14150];
	_ =	sdelay $0x4  }
0x101: {  	v1 =	vand.u32 $0xFFFF, v0  }
0x102: {  	v0 =	vshrl.u32 v0, $0x10;
	[tilespmem:$0x1FC50] =	vst v1  }
0x103: {  	s26 =	simm.s32 $0x4;
	p2 =	por $0x0, $0x0;
	[tilespmem:$0x1FCD0] =	vst v0  }
0x104: {  	s30 =	simm.s32 @!p2 $0x80;
	s31 =	simm.s32 @!p2 $0x1FC00;
	s2 =	simm.s32 @!p2 $0x17C00;
	v0 =	vld [tilespmem:s29+$0x14160]  }
.LBB2_3:
0x105: {  	_ =	sdelay $0x2  }
0x106: {  	s25 =	sadd.s32 $0x100, s25;
	s28 =	smov.u32 s26;
	s26 =	sadd.s32 $0x2, s26  }
0x107: {  	p1 =	sne.s32 s26, $0x76;
	v1 =	vand.u32 $0xFFFF, v0;
	v0 =	vshrl.u32 v0, $0x10  }
0x108: {  	[tilespmem:$0x1FC60] =	vst v1  }
0x109: {  	[tilespmem:$0x1FCE0] =	vst v0  }
0x10a: {  	v0 =	vld [tilespmem:s29+$0x14170];
	_ =	sdelay $0x4  }
0x10b: {  	v1 =	vand.u32 $0xFFFF, v0;
	v0 =	vshrl.u32 v0, $0x10  }
0x10c: {  	[tilespmem:$0x1FC70] =	vst v1  }
0x10d: {  	[tilespmem:$0x1FCF0] =	vst v0  }
0x10e: {  	[tilespmem:s2], [sflag:$0x1] =	stream.indirect.gather @!p2 [hbm4b:s1+s30], $0x80, s31, s30, $0xb8;
	[tilespmem:$0x1FE00] =	vst v63  }
0x10f: {  	_ =	swait.ge [sflag:s23], $0x4000  }
0x110: {  	[sflag:s23] =	ssyncset.done $0x0  }
0x111: {  	[sflag:s23] =	ssyncadd.s32 $0xFFFFC000  }
0x112: {  	[spmem:s3] =	stream.indirect.scatter.add.f32 [tilespmem:s19], [sflag:$0x4], $0x80, s21, s12, $0xb8;
	[tilespmem:$0x1FE00] =	vst v63  }
0x113: {  	_ =	swait.ge [sflag:s22], $0x4000  }
0x114: {  	[sflag:s22] =	ssyncset.done $0x0  }
0x115: {  	[sflag:s22] =	ssyncadd.s32 $0xFFFFC000  }
0x116: {  	v0 =	vld [tilespmem:s25+$0xFFFFFF90];
	_ =	sdelay $0x4  }
0x117: {  	v1 =	vand.u32 $0xFFFF, v0;
	v0 =	vshrl.u32 v0, $0x10  }
0x118: {  	[tilespmem:$0x1FD00] =	vst v1  }
0x119: {  	[tilespmem:$0x1FD80] =	vst v0  }
0x11a: {  	v0 =	vld [tilespmem:s25+$0xFFFFFFA0];
	_ =	sdelay $0x4  }
0x11b: {  	v1 =	vand.u32 $0xFFFF, v0;
	v0 =	vshrl.u32 v0, $0x10  }
0x11c: {  	[tilespmem:$0x1FD10] =	vst v1  }
0x11d: {  	[tilespmem:$0x1FD90] =	vst v0  }
0x11e: {  	v0 =	vld [tilespmem:s25+$0xFFFFFFB0];
	_ =	sdelay $0x4  }
0x11f: {  	v1 =	vand.u32 $0xFFFF, v0;
	v0 =	vshrl.u32 v0, $0x10  }
0x120: {  	[tilespmem:$0x1FD20] =	vst v1  }
0x121: {  	[tilespmem:$0x1FDA0] =	vst v0  }
0x122: {  	v0 =	vld [tilespmem:s25+$0xFFFFFFC0];
	_ =	sdelay $0x4  }
0x123: {  	v1 =	vand.u32 $0xFFFF, v0;
	v0 =	vshrl.u32 v0, $0x10  }
0x124: {  	[tilespmem:$0x1FD30] =	vst v1  }
0x125: {  	[tilespmem:$0x1FDB0] =	vst v0  }
0x126: {  	v0 =	vld [tilespmem:s25+$0xFFFFFFD0];
	_ =	sdelay $0x4  }
0x127: {  	v1 =	vand.u32 $0xFFFF, v0;
	v0 =	vshrl.u32 v0, $0x10  }
0x128: {  	[tilespmem:$0x1FD40] =	vst v1  }
0x129: {  	[tilespmem:$0x1FDC0] =	vst v0  }
0x12a: {  	v0 =	vld [tilespmem:s25+$0xFFFFFFE0];
	_ =	sdelay $0x4  }
0x12b: {  	v1 =	vand.u32 $0xFFFF, v0;
	v0 =	vshrl.u32 v0, $0x10  }
0x12c: {  	[tilespmem:$0x1FD50] =	vst v1  }
0x12d: {  	[tilespmem:$0x1FDD0] =	vst v0  }
0x12e: {  	v0 =	vld [tilespmem:s25+$0xFFFFFFF0];
	_ =	sdelay $0x4  }
0x12f: {  	v1 =	vand.u32 $0xFFFF, v0;
	v0 =	vshrl.u32 v0, $0x10  }
0x130: {  	[tilespmem:$0x1FD60] =	vst v1  }
0x131: {  	[tilespmem:$0x1FDE0] =	vst v0  }
0x132: {  	v0 =	vld [tilespmem:s25+$0x0];
	_ =	sdelay $0x4  }
0x133: {  	v1 =	vand.u32 $0xFFFF, v0;
	v0 =	vshrl.u32 v0, $0x10  }
0x134: {  	s2 =	smin.u32 s28, $0x73;
	[tilespmem:$0x1FD70] =	vst v1  }
0x135: {  	s29 =	sshll.u32 s2, $0x7;
	[tilespmem:$0x1FDF0] =	vst v0  }
0x136: {  	[tilespmem:s19], [sflag:$0x2] =	stream.indirect.gather [hbm4b:s1+s12], $0x80, s18, s12, $0xb8;
	[tilespmem:$0x1FE00] =	vst v63  }
0x137: {  	_ =	swait.ge [sflag:s15], $0x4000  }
0x138: {  	[sflag:s15] =	ssyncset.done $0x0  }
0x139: {  	[sflag:s15] =	ssyncadd.s32 $0xFFFFC000  }
0x13a: {  	[spmem:s3] =	stream.indirect.scatter.add.f32 [tilespmem:s14], [sflag:$0x3], $0x80, s16, s12, $0xb8;
	[tilespmem:$0x1FE00] =	vst v63  }
0x13b: {  	_ =	swait.ge [sflag:s20], $0x4000  }
0x13c: {  	[sflag:s20] =	ssyncset.done $0x0  }
0x13d: {  	[sflag:s20] =	ssyncadd.s32 $0xFFFFC000  }
0x13e: {  	v0 =	vld [tilespmem:s29+$0x14100];
	_ =	sdelay $0x4  }
0x13f: {  	v1 =	vand.u32 $0xFFFF, v0;
	v0 =	vshrl.u32 v0, $0x10  }
0x140: {  	[tilespmem:$0x1FC00] =	vst v1  }
0x141: {  	[tilespmem:$0x1FC80] =	vst v0  }
0x142: {  	v0 =	vld [tilespmem:s29+$0x14110];
	_ =	sdelay $0x4  }
0x143: {  	v1 =	vand.u32 $0xFFFF, v0;
	v0 =	vshrl.u32 v0, $0x10  }
0x144: {  	[tilespmem:$0x1FC10] =	vst v1  }
0x145: {  	[tilespmem:$0x1FC90] =	vst v0  }
0x146: {  	v0 =	vld [tilespmem:s29+$0x14120];
	_ =	sdelay $0x4  }
0x147: {  	v1 =	vand.u32 $0xFFFF, v0;
	v0 =	vshrl.u32 v0, $0x10  }
0x148: {  	[tilespmem:$0x1FC20] =	vst v1  }
0x149: {  	[tilespmem:$0x1FCA0] =	vst v0  }
0x14a: {  	v0 =	vld [tilespmem:s29+$0x14130];
	_ =	sdelay $0x4  }
0x14b: {  	v1 =	vand.u32 $0xFFFF, v0;
	v0 =	vshrl.u32 v0, $0x10  }
0x14c: {  	[tilespmem:$0x1FC30] =	vst v1  }
0x14d: {  	[tilespmem:$0x1FCB0] =	vst v0  }
0x14e: {  	v0 =	vld [tilespmem:s29+$0x14140];
	_ =	sdelay $0x4  }
0x14f: {  	v1 =	vand.u32 $0xFFFF, v0;
	v0 =	vshrl.u32 v0, $0x10  }
0x150: {  	[tilespmem:$0x1FC40] =	vst v1  }
0x151: {  	[tilespmem:$0x1FCC0] =	vst v0  }
0x152: {  	v0 =	vld [tilespmem:s29+$0x14150];
	_ =	sdelay $0x3  }
.Ltmp5:
0x153: {  	(pc) =	sbr.rel @p1 .LBB2_3-.Ltmp5, $4  }
0x154: {  	v1 =	vand.u32 $0xFFFF, v0;
	v0 =	vshrl.u32 v0, $0x10  }
0x155: {  	p2 =	seq.s32 s28, $0x74;
	[tilespmem:$0x1FC50] =	vst v1  }
0x156: {  	s30 =	simm.s32 @!p2 $0x80;
	s31 =	simm.s32 @!p2 $0x1FC00;
	s2 =	simm.s32 @!p2 $0x17C00;
	[tilespmem:$0x1FCD0] =	vst v0  }
0x157: {  	v0 =	vld [tilespmem:s29+$0x14160]  }
0x158: {  	_ =	sdelay $0x3  }
0x159: {  	v1 =	vand.u32 $0xFFFF, v0  }
0x15a: {  	v62 =	vshrl.u32 v0, $0x10;
	[tilespmem:$0x1FC60] =	vst v1  }
0x15b: {  	[tilespmem:$0x1FCE0] =	vst v62  }
0x15c: {  	v0 =	vld [tilespmem:s29+$0x14170];
	_ =	sdelay $0x4  }
0x15d: {  	v63 =	vand.u32 $0xFFFF, v0  }
0x15e: {  	v0 =	vshrl.u32 v0, $0x10;
	[tilespmem:$0x1FC70] =	vst v63  }
0x15f: {  	[tilespmem:$0x1FCF0] =	vst v0  }
0x160: {  	[tilespmem:s2], [sflag:$0x1] =	stream.indirect.gather @!p2 [hbm4b:s1+s30], $0x80, s31, s30, $0xb8;
	[tilespmem:$0x1FE00] =	vst v63  }
0x161: {  	_ =	swait.ge [sflag:s23], $0x4000  }
0x162: {  	[sflag:s23] =	ssyncset.done $0x0  }
.Ltmp6:
0x163: {  	[sflag:s23] =	ssyncadd.s32 $0xFFFFC000;
	(pc) =	sbr.rel .LBB2_8-.Ltmp6, $4  }
0x164: {  	[spmem:s3] =	stream.indirect.scatter.add.f32 [tilespmem:s19], [sflag:$0x4], $0x80, s21, s12, $0xb8;
	[tilespmem:$0x1FE00] =	vst v63  }
0x165: {  	_ =	swait.ge [sflag:s22], $0x4000  }
0x166: {  	[sflag:s22] =	ssyncset.done $0x0  }
0x167: {  	[sflag:s22] =	ssyncadd.s32 $0xFFFFC000  }
.LBB2_9:
0x168: {  	_ =	sfence.sel $0x180000  }
0x169: {  	[bflag:$0x0] =	sbarrier.arrive $0xFFFF  }
0x16a: {  	_ =	strace $0x9000004D  }
0x16b: {  	[bflag:$0x2] =	sbarrier.arrive $0xFFFF  }
0x16c: {  	p0 =	sne.s32 s0, $0x0;
	s0 =	rddreg [dreg:$0x3]  }
0x16d: {  	s0 =	sadd.s32 @!p0 $0x100000, s0  }
0x16e: {  	[sflag:s0] =	ssyncadd.tile.s32 @!p0 $0x1;
	_ =	shalt  }
.Lfunc_end2:
_tile_overlayer_lowered:
.L_overlay_start_2:
0x16f: {  	(tag) =	ssettag $0x2  }
0x170: {  	s0 =	rddreg [dreg:$0x0];
	s2 =	stileid.u32  }
0x171: {  	s1 =	rddreg [dreg:$0x1];
	p0 =	sne.s32 s2, $0x0  }
0x172: {  	s3 =	rddreg [dreg:$0x2];
	[bflag:$0x3] =	sbarrier.arrive $0xFFFF;
	s2 =	simm.s32 @!p0 $0x1C05  }
0x173: {  	[timem:s3], [sflag:s2] =	dma.local @!p0 [hbm:s0], s1  }
0x174: {  	s0 =	simm.s32 @!p0 $0x5  }
0x175: {  	_ =	swait.ge @!p0 [sflag:s0], s1  }
0x176: {  	s1 =	ssub.s32 @!p0 $0x0, s1;
	[sflag:s0] =	ssyncset.done @!p0 $0x0  }
0x177: {  	[sflag:s0] =	ssyncadd.s32 @!p0 s1  }
0x178: {  	[bflag:$0x3] =	sbarrier.arrive $0xFFFF  }
0x179: {  	_ =	shalt  }

// kernel: kernel.7.cloned.1.call-start
scs
__scs_entry_jumppad:
0x0: {  	(pc) =	sbr.rel $0x88, $3  }
0x1: {  	(tag) =	ssettag $0x0;
	lr =	simm.s32 $0x1  }
0x2: {  	[smem:$0x3F99] =	sst lr;
	_ =	strace $0xD0000000  }
0x3: {  	_ = 	snop  }
0x4: {  	_ = 	snop  }
0x5: {  	_ = 	snop  }
0x6: {  	_ = 	snop  }
0x7: {  	_ = 	snop  }
__scs_overlays_trampoline_lowered:
0x8: {  	[smem:$0x3FA8] =	sst s0  }
0x9: {  	[smem:$0x3FA9] =	sst s1  }
0xa: {  	[smem:$0x3FAA] =	sst s2  }
0xb: {  	[smem:$0x3FAB] =	sst s3  }
0xc: {  	[smem:$0x3FAC] =	sst s4  }
0xd: {  	[smem:$0x3FAD] =	sst s5  }
0xe: {  	[smem:$0x3FAE] =	sst s6  }
0xf: {  	[smem:$0x3FAF] =	sst s7  }
0x10: {  	[smem:$0x3FB0] =	sst s8  }
0x11: {  	[smem:$0x3FB1] =	sst s9;
	s0 =	simm.s32 @!p0 $0x0  }
0x12: {  	s1 =	sld [smem:$0x3F97];
	s0 =	simm.s32 @p0 $0x1  }
0x13: {  	[smem:$0x3FB2] =	sst s0;
	s0 =	simm.s32 @!p1 $0x0  }
0x14: {  	s2 =	sld [smem:$0x3F96];
	s0 =	simm.s32 @p1 $0x1  }
0x15: {  	[smem:$0x3FB3] =	sst s0;
	s0 =	simm.s32 @!p2 $0x0  }
0x16: {  	s3 =	sld [smem:$0x3FDB];
	s0 =	simm.s32 @p2 $0x1  }
0x17: {  	s4 =	simm.s32 $0x1BF5;
	[smem:$0x3FB5] =	sst s0  }
0x18: {  	s0 =	sld [smem:$0x3F98];
	_ =	swait.ge [sflag:s4], $0x0  }
0x19: {  	s7 =	sld [smem:$0x3F99]  }
0x1a: {  	s8 =	sadd.s32 $0xFFFFE003, lr  }
0x1b: {  	s9 =	sadd.s32 $0xFFFFFEF7, lr;
	s5 =	simm.s32 $0xFFFFFFFF;
	p2 =	slt.u32 s8, $0xFFFFF086  }
0x1c: {  	p1 =	slt.u32 s9, $0xF7A;
	s5 =	simm.s32 @!p2 $0x0  }
0x1d: {  	s5 =	simm.s32 @p1 $0x1;
	p0 =	seq.s32 s7, s2  }
0x1e: {  	s7 =	smul.u32 @!p0 $0xF7A, s2;
	p2 =	seq.s32 @!p0 s5, $0x0  }
0x1f: {  	s9 =	smul.u32 $0xF7A, s1;
	s8 =	simm.s32 @!p0 $0x1BF5;
	p2 =	por !p2, p0  }
0x20: {  	[sflag:s8] =	ssyncset.s32 @!p0 $0xFFFFF086;
	s6 =	sadd.s32 @!p0 s3, s7;
	s7 =	simm.s32 @!p0 $0x108  }
0x21: {  	s3 =	sadd.s32 s3, s9;
	s6 =	sadd.s32 @!p0 $0x88, s6;
	s7 =	simm.s32 @p2 $0x1082  }
0x22: {  	[simem:s7], [sflag:s8] =	dma.local @!p0 [hbm:s6], $0xF7A  }
0x23: {  	s9 =	sor.u32 $0xD0000000, s2;
	s6 =	simm.s32 $0x108;
	_ =	swait.ge @!p0 [sflag:s8], $0x0  }
0x24: {  	s3 =	sadd.s32 $0x88, s3;
	s6 =	simm.s32 @!p1 $0x1082;
	[sflag:s4] =	ssyncset.s32 $0xFFFFF086  }
0x25: {  	[simem:s6], [sflag:s4] =	dma.local [hbm:s3], $0xF7A  }
0x26: {  	[smem:$0x3F99] =	sst s1;
	(tag) =	ssettag s2;
	_ =	strace s9  }
0x27: {  	s1 =	sld [smem:$0x3FA9]  }
0x28: {  	s2 =	sld [smem:$0x3FAA]  }
0x29: {  	s4 =	sld [smem:$0x3FAC]  }
0x2a: {  	p0 =	seq.s32 s5, $0x0;
	s5 =	sld [smem:$0x3FAD]  }
0x2b: {  	s6 =	sld [smem:$0x3FAE]  }
0x2c: {  	s7 =	sld [smem:$0x3FAF]  }
0x2d: {  	s3 =	simm.s32 $0x108;
	s8 =	sld [smem:$0x3FB0]  }
0x2e: {  	s3 =	simm.s32 @!p0 $0x1082;
	s9 =	sld [smem:$0x3FB1]  }
0x2f: {  	lr =	sadd.s32 s0, s3;
	s0 =	sld [smem:$0x3FA8]  }
0x30: {  	s3 =	sld [smem:$0x3FAB]  }
0x31: {  	[smem:$0x3FB4] =	sst s10  }
0x32: {  	s10 =	sld [smem:$0x3FB2];
	_ =	sdelay $0x3  }
0x33: {  	p0 =	seq.s32 s10, $0x1;
	s10 =	sld [smem:$0x3FB4];
	_ =	sdelay $0x3  }
0x34: {  	[smem:$0x3FB4] =	sst s10  }
0x35: {  	s10 =	sld [smem:$0x3FB3];
	_ =	sdelay $0x3  }
0x36: {  	p1 =	seq.s32 s10, $0x1;
	s10 =	sld [smem:$0x3FB4];
	_ =	sdelay $0x3  }
0x37: {  	[smem:$0x3FB4] =	sst s10  }
0x38: {  	s10 =	sld [smem:$0x3FB5]  }
0x39: {  	_ = 	snop;
	(pc) =	sbr.ind lr, $3  }
0x3a: {  	_ = 	snop  }
0x3b: {  	_ = 	snop  }
0x3c: {  	p2 =	seq.s32 s10, $0x1;
	s10 =	sld [smem:$0x3FB4]  }
0x3d: {  	_ =	shalt  }
0x3e: {  	_ =	shalt  }
0x3f: {  	_ =	shalt  }
0x40: {  	_ =	shalt  }
0x41: {  	_ =	shalt  }
0x42: {  	_ =	shalt  }
0x43: {  	_ =	shalt  }
0x44: {  	_ =	shalt  }
0x45: {  	_ =	shalt  }
0x46: {  	_ =	shalt  }
0x47: {  	_ =	shalt  }
0x48: {  	_ =	shalt  }
0x49: {  	_ =	shalt  }
0x4a: {  	_ =	shalt  }
0x4b: {  	_ =	shalt  }
0x4c: {  	_ =	shalt  }
0x4d: {  	_ =	shalt  }
0x4e: {  	_ =	shalt  }
0x4f: {  	_ =	shalt  }
0x50: {  	_ =	shalt  }
0x51: {  	_ =	shalt  }
0x52: {  	_ =	shalt  }
0x53: {  	_ =	shalt  }
0x54: {  	_ =	shalt  }
0x55: {  	_ =	shalt  }
0x56: {  	_ =	shalt  }
0x57: {  	_ =	shalt  }
0x58: {  	_ =	shalt  }
0x59: {  	_ =	shalt  }
0x5a: {  	_ =	shalt  }
0x5b: {  	_ =	shalt  }
0x5c: {  	_ =	shalt  }
0x5d: {  	_ =	shalt  }
0x5e: {  	_ =	shalt  }
0x5f: {  	_ =	shalt  }
0x60: {  	_ =	shalt  }
0x61: {  	_ =	shalt  }
0x62: {  	_ =	shalt  }
0x63: {  	_ =	shalt  }
0x64: {  	_ =	shalt  }
0x65: {  	_ =	shalt  }
0x66: {  	_ =	shalt  }
0x67: {  	_ =	shalt  }
0x68: {  	_ =	shalt  }
0x69: {  	_ =	shalt  }
0x6a: {  	_ =	shalt  }
0x6b: {  	_ =	shalt  }
0x6c: {  	_ =	shalt  }
0x6d: {  	_ =	shalt  }
0x6e: {  	_ =	shalt  }
0x6f: {  	_ =	shalt  }
0x70: {  	_ =	shalt  }
0x71: {  	_ =	shalt  }
0x72: {  	_ =	shalt  }
0x73: {  	_ =	shalt  }
0x74: {  	_ =	shalt  }
0x75: {  	_ =	shalt  }
0x76: {  	_ =	shalt  }
0x77: {  	_ =	shalt  }
0x78: {  	_ =	shalt  }
0x79: {  	_ =	shalt  }
0x7a: {  	_ =	shalt  }
0x7b: {  	_ =	shalt  }
0x7c: {  	_ =	shalt  }
0x7d: {  	_ =	shalt  }
0x7e: {  	_ =	shalt  }
0x7f: {  	_ =	shalt  }
0x80: {  	_ =	shalt  }
0x81: {  	_ =	shalt  }
0x82: {  	_ =	shalt  }
0x83: {  	_ =	shalt  }
0x84: {  	_ =	shalt  }
0x85: {  	_ =	shalt  }
0x86: {  	_ =	shalt  }
0x87: {  	_ =	shalt  }
.Lfunc_end0:
.L_simem_size_0:
called_computation_lowered:
.L_overlay_start_0:
0x88: {  	s2 =	sld [smem:$0x3FD9]  }
0x89: {  	s3 =	sld [smem:$0x3FFE];
	_ =	sdelay $0x1  }
0x8a: {  	s1 =	srdreg.scid  }
0x8b: {  	s0 =	sand.u32 $0x1, s1  }
0x8c: {  	s17 =	sshll.u32 s0, $0xA;
	s2 =	sadd.s32 s3, s2  }
0x8d: {  	s2 =	sadd.s32 s2, s17  }
0x8e: {  	[smem:$0x3FC0] =	sst s2  }
0x8f: {  	_ = 	snop  }
0x90: {  	s18 =	sld [smem:$0x3FD0];
	(tm) =	ssettm $0x1  }
0x91: {  	s19 =	sld [smem:$0x3FFB];
	_ =	sdelay $0x3  }
0x92: {  	_ =	strace s19  }
0x93: {  	s2 =	sld [smem:$0x3FFC];
	_ =	sdelay $0x3  }
0x94: {  	_ =	strace s2  }
0x95: {  	s2 =	sld [smem:$0x3FFD];
	_ =	sdelay $0x3  }
0x96: {  	_ =	strace s2  }
0x97: {  	_ =	strace $0x8FFFFFFF  }
0x98: {  	s20 =	sld [smem:$0x3FDB];
	_ =	sdelay $0x1  }
0x99: {  	s4 =	simm.s32 $_scs_section_size  }
0x9a: {  	s5 =	simm.s32 $_size__tile_overlayer_lowered;
	s6 =	simm.s32 $_tile_overlayer_lowered  }
0x9b: {  	s7 =	simm.s32 $0x1BFF;
	s21 =	sshll.u32 s6, $0x1;
	s4 =	sadd.s32 s4, s20  }
0x9c: {  	s22 =	simm.s32 $0x0;
	s5 =	sshll.u32 s5, $0x1;
	s6 =	sadd.s32 s21, s4  }
0x9d: {  	[timem:s22], [sflag:s7] =	dma.local [hbm:s6], s5  }
0x9e: {  	_ =	swait.ge [sflag:s7], s5  }
0x9f: {  	s5 =	ssub.s32 $0x0, s5;
	[sflag:s7] =	ssyncset.done $0x0  }
0xa0: {  	[sflag:s7] =	ssyncadd.s32 s5;
	_ =	sdelay $0x1  }
0xa1: {  	s23 =	simm.s32 $0x1B8B  }
0xa2: {  	_ =	swait.ge [sflag:s23], $0x1  }
0xa3: {  	[sflag:s23] =	ssyncset.done $0x0  }
0xa4: {  	[sflag:s23] =	ssyncadd.s32 $0xFFFFFFFF  }
0xa5: {  	s5 =	sld [smem:$0x0]  }
0xa6: {  	s6 =	sand.u32 $0xFFFFFFFE, s1  }
0xa7: {  	p0 =	sne.s32 s1, s6  }
0xa8: {  	s6 =	sshll.u32 @p0 s6, $0xE  }
0xa9: {  	s6 =	sadd.s32 @p0 $0x11B8D, s6;
	s7 =	sshll.u32 @p0 s5, $0x11  }
0xaa: {  	s6 =	sor.u32 @p0 s7, s6  }
0xab: {  	[sflag:s6] =	ssyncadd.remote.s32 @p0 $0x1;
	_ =	sdelay $0x1  }
0xac: {  	s6 =	simm.s32 @p0 $0x1B8D  }
0xad: {  	_ =	swait.eq @p0 [sflag:s6], $0x1  }
0xae: {  	[sflag:s6] =	ssyncadd.s32 @p0 $0xFFFFFFFF  }
0xaf: {  	s7 =	sshll.u32 @!p0 s1, $0xE  }
0xb0: {  	s7 =	sor.u32 @!p0 $0x4000, s7;
	s6 =	simm.s32 @!p0 $0x1B8D  }
0xb1: {  	s5 =	sshll.u32 @!p0 s5, $0x11;
	s7 =	sadd.s32 @!p0 $0x11B8D, s7;
	_ =	swait.eq @!p0 [sflag:s6], $0x1  }
0xb2: {  	s5 =	sor.u32 @!p0 s5, s7;
	[sflag:s6] =	ssyncadd.s32 @!p0 $0xFFFFFFFF  }
0xb3: {  	s25 =	simm.s32 $0x1B8E;
	s24 =	sld [smem:$0x3FFE];
	[sflag:s5] =	ssyncadd.remote.s32 @!p0 $0x1  }
0xb4: {  	s26 =	simm.s32 $execute0_lowered;
	[smem:$0x3FD2] =	sst s25  }
0xb5: {  	s6 =	sshll.u32 s26, $0x1;
	_ =	strace $0x80000049;
	[dreg:$0x1] =	wrdreg $0xFFFFFFFF  }
0xb6: {  	s28 =	simm.s32 $_size_execute0_lowered;
	s4 =	sadd.s32 s4, s6;
	[dreg:$0x0] =	wrdreg $0x0  }
0xb7: {  	s6 =	sshll.u32 s28, $0x1;
	[dreg:$0x2] =	wrdreg s4  }
0xb8: {  	[dreg:$0x3] =	wrdreg s6  }
0xb9: {  	[dreg:$0x4] =	wrdreg $0xC0  }
0xba: {  	_ =	task [dreg:s22], $0x5FFFF  }
0xbb: {  	[dreg:$0x1] =	wrdreg $0xFFFFFFFF  }
0xbc: {  	[dreg:$0x0] =	wrdreg $0x60  }
0xbd: {  	[dreg:$0x2] =	wrdreg s18  }
0xbe: {  	[dreg:$0x3] =	wrdreg s24  }
0xbf: {  	[dreg:$0x4] =	wrdreg $0x0  }
0xc0: {  	[dreg:$0x5] =	wrdreg $0x9  }
0xc1: {  	_ =	task.clear_ibuf [dreg:s22], $0x6FFFF;
	_ =	strace $0x90000049  }
0xc2: {  	s29 =	simm.s32 $0x9;
	_ =	strace $0x8000004B  }
0xc3: {  	_ =	swait.ge [sflag:s29], $0x1  }
0xc4: {  	[sflag:s29] =	ssyncadd.s32 $0xFFFFFFFF  }
0xc5: {  	_ =	strace $0x9000004B  }
0xc6: {  	_ =	sfence  }
0xc7: {  	s30 =	sld [smem:$0x0];
	_ =	sdelay $0x2  }
0xc8: {  	s31 =	sshll.u32 s1, $0xD;
	s1 =	sshrl.u32 s1, $0x2  }
0xc9: {  	s4 =	sand.u32 $0x4000, s31;
	s1 =	sadd.s32 s1, s30  }
0xca: {  	s0 =	sor.u32 s4, s0;
	s1 =	sshll.u32 s1, $0x11  }
0xcb: {  	s0 =	sor.u32 s1, s0  }
0xcc: {  	s0 =	sadd.s32 $0x8F2B, s0  }
0xcd: {  	[sflag:s0] =	ssyncadd.remote.s32 $0x1  }
0xce: {  	_ =	sfence.sel $0xFFFF  }
0xcf: {  	[dreg:$0x0] =	wrdreg $0xFFFFFFFF;
	(pc) =	sbr.abs _section_cstart, $3  }
0xd0: {  	[dreg:$0x1] =	wrdreg $0xFFFFFFFF  }
0xd1: {  	_ =	task.clear_ibuf [dreg:s22], $0x2FFFF;
	_ =	strace $0x9FFFFFFF  }
0xd2: {  	(tm) =	ssettm $0x7FFFFFFF  }
0xd3: {  	_ =	shalt  }
tec
execute0_lowered:
.L_overlay_start_1:
0x0: {  	(tag) =	ssettag $0x1  }
0x1: {  	s7 =	rddreg [dreg:$0x0]  }
0x2: {  	s6 =	rddreg [dreg:$0x1]  }
0x3: {  	s1 =	rddreg [dreg:$0x2]  }
0x4: {  	s0 =	rddreg [dreg:$0x3];
	s2 =	simm.s32 $0x0;
	s3 =	srdreg.scid  }
0x5: {  	s12 =	simm.s32 $0x14000;
	s13 =	simm.s32 $0x80;
	[smem:$0x7FF] =	sst s2  }
0x6: {  	s8 =	sand.u32 $0x1, s3;
	s4 =	sadd.s32 $0x11000, s6;
	s3 =	stileid.u32  }
0x7: {  	s5 =	sadd.s32 $0x63800, s6;
	_ =	strace $0x8000004A;
	s9 =	smul.u32 $0x28000, s8  }
0x8: {  	s10 =	smul.u32 $0x50000, s3;
	s11 =	sshll.u32 s8, $0x4;
	s28 =	ssub.s32 $0x2, s8  }
0x9: {  	s31 =	sshll.u32 s3, $0x6;
	s15 =	smul.u32 $0x2800, s3;
	s29 =	sor.u32 s3, s11  }
0xa: {  	s30 =	sshrl.u32 s28, $0x1;
	s9 =	sadd.s32 s9, s6;
	s8 =	smul.u32 $0x500, s29  }
0xb: {  	s10 =	sshrl.u32 s10, $0x2;
	s11 =	ssub.s32 s28, s30;
	s6 =	sor.u32 $0x1C01, s31  }
0xc: {  	s10 =	sadd.s32 s10, s1;
	s14 =	sadd.s32 $0x64000, s9;
	s7 =	sadd.s32 s7, s8  }
0xd: {  	s8 =	smax.u32 s11, $0x1;
	s9 =	sshrl.u32 s10, $0x3;
	s10 =	simm.s32 $0x1  }
0xe: {  	s11 =	simm.s32 $0x16800;
	s14 =	sadd.s32 s15, s14;
	s15 =	simm.s32 $0x0  }
.LBB2_1:
0xf: {  	[spmem:s9], [sflag:s6] =	dma.local [hbm:s4], $0x2800  }
0x10: {  	_ =	swait.ge [sflag:s10], $0x2800  }
0x11: {  	[sflag:s10] =	ssyncset.done $0x0  }
0x12: {  	[sflag:s10] =	ssyncadd.s32 $0xFFFFD800  }
0x13: {  	[tilespmem:s11], [sflag:$0x1] =	stream.linear.gather [hbm4b:s5+s2], $0x4000, $0x38;
	[tilespmem:$0x1A800] =	vst v63  }
0x14: {  	_ =	swait.ge [sflag:s10], $0x4000  }
0x15: {  	[sflag:s10] =	ssyncset.done $0x0  }
0x16: {  	[sflag:s10] =	ssyncadd.s32 $0xFFFFC000  }
0x17: {  	[tilespmem:s12], [sflag:$0x1] =	stream.linear.gather [hbm4b:s7+s2], $0x2780, $0x38;
	[tilespmem:$0x1A800] =	vst v63  }
0x18: {  	_ =	swait.ge [sflag:s10], $0x2780  }
0x19: {  	[sflag:s10] =	ssyncset.done $0x0  }
0x1a: {  	[sflag:s10] =	ssyncadd.s32 $0xFFFFD880  }
0x1b: {  	s16 =	simm.s32 $0x14000;
	[bflag:$0x0] =	sbarrier.arrive $0xFFFF  }
0x1c: {  	[spmem:s1] =	stream.indirect.scatter.add.f32 [tilespmem:s11], [sflag:$0x1], $0x80, s16, s13, $0xb8;
	[tilespmem:$0x1A800] =	vst v63  }
0x1d: {  	s16 =	simm.s32 $0x200;
	_ =	swait.ge [sflag:s10], $0x4000  }
.LBB2_2:
0x1e: {  	s17 =	sshra.s32 s16, $0x2;
	[sflag:s10] =	ssyncset.done $0x0;
	p0 =	sne.s32 s16, $0x9C00  }
.Ltmp0:
0x1f: {  	s17 =	sadd.s32 $0x14000, s17;
	[sflag:s10] =	ssyncadd.s32 $0xFFFFC000;
	(pc) =	sbr.rel @p0 .LBB2_2-.Ltmp0, $3  }
0x20: {  	[spmem:s1] =	stream.indirect.scatter.add.f32 [tilespmem:s11], [sflag:$0x1], $0x80, s17, s13, $0xb8;
	[tilespmem:$0x1A800] =	vst v63  }
0x21: {  	s16 =	sadd.s32 $0x200, s16;
	_ =	sdelay $0x1  }
0x22: {  	_ =	swait.ge [sflag:s10], $0x4000  }
0x23: {  	[sflag:s10] =	ssyncset.done $0x0;
	s15 =	sadd.s32 $0x1, s15  }
0x24: {  	[sflag:s10] =	ssyncadd.s32 $0xFFFFC000;
	p0 =	sne.s32 s15, s8  }
.Ltmp1:
0x25: {  	[bflag:$0x0] =	sbarrier.arrive $0xFFFF;
	(pc) =	sbr.rel @p0 .LBB2_1-.Ltmp1, $4  }
0x26: {  	[hbm:s14], [sflag:s6] =	dma.local [spmem:s9], $0x2800  }
0x27: {  	_ =	swait.ge [sflag:s10], $0x2800  }
0x28: {  	[sflag:s10] =	ssyncset.done $0x0  }
0x29: {  	[sflag:s10] =	ssyncadd.s32 $0xFFFFD800  }
0x2a: {  	_ =	sfence.sel $0x180000  }
0x2b: {  	[bflag:$0x0] =	sbarrier.arrive $0xFFFF  }
0x2c: {  	p0 =	sne.s32 s3, $0x0;
	_ =	strace $0x9000004A  }
0x2d: {  	s0 =	sadd.s32 @!p0 $0x100000, s0;
	[bflag:$0x2] =	sbarrier.arrive $0xFFFF  }
0x2e: {  	[sflag:s0] =	ssyncadd.tile.s32 @!p0 $0x1;
	_ =	shalt  }
.Lfunc_end2:
_tile_overlayer_lowered:
.L_overlay_start_2:
0x2f: {  	(tag) =	ssettag $0x2  }
0x30: {  	s0 =	rddreg [dreg:$0x0];
	s2 =	stileid.u32  }
0x31: {  	s1 =	rddreg [dreg:$0x1];
	p0 =	sne.s32 s2, $0x0  }
0x32: {  	s3 =	rddreg [dreg:$0x2];
	[bflag:$0x3] =	sbarrier.arrive $0xFFFF;
	s2 =	simm.s32 @!p0 $0x1C01  }
0x33: {  	[timem:s3], [sflag:s2] =	dma.local @!p0 [hbm:s0], s1  }
0x34: {  	s0 =	simm.s32 @!p0 $0x1  }
0x35: {  	_ =	swait.ge @!p0 [sflag:s0], s1  }
0x36: {  	s1 =	ssub.s32 @!p0 $0x0, s1;
	[sflag:s0] =	ssyncset.done @!p0 $0x0  }
0x37: {  	[sflag:s0] =	ssyncadd.s32 @!p0 s1  }
0x38: {  	[bflag:$0x3] =	sbarrier.arrive $0xFFFF  }
0x39: {  	_ =	shalt  }

</sc_bundles>
